<compile_context>
chip_gen: v7x
topology: tpu7x:2x2x1
jax: 0.10.2.dev20260603
libtpu: 0.0.44.dev20260713+nightly
codegen_flags: <defaults>
</compile_context>

<pallas_src>
import functools

import jax
import jax.numpy as jnp
from jax import lax
from jax.experimental import pallas as pl
from jax.experimental.pallas import tpu as pltpu
from jax.experimental.pallas import tpu_sc as plsc

N = 10000
E = 320000
D = 128
HID = 64
W = 128

NC, NS, L = 2, 16, 16
NW = NC * NS
EPW = E // NW

SEH = E // 2
EPW_S = SEH // NW
B = 100
NB = EPW_S // B
GPB = 2
NG = NB // GPB
GR = GPB * B

BG = 128
EH = 163840
EPWG = EH // NW
NGG = EPWG // BG
EPL = EPW // L
NPT = N // NS
NPA = 624
NTAIL = N - NS * NPA

_mesh = plsc.VectorSubcoreMesh(core_axis_name="c", subcore_axis_name="s")


def _wid():
    return lax.axis_index("s") * NC + lax.axis_index("c")



def _prep_body(x_ref, win_ref, bin_ref, g_ref, b_ref, h_ref):
    h = jnp.dot(x_ref[...].astype(jnp.bfloat16), win_ref[...],
                preferred_element_type=jnp.float32)
    h = h + bin_ref[...]
    mean = jnp.mean(h, axis=0, keepdims=True)
    var = jnp.mean((h - mean) ** 2, axis=0, keepdims=True)
    hn = g_ref[...] * (h - mean) * lax.rsqrt(var + 1e-5) + b_ref[...]
    t = jnp.tanh(hn)
    h_ref[...] = jnp.concatenate([t, jnp.zeros_like(t)], axis=1)


def _prep(x, W_in, b_in, gamma, beta):
    return pl.pallas_call(
        _prep_body,
        out_shape=jax.ShapeDtypeStruct((N, W), jnp.float32),
    )(x, W_in, b_in, gamma, beta)


_BE = 2048


def _mlp_body(xi_ref, xj_ref, w1c_ref, w1b_ref, b1_ref, w2_ref, b2_ref, o_ref):
    xi = xi_ref[...]
    xj = xj_ref[...]
    m1 = jnp.dot(xi.astype(jnp.bfloat16), w1c_ref[...],
                 preferred_element_type=jnp.float32)
    m1 = m1 + jnp.dot((xj - xi).astype(jnp.bfloat16), w1b_ref[...],
                      preferred_element_type=jnp.float32)
    m1 = jnp.maximum(m1 + b1_ref[...], 0.0)
    m2 = jnp.dot(m1.astype(jnp.bfloat16), w2_ref[...],
                 preferred_element_type=jnp.float32)
    o_ref[...] = jnp.maximum(m2 + b2_ref[...], 0.0)


def _mlp(xi, xj, W1cp, W1bp, b1, W2p, b2p):
    nblk = EH // _BE
    blk = lambda i: (i, 0)
    full = lambda i: (0, 0)
    return pl.pallas_call(
        _mlp_body,
        grid=(nblk,),
        in_specs=[
            pl.BlockSpec((_BE, W), blk),
            pl.BlockSpec((_BE, W), blk),
            pl.BlockSpec((W, W), full),
            pl.BlockSpec((W, W), full),
            pl.BlockSpec((1, W), full),
            pl.BlockSpec((W, W), full),
            pl.BlockSpec((1, W), full),
        ],
        out_specs=pl.BlockSpec((_BE, W), blk),
        out_shape=jax.ShapeDtypeStruct((EH, W), jnp.float32),
    )(xi, xj, W1cp, W1bp, b1, W2p, b2p)


def _hsum_body(p0_ref, p1_ref, h_ref):
    h_ref[...] = ((p0_ref[:N, :] + p0_ref[N:, :])
                  + (p1_ref[:N, :] + p1_ref[N:, :]))


def _hsum(p0, p1):
    return pl.pallas_call(
        _hsum_body,
        out_shape=jax.ShapeDtypeStruct((N, W), jnp.float32),
    )(p0, p1)


def _uv_body(p0_ref, p1_ref, we2_ref, bias_ref, uv_ref):
    h2 = ((p0_ref[:N, :] + p0_ref[N:, :])
          + (p1_ref[:N, :] + p1_ref[N:, :]))
    uv = jnp.dot(h2.astype(jnp.bfloat16), we2_ref[...],
                 preferred_element_type=jnp.float32)
    uv_ref[...] = uv + bias_ref[...]


def _uv(p0, p1, We2p, bias2):
    return pl.pallas_call(
        _uv_body,
        out_shape=jax.ShapeDtypeStruct((N, 2), jnp.float32),
    )(p0, p1, We2p, bias2)



@functools.partial(
    pl.kernel,
    mesh=_mesh,
    out_type=(
        jax.ShapeDtypeStruct((EH, W), jnp.float32),
        jax.ShapeDtypeStruct((EH, W), jnp.float32),
    ),
    scratch_types=[
        pltpu.VMEM((EPWG,), jnp.int32),
        pltpu.VMEM((EPWG,), jnp.int32),
        pltpu.VMEM((2, BG, W), jnp.float32),
        pltpu.VMEM((2, BG, W), jnp.float32),
        pltpu.SemaphoreType.DMA,
        pltpu.SemaphoreType.DMA,
    ],
)
def _gather_k(h_hbm, dsti_hbm, srci_hbm, xi_hbm, xj_hbm,
              dstv, srcv, xib, xjb, gsem, ssem):
    wid = _wid()
    e0 = wid * EPWG
    pltpu.sync_copy(dsti_hbm.at[pl.ds(e0, EPWG)], dstv)
    pltpu.sync_copy(srci_hbm.at[pl.ds(e0, EPWG)], srcv)

    def fire(g, s):
        ix = pl.ds(g * BG, BG)
        pltpu.async_copy(h_hbm.at[dstv.at[ix]], xib.at[s], gsem)
        pltpu.async_copy(h_hbm.at[srcv.at[ix]], xjb.at[s], gsem)

    def drain_g(g, s):
        ix = pl.ds(g * BG, BG)
        pltpu.make_async_copy(h_hbm.at[dstv.at[ix]], xib.at[s], gsem).wait()
        pltpu.make_async_copy(h_hbm.at[srcv.at[ix]], xjb.at[s], gsem).wait()

    def fire_store(g, s):
        pltpu.async_copy(xib.at[s], xi_hbm.at[pl.ds(e0 + g * BG, BG)], ssem)
        pltpu.async_copy(xjb.at[s], xj_hbm.at[pl.ds(e0 + g * BG, BG)], ssem)

    def drain_store(s):
        pltpu.make_async_copy(xib.at[s], xi_hbm.at[pl.ds(e0, BG)], ssem).wait()
        pltpu.make_async_copy(xjb.at[s], xj_hbm.at[pl.ds(e0, BG)], ssem).wait()

    fire(0, 0)

    def body(g, carry):
        s = lax.rem(g, 2)

        @pl.when(g > 0)
        def _():
            drain_store(1 - s)

        drain_g(g, s)

        @pl.when(g < NGG - 1)
        def _():
            fire(g + 1, 1 - s)

        fire_store(g, s)
        return carry

    lax.fori_loop(0, NGG, body, 0)
    drain_store(lax.rem(NGG - 1, 2))


@functools.partial(
    pl.kernel,
    mesh=_mesh,
    out_type=jax.ShapeDtypeStruct((NC * N, W), jnp.float32),
    scratch_types=[
        pltpu.VMEM((NB, B), jnp.int32),
        pltpu.VMEM((GR, W), jnp.float32),
        pltpu.VMEM_SHARED((N, W), jnp.float32),
        pltpu.SemaphoreType.DMA,
    ],
)
def _scatter_k(m2_hbm, dsti_hbm, zero_hbm, out_hbm, dstv, mbuf, acc, sem):
    cid = lax.axis_index("c")
    sid = lax.axis_index("s")
    wid = sid * NC + cid
    base = sid * NPA
    pltpu.sync_copy(zero_hbm.at[pl.ds(base, NPA)], acc.at[pl.ds(base, NPA)])

    @pl.when(sid == NS - 1)
    def _init_tail():
        pltpu.sync_copy(zero_hbm.at[pl.ds(NS * NPA, NTAIL)],
                        acc.at[pl.ds(NS * NPA, NTAIL)])

    pltpu.sync_copy(dsti_hbm.at[wid], dstv)
    plsc.subcore_barrier()
    e0 = wid * EPW_S

    def body(g, carry):
        pltpu.async_copy(m2_hbm.at[pl.ds(e0 + g * GR, GR)], mbuf, sem).wait()
        for bi in range(GPB):
            pltpu.sync_copy(mbuf.at[pl.ds(bi * B, B)],
                            acc.at[dstv.at[g * GPB + bi]], add=True)
        return carry

    lax.fori_loop(0, NG, body, 0)
    plsc.subcore_barrier()
    pltpu.sync_copy(acc.at[pl.ds(base, NPA)],
                    out_hbm.at[pl.ds(cid * N + base, NPA)])

    @pl.when(sid == NS - 1)
    def _dump_tail():
        pltpu.sync_copy(acc.at[pl.ds(NS * NPA, NTAIL)],
                        out_hbm.at[pl.ds(cid * N + NS * NPA, NTAIL)])


@functools.partial(
    pl.kernel,
    mesh=_mesh,
    out_type=jax.ShapeDtypeStruct((NW, EPL, L), jnp.float32),
    scratch_types=[
        pltpu.VMEM((N, 2), jnp.float32),
        pltpu.VMEM((EPL, L), jnp.int32),
        pltpu.VMEM((EPL, L), jnp.int32),
        pltpu.VMEM((EPL, L), jnp.float32),
    ],
    compiler_params=pltpu.CompilerParams(use_tc_tiling_on_sc=False,
                                         needs_layout_passes=False),
)
def _final_k(uv_hbm, srci_hbm, dsti_hbm, out_hbm, uvv, srcv, dstv, obuf):
    wid = _wid()
    pltpu.sync_copy(uv_hbm, uvv)
    pltpu.sync_copy(srci_hbm.at[wid], srcv)
    pltpu.sync_copy(dsti_hbm.at[wid], dstv)
    col0 = jnp.zeros((L,), jnp.int32)
    col1 = jnp.ones((L,), jnp.int32)

    def body(j, carry):
        u = plsc.load_gather(uvv, [srcv[j], col0])
        v = plsc.load_gather(uvv, [dstv[j], col1])
        z = u + v
        obuf[j] = 1.0 / (1.0 + jnp.exp(-z))
        return carry

    lax.fori_loop(0, EPL, body, 0)
    pltpu.sync_copy(obuf, out_hbm.at[wid])



def kernel(x, edge_index, W_in, b_in, gamma, beta, W1, b1, W2, b2, We, be):
    f32 = jnp.float32
    src = edge_index[0]
    dst = edge_index[1]
    bf16 = jnp.bfloat16
    z64 = jnp.zeros((HID, W), f32)
    W1ap = jnp.concatenate([W1[:HID], z64], axis=0).astype(bf16)
    W1bp = jnp.concatenate([W1[HID:], z64], axis=0).astype(bf16)
    W2p = jnp.concatenate(
        [W2, jnp.zeros((2 * HID, HID), f32)], axis=1).astype(bf16)
    b2p = jnp.concatenate([b2, jnp.zeros((HID,), f32)])[None, :]
    We2p = jnp.concatenate(
        [jnp.concatenate([We[:HID], We[HID:]], axis=1),
         jnp.zeros((HID, 2), f32)], axis=0).astype(bf16)
    bias2 = jnp.concatenate([be, jnp.zeros((1,), f32)])[None, :]
    W_in_b = W_in.astype(bf16)

    pad = (jnp.arange(EH - SEH, dtype=jnp.int32)) % N
    srch = [jnp.concatenate([src[h * SEH:(h + 1) * SEH], pad]) for h in (0, 1)]
    dsth = [jnp.concatenate([dst[h * SEH:(h + 1) * SEH], pad]) for h in (0, 1)]
    src4 = src.reshape(2, NW, NB, B)
    dst4 = dst.reshape(2, NW, NB, B)
    src5 = src.reshape(NW, EPL, L)
    dst5 = dst.reshape(NW, EPL, L)
    zeros_nw = jnp.zeros((N, W), f32)
    b1r = b1[None, :]

    H = _prep(x, W_in_b, b_in[None, :], gamma[None, :], beta[None, :])
    uv = None
    for it in range(2):
        xi0, xj0 = _gather_k(H, dsth[0], srch[0])
        xi1, xj1 = _gather_k(H, dsth[1], srch[1])
        m0 = _mlp(xi0, xj0, W1ap, W1bp, b1r, W2p, b2p)
        m1 = _mlp(xi1, xj1, W1ap, W1bp, b1r, W2p, b2p)
        p0 = _scatter_k(m0, dst4[0], zeros_nw)
        p1 = _scatter_k(m1, dst4[1], zeros_nw)
        if it == 0:
            H = _hsum(p0, p1)
        else:
            uv = _uv(p0, p1, We2p, bias2)
    out = _final_k(uv, src5, dst5)
    return out.reshape(E)

# --- scband reference (transcript-rebuilt; emitter-appended) ---
"""Pipeline reference for scband-graph-net-88407606821031 (READ-ONLY COPY).

The authoritative reference and input builder live on the scoring server;
editing this copy changes nothing except your own understanding.
"""

import jax, jax.numpy as jnp
import numpy as np

N = 10000
E = 320000
D = 128
HID = 64

def setup_inputs(seed: int = 0):
    key = jax.random.key(seed)
    ks = jax.random.split(key, 8)
    x = jax.random.normal(ks[0], (N, D), dtype=jnp.float32)
    edge_index = jax.random.randint(ks[1], (2, E), 0, N, dtype=jnp.int32)
    W_in = jax.random.normal(ks[2], (D, HID), dtype=jnp.float32) * 0.05
    b_in = jnp.zeros((HID,), dtype=jnp.float32)
    gamma = jnp.ones((HID,), dtype=jnp.float32)
    beta = jnp.zeros((HID,), dtype=jnp.float32)
    W1 = jax.random.normal(ks[3], (2 * HID, 2 * HID), dtype=jnp.float32) * 0.05
    b1 = jnp.zeros((2 * HID,), dtype=jnp.float32)
    W2 = jax.random.normal(ks[4], (2 * HID, HID), dtype=jnp.float32) * 0.05
    b2 = jnp.zeros((HID,), dtype=jnp.float32)
    We = jax.random.normal(ks[5], (2 * HID, 1), dtype=jnp.float32) * 0.05
    be = jnp.zeros((1,), dtype=jnp.float32)
    return {"x": x, "edge_index": edge_index, "W_in": W_in, "b_in": b_in, "gamma": gamma, "beta": beta, "W1": W1, "b1": b1, "W2": W2, "b2": b2, "We": We, "be": be}

def _batchnorm(h, gamma, beta, eps=1e-5):
    mean = jnp.mean(h, axis=0)
    var = jnp.var(h, axis=0)
    return gamma * (h - mean) / jnp.sqrt(var + eps) + beta

def reference(x, edge_index, W_in, b_in, gamma, beta, W1, b1, W2, b2, We, be):
    niters = 2
    H = jnp.tanh(_batchnorm(x @ W_in + b_in, gamma, beta))
    src = edge_index[0]
    dst = edge_index[1]
    for _ in range(niters):
        xi = H[dst]
        xj = H[src]
        m = jnp.concatenate([xi, xj - xi], axis=-1)
        m = jax.nn.relu(m @ W1 + b1)
        m = jax.nn.relu(m @ W2 + b2)
        H = jax.ops.segment_sum(m, dst, num_segments=N)
    e = jnp.concatenate([H[src], H[dst]], axis=-1)
    out = jax.nn.sigmoid(e @ We + be)
    return jnp.squeeze(out, axis=-1)

if __name__ == "__main__":
    import jax
    _d = setup_inputs()
    print(jax.jit(kernel)(*tuple(_d.values())))

</pallas_src>

<mosaic_0001>
#map = affine_map<(d0, d1) -> (0, 0)>
#map1 = affine_map<(d0, d1) -> (0)>
module attributes {stable_mosaic.version = 14 : i64} {
  func.func @_gather_k(%arg0: i32, %arg1: i32, %arg2: memref<10000x128xf32, #tpu.memory_space<hbm>>, %arg3: memref<163840xi32, #tpu.memory_space<hbm>>, %arg4: memref<163840xi32, #tpu.memory_space<hbm>>, %arg5: memref<163840x128xf32, #tpu.memory_space<hbm>>, %arg6: memref<163840x128xf32, #tpu.memory_space<hbm>>, %arg7: memref<5120xi32, #tpu.memory_space<vmem>>, %arg8: memref<5120xi32, #tpu.memory_space<vmem>>, %arg9: memref<2x128x128xf32, #tpu.memory_space<vmem>>, %arg10: memref<2x128x128xf32, #tpu.memory_space<vmem>>, %arg11: memref<!tpu.dma_semaphore, #tpu.memory_space<semaphore_mem>>, %arg12: memref<!tpu.dma_semaphore, #tpu.memory_space<semaphore_mem>>) attributes {dimension_semantics = [#tpu.dimension_semantics<core_parallel>, #tpu.dimension_semantics<subcore_parallel>], iteration_bounds = array<i64: 2, 16>, scalar_prefetch = 0 : i64, scratch_operands = 6 : i64, tpu.core_type = #tpu.core_type<sc_vector_subcore>, window_params = [{transform_indices = #map}, {transform_indices = #map1}, {transform_indices = #map1}, {transform_indices = #map}, {transform_indices = #map}]} {
    %mul3A = arith.constant 2 : i32
    %mul3A_0 = arith.muli %arg1, %mul3A : i32
    %add3A = arith.addi %mul3A_0, %arg0 : i32
    %mul3A_1 = arith.constant 5120 : i32
    %mul3A_2 = arith.muli %add3A, %mul3A_1 : i32
    "tpu.region"() ({
      %run_scoped3A = tpu.sem_alloc : memref<!tpu.dma_semaphore, #tpu.memory_space<semaphore_mem>>
      %dma_start3A_52 = tpu.memref_slice %arg3[%mul3A_2] : memref<163840xi32, #tpu.memory_space<hbm>> -> memref<5120xi32, #tpu.memory_space<hbm>>
      %dma_start3A_53 = tpu.memref_slice %arg3[%mul3A_2] : memref<163840xi32, #tpu.memory_space<hbm>> -> memref<5120xi32, #tpu.memory_space<hbm>>
      tpu.enqueue_dma source(%dma_start3A_53 : memref<5120xi32, #tpu.memory_space<hbm>>) target(%arg7 : memref<5120xi32, #tpu.memory_space<vmem>>) target_semaphore(%run_scoped3A : memref<!tpu.dma_semaphore, #tpu.memory_space<semaphore_mem>>)
      %dma_wait3A_54 = tpu.memref_slice %arg3[%mul3A_2] : memref<163840xi32, #tpu.memory_space<hbm>> -> memref<5120xi32, #tpu.memory_space<hbm>>
      %dma_wait3A_55 = tpu.memref_slice %arg3[%mul3A_2] : memref<163840xi32, #tpu.memory_space<hbm>> -> memref<5120xi32, #tpu.memory_space<hbm>>
      tpu.wait_dma2 semaphore(%run_scoped3A : memref<!tpu.dma_semaphore, #tpu.memory_space<semaphore_mem>>) src(%dma_wait3A_55 : memref<5120xi32, #tpu.memory_space<hbm>>) dst(%arg7 : memref<5120xi32, #tpu.memory_space<vmem>>)
      tpu.yield
    }) : () -> ()
    "tpu.region"() ({
      %run_scoped3A = tpu.sem_alloc : memref<!tpu.dma_semaphore, #tpu.memory_space<semaphore_mem>>
      %dma_start3A_52 = tpu.memref_slice %arg4[%mul3A_2] : memref<163840xi32, #tpu.memory_space<hbm>> -> memref<5120xi32, #tpu.memory_space<hbm>>
      %dma_start3A_53 = tpu.memref_slice %arg4[%mul3A_2] : memref<163840xi32, #tpu.memory_space<hbm>> -> memref<5120xi32, #tpu.memory_space<hbm>>
      tpu.enqueue_dma source(%dma_start3A_53 : memref<5120xi32, #tpu.memory_space<hbm>>) target(%arg8 : memref<5120xi32, #tpu.memory_space<vmem>>) target_semaphore(%run_scoped3A : memref<!tpu.dma_semaphore, #tpu.memory_space<semaphore_mem>>)
      %dma_wait3A_54 = tpu.memref_slice %arg4[%mul3A_2] : memref<163840xi32, #tpu.memory_space<hbm>> -> memref<5120xi32, #tpu.memory_space<hbm>>
      %dma_wait3A_55 = tpu.memref_slice %arg4[%mul3A_2] : memref<163840xi32, #tpu.memory_space<hbm>> -> memref<5120xi32, #tpu.memory_space<hbm>>
      tpu.wait_dma2 semaphore(%run_scoped3A : memref<!tpu.dma_semaphore, #tpu.memory_space<semaphore_mem>>) src(%dma_wait3A_55 : memref<5120xi32, #tpu.memory_space<hbm>>) dst(%arg8 : memref<5120xi32, #tpu.memory_space<vmem>>)
      tpu.yield
    }) : () -> ()
    %dma_start3A = arith.constant 0 : i32
    %dma_start3A_3 = arith.constant 0 : i32
    %dma_start3A_4 = arith.constant 0 : i32
    %dma_start3A_5 = tpu.memref_slice %arg9[%dma_start3A, %dma_start3A_3, %dma_start3A_4] : memref<2x128x128xf32, #tpu.memory_space<vmem>> -> memref<1x128x128xf32, #tpu.memory_space<vmem>>
    %dma_start3A_6 = tpu.memref_squeeze %dma_start3A_5 : memref<1x128x128xf32, #tpu.memory_space<vmem>> -> memref<128x128xf32, #tpu.memory_space<vmem>>
    %dma_start3A_7 = arith.constant 0 : i32
    %dma_start3A_8 = tpu.memref_slice %arg7[%dma_start3A_7] : memref<5120xi32, #tpu.memory_space<vmem>> -> memref<128xi32, #tpu.memory_space<vmem>>
    %dma_start3A_9 = arith.constant 0 : i32
    %dma_start3A_10 = arith.constant 0 : i32
    %dma_start3A_11 = tpu.memref_slice %arg2[%dma_start3A_9, %dma_start3A_10] : memref<10000x128xf32, #tpu.memory_space<hbm>> -> memref<10000x128xf32, #tpu.memory_space<hbm>>
    tpu.enqueue_indirect_dma source(%dma_start3A_11 : memref<10000x128xf32, #tpu.memory_space<hbm>>) target(%dma_start3A_6 : memref<128x128xf32, #tpu.memory_space<vmem>>) offsets(%dma_start3A_8 : memref<128xi32, #tpu.memory_space<vmem>>) semaphore(%arg11 : memref<!tpu.dma_semaphore, #tpu.memory_space<semaphore_mem>>)
    %dma_start3A_12 = arith.constant 0 : i32
    %dma_start3A_13 = arith.constant 0 : i32
    %dma_start3A_14 = arith.constant 0 : i32
    %dma_start3A_15 = tpu.memref_slice %arg10[%dma_start3A_12, %dma_start3A_13, %dma_start3A_14] : memref<2x128x128xf32, #tpu.memory_space<vmem>> -> memref<1x128x128xf32, #tpu.memory_space<vmem>>
    %dma_start3A_16 = tpu.memref_squeeze %dma_start3A_15 : memref<1x128x128xf32, #tpu.memory_space<vmem>> -> memref<128x128xf32, #tpu.memory_space<vmem>>
    %dma_start3A_17 = arith.constant 0 : i32
    %dma_start3A_18 = tpu.memref_slice %arg8[%dma_start3A_17] : memref<5120xi32, #tpu.memory_space<vmem>> -> memref<128xi32, #tpu.memory_space<vmem>>
    %dma_start3A_19 = arith.constant 0 : i32
    %dma_start3A_20 = arith.constant 0 : i32
    %dma_start3A_21 = tpu.memref_slice %arg2[%dma_start3A_19, %dma_start3A_20] : memref<10000x128xf32, #tpu.memory_space<hbm>> -> memref<10000x128xf32, #tpu.memory_space<hbm>>
    tpu.enqueue_indirect_dma source(%dma_start3A_21 : memref<10000x128xf32, #tpu.memory_space<hbm>>) target(%dma_start3A_16 : memref<128x128xf32, #tpu.memory_space<vmem>>) offsets(%dma_start3A_18 : memref<128xi32, #tpu.memory_space<vmem>>) semaphore(%arg11 : memref<!tpu.dma_semaphore, #tpu.memory_space<semaphore_mem>>)
    %scan3A = arith.constant 0 : i32
    %scan3A_22 = arith.constant 0 : i32
    %scan3A_23 = arith.constant 40 : i32
    %scan3A_24 = arith.addi %scan3A_22, %scan3A_23 : i32
    %scan3A_25 = arith.constant 1 : i32
    scf.for %scan3A_52 = %scan3A_22 to %scan3A_24 step %scan3A_25  : i32 {
      %rem3A_53 = arith.constant 2 : i32
      %rem3A_54 = arith.remsi %scan3A_52, %rem3A_53 : i32
      %gt3A = arith.constant 0 : i32
      %gt3A_55 = arith.cmpi sgt, %scan3A_52, %gt3A : i32
      %convert_element_type3A = arith.extui %gt3A_55 : i1 to i32
      %cond3A = arith.constant 0 : i32
      %cond3A_56 = arith.cmpi ne, %convert_element_type3A, %cond3A : i32
      scf.if %cond3A_56 {
        %sub3A = arith.constant 1 : i32
        %sub3A_109 = arith.subi %sub3A, %rem3A_54 : i32
        %dma_wait3A_110 = arith.constant 0 : i32
        %dma_wait3A_111 = arith.constant 0 : i32
        %dma_wait3A_112 = tpu.memref_slice %arg9[%sub3A_109, %dma_wait3A_110, %dma_wait3A_111] : memref<2x128x128xf32, #tpu.memory_space<vmem>> -> memref<1x128x128xf32, #tpu.memory_space<vmem>>
        %dma_wait3A_113 = tpu.memref_squeeze %dma_wait3A_112 : memref<1x128x128xf32, #tpu.memory_space<vmem>> -> memref<128x128xf32, #tpu.memory_space<vmem>>
        %dma_wait3A_114 = arith.constant 0 : i32
        %dma_wait3A_115 = tpu.memref_slice %arg5[%mul3A_2, %dma_wait3A_114] : memref<163840x128xf32, #tpu.memory_space<hbm>> -> memref<128x128xf32, #tpu.memory_space<hbm>>
        %dma_wait3A_116 = arith.constant 0 : i32
        %dma_wait3A_117 = tpu.memref_slice %arg5[%mul3A_2, %dma_wait3A_116] : memref<163840x128xf32, #tpu.memory_space<hbm>> -> memref<128x128xf32, #tpu.memory_space<hbm>>
        %dma_wait3A_118 = arith.constant 0 : i32
        %dma_wait3A_119 = arith.constant 0 : i32
        %dma_wait3A_120 = tpu.memref_slice %arg9[%sub3A_109, %dma_wait3A_118, %dma_wait3A_119] : memref<2x128x128xf32, #tpu.memory_space<vmem>> -> memref<1x128x128xf32, #tpu.memory_space<vmem>>
        %dma_wait3A_121 = tpu.memref_squeeze %dma_wait3A_120 : memref<1x128x128xf32, #tpu.memory_space<vmem>> -> memref<128x128xf32, #tpu.memory_space<vmem>>
        tpu.wait_dma2 semaphore(%arg12 : memref<!tpu.dma_semaphore, #tpu.memory_space<semaphore_mem>>) src(%dma_wait3A_121 : memref<128x128xf32, #tpu.memory_space<vmem>>) dst(%dma_wait3A_117 : memref<128x128xf32, #tpu.memory_space<hbm>>)
        %dma_wait3A_122 = arith.constant 0 : i32
        %dma_wait3A_123 = arith.constant 0 : i32
        %dma_wait3A_124 = tpu.memref_slice %arg10[%sub3A_109, %dma_wait3A_122, %dma_wait3A_123] : memref<2x128x128xf32, #tpu.memory_space<vmem>> -> memref<1x128x128xf32, #tpu.memory_space<vmem>>
        %dma_wait3A_125 = tpu.memref_squeeze %dma_wait3A_124 : memref<1x128x128xf32, #tpu.memory_space<vmem>> -> memref<128x128xf32, #tpu.memory_space<vmem>>
        %dma_wait3A_126 = arith.constant 0 : i32
        %dma_wait3A_127 = tpu.memref_slice %arg6[%mul3A_2, %dma_wait3A_126] : memref<163840x128xf32, #tpu.memory_space<hbm>> -> memref<128x128xf32, #tpu.memory_space<hbm>>
        %dma_wait3A_128 = arith.constant 0 : i32
        %dma_wait3A_129 = tpu.memref_slice %arg6[%mul3A_2, %dma_wait3A_128] : memref<163840x128xf32, #tpu.memory_space<hbm>> -> memref<128x128xf32, #tpu.memory_space<hbm>>
        %dma_wait3A_130 = arith.constant 0 : i32
        %dma_wait3A_131 = arith.constant 0 : i32
        %dma_wait3A_132 = tpu.memref_slice %arg10[%sub3A_109, %dma_wait3A_130, %dma_wait3A_131] : memref<2x128x128xf32, #tpu.memory_space<vmem>> -> memref<1x128x128xf32, #tpu.memory_space<vmem>>
        %dma_wait3A_133 = tpu.memref_squeeze %dma_wait3A_132 : memref<1x128x128xf32, #tpu.memory_space<vmem>> -> memref<128x128xf32, #tpu.memory_space<vmem>>
        tpu.wait_dma2 semaphore(%arg12 : memref<!tpu.dma_semaphore, #tpu.memory_space<semaphore_mem>>) src(%dma_wait3A_133 : memref<128x128xf32, #tpu.memory_space<vmem>>) dst(%dma_wait3A_129 : memref<128x128xf32, #tpu.memory_space<hbm>>)
      } else {
      }
      %mul3A_57 = arith.constant 128 : i32
      %mul3A_58 = arith.muli %scan3A_52, %mul3A_57 : i32
      %dma_wait3A_59 = arith.constant 0 : i32
      %dma_wait3A_60 = arith.constant 0 : i32
      %dma_wait3A_61 = tpu.memref_slice %arg9[%rem3A_54, %dma_wait3A_59, %dma_wait3A_60] : memref<2x128x128xf32, #tpu.memory_space<vmem>> -> memref<1x128x128xf32, #tpu.memory_space<vmem>>
      %dma_wait3A_62 = tpu.memref_squeeze %dma_wait3A_61 : memref<1x128x128xf32, #tpu.memory_space<vmem>> -> memref<128x128xf32, #tpu.memory_space<vmem>>
      %dma_wait3A_63 = tpu.memref_slice %arg7[%mul3A_58] : memref<5120xi32, #tpu.memory_space<vmem>> -> memref<128xi32, #tpu.memory_space<vmem>>
      %dma_wait3A_64 = arith.constant 0 : i32
      %dma_wait3A_65 = arith.constant 0 : i32
      %dma_wait3A_66 = tpu.memref_slice %arg2[%dma_wait3A_64, %dma_wait3A_65] : memref<10000x128xf32, #tpu.memory_space<hbm>> -> memref<10000x128xf32, #tpu.memory_space<hbm>>
      tpu.wait_indirect_dma semaphore(%arg11 : memref<!tpu.dma_semaphore, #tpu.memory_space<semaphore_mem>>) src(%dma_wait3A_66 : memref<10000x128xf32, #tpu.memory_space<hbm>>) dst(%dma_wait3A_62 : memref<128x128xf32, #tpu.memory_space<vmem>>)
      %dma_wait3A_67 = arith.constant 0 : i32
      %dma_wait3A_68 = arith.constant 0 : i32
      %dma_wait3A_69 = tpu.memref_slice %arg10[%rem3A_54, %dma_wait3A_67, %dma_wait3A_68] : memref<2x128x128xf32, #tpu.memory_space<vmem>> -> memref<1x128x128xf32, #tpu.memory_space<vmem>>
      %dma_wait3A_70 = tpu.memref_squeeze %dma_wait3A_69 : memref<1x128x128xf32, #tpu.memory_space<vmem>> -> memref<128x128xf32, #tpu.memory_space<vmem>>
      %dma_wait3A_71 = tpu.memref_slice %arg8[%mul3A_58] : memref<5120xi32, #tpu.memory_space<vmem>> -> memref<128xi32, #tpu.memory_space<vmem>>
      %dma_wait3A_72 = arith.constant 0 : i32
      %dma_wait3A_73 = arith.constant 0 : i32
      %dma_wait3A_74 = tpu.memref_slice %arg2[%dma_wait3A_72, %dma_wait3A_73] : memref<10000x128xf32, #tpu.memory_space<hbm>> -> memref<10000x128xf32, #tpu.memory_space<hbm>>
      tpu.wait_indirect_dma semaphore(%arg11 : memref<!tpu.dma_semaphore, #tpu.memory_space<semaphore_mem>>) src(%dma_wait3A_74 : memref<10000x128xf32, #tpu.memory_space<hbm>>) dst(%dma_wait3A_70 : memref<128x128xf32, #tpu.memory_space<vmem>>)
      %lt3A = arith.constant 39 : i32
      %lt3A_75 = arith.cmpi slt, %scan3A_52, %lt3A : i32
      %convert_element_type3A_76 = arith.extui %lt3A_75 : i1 to i32
      %cond3A_77 = arith.constant 0 : i32
      %cond3A_78 = arith.cmpi ne, %convert_element_type3A_76, %cond3A_77 : i32
      scf.if %cond3A_78 {
        %add3A_109 = arith.constant 1 : i32
        %add3A_110 = arith.addi %scan3A_52, %add3A_109 : i32
        %sub3A = arith.constant 1 : i32
        %sub3A_111 = arith.subi %sub3A, %rem3A_54 : i32
        %mul3A_112 = arith.constant 128 : i32
        %mul3A_113 = arith.muli %add3A_110, %mul3A_112 : i32
        %dma_start3A_114 = arith.constant 0 : i32
        %dma_start3A_115 = arith.constant 0 : i32
        %dma_start3A_116 = tpu.memref_slice %arg9[%sub3A_111, %dma_start3A_114, %dma_start3A_115] : memref<2x128x128xf32, #tpu.memory_space<vmem>> -> memref<1x128x128xf32, #tpu.memory_space<vmem>>
        %dma_start3A_117 = tpu.memref_squeeze %dma_start3A_116 : memref<1x128x128xf32, #tpu.memory_space<vmem>> -> memref<128x128xf32, #tpu.memory_space<vmem>>
        %dma_start3A_118 = tpu.memref_slice %arg7[%mul3A_113] : memref<5120xi32, #tpu.memory_space<vmem>> -> memref<128xi32, #tpu.memory_space<vmem>>
        %dma_start3A_119 = arith.constant 0 : i32
        %dma_start3A_120 = arith.constant 0 : i32
        %dma_start3A_121 = tpu.memref_slice %arg2[%dma_start3A_119, %dma_start3A_120] : memref<10000x128xf32, #tpu.memory_space<hbm>> -> memref<10000x128xf32, #tpu.memory_space<hbm>>
        tpu.enqueue_indirect_dma source(%dma_start3A_121 : memref<10000x128xf32, #tpu.memory_space<hbm>>) target(%dma_start3A_117 : memref<128x128xf32, #tpu.memory_space<vmem>>) offsets(%dma_start3A_118 : memref<128xi32, #tpu.memory_space<vmem>>) semaphore(%arg11 : memref<!tpu.dma_semaphore, #tpu.memory_space<semaphore_mem>>)
        %dma_start3A_122 = arith.constant 0 : i32
        %dma_start3A_123 = arith.constant 0 : i32
        %dma_start3A_124 = tpu.memref_slice %arg10[%sub3A_111, %dma_start3A_122, %dma_start3A_123] : memref<2x128x128xf32, #tpu.memory_space<vmem>> -> memref<1x128x128xf32, #tpu.memory_space<vmem>>
        %dma_start3A_125 = tpu.memref_squeeze %dma_start3A_124 : memref<1x128x128xf32, #tpu.memory_space<vmem>> -> memref<128x128xf32, #tpu.memory_space<vmem>>
        %dma_start3A_126 = tpu.memref_slice %arg8[%mul3A_113] : memref<5120xi32, #tpu.memory_space<vmem>> -> memref<128xi32, #tpu.memory_space<vmem>>
        %dma_start3A_127 = arith.constant 0 : i32
        %dma_start3A_128 = arith.constant 0 : i32
        %dma_start3A_129 = tpu.memref_slice %arg2[%dma_start3A_127, %dma_start3A_128] : memref<10000x128xf32, #tpu.memory_space<hbm>> -> memref<10000x128xf32, #tpu.memory_space<hbm>>
        tpu.enqueue_indirect_dma source(%dma_start3A_129 : memref<10000x128xf32, #tpu.memory_space<hbm>>) target(%dma_start3A_125 : memref<128x128xf32, #tpu.memory_space<vmem>>) offsets(%dma_start3A_126 : memref<128xi32, #tpu.memory_space<vmem>>) semaphore(%arg11 : memref<!tpu.dma_semaphore, #tpu.memory_space<semaphore_mem>>)
      } else {
      }
      %mul3A_79 = arith.constant 128 : i32
      %mul3A_80 = arith.muli %scan3A_52, %mul3A_79 : i32
      %add3A_81 = arith.addi %mul3A_2, %mul3A_80 : i32
      %dma_start3A_82 = arith.constant 0 : i32
      %dma_start3A_83 = arith.constant 0 : i32
      %dma_start3A_84 = tpu.memref_slice %arg9[%rem3A_54, %dma_start3A_82, %dma_start3A_83] : memref<2x128x128xf32, #tpu.memory_space<vmem>> -> memref<1x128x128xf32, #tpu.memory_space<vmem>>
      %dma_start3A_85 = tpu.memref_squeeze %dma_start3A_84 : memref<1x128x128xf32, #tpu.memory_space<vmem>> -> memref<128x128xf32, #tpu.memory_space<vmem>>
      %dma_start3A_86 = arith.constant 0 : i32
      %dma_start3A_87 = tpu.memref_slice %arg5[%add3A_81, %dma_start3A_86] : memref<163840x128xf32, #tpu.memory_space<hbm>> -> memref<128x128xf32, #tpu.memory_space<hbm>>
      %dma_start3A_88 = arith.constant 0 : i32
      %dma_start3A_89 = tpu.memref_slice %arg5[%add3A_81, %dma_start3A_88] : memref<163840x128xf32, #tpu.memory_space<hbm>> -> memref<128x128xf32, #tpu.memory_space<hbm>>
      %dma_start3A_90 = arith.constant 0 : i32
      %dma_start3A_91 = arith.constant 0 : i32
      %dma_start3A_92 = tpu.memref_slice %arg9[%rem3A_54, %dma_start3A_90, %dma_start3A_91] : memref<2x128x128xf32, #tpu.memory_space<vmem>> -> memref<1x128x128xf32, #tpu.memory_space<vmem>>
      %dma_start3A_93 = tpu.memref_squeeze %dma_start3A_92 : memref<1x128x128xf32, #tpu.memory_space<vmem>> -> memref<128x128xf32, #tpu.memory_space<vmem>>
      tpu.enqueue_dma source(%dma_start3A_93 : memref<128x128xf32, #tpu.memory_space<vmem>>) target(%dma_start3A_89 : memref<128x128xf32, #tpu.memory_space<hbm>>) target_semaphore(%arg12 : memref<!tpu.dma_semaphore, #tpu.memory_space<semaphore_mem>>)
      %mul3A_94 = arith.constant 128 : i32
      %mul3A_95 = arith.muli %scan3A_52, %mul3A_94 : i32
      %add3A_96 = arith.addi %mul3A_2, %mul3A_95 : i32
      %dma_start3A_97 = arith.constant 0 : i32
      %dma_start3A_98 = arith.constant 0 : i32
      %dma_start3A_99 = tpu.memref_slice %arg10[%rem3A_54, %dma_start3A_97, %dma_start3A_98] : memref<2x128x128xf32, #tpu.memory_space<vmem>> -> memref<1x128x128xf32, #tpu.memory_space<vmem>>
      %dma_start3A_100 = tpu.memref_squeeze %dma_start3A_99 : memref<1x128x128xf32, #tpu.memory_space<vmem>> -> memref<128x128xf32, #tpu.memory_space<vmem>>
      %dma_start3A_101 = arith.constant 0 : i32
      %dma_start3A_102 = tpu.memref_slice %arg6[%add3A_96, %dma_start3A_101] : memref<163840x128xf32, #tpu.memory_space<hbm>> -> memref<128x128xf32, #tpu.memory_space<hbm>>
      %dma_start3A_103 = arith.constant 0 : i32
      %dma_start3A_104 = tpu.memref_slice %arg6[%add3A_96, %dma_start3A_103] : memref<163840x128xf32, #tpu.memory_space<hbm>> -> memref<128x128xf32, #tpu.memory_space<hbm>>
      %dma_start3A_105 = arith.constant 0 : i32
      %dma_start3A_106 = arith.constant 0 : i32
      %dma_start3A_107 = tpu.memref_slice %arg10[%rem3A_54, %dma_start3A_105, %dma_start3A_106] : memref<2x128x128xf32, #tpu.memory_space<vmem>> -> memref<1x128x128xf32, #tpu.memory_space<vmem>>
      %dma_start3A_108 = tpu.memref_squeeze %dma_start3A_107 : memref<1x128x128xf32, #tpu.memory_space<vmem>> -> memref<128x128xf32, #tpu.memory_space<vmem>>
      tpu.enqueue_dma source(%dma_start3A_108 : memref<128x128xf32, #tpu.memory_space<vmem>>) target(%dma_start3A_104 : memref<128x128xf32, #tpu.memory_space<hbm>>) target_semaphore(%arg12 : memref<!tpu.dma_semaphore, #tpu.memory_space<semaphore_mem>>)
    }
    %scan3A_26 = arith.constant 40 : i32
    %rem3A = arith.constant 39 : i32
    %rem3A_27 = arith.constant 2 : i32
    %rem3A_28 = arith.remsi %rem3A, %rem3A_27 : i32
    %dma_wait3A = arith.constant 0 : i32
    %dma_wait3A_29 = arith.constant 0 : i32
    %dma_wait3A_30 = tpu.memref_slice %arg9[%rem3A_28, %dma_wait3A, %dma_wait3A_29] : memref<2x128x128xf32, #tpu.memory_space<vmem>> -> memref<1x128x128xf32, #tpu.memory_space<vmem>>
    %dma_wait3A_31 = tpu.memref_squeeze %dma_wait3A_30 : memref<1x128x128xf32, #tpu.memory_space<vmem>> -> memref<128x128xf32, #tpu.memory_space<vmem>>
    %dma_wait3A_32 = arith.constant 0 : i32
    %dma_wait3A_33 = tpu.memref_slice %arg5[%mul3A_2, %dma_wait3A_32] : memref<163840x128xf32, #tpu.memory_space<hbm>> -> memref<128x128xf32, #tpu.memory_space<hbm>>
    %dma_wait3A_34 = arith.constant 0 : i32
    %dma_wait3A_35 = tpu.memref_slice %arg5[%mul3A_2, %dma_wait3A_34] : memref<163840x128xf32, #tpu.memory_space<hbm>> -> memref<128x128xf32, #tpu.memory_space<hbm>>
    %dma_wait3A_36 = arith.constant 0 : i32
    %dma_wait3A_37 = arith.constant 0 : i32
    %dma_wait3A_38 = tpu.memref_slice %arg9[%rem3A_28, %dma_wait3A_36, %dma_wait3A_37] : memref<2x128x128xf32, #tpu.memory_space<vmem>> -> memref<1x128x128xf32, #tpu.memory_space<vmem>>
    %dma_wait3A_39 = tpu.memref_squeeze %dma_wait3A_38 : memref<1x128x128xf32, #tpu.memory_space<vmem>> -> memref<128x128xf32, #tpu.memory_space<vmem>>
    tpu.wait_dma2 semaphore(%arg12 : memref<!tpu.dma_semaphore, #tpu.memory_space<semaphore_mem>>) src(%dma_wait3A_39 : memref<128x128xf32, #tpu.memory_space<vmem>>) dst(%dma_wait3A_35 : memref<128x128xf32, #tpu.memory_space<hbm>>)
    %dma_wait3A_40 = arith.constant 0 : i32
    %dma_wait3A_41 = arith.constant 0 : i32
    %dma_wait3A_42 = tpu.memref_slice %arg10[%rem3A_28, %dma_wait3A_40, %dma_wait3A_41] : memref<2x128x128xf32, #tpu.memory_space<vmem>> -> memref<1x128x128xf32, #tpu.memory_space<vmem>>
    %dma_wait3A_43 = tpu.memref_squeeze %dma_wait3A_42 : memref<1x128x128xf32, #tpu.memory_space<vmem>> -> memref<128x128xf32, #tpu.memory_space<vmem>>
    %dma_wait3A_44 = arith.constant 0 : i32
    %dma_wait3A_45 = tpu.memref_slice %arg6[%mul3A_2, %dma_wait3A_44] : memref<163840x128xf32, #tpu.memory_space<hbm>> -> memref<128x128xf32, #tpu.memory_space<hbm>>
    %dma_wait3A_46 = arith.constant 0 : i32
    %dma_wait3A_47 = tpu.memref_slice %arg6[%mul3A_2, %dma_wait3A_46] : memref<163840x128xf32, #tpu.memory_space<hbm>> -> memref<128x128xf32, #tpu.memory_space<hbm>>
    %dma_wait3A_48 = arith.constant 0 : i32
    %dma_wait3A_49 = arith.constant 0 : i32
    %dma_wait3A_50 = tpu.memref_slice %arg10[%rem3A_28, %dma_wait3A_48, %dma_wait3A_49] : memref<2x128x128xf32, #tpu.memory_space<vmem>> -> memref<1x128x128xf32, #tpu.memory_space<vmem>>
    %dma_wait3A_51 = tpu.memref_squeeze %dma_wait3A_50 : memref<1x128x128xf32, #tpu.memory_space<vmem>> -> memref<128x128xf32, #tpu.memory_space<vmem>>
    tpu.wait_dma2 semaphore(%arg12 : memref<!tpu.dma_semaphore, #tpu.memory_space<semaphore_mem>>) src(%dma_wait3A_51 : memref<128x128xf32, #tpu.memory_space<vmem>>) dst(%dma_wait3A_47 : memref<128x128xf32, #tpu.memory_space<hbm>>)
    return
  }
}

#map = affine_map<(d0, d1) -> (0, 0)>
#map1 = affine_map<(d0, d1) -> (0)>
module attributes {stable_mosaic.version = 14 : i64} {
  func.func @_gather_k(%arg0: i32, %arg1: i32, %arg2: memref<10000x128xf32, #tpu.memory_space<hbm>>, %arg3: memref<163840xi32, #tpu.memory_space<hbm>>, %arg4: memref<163840xi32, #tpu.memory_space<hbm>>, %arg5: memref<163840x128xf32, #tpu.memory_space<hbm>>, %arg6: memref<163840x128xf32, #tpu.memory_space<hbm>>, %arg7: memref<5120xi32, #tpu.memory_space<vmem>>, %arg8: memref<5120xi32, #tpu.memory_space<vmem>>, %arg9: memref<2x128x128xf32, #tpu.memory_space<vmem>>, %arg10: memref<2x128x128xf32, #tpu.memory_space<vmem>>, %arg11: memref<!tpu.dma_semaphore, #tpu.memory_space<semaphore_mem>>, %arg12: memref<!tpu.dma_semaphore, #tpu.memory_space<semaphore_mem>>) attributes {dimension_semantics = [#tpu.dimension_semantics<core_parallel>, #tpu.dimension_semantics<subcore_parallel>], iteration_bounds = array<i64: 2, 16>, scalar_prefetch = 0 : i64, scratch_operands = 6 : i64, tpu.core_type = #tpu.core_type<sc_vector_subcore>, window_params = [{transform_indices = #map}, {transform_indices = #map1}, {transform_indices = #map1}, {transform_indices = #map}, {transform_indices = #map}]} {
    %mul3A = arith.constant 2 : i32
    %mul3A_0 = arith.muli %arg1, %mul3A : i32
    %add3A = arith.addi %mul3A_0, %arg0 : i32
    %mul3A_1 = arith.constant 5120 : i32
    %mul3A_2 = arith.muli %add3A, %mul3A_1 : i32
    "tpu.region"() ({
      %run_scoped3A = tpu.sem_alloc : memref<!tpu.dma_semaphore, #tpu.memory_space<semaphore_mem>>
      %dma_start3A_52 = tpu.memref_slice %arg3[%mul3A_2] : memref<163840xi32, #tpu.memory_space<hbm>> -> memref<5120xi32, #tpu.memory_space<hbm>>
      %dma_start3A_53 = tpu.memref_slice %arg3[%mul3A_2] : memref<163840xi32, #tpu.memory_space<hbm>> -> memref<5120xi32, #tpu.memory_space<hbm>>
      tpu.enqueue_dma source(%dma_start3A_53 : memref<5120xi32, #tpu.memory_space<hbm>>) target(%arg7 : memref<5120xi32, #tpu.memory_space<vmem>>) target_semaphore(%run_scoped3A : memref<!tpu.dma_semaphore, #tpu.memory_space<semaphore_mem>>)
      %dma_wait3A_54 = tpu.memref_slice %arg3[%mul3A_2] : memref<163840xi32, #tpu.memory_space<hbm>> -> memref<5120xi32, #tpu.memory_space<hbm>>
      %dma_wait3A_55 = tpu.memref_slice %arg3[%mul3A_2] : memref<163840xi32, #tpu.memory_space<hbm>> -> memref<5120xi32, #tpu.memory_space<hbm>>
      tpu.wait_dma2 semaphore(%run_scoped3A : memref<!tpu.dma_semaphore, #tpu.memory_space<semaphore_mem>>) src(%dma_wait3A_55 : memref<5120xi32, #tpu.memory_space<hbm>>) dst(%arg7 : memref<5120xi32, #tpu.memory_space<vmem>>)
      tpu.yield
    }) : () -> ()
    "tpu.region"() ({
      %run_scoped3A = tpu.sem_alloc : memref<!tpu.dma_semaphore, #tpu.memory_space<semaphore_mem>>
      %dma_start3A_52 = tpu.memref_slice %arg4[%mul3A_2] : memref<163840xi32, #tpu.memory_space<hbm>> -> memref<5120xi32, #tpu.memory_space<hbm>>
      %dma_start3A_53 = tpu.memref_slice %arg4[%mul3A_2] : memref<163840xi32, #tpu.memory_space<hbm>> -> memref<5120xi32, #tpu.memory_space<hbm>>
      tpu.enqueue_dma source(%dma_start3A_53 : memref<5120xi32, #tpu.memory_space<hbm>>) target(%arg8 : memref<5120xi32, #tpu.memory_space<vmem>>) target_semaphore(%run_scoped3A : memref<!tpu.dma_semaphore, #tpu.memory_space<semaphore_mem>>)
      %dma_wait3A_54 = tpu.memref_slice %arg4[%mul3A_2] : memref<163840xi32, #tpu.memory_space<hbm>> -> memref<5120xi32, #tpu.memory_space<hbm>>
      %dma_wait3A_55 = tpu.memref_slice %arg4[%mul3A_2] : memref<163840xi32, #tpu.memory_space<hbm>> -> memref<5120xi32, #tpu.memory_space<hbm>>
      tpu.wait_dma2 semaphore(%run_scoped3A : memref<!tpu.dma_semaphore, #tpu.memory_space<semaphore_mem>>) src(%dma_wait3A_55 : memref<5120xi32, #tpu.memory_space<hbm>>) dst(%arg8 : memref<5120xi32, #tpu.memory_space<vmem>>)
      tpu.yield
    }) : () -> ()
    %dma_start3A = arith.constant 0 : i32
    %dma_start3A_3 = arith.constant 0 : i32
    %dma_start3A_4 = arith.constant 0 : i32
    %dma_start3A_5 = tpu.memref_slice %arg9[%dma_start3A, %dma_start3A_3, %dma_start3A_4] : memref<2x128x128xf32, #tpu.memory_space<vmem>> -> memref<1x128x128xf32, #tpu.memory_space<vmem>>
    %dma_start3A_6 = tpu.memref_squeeze %dma_start3A_5 : memref<1x128x128xf32, #tpu.memory_space<vmem>> -> memref<128x128xf32, #tpu.memory_space<vmem>>
    %dma_start3A_7 = arith.constant 0 : i32
    %dma_start3A_8 = tpu.memref_slice %arg7[%dma_start3A_7] : memref<5120xi32, #tpu.memory_space<vmem>> -> memref<128xi32, #tpu.memory_space<vmem>>
    %dma_start3A_9 = arith.constant 0 : i32
    %dma_start3A_10 = arith.constant 0 : i32
    %dma_start3A_11 = tpu.memref_slice %arg2[%dma_start3A_9, %dma_start3A_10] : memref<10000x128xf32, #tpu.memory_space<hbm>> -> memref<10000x128xf32, #tpu.memory_space<hbm>>
    tpu.enqueue_indirect_dma source(%dma_start3A_11 : memref<10000x128xf32, #tpu.memory_space<hbm>>) target(%dma_start3A_6 : memref<128x128xf32, #tpu.memory_space<vmem>>) offsets(%dma_start3A_8 : memref<128xi32, #tpu.memory_space<vmem>>) semaphore(%arg11 : memref<!tpu.dma_semaphore, #tpu.memory_space<semaphore_mem>>)
    %dma_start3A_12 = arith.constant 0 : i32
    %dma_start3A_13 = arith.constant 0 : i32
    %dma_start3A_14 = arith.constant 0 : i32
    %dma_start3A_15 = tpu.memref_slice %arg10[%dma_start3A_12, %dma_start3A_13, %dma_start3A_14] : memref<2x128x128xf32, #tpu.memory_space<vmem>> -> memref<1x128x128xf32, #tpu.memory_space<vmem>>
    %dma_start3A_16 = tpu.memref_squeeze %dma_start3A_15 : memref<1x128x128xf32, #tpu.memory_space<vmem>> -> memref<128x128xf32, #tpu.memory_space<vmem>>
    %dma_start3A_17 = arith.constant 0 : i32
    %dma_start3A_18 = tpu.memref_slice %arg8[%dma_start3A_17] : memref<5120xi32, #tpu.memory_space<vmem>> -> memref<128xi32, #tpu.memory_space<vmem>>
    %dma_start3A_19 = arith.constant 0 : i32
    %dma_start3A_20 = arith.constant 0 : i32
    %dma_start3A_21 = tpu.memref_slice %arg2[%dma_start3A_19, %dma_start3A_20] : memref<10000x128xf32, #tpu.memory_space<hbm>> -> memref<10000x128xf32, #tpu.memory_space<hbm>>
    tpu.enqueue_indirect_dma source(%dma_start3A_21 : memref<10000x128xf32, #tpu.memory_space<hbm>>) target(%dma_start3A_16 : memref<128x128xf32, #tpu.memory_space<vmem>>) offsets(%dma_start3A_18 : memref<128xi32, #tpu.memory_space<vmem>>) semaphore(%arg11 : memref<!tpu.dma_semaphore, #tpu.memory_space<semaphore_mem>>)
    %scan3A = arith.constant 0 : i32
    %scan3A_22 = arith.constant 0 : i32
    %scan3A_23 = arith.constant 40 : i32
    %scan3A_24 = arith.addi %scan3A_22, %scan3A_23 : i32
    %scan3A_25 = arith.constant 1 : i32
    scf.for %scan3A_52 = %scan3A_22 to %scan3A_24 step %scan3A_25  : i32 {
      %rem3A_53 = arith.constant 2 : i32
      %rem3A_54 = arith.remsi %scan3A_52, %rem3A_53 : i32
      %gt3A = arith.constant 0 : i32
      %gt3A_55 = arith.cmpi sgt, %scan3A_52, %gt3A : i32
      %convert_element_type3A = arith.extui %gt3A_55 : i1 to i32
      %cond3A = arith.constant 0 : i32
      %cond3A_56 = arith.cmpi ne, %convert_element_type3A, %cond3A : i32
      scf.if %cond3A_56 {
        %sub3A = arith.constant 1 : i32
        %sub3A_109 = arith.subi %sub3A, %rem3A_54 : i32
        %dma_wait3A_110 = arith.constant 0 : i32
        %dma_wait3A_111 = arith.constant 0 : i32
        %dma_wait3A_112 = tpu.memref_slice %arg9[%sub3A_109, %dma_wait3A_110, %dma_wait3A_111] : memref<2x128x128xf32, #tpu.memory_space<vmem>> -> memref<1x128x128xf32, #tpu.memory_space<vmem>>
        %dma_wait3A_113 = tpu.memref_squeeze %dma_wait3A_112 : memref<1x128x128xf32, #tpu.memory_space<vmem>> -> memref<128x128xf32, #tpu.memory_space<vmem>>
        %dma_wait3A_114 = arith.constant 0 : i32
        %dma_wait3A_115 = tpu.memref_slice %arg5[%mul3A_2, %dma_wait3A_114] : memref<163840x128xf32, #tpu.memory_space<hbm>> -> memref<128x128xf32, #tpu.memory_space<hbm>>
        %dma_wait3A_116 = arith.constant 0 : i32
        %dma_wait3A_117 = tpu.memref_slice %arg5[%mul3A_2, %dma_wait3A_116] : memref<163840x128xf32, #tpu.memory_space<hbm>> -> memref<128x128xf32, #tpu.memory_space<hbm>>
        %dma_wait3A_118 = arith.constant 0 : i32
        %dma_wait3A_119 = arith.constant 0 : i32
        %dma_wait3A_120 = tpu.memref_slice %arg9[%sub3A_109, %dma_wait3A_118, %dma_wait3A_119] : memref<2x128x128xf32, #tpu.memory_space<vmem>> -> memref<1x128x128xf32, #tpu.memory_space<vmem>>
        %dma_wait3A_121 = tpu.memref_squeeze %dma_wait3A_120 : memref<1x128x128xf32, #tpu.memory_space<vmem>> -> memref<128x128xf32, #tpu.memory_space<vmem>>
        tpu.wait_dma2 semaphore(%arg12 : memref<!tpu.dma_semaphore, #tpu.memory_space<semaphore_mem>>) src(%dma_wait3A_121 : memref<128x128xf32, #tpu.memory_space<vmem>>) dst(%dma_wait3A_117 : memref<128x128xf32, #tpu.memory_space<hbm>>)
        %dma_wait3A_122 = arith.constant 0 : i32
        %dma_wait3A_123 = arith.constant 0 : i32
        %dma_wait3A_124 = tpu.memref_slice %arg10[%sub3A_109, %dma_wait3A_122, %dma_wait3A_123] : memref<2x128x128xf32, #tpu.memory_space<vmem>> -> memref<1x128x128xf32, #tpu.memory_space<vmem>>
        %dma_wait3A_125 = tpu.memref_squeeze %dma_wait3A_124 : memref<1x128x128xf32, #tpu.memory_space<vmem>> -> memref<128x128xf32, #tpu.memory_space<vmem>>
        %dma_wait3A_126 = arith.constant 0 : i32
        %dma_wait3A_127 = tpu.memref_slice %arg6[%mul3A_2, %dma_wait3A_126] : memref<163840x128xf32, #tpu.memory_space<hbm>> -> memref<128x128xf32, #tpu.memory_space<hbm>>
        %dma_wait3A_128 = arith.constant 0 : i32
        %dma_wait3A_129 = tpu.memref_slice %arg6[%mul3A_2, %dma_wait3A_128] : memref<163840x128xf32, #tpu.memory_space<hbm>> -> memref<128x128xf32, #tpu.memory_space<hbm>>
        %dma_wait3A_130 = arith.constant 0 : i32
        %dma_wait3A_131 = arith.constant 0 : i32
        %dma_wait3A_132 = tpu.memref_slice %arg10[%sub3A_109, %dma_wait3A_130, %dma_wait3A_131] : memref<2x128x128xf32, #tpu.memory_space<vmem>> -> memref<1x128x128xf32, #tpu.memory_space<vmem>>
        %dma_wait3A_133 = tpu.memref_squeeze %dma_wait3A_132 : memref<1x128x128xf32, #tpu.memory_space<vmem>> -> memref<128x128xf32, #tpu.memory_space<vmem>>
        tpu.wait_dma2 semaphore(%arg12 : memref<!tpu.dma_semaphore, #tpu.memory_space<semaphore_mem>>) src(%dma_wait3A_133 : memref<128x128xf32, #tpu.memory_space<vmem>>) dst(%dma_wait3A_129 : memref<128x128xf32, #tpu.memory_space<hbm>>)
      } else {
      }
      %mul3A_57 = arith.constant 128 : i32
      %mul3A_58 = arith.muli %scan3A_52, %mul3A_57 : i32
      %dma_wait3A_59 = arith.constant 0 : i32
      %dma_wait3A_60 = arith.constant 0 : i32
      %dma_wait3A_61 = tpu.memref_slice %arg9[%rem3A_54, %dma_wait3A_59, %dma_wait3A_60] : memref<2x128x128xf32, #tpu.memory_space<vmem>> -> memref<1x128x128xf32, #tpu.memory_space<vmem>>
      %dma_wait3A_62 = tpu.memref_squeeze %dma_wait3A_61 : memref<1x128x128xf32, #tpu.memory_space<vmem>> -> memref<128x128xf32, #tpu.memory_space<vmem>>
      %dma_wait3A_63 = tpu.memref_slice %arg7[%mul3A_58] : memref<5120xi32, #tpu.memory_space<vmem>> -> memref<128xi32, #tpu.memory_space<vmem>>
      %dma_wait3A_64 = arith.constant 0 : i32
      %dma_wait3A_65 = arith.constant 0 : i32
      %dma_wait3A_66 = tpu.memref_slice %arg2[%dma_wait3A_64, %dma_wait3A_65] : memref<10000x128xf32, #tpu.memory_space<hbm>> -> memref<10000x128xf32, #tpu.memory_space<hbm>>
      tpu.wait_indirect_dma semaphore(%arg11 : memref<!tpu.dma_semaphore, #tpu.memory_space<semaphore_mem>>) src(%dma_wait3A_66 : memref<10000x128xf32, #tpu.memory_space<hbm>>) dst(%dma_wait3A_62 : memref<128x128xf32, #tpu.memory_space<vmem>>)
      %dma_wait3A_67 = arith.constant 0 : i32
      %dma_wait3A_68 = arith.constant 0 : i32
      %dma_wait3A_69 = tpu.memref_slice %arg10[%rem3A_54, %dma_wait3A_67, %dma_wait3A_68] : memref<2x128x128xf32, #tpu.memory_space<vmem>> -> memref<1x128x128xf32, #tpu.memory_space<vmem>>
      %dma_wait3A_70 = tpu.memref_squeeze %dma_wait3A_69 : memref<1x128x128xf32, #tpu.memory_space<vmem>> -> memref<128x128xf32, #tpu.memory_space<vmem>>
      %dma_wait3A_71 = tpu.memref_slice %arg8[%mul3A_58] : memref<5120xi32, #tpu.memory_space<vmem>> -> memref<128xi32, #tpu.memory_space<vmem>>
      %dma_wait3A_72 = arith.constant 0 : i32
      %dma_wait3A_73 = arith.constant 0 : i32
      %dma_wait3A_74 = tpu.memref_slice %arg2[%dma_wait3A_72, %dma_wait3A_73] : memref<10000x128xf32, #tpu.memory_space<hbm>> -> memref<10000x128xf32, #tpu.memory_space<hbm>>
      tpu.wait_indirect_dma semaphore(%arg11 : memref<!tpu.dma_semaphore, #tpu.memory_space<semaphore_mem>>) src(%dma_wait3A_74 : memref<10000x128xf32, #tpu.memory_space<hbm>>) dst(%dma_wait3A_70 : memref<128x128xf32, #tpu.memory_space<vmem>>)
      %lt3A = arith.constant 39 : i32
      %lt3A_75 = arith.cmpi slt, %scan3A_52, %lt3A : i32
      %convert_element_type3A_76 = arith.extui %lt3A_75 : i1 to i32
      %cond3A_77 = arith.constant 0 : i32
      %cond3A_78 = arith.cmpi ne, %convert_element_type3A_76, %cond3A_77 : i32
      scf.if %cond3A_78 {
        %add3A_109 = arith.constant 1 : i32
        %add3A_110 = arith.addi %scan3A_52, %add3A_109 : i32
        %sub3A = arith.constant 1 : i32
        %sub3A_111 = arith.subi %sub3A, %rem3A_54 : i32
        %mul3A_112 = arith.constant 128 : i32
        %mul3A_113 = arith.muli %add3A_110, %mul3A_112 : i32
        %dma_start3A_114 = arith.constant 0 : i32
        %dma_start3A_115 = arith.constant 0 : i32
        %dma_start3A_116 = tpu.memref_slice %arg9[%sub3A_111, %dma_start3A_114, %dma_start3A_115] : memref<2x128x128xf32, #tpu.memory_space<vmem>> -> memref<1x128x128xf32, #tpu.memory_space<vmem>>
        %dma_start3A_117 = tpu.memref_squeeze %dma_start3A_116 : memref<1x128x128xf32, #tpu.memory_space<vmem>> -> memref<128x128xf32, #tpu.memory_space<vmem>>
        %dma_start3A_118 = tpu.memref_slice %arg7[%mul3A_113] : memref<5120xi32, #tpu.memory_space<vmem>> -> memref<128xi32, #tpu.memory_space<vmem>>
        %dma_start3A_119 = arith.constant 0 : i32
        %dma_start3A_120 = arith.constant 0 : i32
        %dma_start3A_121 = tpu.memref_slice %arg2[%dma_start3A_119, %dma_start3A_120] : memref<10000x128xf32, #tpu.memory_space<hbm>> -> memref<10000x128xf32, #tpu.memory_space<hbm>>
        tpu.enqueue_indirect_dma source(%dma_start3A_121 : memref<10000x128xf32, #tpu.memory_space<hbm>>) target(%dma_start3A_117 : memref<128x128xf32, #tpu.memory_space<vmem>>) offsets(%dma_start3A_118 : memref<128xi32, #tpu.memory_space<vmem>>) semaphore(%arg11 : memref<!tpu.dma_semaphore, #tpu.memory_space<semaphore_mem>>)
        %dma_start3A_122 = arith.constant 0 : i32
        %dma_start3A_123 = arith.constant 0 : i32
        %dma_start3A_124 = tpu.memref_slice %arg10[%sub3A_111, %dma_start3A_122, %dma_start3A_123] : memref<2x128x128xf32, #tpu.memory_space<vmem>> -> memref<1x128x128xf32, #tpu.memory_space<vmem>>
        %dma_start3A_125 = tpu.memref_squeeze %dma_start3A_124 : memref<1x128x128xf32, #tpu.memory_space<vmem>> -> memref<128x128xf32, #tpu.memory_space<vmem>>
        %dma_start3A_126 = tpu.memref_slice %arg8[%mul3A_113] : memref<5120xi32, #tpu.memory_space<vmem>> -> memref<128xi32, #tpu.memory_space<vmem>>
        %dma_start3A_127 = arith.constant 0 : i32
        %dma_start3A_128 = arith.constant 0 : i32
        %dma_start3A_129 = tpu.memref_slice %arg2[%dma_start3A_127, %dma_start3A_128] : memref<10000x128xf32, #tpu.memory_space<hbm>> -> memref<10000x128xf32, #tpu.memory_space<hbm>>
        tpu.enqueue_indirect_dma source(%dma_start3A_129 : memref<10000x128xf32, #tpu.memory_space<hbm>>) target(%dma_start3A_125 : memref<128x128xf32, #tpu.memory_space<vmem>>) offsets(%dma_start3A_126 : memref<128xi32, #tpu.memory_space<vmem>>) semaphore(%arg11 : memref<!tpu.dma_semaphore, #tpu.memory_space<semaphore_mem>>)
      } else {
      }
      %mul3A_79 = arith.constant 128 : i32
      %mul3A_80 = arith.muli %scan3A_52, %mul3A_79 : i32
      %add3A_81 = arith.addi %mul3A_2, %mul3A_80 : i32
      %dma_start3A_82 = arith.constant 0 : i32
      %dma_start3A_83 = arith.constant 0 : i32
      %dma_start3A_84 = tpu.memref_slice %arg9[%rem3A_54, %dma_start3A_82, %dma_start3A_83] : memref<2x128x128xf32, #tpu.memory_space<vmem>> -> memref<1x128x128xf32, #tpu.memory_space<vmem>>
      %dma_start3A_85 = tpu.memref_squeeze %dma_start3A_84 : memref<1x128x128xf32, #tpu.memory_space<vmem>> -> memref<128x128xf32, #tpu.memory_space<vmem>>
      %dma_start3A_86 = arith.constant 0 : i32
      %dma_start3A_87 = tpu.memref_slice %arg5[%add3A_81, %dma_start3A_86] : memref<163840x128xf32, #tpu.memory_space<hbm>> -> memref<128x128xf32, #tpu.memory_space<hbm>>
      %dma_start3A_88 = arith.constant 0 : i32
      %dma_start3A_89 = tpu.memref_slice %arg5[%add3A_81, %dma_start3A_88] : memref<163840x128xf32, #tpu.memory_space<hbm>> -> memref<128x128xf32, #tpu.memory_space<hbm>>
      %dma_start3A_90 = arith.constant 0 : i32
      %dma_start3A_91 = arith.constant 0 : i32
      %dma_start3A_92 = tpu.memref_slice %arg9[%rem3A_54, %dma_start3A_90, %dma_start3A_91] : memref<2x128x128xf32, #tpu.memory_space<vmem>> -> memref<1x128x128xf32, #tpu.memory_space<vmem>>
      %dma_start3A_93 = tpu.memref_squeeze %dma_start3A_92 : memref<1x128x128xf32, #tpu.memory_space<vmem>> -> memref<128x128xf32, #tpu.memory_space<vmem>>
      tpu.enqueue_dma source(%dma_start3A_93 : memref<128x128xf32, #tpu.memory_space<vmem>>) target(%dma_start3A_89 : memref<128x128xf32, #tpu.memory_space<hbm>>) target_semaphore(%arg12 : memref<!tpu.dma_semaphore, #tpu.memory_space<semaphore_mem>>)
      %mul3A_94 = arith.constant 128 : i32
      %mul3A_95 = arith.muli %scan3A_52, %mul3A_94 : i32
      %add3A_96 = arith.addi %mul3A_2, %mul3A_95 : i32
      %dma_start3A_97 = arith.constant 0 : i32
      %dma_start3A_98 = arith.constant 0 : i32
      %dma_start3A_99 = tpu.memref_slice %arg10[%rem3A_54, %dma_start3A_97, %dma_start3A_98] : memref<2x128x128xf32, #tpu.memory_space<vmem>> -> memref<1x128x128xf32, #tpu.memory_space<vmem>>
      %dma_start3A_100 = tpu.memref_squeeze %dma_start3A_99 : memref<1x128x128xf32, #tpu.memory_space<vmem>> -> memref<128x128xf32, #tpu.memory_space<vmem>>
      %dma_start3A_101 = arith.constant 0 : i32
      %dma_start3A_102 = tpu.memref_slice %arg6[%add3A_96, %dma_start3A_101] : memref<163840x128xf32, #tpu.memory_space<hbm>> -> memref<128x128xf32, #tpu.memory_space<hbm>>
      %dma_start3A_103 = arith.constant 0 : i32
      %dma_start3A_104 = tpu.memref_slice %arg6[%add3A_96, %dma_start3A_103] : memref<163840x128xf32, #tpu.memory_space<hbm>> -> memref<128x128xf32, #tpu.memory_space<hbm>>
      %dma_start3A_105 = arith.constant 0 : i32
      %dma_start3A_106 = arith.constant 0 : i32
      %dma_start3A_107 = tpu.memref_slice %arg10[%rem3A_54, %dma_start3A_105, %dma_start3A_106] : memref<2x128x128xf32, #tpu.memory_space<vmem>> -> memref<1x128x128xf32, #tpu.memory_space<vmem>>
      %dma_start3A_108 = tpu.memref_squeeze %dma_start3A_107 : memref<1x128x128xf32, #tpu.memory_space<vmem>> -> memref<128x128xf32, #tpu.memory_space<vmem>>
      tpu.enqueue_dma source(%dma_start3A_108 : memref<128x128xf32, #tpu.memory_space<vmem>>) target(%dma_start3A_104 : memref<128x128xf32, #tpu.memory_space<hbm>>) target_semaphore(%arg12 : memref<!tpu.dma_semaphore, #tpu.memory_space<semaphore_mem>>)
    }
    %scan3A_26 = arith.constant 40 : i32
    %rem3A = arith.constant 39 : i32
    %rem3A_27 = arith.constant 2 : i32
    %rem3A_28 = arith.remsi %rem3A, %rem3A_27 : i32
    %dma_wait3A = arith.constant 0 : i32
    %dma_wait3A_29 = arith.constant 0 : i32
    %dma_wait3A_30 = tpu.memref_slice %arg9[%rem3A_28, %dma_wait3A, %dma_wait3A_29] : memref<2x128x128xf32, #tpu.memory_space<vmem>> -> memref<1x128x128xf32, #tpu.memory_space<vmem>>
    %dma_wait3A_31 = tpu.memref_squeeze %dma_wait3A_30 : memref<1x128x128xf32, #tpu.memory_space<vmem>> -> memref<128x128xf32, #tpu.memory_space<vmem>>
    %dma_wait3A_32 = arith.constant 0 : i32
    %dma_wait3A_33 = tpu.memref_slice %arg5[%mul3A_2, %dma_wait3A_32] : memref<163840x128xf32, #tpu.memory_space<hbm>> -> memref<128x128xf32, #tpu.memory_space<hbm>>
    %dma_wait3A_34 = arith.constant 0 : i32
    %dma_wait3A_35 = tpu.memref_slice %arg5[%mul3A_2, %dma_wait3A_34] : memref<163840x128xf32, #tpu.memory_space<hbm>> -> memref<128x128xf32, #tpu.memory_space<hbm>>
    %dma_wait3A_36 = arith.constant 0 : i32
    %dma_wait3A_37 = arith.constant 0 : i32
    %dma_wait3A_38 = tpu.memref_slice %arg9[%rem3A_28, %dma_wait3A_36, %dma_wait3A_37] : memref<2x128x128xf32, #tpu.memory_space<vmem>> -> memref<1x128x128xf32, #tpu.memory_space<vmem>>
    %dma_wait3A_39 = tpu.memref_squeeze %dma_wait3A_38 : memref<1x128x128xf32, #tpu.memory_space<vmem>> -> memref<128x128xf32, #tpu.memory_space<vmem>>
    tpu.wait_dma2 semaphore(%arg12 : memref<!tpu.dma_semaphore, #tpu.memory_space<semaphore_mem>>) src(%dma_wait3A_39 : memref<128x128xf32, #tpu.memory_space<vmem>>) dst(%dma_wait3A_35 : memref<128x128xf32, #tpu.memory_space<hbm>>)
    %dma_wait3A_40 = arith.constant 0 : i32
    %dma_wait3A_41 = arith.constant 0 : i32
    %dma_wait3A_42 = tpu.memref_slice %arg10[%rem3A_28, %dma_wait3A_40, %dma_wait3A_41] : memref<2x128x128xf32, #tpu.memory_space<vmem>> -> memref<1x128x128xf32, #tpu.memory_space<vmem>>
    %dma_wait3A_43 = tpu.memref_squeeze %dma_wait3A_42 : memref<1x128x128xf32, #tpu.memory_space<vmem>> -> memref<128x128xf32, #tpu.memory_space<vmem>>
    %dma_wait3A_44 = arith.constant 0 : i32
    %dma_wait3A_45 = tpu.memref_slice %arg6[%mul3A_2, %dma_wait3A_44] : memref<163840x128xf32, #tpu.memory_space<hbm>> -> memref<128x128xf32, #tpu.memory_space<hbm>>
    %dma_wait3A_46 = arith.constant 0 : i32
    %dma_wait3A_47 = tpu.memref_slice %arg6[%mul3A_2, %dma_wait3A_46] : memref<163840x128xf32, #tpu.memory_space<hbm>> -> memref<128x128xf32, #tpu.memory_space<hbm>>
    %dma_wait3A_48 = arith.constant 0 : i32
    %dma_wait3A_49 = arith.constant 0 : i32
    %dma_wait3A_50 = tpu.memref_slice %arg10[%rem3A_28, %dma_wait3A_48, %dma_wait3A_49] : memref<2x128x128xf32, #tpu.memory_space<vmem>> -> memref<1x128x128xf32, #tpu.memory_space<vmem>>
    %dma_wait3A_51 = tpu.memref_squeeze %dma_wait3A_50 : memref<1x128x128xf32, #tpu.memory_space<vmem>> -> memref<128x128xf32, #tpu.memory_space<vmem>>
    tpu.wait_dma2 semaphore(%arg12 : memref<!tpu.dma_semaphore, #tpu.memory_space<semaphore_mem>>) src(%dma_wait3A_51 : memref<128x128xf32, #tpu.memory_space<vmem>>) dst(%dma_wait3A_47 : memref<128x128xf32, #tpu.memory_space<hbm>>)
    return
  }
}

#map = affine_map<(d0, d1) -> (0, 0)>
#map1 = affine_map<(d0, d1) -> (0, 0, 0)>
module attributes {stable_mosaic.version = 14 : i64} {
  func.func @_scatter_k(%arg0: i32, %arg1: i32, %arg2: memref<163840x128xf32, #tpu.memory_space<hbm>>, %arg3: memref<32x50x100xi32, #tpu.memory_space<hbm>>, %arg4: memref<10000x128xf32, #tpu.memory_space<hbm>>, %arg5: memref<20000x128xf32, #tpu.memory_space<hbm>>, %arg6: memref<50x100xi32, #tpu.memory_space<vmem>>, %arg7: memref<200x128xf32, #tpu.memory_space<vmem>>, %arg8: memref<10000x128xf32, #tpu.memory_space<vmem_shared>>, %arg9: memref<!tpu.dma_semaphore, #tpu.memory_space<semaphore_mem>>) attributes {dimension_semantics = [#tpu.dimension_semantics<core_parallel>, #tpu.dimension_semantics<subcore_parallel>], iteration_bounds = array<i64: 2, 16>, scalar_prefetch = 0 : i64, scratch_operands = 4 : i64, tpu.core_type = #tpu.core_type<sc_vector_subcore>, window_params = [{transform_indices = #map}, {transform_indices = #map1}, {transform_indices = #map}, {transform_indices = #map}]} {
    %mul3A = arith.constant 2 : i32
    %mul3A_0 = arith.muli %arg1, %mul3A : i32
    %add3A = arith.addi %mul3A_0, %arg0 : i32
    %mul3A_1 = arith.constant 624 : i32
    %mul3A_2 = arith.muli %arg1, %mul3A_1 : i32
    "tpu.region"() ({
      %run_scoped3A = tpu.sem_alloc : memref<!tpu.dma_semaphore, #tpu.memory_space<semaphore_mem>>
      %dma_start3A = arith.constant 0 : i32
      %dma_start3A_21 = tpu.memref_slice %arg8[%mul3A_2, %dma_start3A] : memref<10000x128xf32, #tpu.memory_space<vmem_shared>> -> memref<624x128xf32, #tpu.memory_space<vmem_shared>>
      %dma_start3A_22 = arith.constant 0 : i32
      %dma_start3A_23 = tpu.memref_slice %arg4[%mul3A_2, %dma_start3A_22] : memref<10000x128xf32, #tpu.memory_space<hbm>> -> memref<624x128xf32, #tpu.memory_space<hbm>>
      tpu.enqueue_dma source(%dma_start3A_23 : memref<624x128xf32, #tpu.memory_space<hbm>>) target(%dma_start3A_21 : memref<624x128xf32, #tpu.memory_space<vmem_shared>>) target_semaphore(%run_scoped3A : memref<!tpu.dma_semaphore, #tpu.memory_space<semaphore_mem>>)
      %dma_wait3A = arith.constant 0 : i32
      %dma_wait3A_24 = tpu.memref_slice %arg8[%mul3A_2, %dma_wait3A] : memref<10000x128xf32, #tpu.memory_space<vmem_shared>> -> memref<624x128xf32, #tpu.memory_space<vmem_shared>>
      %dma_wait3A_25 = arith.constant 0 : i32
      %dma_wait3A_26 = tpu.memref_slice %arg4[%mul3A_2, %dma_wait3A_25] : memref<10000x128xf32, #tpu.memory_space<hbm>> -> memref<624x128xf32, #tpu.memory_space<hbm>>
      tpu.wait_dma2 semaphore(%run_scoped3A : memref<!tpu.dma_semaphore, #tpu.memory_space<semaphore_mem>>) src(%dma_wait3A_26 : memref<624x128xf32, #tpu.memory_space<hbm>>) dst(%dma_wait3A_24 : memref<624x128xf32, #tpu.memory_space<vmem_shared>>)
      tpu.yield
    }) : () -> ()
    %eq3A = arith.constant 15 : i32
    %eq3A_3 = arith.cmpi eq, %arg1, %eq3A : i32
    %convert_element_type3A = arith.extui %eq3A_3 : i1 to i32
    %cond3A = arith.constant 0 : i32
    %cond3A_4 = arith.cmpi ne, %convert_element_type3A, %cond3A : i32
    scf.if %cond3A_4 {
      "tpu.region"() ({
        %run_scoped3A = tpu.sem_alloc : memref<!tpu.dma_semaphore, #tpu.memory_space<semaphore_mem>>
        %dma_start3A = arith.constant 9984 : i32
        %dma_start3A_21 = arith.constant 0 : i32
        %dma_start3A_22 = tpu.memref_slice %arg8[%dma_start3A, %dma_start3A_21] : memref<10000x128xf32, #tpu.memory_space<vmem_shared>> -> memref<16x128xf32, #tpu.memory_space<vmem_shared>>
        %dma_start3A_23 = arith.constant 9984 : i32
        %dma_start3A_24 = arith.constant 0 : i32
        %dma_start3A_25 = tpu.memref_slice %arg4[%dma_start3A_23, %dma_start3A_24] : memref<10000x128xf32, #tpu.memory_space<hbm>> -> memref<16x128xf32, #tpu.memory_space<hbm>>
        tpu.enqueue_dma source(%dma_start3A_25 : memref<16x128xf32, #tpu.memory_space<hbm>>) target(%dma_start3A_22 : memref<16x128xf32, #tpu.memory_space<vmem_shared>>) target_semaphore(%run_scoped3A : memref<!tpu.dma_semaphore, #tpu.memory_space<semaphore_mem>>)
        %dma_wait3A = arith.constant 9984 : i32
        %dma_wait3A_26 = arith.constant 0 : i32
        %dma_wait3A_27 = tpu.memref_slice %arg8[%dma_wait3A, %dma_wait3A_26] : memref<10000x128xf32, #tpu.memory_space<vmem_shared>> -> memref<16x128xf32, #tpu.memory_space<vmem_shared>>
        %dma_wait3A_28 = arith.constant 9984 : i32
        %dma_wait3A_29 = arith.constant 0 : i32
        %dma_wait3A_30 = tpu.memref_slice %arg4[%dma_wait3A_28, %dma_wait3A_29] : memref<10000x128xf32, #tpu.memory_space<hbm>> -> memref<16x128xf32, #tpu.memory_space<hbm>>
        tpu.wait_dma2 semaphore(%run_scoped3A : memref<!tpu.dma_semaphore, #tpu.memory_space<semaphore_mem>>) src(%dma_wait3A_30 : memref<16x128xf32, #tpu.memory_space<hbm>>) dst(%dma_wait3A_27 : memref<16x128xf32, #tpu.memory_space<vmem_shared>>)
        tpu.yield
      }) : () -> ()
    } else {
    }
    "tpu.region"() ({
      %run_scoped3A = tpu.sem_alloc : memref<!tpu.dma_semaphore, #tpu.memory_space<semaphore_mem>>
      %dma_start3A = arith.constant 0 : i32
      %dma_start3A_21 = arith.constant 0 : i32
      %dma_start3A_22 = tpu.memref_slice %arg3[%add3A, %dma_start3A, %dma_start3A_21] : memref<32x50x100xi32, #tpu.memory_space<hbm>> -> memref<1x50x100xi32, #tpu.memory_space<hbm>>
      %dma_start3A_23 = tpu.memref_squeeze %dma_start3A_22 : memref<1x50x100xi32, #tpu.memory_space<hbm>> -> memref<50x100xi32, #tpu.memory_space<hbm>>
      %dma_start3A_24 = arith.constant 0 : i32
      %dma_start3A_25 = arith.constant 0 : i32
      %dma_start3A_26 = tpu.memref_slice %arg3[%add3A, %dma_start3A_24, %dma_start3A_25] : memref<32x50x100xi32, #tpu.memory_space<hbm>> -> memref<1x50x100xi32, #tpu.memory_space<hbm>>
      %dma_start3A_27 = tpu.memref_squeeze %dma_start3A_26 : memref<1x50x100xi32, #tpu.memory_space<hbm>> -> memref<50x100xi32, #tpu.memory_space<hbm>>
      tpu.enqueue_dma source(%dma_start3A_27 : memref<50x100xi32, #tpu.memory_space<hbm>>) target(%arg6 : memref<50x100xi32, #tpu.memory_space<vmem>>) target_semaphore(%run_scoped3A : memref<!tpu.dma_semaphore, #tpu.memory_space<semaphore_mem>>)
      %dma_wait3A = arith.constant 0 : i32
      %dma_wait3A_28 = arith.constant 0 : i32
      %dma_wait3A_29 = tpu.memref_slice %arg3[%add3A, %dma_wait3A, %dma_wait3A_28] : memref<32x50x100xi32, #tpu.memory_space<hbm>> -> memref<1x50x100xi32, #tpu.memory_space<hbm>>
      %dma_wait3A_30 = tpu.memref_squeeze %dma_wait3A_29 : memref<1x50x100xi32, #tpu.memory_space<hbm>> -> memref<50x100xi32, #tpu.memory_space<hbm>>
      %dma_wait3A_31 = arith.constant 0 : i32
      %dma_wait3A_32 = arith.constant 0 : i32
      %dma_wait3A_33 = tpu.memref_slice %arg3[%add3A, %dma_wait3A_31, %dma_wait3A_32] : memref<32x50x100xi32, #tpu.memory_space<hbm>> -> memref<1x50x100xi32, #tpu.memory_space<hbm>>
      %dma_wait3A_34 = tpu.memref_squeeze %dma_wait3A_33 : memref<1x50x100xi32, #tpu.memory_space<hbm>> -> memref<50x100xi32, #tpu.memory_space<hbm>>
      tpu.wait_dma2 semaphore(%run_scoped3A : memref<!tpu.dma_semaphore, #tpu.memory_space<semaphore_mem>>) src(%dma_wait3A_34 : memref<50x100xi32, #tpu.memory_space<hbm>>) dst(%arg6 : memref<50x100xi32, #tpu.memory_space<vmem>>)
      tpu.yield
    }) : () -> ()
    %barrier3A = arith.constant 0 : index
    tpu.barrier barrier_id(%barrier3A)
    %mul3A_5 = arith.constant 5000 : i32
    %mul3A_6 = arith.muli %add3A, %mul3A_5 : i32
    %scan3A = arith.constant 0 : i32
    %scan3A_7 = arith.constant 0 : i32
    %scan3A_8 = arith.constant 25 : i32
    %scan3A_9 = arith.addi %scan3A_7, %scan3A_8 : i32
    %scan3A_10 = arith.constant 1 : i32
    scf.for %scan3A_21 = %scan3A_7 to %scan3A_9 step %scan3A_10  : i32 {
      %mul3A_22 = arith.constant 200 : i32
      %mul3A_23 = arith.muli %scan3A_21, %mul3A_22 : i32
      %add3A_24 = arith.addi %mul3A_6, %mul3A_23 : i32
      %dma_start3A = arith.constant 0 : i32
      %dma_start3A_25 = tpu.memref_slice %arg2[%add3A_24, %dma_start3A] : memref<163840x128xf32, #tpu.memory_space<hbm>> -> memref<200x128xf32, #tpu.memory_space<hbm>>
      %dma_start3A_26 = arith.constant 0 : i32
      %dma_start3A_27 = tpu.memref_slice %arg2[%add3A_24, %dma_start3A_26] : memref<163840x128xf32, #tpu.memory_space<hbm>> -> memref<200x128xf32, #tpu.memory_space<hbm>>
      tpu.enqueue_dma source(%dma_start3A_27 : memref<200x128xf32, #tpu.memory_space<hbm>>) target(%arg7 : memref<200x128xf32, #tpu.memory_space<vmem>>) target_semaphore(%arg9 : memref<!tpu.dma_semaphore, #tpu.memory_space<semaphore_mem>>)
      %dma_wait3A = arith.constant 0 : i32
      %dma_wait3A_28 = tpu.memref_slice %arg2[%add3A_24, %dma_wait3A] : memref<163840x128xf32, #tpu.memory_space<hbm>> -> memref<200x128xf32, #tpu.memory_space<hbm>>
      %dma_wait3A_29 = arith.constant 0 : i32
      %dma_wait3A_30 = tpu.memref_slice %arg2[%add3A_24, %dma_wait3A_29] : memref<163840x128xf32, #tpu.memory_space<hbm>> -> memref<200x128xf32, #tpu.memory_space<hbm>>
      tpu.wait_dma2 semaphore(%arg9 : memref<!tpu.dma_semaphore, #tpu.memory_space<semaphore_mem>>) src(%dma_wait3A_30 : memref<200x128xf32, #tpu.memory_space<hbm>>) dst(%arg7 : memref<200x128xf32, #tpu.memory_space<vmem>>)
      %mul3A_31 = arith.constant 2 : i32
      %mul3A_32 = arith.muli %scan3A_21, %mul3A_31 : i32
      %add3A_33 = arith.constant 0 : i32
      %add3A_34 = arith.addi %mul3A_32, %add3A_33 : i32
      "tpu.region"() ({
        %run_scoped3A = tpu.sem_alloc : memref<!tpu.dma_semaphore, #tpu.memory_space<semaphore_mem>>
        %dma_start3A_39 = arith.constant 0 : i32
        %dma_start3A_40 = arith.constant 0 : i32
        %dma_start3A_41 = tpu.memref_slice %arg7[%dma_start3A_39, %dma_start3A_40] : memref<200x128xf32, #tpu.memory_space<vmem>> -> memref<100x128xf32, #tpu.memory_space<vmem>>
        %dma_start3A_42 = arith.constant 0 : i32
        %dma_start3A_43 = tpu.memref_slice %arg6[%add3A_34, %dma_start3A_42] : memref<50x100xi32, #tpu.memory_space<vmem>> -> memref<1x100xi32, #tpu.memory_space<vmem>>
        %dma_start3A_44 = tpu.memref_squeeze %dma_start3A_43 : memref<1x100xi32, #tpu.memory_space<vmem>> -> memref<100xi32, #tpu.memory_space<vmem>>
        %dma_start3A_45 = arith.constant 0 : i32
        %dma_start3A_46 = arith.constant 0 : i32
        %dma_start3A_47 = tpu.memref_slice %arg8[%dma_start3A_45, %dma_start3A_46] : memref<10000x128xf32, #tpu.memory_space<vmem_shared>> -> memref<10000x128xf32, #tpu.memory_space<vmem_shared>>
        tpu.enqueue_indirect_dma source(%dma_start3A_41 : memref<100x128xf32, #tpu.memory_space<vmem>>) target(%dma_start3A_47 : memref<10000x128xf32, #tpu.memory_space<vmem_shared>>) offsets(%dma_start3A_44 : memref<100xi32, #tpu.memory_space<vmem>>) semaphore(%run_scoped3A : memref<!tpu.dma_semaphore, #tpu.memory_space<semaphore_mem>>) {add = true}
        %dma_wait3A_48 = arith.constant 0 : i32
        %dma_wait3A_49 = arith.constant 0 : i32
        %dma_wait3A_50 = tpu.memref_slice %arg7[%dma_wait3A_48, %dma_wait3A_49] : memref<200x128xf32, #tpu.memory_space<vmem>> -> memref<100x128xf32, #tpu.memory_space<vmem>>
        %dma_wait3A_51 = arith.constant 0 : i32
        %dma_wait3A_52 = tpu.memref_slice %arg6[%add3A_34, %dma_wait3A_51] : memref<50x100xi32, #tpu.memory_space<vmem>> -> memref<1x100xi32, #tpu.memory_space<vmem>>
        %dma_wait3A_53 = tpu.memref_squeeze %dma_wait3A_52 : memref<1x100xi32, #tpu.memory_space<vmem>> -> memref<100xi32, #tpu.memory_space<vmem>>
        %dma_wait3A_54 = arith.constant 0 : i32
        %dma_wait3A_55 = arith.constant 0 : i32
        %dma_wait3A_56 = tpu.memref_slice %arg8[%dma_wait3A_54, %dma_wait3A_55] : memref<10000x128xf32, #tpu.memory_space<vmem_shared>> -> memref<10000x128xf32, #tpu.memory_space<vmem_shared>>
        tpu.wait_indirect_dma semaphore(%run_scoped3A : memref<!tpu.dma_semaphore, #tpu.memory_space<semaphore_mem>>) src(%dma_wait3A_50 : memref<100x128xf32, #tpu.memory_space<vmem>>) dst(%dma_wait3A_56 : memref<10000x128xf32, #tpu.memory_space<vmem_shared>>)
        tpu.yield
      }) : () -> ()
      %mul3A_35 = arith.constant 2 : i32
      %mul3A_36 = arith.muli %scan3A_21, %mul3A_35 : i32
      %add3A_37 = arith.constant 1 : i32
      %add3A_38 = arith.addi %mul3A_36, %add3A_37 : i32
      "tpu.region"() ({
        %run_scoped3A = tpu.sem_alloc : memref<!tpu.dma_semaphore, #tpu.memory_space<semaphore_mem>>
        %dma_start3A_39 = arith.constant 100 : i32
        %dma_start3A_40 = arith.constant 0 : i32
        %dma_start3A_41 = tpu.memref_slice %arg7[%dma_start3A_39, %dma_start3A_40] : memref<200x128xf32, #tpu.memory_space<vmem>> -> memref<100x128xf32, #tpu.memory_space<vmem>>
        %dma_start3A_42 = arith.constant 0 : i32
        %dma_start3A_43 = tpu.memref_slice %arg6[%add3A_38, %dma_start3A_42] : memref<50x100xi32, #tpu.memory_space<vmem>> -> memref<1x100xi32, #tpu.memory_space<vmem>>
        %dma_start3A_44 = tpu.memref_squeeze %dma_start3A_43 : memref<1x100xi32, #tpu.memory_space<vmem>> -> memref<100xi32, #tpu.memory_space<vmem>>
        %dma_start3A_45 = arith.constant 0 : i32
        %dma_start3A_46 = arith.constant 0 : i32
        %dma_start3A_47 = tpu.memref_slice %arg8[%dma_start3A_45, %dma_start3A_46] : memref<10000x128xf32, #tpu.memory_space<vmem_shared>> -> memref<10000x128xf32, #tpu.memory_space<vmem_shared>>
        tpu.enqueue_indirect_dma source(%dma_start3A_41 : memref<100x128xf32, #tpu.memory_space<vmem>>) target(%dma_start3A_47 : memref<10000x128xf32, #tpu.memory_space<vmem_shared>>) offsets(%dma_start3A_44 : memref<100xi32, #tpu.memory_space<vmem>>) semaphore(%run_scoped3A : memref<!tpu.dma_semaphore, #tpu.memory_space<semaphore_mem>>) {add = true}
        %dma_wait3A_48 = arith.constant 100 : i32
        %dma_wait3A_49 = arith.constant 0 : i32
        %dma_wait3A_50 = tpu.memref_slice %arg7[%dma_wait3A_48, %dma_wait3A_49] : memref<200x128xf32, #tpu.memory_space<vmem>> -> memref<100x128xf32, #tpu.memory_space<vmem>>
        %dma_wait3A_51 = arith.constant 0 : i32
        %dma_wait3A_52 = tpu.memref_slice %arg6[%add3A_38, %dma_wait3A_51] : memref<50x100xi32, #tpu.memory_space<vmem>> -> memref<1x100xi32, #tpu.memory_space<vmem>>
        %dma_wait3A_53 = tpu.memref_squeeze %dma_wait3A_52 : memref<1x100xi32, #tpu.memory_space<vmem>> -> memref<100xi32, #tpu.memory_space<vmem>>
        %dma_wait3A_54 = arith.constant 0 : i32
        %dma_wait3A_55 = arith.constant 0 : i32
        %dma_wait3A_56 = tpu.memref_slice %arg8[%dma_wait3A_54, %dma_wait3A_55] : memref<10000x128xf32, #tpu.memory_space<vmem_shared>> -> memref<10000x128xf32, #tpu.memory_space<vmem_shared>>
        tpu.wait_indirect_dma semaphore(%run_scoped3A : memref<!tpu.dma_semaphore, #tpu.memory_space<semaphore_mem>>) src(%dma_wait3A_50 : memref<100x128xf32, #tpu.memory_space<vmem>>) dst(%dma_wait3A_56 : memref<10000x128xf32, #tpu.memory_space<vmem_shared>>)
        tpu.yield
      }) : () -> ()
    }
    %scan3A_11 = arith.constant 25 : i32
    %barrier3A_12 = arith.constant 0 : index
    tpu.barrier barrier_id(%barrier3A_12)
    %mul3A_13 = arith.constant 10000 : i32
    %mul3A_14 = arith.muli %arg0, %mul3A_13 : i32
    %add3A_15 = arith.addi %mul3A_14, %mul3A_2 : i32
    "tpu.region"() ({
      %run_scoped3A = tpu.sem_alloc : memref<!tpu.dma_semaphore, #tpu.memory_space<semaphore_mem>>
      %dma_start3A = arith.constant 0 : i32
      %dma_start3A_21 = tpu.memref_slice %arg5[%add3A_15, %dma_start3A] : memref<20000x128xf32, #tpu.memory_space<hbm>> -> memref<624x128xf32, #tpu.memory_space<hbm>>
      %dma_start3A_22 = arith.constant 0 : i32
      %dma_start3A_23 = tpu.memref_slice %arg8[%mul3A_2, %dma_start3A_22] : memref<10000x128xf32, #tpu.memory_space<vmem_shared>> -> memref<624x128xf32, #tpu.memory_space<vmem_shared>>
      tpu.enqueue_dma source(%dma_start3A_23 : memref<624x128xf32, #tpu.memory_space<vmem_shared>>) target(%dma_start3A_21 : memref<624x128xf32, #tpu.memory_space<hbm>>) target_semaphore(%run_scoped3A : memref<!tpu.dma_semaphore, #tpu.memory_space<semaphore_mem>>)
      %dma_wait3A = arith.constant 0 : i32
      %dma_wait3A_24 = tpu.memref_slice %arg5[%add3A_15, %dma_wait3A] : memref<20000x128xf32, #tpu.memory_space<hbm>> -> memref<624x128xf32, #tpu.memory_space<hbm>>
      %dma_wait3A_25 = arith.constant 0 : i32
      %dma_wait3A_26 = tpu.memref_slice %arg8[%mul3A_2, %dma_wait3A_25] : memref<10000x128xf32, #tpu.memory_space<vmem_shared>> -> memref<624x128xf32, #tpu.memory_space<vmem_shared>>
      tpu.wait_dma2 semaphore(%run_scoped3A : memref<!tpu.dma_semaphore, #tpu.memory_space<semaphore_mem>>) src(%dma_wait3A_26 : memref<624x128xf32, #tpu.memory_space<vmem_shared>>) dst(%dma_wait3A_24 : memref<624x128xf32, #tpu.memory_space<hbm>>)
      tpu.yield
    }) : () -> ()
    %eq3A_16 = arith.constant 15 : i32
    %eq3A_17 = arith.cmpi eq, %arg1, %eq3A_16 : i32
    %convert_element_type3A_18 = arith.extui %eq3A_17 : i1 to i32
    %cond3A_19 = arith.constant 0 : i32
    %cond3A_20 = arith.cmpi ne, %convert_element_type3A_18, %cond3A_19 : i32
    scf.if %cond3A_20 {
      %mul3A_21 = arith.constant 10000 : i32
      %mul3A_22 = arith.muli %arg0, %mul3A_21 : i32
      %add3A_23 = arith.constant 9984 : i32
      %add3A_24 = arith.addi %mul3A_22, %add3A_23 : i32
      "tpu.region"() ({
        %run_scoped3A = tpu.sem_alloc : memref<!tpu.dma_semaphore, #tpu.memory_space<semaphore_mem>>
        %dma_start3A = arith.constant 0 : i32
        %dma_start3A_25 = tpu.memref_slice %arg5[%add3A_24, %dma_start3A] : memref<20000x128xf32, #tpu.memory_space<hbm>> -> memref<16x128xf32, #tpu.memory_space<hbm>>
        %dma_start3A_26 = arith.constant 9984 : i32
        %dma_start3A_27 = arith.constant 0 : i32
        %dma_start3A_28 = tpu.memref_slice %arg8[%dma_start3A_26, %dma_start3A_27] : memref<10000x128xf32, #tpu.memory_space<vmem_shared>> -> memref<16x128xf32, #tpu.memory_space<vmem_shared>>
        tpu.enqueue_dma source(%dma_start3A_28 : memref<16x128xf32, #tpu.memory_space<vmem_shared>>) target(%dma_start3A_25 : memref<16x128xf32, #tpu.memory_space<hbm>>) target_semaphore(%run_scoped3A : memref<!tpu.dma_semaphore, #tpu.memory_space<semaphore_mem>>)
        %dma_wait3A = arith.constant 0 : i32
        %dma_wait3A_29 = tpu.memref_slice %arg5[%add3A_24, %dma_wait3A] : memref<20000x128xf32, #tpu.memory_space<hbm>> -> memref<16x128xf32, #tpu.memory_space<hbm>>
        %dma_wait3A_30 = arith.constant 9984 : i32
        %dma_wait3A_31 = arith.constant 0 : i32
        %dma_wait3A_32 = tpu.memref_slice %arg8[%dma_wait3A_30, %dma_wait3A_31] : memref<10000x128xf32, #tpu.memory_space<vmem_shared>> -> memref<16x128xf32, #tpu.memory_space<vmem_shared>>
        tpu.wait_dma2 semaphore(%run_scoped3A : memref<!tpu.dma_semaphore, #tpu.memory_space<semaphore_mem>>) src(%dma_wait3A_32 : memref<16x128xf32, #tpu.memory_space<vmem_shared>>) dst(%dma_wait3A_29 : memref<16x128xf32, #tpu.memory_space<hbm>>)
        tpu.yield
      }) : () -> ()
    } else {
    }
    return
  }
}

#map = affine_map<(d0, d1) -> (0, 0)>
#map1 = affine_map<(d0, d1) -> (0, 0, 0)>
module attributes {stable_mosaic.version = 14 : i64} {
  func.func @_scatter_k(%arg0: i32, %arg1: i32, %arg2: memref<163840x128xf32, #tpu.memory_space<hbm>>, %arg3: memref<32x50x100xi32, #tpu.memory_space<hbm>>, %arg4: memref<10000x128xf32, #tpu.memory_space<hbm>>, %arg5: memref<20000x128xf32, #tpu.memory_space<hbm>>, %arg6: memref<50x100xi32, #tpu.memory_space<vmem>>, %arg7: memref<200x128xf32, #tpu.memory_space<vmem>>, %arg8: memref<10000x128xf32, #tpu.memory_space<vmem_shared>>, %arg9: memref<!tpu.dma_semaphore, #tpu.memory_space<semaphore_mem>>) attributes {dimension_semantics = [#tpu.dimension_semantics<core_parallel>, #tpu.dimension_semantics<subcore_parallel>], iteration_bounds = array<i64: 2, 16>, scalar_prefetch = 0 : i64, scratch_operands = 4 : i64, tpu.core_type = #tpu.core_type<sc_vector_subcore>, window_params = [{transform_indices = #map}, {transform_indices = #map1}, {transform_indices = #map}, {transform_indices = #map}]} {
    %mul3A = arith.constant 2 : i32
    %mul3A_0 = arith.muli %arg1, %mul3A : i32
    %add3A = arith.addi %mul3A_0, %arg0 : i32
    %mul3A_1 = arith.constant 624 : i32
    %mul3A_2 = arith.muli %arg1, %mul3A_1 : i32
    "tpu.region"() ({
      %run_scoped3A = tpu.sem_alloc : memref<!tpu.dma_semaphore, #tpu.memory_space<semaphore_mem>>
      %dma_start3A = arith.constant 0 : i32
      %dma_start3A_21 = tpu.memref_slice %arg8[%mul3A_2, %dma_start3A] : memref<10000x128xf32, #tpu.memory_space<vmem_shared>> -> memref<624x128xf32, #tpu.memory_space<vmem_shared>>
      %dma_start3A_22 = arith.constant 0 : i32
      %dma_start3A_23 = tpu.memref_slice %arg4[%mul3A_2, %dma_start3A_22] : memref<10000x128xf32, #tpu.memory_space<hbm>> -> memref<624x128xf32, #tpu.memory_space<hbm>>
      tpu.enqueue_dma source(%dma_start3A_23 : memref<624x128xf32, #tpu.memory_space<hbm>>) target(%dma_start3A_21 : memref<624x128xf32, #tpu.memory_space<vmem_shared>>) target_semaphore(%run_scoped3A : memref<!tpu.dma_semaphore, #tpu.memory_space<semaphore_mem>>)
      %dma_wait3A = arith.constant 0 : i32
      %dma_wait3A_24 = tpu.memref_slice %arg8[%mul3A_2, %dma_wait3A] : memref<10000x128xf32, #tpu.memory_space<vmem_shared>> -> memref<624x128xf32, #tpu.memory_space<vmem_shared>>
      %dma_wait3A_25 = arith.constant 0 : i32
      %dma_wait3A_26 = tpu.memref_slice %arg4[%mul3A_2, %dma_wait3A_25] : memref<10000x128xf32, #tpu.memory_space<hbm>> -> memref<624x128xf32, #tpu.memory_space<hbm>>
      tpu.wait_dma2 semaphore(%run_scoped3A : memref<!tpu.dma_semaphore, #tpu.memory_space<semaphore_mem>>) src(%dma_wait3A_26 : memref<624x128xf32, #tpu.memory_space<hbm>>) dst(%dma_wait3A_24 : memref<624x128xf32, #tpu.memory_space<vmem_shared>>)
      tpu.yield
    }) : () -> ()
    %eq3A = arith.constant 15 : i32
    %eq3A_3 = arith.cmpi eq, %arg1, %eq3A : i32
    %convert_element_type3A = arith.extui %eq3A_3 : i1 to i32
    %cond3A = arith.constant 0 : i32
    %cond3A_4 = arith.cmpi ne, %convert_element_type3A, %cond3A : i32
    scf.if %cond3A_4 {
      "tpu.region"() ({
        %run_scoped3A = tpu.sem_alloc : memref<!tpu.dma_semaphore, #tpu.memory_space<semaphore_mem>>
        %dma_start3A = arith.constant 9984 : i32
        %dma_start3A_21 = arith.constant 0 : i32
        %dma_start3A_22 = tpu.memref_slice %arg8[%dma_start3A, %dma_start3A_21] : memref<10000x128xf32, #tpu.memory_space<vmem_shared>> -> memref<16x128xf32, #tpu.memory_space<vmem_shared>>
        %dma_start3A_23 = arith.constant 9984 : i32
        %dma_start3A_24 = arith.constant 0 : i32
        %dma_start3A_25 = tpu.memref_slice %arg4[%dma_start3A_23, %dma_start3A_24] : memref<10000x128xf32, #tpu.memory_space<hbm>> -> memref<16x128xf32, #tpu.memory_space<hbm>>
        tpu.enqueue_dma source(%dma_start3A_25 : memref<16x128xf32, #tpu.memory_space<hbm>>) target(%dma_start3A_22 : memref<16x128xf32, #tpu.memory_space<vmem_shared>>) target_semaphore(%run_scoped3A : memref<!tpu.dma_semaphore, #tpu.memory_space<semaphore_mem>>)
        %dma_wait3A = arith.constant 9984 : i32
        %dma_wait3A_26 = arith.constant 0 : i32
        %dma_wait3A_27 = tpu.memref_slice %arg8[%dma_wait3A, %dma_wait3A_26] : memref<10000x128xf32, #tpu.memory_space<vmem_shared>> -> memref<16x128xf32, #tpu.memory_space<vmem_shared>>
        %dma_wait3A_28 = arith.constant 9984 : i32
        %dma_wait3A_29 = arith.constant 0 : i32
        %dma_wait3A_30 = tpu.memref_slice %arg4[%dma_wait3A_28, %dma_wait3A_29] : memref<10000x128xf32, #tpu.memory_space<hbm>> -> memref<16x128xf32, #tpu.memory_space<hbm>>
        tpu.wait_dma2 semaphore(%run_scoped3A : memref<!tpu.dma_semaphore, #tpu.memory_space<semaphore_mem>>) src(%dma_wait3A_30 : memref<16x128xf32, #tpu.memory_space<hbm>>) dst(%dma_wait3A_27 : memref<16x128xf32, #tpu.memory_space<vmem_shared>>)
        tpu.yield
      }) : () -> ()
    } else {
    }
    "tpu.region"() ({
      %run_scoped3A = tpu.sem_alloc : memref<!tpu.dma_semaphore, #tpu.memory_space<semaphore_mem>>
      %dma_start3A = arith.constant 0 : i32
      %dma_start3A_21 = arith.constant 0 : i32
      %dma_start3A_22 = tpu.memref_slice %arg3[%add3A, %dma_start3A, %dma_start3A_21] : memref<32x50x100xi32, #tpu.memory_space<hbm>> -> memref<1x50x100xi32, #tpu.memory_space<hbm>>
      %dma_start3A_23 = tpu.memref_squeeze %dma_start3A_22 : memref<1x50x100xi32, #tpu.memory_space<hbm>> -> memref<50x100xi32, #tpu.memory_space<hbm>>
      %dma_start3A_24 = arith.constant 0 : i32
      %dma_start3A_25 = arith.constant 0 : i32
      %dma_start3A_26 = tpu.memref_slice %arg3[%add3A, %dma_start3A_24, %dma_start3A_25] : memref<32x50x100xi32, #tpu.memory_space<hbm>> -> memref<1x50x100xi32, #tpu.memory_space<hbm>>
      %dma_start3A_27 = tpu.memref_squeeze %dma_start3A_26 : memref<1x50x100xi32, #tpu.memory_space<hbm>> -> memref<50x100xi32, #tpu.memory_space<hbm>>
      tpu.enqueue_dma source(%dma_start3A_27 : memref<50x100xi32, #tpu.memory_space<hbm>>) target(%arg6 : memref<50x100xi32, #tpu.memory_space<vmem>>) target_semaphore(%run_scoped3A : memref<!tpu.dma_semaphore, #tpu.memory_space<semaphore_mem>>)
      %dma_wait3A = arith.constant 0 : i32
      %dma_wait3A_28 = arith.constant 0 : i32
      %dma_wait3A_29 = tpu.memref_slice %arg3[%add3A, %dma_wait3A, %dma_wait3A_28] : memref<32x50x100xi32, #tpu.memory_space<hbm>> -> memref<1x50x100xi32, #tpu.memory_space<hbm>>
      %dma_wait3A_30 = tpu.memref_squeeze %dma_wait3A_29 : memref<1x50x100xi32, #tpu.memory_space<hbm>> -> memref<50x100xi32, #tpu.memory_space<hbm>>
      %dma_wait3A_31 = arith.constant 0 : i32
      %dma_wait3A_32 = arith.constant 0 : i32
      %dma_wait3A_33 = tpu.memref_slice %arg3[%add3A, %dma_wait3A_31, %dma_wait3A_32] : memref<32x50x100xi32, #tpu.memory_space<hbm>> -> memref<1x50x100xi32, #tpu.memory_space<hbm>>
      %dma_wait3A_34 = tpu.memref_squeeze %dma_wait3A_33 : memref<1x50x100xi32, #tpu.memory_space<hbm>> -> memref<50x100xi32, #tpu.memory_space<hbm>>
      tpu.wait_dma2 semaphore(%run_scoped3A : memref<!tpu.dma_semaphore, #tpu.memory_space<semaphore_mem>>) src(%dma_wait3A_34 : memref<50x100xi32, #tpu.memory_space<hbm>>) dst(%arg6 : memref<50x100xi32, #tpu.memory_space<vmem>>)
      tpu.yield
    }) : () -> ()
    %barrier3A = arith.constant 0 : index
    tpu.barrier barrier_id(%barrier3A)
    %mul3A_5 = arith.constant 5000 : i32
    %mul3A_6 = arith.muli %add3A, %mul3A_5 : i32
    %scan3A = arith.constant 0 : i32
    %scan3A_7 = arith.constant 0 : i32
    %scan3A_8 = arith.constant 25 : i32
    %scan3A_9 = arith.addi %scan3A_7, %scan3A_8 : i32
    %scan3A_10 = arith.constant 1 : i32
    scf.for %scan3A_21 = %scan3A_7 to %scan3A_9 step %scan3A_10  : i32 {
      %mul3A_22 = arith.constant 200 : i32
      %mul3A_23 = arith.muli %scan3A_21, %mul3A_22 : i32
      %add3A_24 = arith.addi %mul3A_6, %mul3A_23 : i32
      %dma_start3A = arith.constant 0 : i32
      %dma_start3A_25 = tpu.memref_slice %arg2[%add3A_24, %dma_start3A] : memref<163840x128xf32, #tpu.memory_space<hbm>> -> memref<200x128xf32, #tpu.memory_space<hbm>>
      %dma_start3A_26 = arith.constant 0 : i32
      %dma_start3A_27 = tpu.memref_slice %arg2[%add3A_24, %dma_start3A_26] : memref<163840x128xf32, #tpu.memory_space<hbm>> -> memref<200x128xf32, #tpu.memory_space<hbm>>
      tpu.enqueue_dma source(%dma_start3A_27 : memref<200x128xf32, #tpu.memory_space<hbm>>) target(%arg7 : memref<200x128xf32, #tpu.memory_space<vmem>>) target_semaphore(%arg9 : memref<!tpu.dma_semaphore, #tpu.memory_space<semaphore_mem>>)
      %dma_wait3A = arith.constant 0 : i32
      %dma_wait3A_28 = tpu.memref_slice %arg2[%add3A_24, %dma_wait3A] : memref<163840x128xf32, #tpu.memory_space<hbm>> -> memref<200x128xf32, #tpu.memory_space<hbm>>
      %dma_wait3A_29 = arith.constant 0 : i32
      %dma_wait3A_30 = tpu.memref_slice %arg2[%add3A_24, %dma_wait3A_29] : memref<163840x128xf32, #tpu.memory_space<hbm>> -> memref<200x128xf32, #tpu.memory_space<hbm>>
      tpu.wait_dma2 semaphore(%arg9 : memref<!tpu.dma_semaphore, #tpu.memory_space<semaphore_mem>>) src(%dma_wait3A_30 : memref<200x128xf32, #tpu.memory_space<hbm>>) dst(%arg7 : memref<200x128xf32, #tpu.memory_space<vmem>>)
      %mul3A_31 = arith.constant 2 : i32
      %mul3A_32 = arith.muli %scan3A_21, %mul3A_31 : i32
      %add3A_33 = arith.constant 0 : i32
      %add3A_34 = arith.addi %mul3A_32, %add3A_33 : i32
      "tpu.region"() ({
        %run_scoped3A = tpu.sem_alloc : memref<!tpu.dma_semaphore, #tpu.memory_space<semaphore_mem>>
        %dma_start3A_39 = arith.constant 0 : i32
        %dma_start3A_40 = arith.constant 0 : i32
        %dma_start3A_41 = tpu.memref_slice %arg7[%dma_start3A_39, %dma_start3A_40] : memref<200x128xf32, #tpu.memory_space<vmem>> -> memref<100x128xf32, #tpu.memory_space<vmem>>
        %dma_start3A_42 = arith.constant 0 : i32
        %dma_start3A_43 = tpu.memref_slice %arg6[%add3A_34, %dma_start3A_42] : memref<50x100xi32, #tpu.memory_space<vmem>> -> memref<1x100xi32, #tpu.memory_space<vmem>>
        %dma_start3A_44 = tpu.memref_squeeze %dma_start3A_43 : memref<1x100xi32, #tpu.memory_space<vmem>> -> memref<100xi32, #tpu.memory_space<vmem>>
        %dma_start3A_45 = arith.constant 0 : i32
        %dma_start3A_46 = arith.constant 0 : i32
        %dma_start3A_47 = tpu.memref_slice %arg8[%dma_start3A_45, %dma_start3A_46] : memref<10000x128xf32, #tpu.memory_space<vmem_shared>> -> memref<10000x128xf32, #tpu.memory_space<vmem_shared>>
        tpu.enqueue_indirect_dma source(%dma_start3A_41 : memref<100x128xf32, #tpu.memory_space<vmem>>) target(%dma_start3A_47 : memref<10000x128xf32, #tpu.memory_space<vmem_shared>>) offsets(%dma_start3A_44 : memref<100xi32, #tpu.memory_space<vmem>>) semaphore(%run_scoped3A : memref<!tpu.dma_semaphore, #tpu.memory_space<semaphore_mem>>) {add = true}
        %dma_wait3A_48 = arith.constant 0 : i32
        %dma_wait3A_49 = arith.constant 0 : i32
        %dma_wait3A_50 = tpu.memref_slice %arg7[%dma_wait3A_48, %dma_wait3A_49] : memref<200x128xf32, #tpu.memory_space<vmem>> -> memref<100x128xf32, #tpu.memory_space<vmem>>
        %dma_wait3A_51 = arith.constant 0 : i32
        %dma_wait3A_52 = tpu.memref_slice %arg6[%add3A_34, %dma_wait3A_51] : memref<50x100xi32, #tpu.memory_space<vmem>> -> memref<1x100xi32, #tpu.memory_space<vmem>>
        %dma_wait3A_53 = tpu.memref_squeeze %dma_wait3A_52 : memref<1x100xi32, #tpu.memory_space<vmem>> -> memref<100xi32, #tpu.memory_space<vmem>>
        %dma_wait3A_54 = arith.constant 0 : i32
        %dma_wait3A_55 = arith.constant 0 : i32
        %dma_wait3A_56 = tpu.memref_slice %arg8[%dma_wait3A_54, %dma_wait3A_55] : memref<10000x128xf32, #tpu.memory_space<vmem_shared>> -> memref<10000x128xf32, #tpu.memory_space<vmem_shared>>
        tpu.wait_indirect_dma semaphore(%run_scoped3A : memref<!tpu.dma_semaphore, #tpu.memory_space<semaphore_mem>>) src(%dma_wait3A_50 : memref<100x128xf32, #tpu.memory_space<vmem>>) dst(%dma_wait3A_56 : memref<10000x128xf32, #tpu.memory_space<vmem_shared>>)
        tpu.yield
      }) : () -> ()
      %mul3A_35 = arith.constant 2 : i32
      %mul3A_36 = arith.muli %scan3A_21, %mul3A_35 : i32
      %add3A_37 = arith.constant 1 : i32
      %add3A_38 = arith.addi %mul3A_36, %add3A_37 : i32
      "tpu.region"() ({
        %run_scoped3A = tpu.sem_alloc : memref<!tpu.dma_semaphore, #tpu.memory_space<semaphore_mem>>
        %dma_start3A_39 = arith.constant 100 : i32
        %dma_start3A_40 = arith.constant 0 : i32
        %dma_start3A_41 = tpu.memref_slice %arg7[%dma_start3A_39, %dma_start3A_40] : memref<200x128xf32, #tpu.memory_space<vmem>> -> memref<100x128xf32, #tpu.memory_space<vmem>>
        %dma_start3A_42 = arith.constant 0 : i32
        %dma_start3A_43 = tpu.memref_slice %arg6[%add3A_38, %dma_start3A_42] : memref<50x100xi32, #tpu.memory_space<vmem>> -> memref<1x100xi32, #tpu.memory_space<vmem>>
        %dma_start3A_44 = tpu.memref_squeeze %dma_start3A_43 : memref<1x100xi32, #tpu.memory_space<vmem>> -> memref<100xi32, #tpu.memory_space<vmem>>
        %dma_start3A_45 = arith.constant 0 : i32
        %dma_start3A_46 = arith.constant 0 : i32
        %dma_start3A_47 = tpu.memref_slice %arg8[%dma_start3A_45, %dma_start3A_46] : memref<10000x128xf32, #tpu.memory_space<vmem_shared>> -> memref<10000x128xf32, #tpu.memory_space<vmem_shared>>
        tpu.enqueue_indirect_dma source(%dma_start3A_41 : memref<100x128xf32, #tpu.memory_space<vmem>>) target(%dma_start3A_47 : memref<10000x128xf32, #tpu.memory_space<vmem_shared>>) offsets(%dma_start3A_44 : memref<100xi32, #tpu.memory_space<vmem>>) semaphore(%run_scoped3A : memref<!tpu.dma_semaphore, #tpu.memory_space<semaphore_mem>>) {add = true}
        %dma_wait3A_48 = arith.constant 100 : i32
        %dma_wait3A_49 = arith.constant 0 : i32
        %dma_wait3A_50 = tpu.memref_slice %arg7[%dma_wait3A_48, %dma_wait3A_49] : memref<200x128xf32, #tpu.memory_space<vmem>> -> memref<100x128xf32, #tpu.memory_space<vmem>>
        %dma_wait3A_51 = arith.constant 0 : i32
        %dma_wait3A_52 = tpu.memref_slice %arg6[%add3A_38, %dma_wait3A_51] : memref<50x100xi32, #tpu.memory_space<vmem>> -> memref<1x100xi32, #tpu.memory_space<vmem>>
        %dma_wait3A_53 = tpu.memref_squeeze %dma_wait3A_52 : memref<1x100xi32, #tpu.memory_space<vmem>> -> memref<100xi32, #tpu.memory_space<vmem>>
        %dma_wait3A_54 = arith.constant 0 : i32
        %dma_wait3A_55 = arith.constant 0 : i32
        %dma_wait3A_56 = tpu.memref_slice %arg8[%dma_wait3A_54, %dma_wait3A_55] : memref<10000x128xf32, #tpu.memory_space<vmem_shared>> -> memref<10000x128xf32, #tpu.memory_space<vmem_shared>>
        tpu.wait_indirect_dma semaphore(%run_scoped3A : memref<!tpu.dma_semaphore, #tpu.memory_space<semaphore_mem>>) src(%dma_wait3A_50 : memref<100x128xf32, #tpu.memory_space<vmem>>) dst(%dma_wait3A_56 : memref<10000x128xf32, #tpu.memory_space<vmem_shared>>)
        tpu.yield
      }) : () -> ()
    }
    %scan3A_11 = arith.constant 25 : i32
    %barrier3A_12 = arith.constant 0 : index
    tpu.barrier barrier_id(%barrier3A_12)
    %mul3A_13 = arith.constant 10000 : i32
    %mul3A_14 = arith.muli %arg0, %mul3A_13 : i32
    %add3A_15 = arith.addi %mul3A_14, %mul3A_2 : i32
    "tpu.region"() ({
      %run_scoped3A = tpu.sem_alloc : memref<!tpu.dma_semaphore, #tpu.memory_space<semaphore_mem>>
      %dma_start3A = arith.constant 0 : i32
      %dma_start3A_21 = tpu.memref_slice %arg5[%add3A_15, %dma_start3A] : memref<20000x128xf32, #tpu.memory_space<hbm>> -> memref<624x128xf32, #tpu.memory_space<hbm>>
      %dma_start3A_22 = arith.constant 0 : i32
      %dma_start3A_23 = tpu.memref_slice %arg8[%mul3A_2, %dma_start3A_22] : memref<10000x128xf32, #tpu.memory_space<vmem_shared>> -> memref<624x128xf32, #tpu.memory_space<vmem_shared>>
      tpu.enqueue_dma source(%dma_start3A_23 : memref<624x128xf32, #tpu.memory_space<vmem_shared>>) target(%dma_start3A_21 : memref<624x128xf32, #tpu.memory_space<hbm>>) target_semaphore(%run_scoped3A : memref<!tpu.dma_semaphore, #tpu.memory_space<semaphore_mem>>)
      %dma_wait3A = arith.constant 0 : i32
      %dma_wait3A_24 = tpu.memref_slice %arg5[%add3A_15, %dma_wait3A] : memref<20000x128xf32, #tpu.memory_space<hbm>> -> memref<624x128xf32, #tpu.memory_space<hbm>>
      %dma_wait3A_25 = arith.constant 0 : i32
      %dma_wait3A_26 = tpu.memref_slice %arg8[%mul3A_2, %dma_wait3A_25] : memref<10000x128xf32, #tpu.memory_space<vmem_shared>> -> memref<624x128xf32, #tpu.memory_space<vmem_shared>>
      tpu.wait_dma2 semaphore(%run_scoped3A : memref<!tpu.dma_semaphore, #tpu.memory_space<semaphore_mem>>) src(%dma_wait3A_26 : memref<624x128xf32, #tpu.memory_space<vmem_shared>>) dst(%dma_wait3A_24 : memref<624x128xf32, #tpu.memory_space<hbm>>)
      tpu.yield
    }) : () -> ()
    %eq3A_16 = arith.constant 15 : i32
    %eq3A_17 = arith.cmpi eq, %arg1, %eq3A_16 : i32
    %convert_element_type3A_18 = arith.extui %eq3A_17 : i1 to i32
    %cond3A_19 = arith.constant 0 : i32
    %cond3A_20 = arith.cmpi ne, %convert_element_type3A_18, %cond3A_19 : i32
    scf.if %cond3A_20 {
      %mul3A_21 = arith.constant 10000 : i32
      %mul3A_22 = arith.muli %arg0, %mul3A_21 : i32
      %add3A_23 = arith.constant 9984 : i32
      %add3A_24 = arith.addi %mul3A_22, %add3A_23 : i32
      "tpu.region"() ({
        %run_scoped3A = tpu.sem_alloc : memref<!tpu.dma_semaphore, #tpu.memory_space<semaphore_mem>>
        %dma_start3A = arith.constant 0 : i32
        %dma_start3A_25 = tpu.memref_slice %arg5[%add3A_24, %dma_start3A] : memref<20000x128xf32, #tpu.memory_space<hbm>> -> memref<16x128xf32, #tpu.memory_space<hbm>>
        %dma_start3A_26 = arith.constant 9984 : i32
        %dma_start3A_27 = arith.constant 0 : i32
        %dma_start3A_28 = tpu.memref_slice %arg8[%dma_start3A_26, %dma_start3A_27] : memref<10000x128xf32, #tpu.memory_space<vmem_shared>> -> memref<16x128xf32, #tpu.memory_space<vmem_shared>>
        tpu.enqueue_dma source(%dma_start3A_28 : memref<16x128xf32, #tpu.memory_space<vmem_shared>>) target(%dma_start3A_25 : memref<16x128xf32, #tpu.memory_space<hbm>>) target_semaphore(%run_scoped3A : memref<!tpu.dma_semaphore, #tpu.memory_space<semaphore_mem>>)
        %dma_wait3A = arith.constant 0 : i32
        %dma_wait3A_29 = tpu.memref_slice %arg5[%add3A_24, %dma_wait3A] : memref<20000x128xf32, #tpu.memory_space<hbm>> -> memref<16x128xf32, #tpu.memory_space<hbm>>
        %dma_wait3A_30 = arith.constant 9984 : i32
        %dma_wait3A_31 = arith.constant 0 : i32
        %dma_wait3A_32 = tpu.memref_slice %arg8[%dma_wait3A_30, %dma_wait3A_31] : memref<10000x128xf32, #tpu.memory_space<vmem_shared>> -> memref<16x128xf32, #tpu.memory_space<vmem_shared>>
        tpu.wait_dma2 semaphore(%run_scoped3A : memref<!tpu.dma_semaphore, #tpu.memory_space<semaphore_mem>>) src(%dma_wait3A_32 : memref<16x128xf32, #tpu.memory_space<vmem_shared>>) dst(%dma_wait3A_29 : memref<16x128xf32, #tpu.memory_space<hbm>>)
        tpu.yield
      }) : () -> ()
    } else {
    }
    return
  }
}

#map = affine_map<(d0, d1) -> (0, 0)>
#map1 = affine_map<(d0, d1) -> (0)>
module attributes {stable_mosaic.version = 14 : i64} {
  func.func @_gather_k(%arg0: i32, %arg1: i32, %arg2: memref<10000x128xf32, #tpu.memory_space<hbm>>, %arg3: memref<163840xi32, #tpu.memory_space<hbm>>, %arg4: memref<163840xi32, #tpu.memory_space<hbm>>, %arg5: memref<163840x128xf32, #tpu.memory_space<hbm>>, %arg6: memref<163840x128xf32, #tpu.memory_space<hbm>>, %arg7: memref<5120xi32, #tpu.memory_space<vmem>>, %arg8: memref<5120xi32, #tpu.memory_space<vmem>>, %arg9: memref<2x128x128xf32, #tpu.memory_space<vmem>>, %arg10: memref<2x128x128xf32, #tpu.memory_space<vmem>>, %arg11: memref<!tpu.dma_semaphore, #tpu.memory_space<semaphore_mem>>, %arg12: memref<!tpu.dma_semaphore, #tpu.memory_space<semaphore_mem>>) attributes {dimension_semantics = [#tpu.dimension_semantics<core_parallel>, #tpu.dimension_semantics<subcore_parallel>], iteration_bounds = array<i64: 2, 16>, scalar_prefetch = 0 : i64, scratch_operands = 6 : i64, tpu.core_type = #tpu.core_type<sc_vector_subcore>, window_params = [{transform_indices = #map}, {transform_indices = #map1}, {transform_indices = #map1}, {transform_indices = #map}, {transform_indices = #map}]} {
    %mul3A = arith.constant 2 : i32
    %mul3A_0 = arith.muli %arg1, %mul3A : i32
    %add3A = arith.addi %mul3A_0, %arg0 : i32
    %mul3A_1 = arith.constant 5120 : i32
    %mul3A_2 = arith.muli %add3A, %mul3A_1 : i32
    "tpu.region"() ({
      %run_scoped3A = tpu.sem_alloc : memref<!tpu.dma_semaphore, #tpu.memory_space<semaphore_mem>>
      %dma_start3A_52 = tpu.memref_slice %arg3[%mul3A_2] : memref<163840xi32, #tpu.memory_space<hbm>> -> memref<5120xi32, #tpu.memory_space<hbm>>
      %dma_start3A_53 = tpu.memref_slice %arg3[%mul3A_2] : memref<163840xi32, #tpu.memory_space<hbm>> -> memref<5120xi32, #tpu.memory_space<hbm>>
      tpu.enqueue_dma source(%dma_start3A_53 : memref<5120xi32, #tpu.memory_space<hbm>>) target(%arg7 : memref<5120xi32, #tpu.memory_space<vmem>>) target_semaphore(%run_scoped3A : memref<!tpu.dma_semaphore, #tpu.memory_space<semaphore_mem>>)
      %dma_wait3A_54 = tpu.memref_slice %arg3[%mul3A_2] : memref<163840xi32, #tpu.memory_space<hbm>> -> memref<5120xi32, #tpu.memory_space<hbm>>
      %dma_wait3A_55 = tpu.memref_slice %arg3[%mul3A_2] : memref<163840xi32, #tpu.memory_space<hbm>> -> memref<5120xi32, #tpu.memory_space<hbm>>
      tpu.wait_dma2 semaphore(%run_scoped3A : memref<!tpu.dma_semaphore, #tpu.memory_space<semaphore_mem>>) src(%dma_wait3A_55 : memref<5120xi32, #tpu.memory_space<hbm>>) dst(%arg7 : memref<5120xi32, #tpu.memory_space<vmem>>)
      tpu.yield
    }) : () -> ()
    "tpu.region"() ({
      %run_scoped3A = tpu.sem_alloc : memref<!tpu.dma_semaphore, #tpu.memory_space<semaphore_mem>>
      %dma_start3A_52 = tpu.memref_slice %arg4[%mul3A_2] : memref<163840xi32, #tpu.memory_space<hbm>> -> memref<5120xi32, #tpu.memory_space<hbm>>
      %dma_start3A_53 = tpu.memref_slice %arg4[%mul3A_2] : memref<163840xi32, #tpu.memory_space<hbm>> -> memref<5120xi32, #tpu.memory_space<hbm>>
      tpu.enqueue_dma source(%dma_start3A_53 : memref<5120xi32, #tpu.memory_space<hbm>>) target(%arg8 : memref<5120xi32, #tpu.memory_space<vmem>>) target_semaphore(%run_scoped3A : memref<!tpu.dma_semaphore, #tpu.memory_space<semaphore_mem>>)
      %dma_wait3A_54 = tpu.memref_slice %arg4[%mul3A_2] : memref<163840xi32, #tpu.memory_space<hbm>> -> memref<5120xi32, #tpu.memory_space<hbm>>
      %dma_wait3A_55 = tpu.memref_slice %arg4[%mul3A_2] : memref<163840xi32, #tpu.memory_space<hbm>> -> memref<5120xi32, #tpu.memory_space<hbm>>
      tpu.wait_dma2 semaphore(%run_scoped3A : memref<!tpu.dma_semaphore, #tpu.memory_space<semaphore_mem>>) src(%dma_wait3A_55 : memref<5120xi32, #tpu.memory_space<hbm>>) dst(%arg8 : memref<5120xi32, #tpu.memory_space<vmem>>)
      tpu.yield
    }) : () -> ()
    %dma_start3A = arith.constant 0 : i32
    %dma_start3A_3 = arith.constant 0 : i32
    %dma_start3A_4 = arith.constant 0 : i32
    %dma_start3A_5 = tpu.memref_slice %arg9[%dma_start3A, %dma_start3A_3, %dma_start3A_4] : memref<2x128x128xf32, #tpu.memory_space<vmem>> -> memref<1x128x128xf32, #tpu.memory_space<vmem>>
    %dma_start3A_6 = tpu.memref_squeeze %dma_start3A_5 : memref<1x128x128xf32, #tpu.memory_space<vmem>> -> memref<128x128xf32, #tpu.memory_space<vmem>>
    %dma_start3A_7 = arith.constant 0 : i32
    %dma_start3A_8 = tpu.memref_slice %arg7[%dma_start3A_7] : memref<5120xi32, #tpu.memory_space<vmem>> -> memref<128xi32, #tpu.memory_space<vmem>>
    %dma_start3A_9 = arith.constant 0 : i32
    %dma_start3A_10 = arith.constant 0 : i32
    %dma_start3A_11 = tpu.memref_slice %arg2[%dma_start3A_9, %dma_start3A_10] : memref<10000x128xf32, #tpu.memory_space<hbm>> -> memref<10000x128xf32, #tpu.memory_space<hbm>>
    tpu.enqueue_indirect_dma source(%dma_start3A_11 : memref<10000x128xf32, #tpu.memory_space<hbm>>) target(%dma_start3A_6 : memref<128x128xf32, #tpu.memory_space<vmem>>) offsets(%dma_start3A_8 : memref<128xi32, #tpu.memory_space<vmem>>) semaphore(%arg11 : memref<!tpu.dma_semaphore, #tpu.memory_space<semaphore_mem>>)
    %dma_start3A_12 = arith.constant 0 : i32
    %dma_start3A_13 = arith.constant 0 : i32
    %dma_start3A_14 = arith.constant 0 : i32
    %dma_start3A_15 = tpu.memref_slice %arg10[%dma_start3A_12, %dma_start3A_13, %dma_start3A_14] : memref<2x128x128xf32, #tpu.memory_space<vmem>> -> memref<1x128x128xf32, #tpu.memory_space<vmem>>
    %dma_start3A_16 = tpu.memref_squeeze %dma_start3A_15 : memref<1x128x128xf32, #tpu.memory_space<vmem>> -> memref<128x128xf32, #tpu.memory_space<vmem>>
    %dma_start3A_17 = arith.constant 0 : i32
    %dma_start3A_18 = tpu.memref_slice %arg8[%dma_start3A_17] : memref<5120xi32, #tpu.memory_space<vmem>> -> memref<128xi32, #tpu.memory_space<vmem>>
    %dma_start3A_19 = arith.constant 0 : i32
    %dma_start3A_20 = arith.constant 0 : i32
    %dma_start3A_21 = tpu.memref_slice %arg2[%dma_start3A_19, %dma_start3A_20] : memref<10000x128xf32, #tpu.memory_space<hbm>> -> memref<10000x128xf32, #tpu.memory_space<hbm>>
    tpu.enqueue_indirect_dma source(%dma_start3A_21 : memref<10000x128xf32, #tpu.memory_space<hbm>>) target(%dma_start3A_16 : memref<128x128xf32, #tpu.memory_space<vmem>>) offsets(%dma_start3A_18 : memref<128xi32, #tpu.memory_space<vmem>>) semaphore(%arg11 : memref<!tpu.dma_semaphore, #tpu.memory_space<semaphore_mem>>)
    %scan3A = arith.constant 0 : i32
    %scan3A_22 = arith.constant 0 : i32
    %scan3A_23 = arith.constant 40 : i32
    %scan3A_24 = arith.addi %scan3A_22, %scan3A_23 : i32
    %scan3A_25 = arith.constant 1 : i32
    scf.for %scan3A_52 = %scan3A_22 to %scan3A_24 step %scan3A_25  : i32 {
      %rem3A_53 = arith.constant 2 : i32
      %rem3A_54 = arith.remsi %scan3A_52, %rem3A_53 : i32
      %gt3A = arith.constant 0 : i32
      %gt3A_55 = arith.cmpi sgt, %scan3A_52, %gt3A : i32
      %convert_element_type3A = arith.extui %gt3A_55 : i1 to i32
      %cond3A = arith.constant 0 : i32
      %cond3A_56 = arith.cmpi ne, %convert_element_type3A, %cond3A : i32
      scf.if %cond3A_56 {
        %sub3A = arith.constant 1 : i32
        %sub3A_109 = arith.subi %sub3A, %rem3A_54 : i32
        %dma_wait3A_110 = arith.constant 0 : i32
        %dma_wait3A_111 = arith.constant 0 : i32
        %dma_wait3A_112 = tpu.memref_slice %arg9[%sub3A_109, %dma_wait3A_110, %dma_wait3A_111] : memref<2x128x128xf32, #tpu.memory_space<vmem>> -> memref<1x128x128xf32, #tpu.memory_space<vmem>>
        %dma_wait3A_113 = tpu.memref_squeeze %dma_wait3A_112 : memref<1x128x128xf32, #tpu.memory_space<vmem>> -> memref<128x128xf32, #tpu.memory_space<vmem>>
        %dma_wait3A_114 = arith.constant 0 : i32
        %dma_wait3A_115 = tpu.memref_slice %arg5[%mul3A_2, %dma_wait3A_114] : memref<163840x128xf32, #tpu.memory_space<hbm>> -> memref<128x128xf32, #tpu.memory_space<hbm>>
        %dma_wait3A_116 = arith.constant 0 : i32
        %dma_wait3A_117 = tpu.memref_slice %arg5[%mul3A_2, %dma_wait3A_116] : memref<163840x128xf32, #tpu.memory_space<hbm>> -> memref<128x128xf32, #tpu.memory_space<hbm>>
        %dma_wait3A_118 = arith.constant 0 : i32
        %dma_wait3A_119 = arith.constant 0 : i32
        %dma_wait3A_120 = tpu.memref_slice %arg9[%sub3A_109, %dma_wait3A_118, %dma_wait3A_119] : memref<2x128x128xf32, #tpu.memory_space<vmem>> -> memref<1x128x128xf32, #tpu.memory_space<vmem>>
        %dma_wait3A_121 = tpu.memref_squeeze %dma_wait3A_120 : memref<1x128x128xf32, #tpu.memory_space<vmem>> -> memref<128x128xf32, #tpu.memory_space<vmem>>
        tpu.wait_dma2 semaphore(%arg12 : memref<!tpu.dma_semaphore, #tpu.memory_space<semaphore_mem>>) src(%dma_wait3A_121 : memref<128x128xf32, #tpu.memory_space<vmem>>) dst(%dma_wait3A_117 : memref<128x128xf32, #tpu.memory_space<hbm>>)
        %dma_wait3A_122 = arith.constant 0 : i32
        %dma_wait3A_123 = arith.constant 0 : i32
        %dma_wait3A_124 = tpu.memref_slice %arg10[%sub3A_109, %dma_wait3A_122, %dma_wait3A_123] : memref<2x128x128xf32, #tpu.memory_space<vmem>> -> memref<1x128x128xf32, #tpu.memory_space<vmem>>
        %dma_wait3A_125 = tpu.memref_squeeze %dma_wait3A_124 : memref<1x128x128xf32, #tpu.memory_space<vmem>> -> memref<128x128xf32, #tpu.memory_space<vmem>>
        %dma_wait3A_126 = arith.constant 0 : i32
        %dma_wait3A_127 = tpu.memref_slice %arg6[%mul3A_2, %dma_wait3A_126] : memref<163840x128xf32, #tpu.memory_space<hbm>> -> memref<128x128xf32, #tpu.memory_space<hbm>>
        %dma_wait3A_128 = arith.constant 0 : i32
        %dma_wait3A_129 = tpu.memref_slice %arg6[%mul3A_2, %dma_wait3A_128] : memref<163840x128xf32, #tpu.memory_space<hbm>> -> memref<128x128xf32, #tpu.memory_space<hbm>>
        %dma_wait3A_130 = arith.constant 0 : i32
        %dma_wait3A_131 = arith.constant 0 : i32
        %dma_wait3A_132 = tpu.memref_slice %arg10[%sub3A_109, %dma_wait3A_130, %dma_wait3A_131] : memref<2x128x128xf32, #tpu.memory_space<vmem>> -> memref<1x128x128xf32, #tpu.memory_space<vmem>>
        %dma_wait3A_133 = tpu.memref_squeeze %dma_wait3A_132 : memref<1x128x128xf32, #tpu.memory_space<vmem>> -> memref<128x128xf32, #tpu.memory_space<vmem>>
        tpu.wait_dma2 semaphore(%arg12 : memref<!tpu.dma_semaphore, #tpu.memory_space<semaphore_mem>>) src(%dma_wait3A_133 : memref<128x128xf32, #tpu.memory_space<vmem>>) dst(%dma_wait3A_129 : memref<128x128xf32, #tpu.memory_space<hbm>>)
      } else {
      }
      %mul3A_57 = arith.constant 128 : i32
      %mul3A_58 = arith.muli %scan3A_52, %mul3A_57 : i32
      %dma_wait3A_59 = arith.constant 0 : i32
      %dma_wait3A_60 = arith.constant 0 : i32
      %dma_wait3A_61 = tpu.memref_slice %arg9[%rem3A_54, %dma_wait3A_59, %dma_wait3A_60] : memref<2x128x128xf32, #tpu.memory_space<vmem>> -> memref<1x128x128xf32, #tpu.memory_space<vmem>>
      %dma_wait3A_62 = tpu.memref_squeeze %dma_wait3A_61 : memref<1x128x128xf32, #tpu.memory_space<vmem>> -> memref<128x128xf32, #tpu.memory_space<vmem>>
      %dma_wait3A_63 = tpu.memref_slice %arg7[%mul3A_58] : memref<5120xi32, #tpu.memory_space<vmem>> -> memref<128xi32, #tpu.memory_space<vmem>>
      %dma_wait3A_64 = arith.constant 0 : i32
      %dma_wait3A_65 = arith.constant 0 : i32
      %dma_wait3A_66 = tpu.memref_slice %arg2[%dma_wait3A_64, %dma_wait3A_65] : memref<10000x128xf32, #tpu.memory_space<hbm>> -> memref<10000x128xf32, #tpu.memory_space<hbm>>
      tpu.wait_indirect_dma semaphore(%arg11 : memref<!tpu.dma_semaphore, #tpu.memory_space<semaphore_mem>>) src(%dma_wait3A_66 : memref<10000x128xf32, #tpu.memory_space<hbm>>) dst(%dma_wait3A_62 : memref<128x128xf32, #tpu.memory_space<vmem>>)
      %dma_wait3A_67 = arith.constant 0 : i32
      %dma_wait3A_68 = arith.constant 0 : i32
      %dma_wait3A_69 = tpu.memref_slice %arg10[%rem3A_54, %dma_wait3A_67, %dma_wait3A_68] : memref<2x128x128xf32, #tpu.memory_space<vmem>> -> memref<1x128x128xf32, #tpu.memory_space<vmem>>
      %dma_wait3A_70 = tpu.memref_squeeze %dma_wait3A_69 : memref<1x128x128xf32, #tpu.memory_space<vmem>> -> memref<128x128xf32, #tpu.memory_space<vmem>>
      %dma_wait3A_71 = tpu.memref_slice %arg8[%mul3A_58] : memref<5120xi32, #tpu.memory_space<vmem>> -> memref<128xi32, #tpu.memory_space<vmem>>
      %dma_wait3A_72 = arith.constant 0 : i32
      %dma_wait3A_73 = arith.constant 0 : i32
      %dma_wait3A_74 = tpu.memref_slice %arg2[%dma_wait3A_72, %dma_wait3A_73] : memref<10000x128xf32, #tpu.memory_space<hbm>> -> memref<10000x128xf32, #tpu.memory_space<hbm>>
      tpu.wait_indirect_dma semaphore(%arg11 : memref<!tpu.dma_semaphore, #tpu.memory_space<semaphore_mem>>) src(%dma_wait3A_74 : memref<10000x128xf32, #tpu.memory_space<hbm>>) dst(%dma_wait3A_70 : memref<128x128xf32, #tpu.memory_space<vmem>>)
      %lt3A = arith.constant 39 : i32
      %lt3A_75 = arith.cmpi slt, %scan3A_52, %lt3A : i32
      %convert_element_type3A_76 = arith.extui %lt3A_75 : i1 to i32
      %cond3A_77 = arith.constant 0 : i32
      %cond3A_78 = arith.cmpi ne, %convert_element_type3A_76, %cond3A_77 : i32
      scf.if %cond3A_78 {
        %add3A_109 = arith.constant 1 : i32
        %add3A_110 = arith.addi %scan3A_52, %add3A_109 : i32
        %sub3A = arith.constant 1 : i32
        %sub3A_111 = arith.subi %sub3A, %rem3A_54 : i32
        %mul3A_112 = arith.constant 128 : i32
        %mul3A_113 = arith.muli %add3A_110, %mul3A_112 : i32
        %dma_start3A_114 = arith.constant 0 : i32
        %dma_start3A_115 = arith.constant 0 : i32
        %dma_start3A_116 = tpu.memref_slice %arg9[%sub3A_111, %dma_start3A_114, %dma_start3A_115] : memref<2x128x128xf32, #tpu.memory_space<vmem>> -> memref<1x128x128xf32, #tpu.memory_space<vmem>>
        %dma_start3A_117 = tpu.memref_squeeze %dma_start3A_116 : memref<1x128x128xf32, #tpu.memory_space<vmem>> -> memref<128x128xf32, #tpu.memory_space<vmem>>
        %dma_start3A_118 = tpu.memref_slice %arg7[%mul3A_113] : memref<5120xi32, #tpu.memory_space<vmem>> -> memref<128xi32, #tpu.memory_space<vmem>>
        %dma_start3A_119 = arith.constant 0 : i32
        %dma_start3A_120 = arith.constant 0 : i32
        %dma_start3A_121 = tpu.memref_slice %arg2[%dma_start3A_119, %dma_start3A_120] : memref<10000x128xf32, #tpu.memory_space<hbm>> -> memref<10000x128xf32, #tpu.memory_space<hbm>>
        tpu.enqueue_indirect_dma source(%dma_start3A_121 : memref<10000x128xf32, #tpu.memory_space<hbm>>) target(%dma_start3A_117 : memref<128x128xf32, #tpu.memory_space<vmem>>) offsets(%dma_start3A_118 : memref<128xi32, #tpu.memory_space<vmem>>) semaphore(%arg11 : memref<!tpu.dma_semaphore, #tpu.memory_space<semaphore_mem>>)
        %dma_start3A_122 = arith.constant 0 : i32
        %dma_start3A_123 = arith.constant 0 : i32
        %dma_start3A_124 = tpu.memref_slice %arg10[%sub3A_111, %dma_start3A_122, %dma_start3A_123] : memref<2x128x128xf32, #tpu.memory_space<vmem>> -> memref<1x128x128xf32, #tpu.memory_space<vmem>>
        %dma_start3A_125 = tpu.memref_squeeze %dma_start3A_124 : memref<1x128x128xf32, #tpu.memory_space<vmem>> -> memref<128x128xf32, #tpu.memory_space<vmem>>
        %dma_start3A_126 = tpu.memref_slice %arg8[%mul3A_113] : memref<5120xi32, #tpu.memory_space<vmem>> -> memref<128xi32, #tpu.memory_space<vmem>>
        %dma_start3A_127 = arith.constant 0 : i32
        %dma_start3A_128 = arith.constant 0 : i32
        %dma_start3A_129 = tpu.memref_slice %arg2[%dma_start3A_127, %dma_start3A_128] : memref<10000x128xf32, #tpu.memory_space<hbm>> -> memref<10000x128xf32, #tpu.memory_space<hbm>>
        tpu.enqueue_indirect_dma source(%dma_start3A_129 : memref<10000x128xf32, #tpu.memory_space<hbm>>) target(%dma_start3A_125 : memref<128x128xf32, #tpu.memory_space<vmem>>) offsets(%dma_start3A_126 : memref<128xi32, #tpu.memory_space<vmem>>) semaphore(%arg11 : memref<!tpu.dma_semaphore, #tpu.memory_space<semaphore_mem>>)
      } else {
      }
      %mul3A_79 = arith.constant 128 : i32
      %mul3A_80 = arith.muli %scan3A_52, %mul3A_79 : i32
      %add3A_81 = arith.addi %mul3A_2, %mul3A_80 : i32
      %dma_start3A_82 = arith.constant 0 : i32
      %dma_start3A_83 = arith.constant 0 : i32
      %dma_start3A_84 = tpu.memref_slice %arg9[%rem3A_54, %dma_start3A_82, %dma_start3A_83] : memref<2x128x128xf32, #tpu.memory_space<vmem>> -> memref<1x128x128xf32, #tpu.memory_space<vmem>>
      %dma_start3A_85 = tpu.memref_squeeze %dma_start3A_84 : memref<1x128x128xf32, #tpu.memory_space<vmem>> -> memref<128x128xf32, #tpu.memory_space<vmem>>
      %dma_start3A_86 = arith.constant 0 : i32
      %dma_start3A_87 = tpu.memref_slice %arg5[%add3A_81, %dma_start3A_86] : memref<163840x128xf32, #tpu.memory_space<hbm>> -> memref<128x128xf32, #tpu.memory_space<hbm>>
      %dma_start3A_88 = arith.constant 0 : i32
      %dma_start3A_89 = tpu.memref_slice %arg5[%add3A_81, %dma_start3A_88] : memref<163840x128xf32, #tpu.memory_space<hbm>> -> memref<128x128xf32, #tpu.memory_space<hbm>>
      %dma_start3A_90 = arith.constant 0 : i32
      %dma_start3A_91 = arith.constant 0 : i32
      %dma_start3A_92 = tpu.memref_slice %arg9[%rem3A_54, %dma_start3A_90, %dma_start3A_91] : memref<2x128x128xf32, #tpu.memory_space<vmem>> -> memref<1x128x128xf32, #tpu.memory_space<vmem>>
      %dma_start3A_93 = tpu.memref_squeeze %dma_start3A_92 : memref<1x128x128xf32, #tpu.memory_space<vmem>> -> memref<128x128xf32, #tpu.memory_space<vmem>>
      tpu.enqueue_dma source(%dma_start3A_93 : memref<128x128xf32, #tpu.memory_space<vmem>>) target(%dma_start3A_89 : memref<128x128xf32, #tpu.memory_space<hbm>>) target_semaphore(%arg12 : memref<!tpu.dma_semaphore, #tpu.memory_space<semaphore_mem>>)
      %mul3A_94 = arith.constant 128 : i32
      %mul3A_95 = arith.muli %scan3A_52, %mul3A_94 : i32
      %add3A_96 = arith.addi %mul3A_2, %mul3A_95 : i32
      %dma_start3A_97 = arith.constant 0 : i32
      %dma_start3A_98 = arith.constant 0 : i32
      %dma_start3A_99 = tpu.memref_slice %arg10[%rem3A_54, %dma_start3A_97, %dma_start3A_98] : memref<2x128x128xf32, #tpu.memory_space<vmem>> -> memref<1x128x128xf32, #tpu.memory_space<vmem>>
      %dma_start3A_100 = tpu.memref_squeeze %dma_start3A_99 : memref<1x128x128xf32, #tpu.memory_space<vmem>> -> memref<128x128xf32, #tpu.memory_space<vmem>>
      %dma_start3A_101 = arith.constant 0 : i32
      %dma_start3A_102 = tpu.memref_slice %arg6[%add3A_96, %dma_start3A_101] : memref<163840x128xf32, #tpu.memory_space<hbm>> -> memref<128x128xf32, #tpu.memory_space<hbm>>
      %dma_start3A_103 = arith.constant 0 : i32
      %dma_start3A_104 = tpu.memref_slice %arg6[%add3A_96, %dma_start3A_103] : memref<163840x128xf32, #tpu.memory_space<hbm>> -> memref<128x128xf32, #tpu.memory_space<hbm>>
      %dma_start3A_105 = arith.constant 0 : i32
      %dma_start3A_106 = arith.constant 0 : i32
      %dma_start3A_107 = tpu.memref_slice %arg10[%rem3A_54, %dma_start3A_105, %dma_start3A_106] : memref<2x128x128xf32, #tpu.memory_space<vmem>> -> memref<1x128x128xf32, #tpu.memory_space<vmem>>
      %dma_start3A_108 = tpu.memref_squeeze %dma_start3A_107 : memref<1x128x128xf32, #tpu.memory_space<vmem>> -> memref<128x128xf32, #tpu.memory_space<vmem>>
      tpu.enqueue_dma source(%dma_start3A_108 : memref<128x128xf32, #tpu.memory_space<vmem>>) target(%dma_start3A_104 : memref<128x128xf32, #tpu.memory_space<hbm>>) target_semaphore(%arg12 : memref<!tpu.dma_semaphore, #tpu.memory_space<semaphore_mem>>)
    }
    %scan3A_26 = arith.constant 40 : i32
    %rem3A = arith.constant 39 : i32
    %rem3A_27 = arith.constant 2 : i32
    %rem3A_28 = arith.remsi %rem3A, %rem3A_27 : i32
    %dma_wait3A = arith.constant 0 : i32
    %dma_wait3A_29 = arith.constant 0 : i32
    %dma_wait3A_30 = tpu.memref_slice %arg9[%rem3A_28, %dma_wait3A, %dma_wait3A_29] : memref<2x128x128xf32, #tpu.memory_space<vmem>> -> memref<1x128x128xf32, #tpu.memory_space<vmem>>
    %dma_wait3A_31 = tpu.memref_squeeze %dma_wait3A_30 : memref<1x128x128xf32, #tpu.memory_space<vmem>> -> memref<128x128xf32, #tpu.memory_space<vmem>>
    %dma_wait3A_32 = arith.constant 0 : i32
    %dma_wait3A_33 = tpu.memref_slice %arg5[%mul3A_2, %dma_wait3A_32] : memref<163840x128xf32, #tpu.memory_space<hbm>> -> memref<128x128xf32, #tpu.memory_space<hbm>>
    %dma_wait3A_34 = arith.constant 0 : i32
    %dma_wait3A_35 = tpu.memref_slice %arg5[%mul3A_2, %dma_wait3A_34] : memref<163840x128xf32, #tpu.memory_space<hbm>> -> memref<128x128xf32, #tpu.memory_space<hbm>>
    %dma_wait3A_36 = arith.constant 0 : i32
    %dma_wait3A_37 = arith.constant 0 : i32
    %dma_wait3A_38 = tpu.memref_slice %arg9[%rem3A_28, %dma_wait3A_36, %dma_wait3A_37] : memref<2x128x128xf32, #tpu.memory_space<vmem>> -> memref<1x128x128xf32, #tpu.memory_space<vmem>>
    %dma_wait3A_39 = tpu.memref_squeeze %dma_wait3A_38 : memref<1x128x128xf32, #tpu.memory_space<vmem>> -> memref<128x128xf32, #tpu.memory_space<vmem>>
    tpu.wait_dma2 semaphore(%arg12 : memref<!tpu.dma_semaphore, #tpu.memory_space<semaphore_mem>>) src(%dma_wait3A_39 : memref<128x128xf32, #tpu.memory_space<vmem>>) dst(%dma_wait3A_35 : memref<128x128xf32, #tpu.memory_space<hbm>>)
    %dma_wait3A_40 = arith.constant 0 : i32
    %dma_wait3A_41 = arith.constant 0 : i32
    %dma_wait3A_42 = tpu.memref_slice %arg10[%rem3A_28, %dma_wait3A_40, %dma_wait3A_41] : memref<2x128x128xf32, #tpu.memory_space<vmem>> -> memref<1x128x128xf32, #tpu.memory_space<vmem>>
    %dma_wait3A_43 = tpu.memref_squeeze %dma_wait3A_42 : memref<1x128x128xf32, #tpu.memory_space<vmem>> -> memref<128x128xf32, #tpu.memory_space<vmem>>
    %dma_wait3A_44 = arith.constant 0 : i32
    %dma_wait3A_45 = tpu.memref_slice %arg6[%mul3A_2, %dma_wait3A_44] : memref<163840x128xf32, #tpu.memory_space<hbm>> -> memref<128x128xf32, #tpu.memory_space<hbm>>
    %dma_wait3A_46 = arith.constant 0 : i32
    %dma_wait3A_47 = tpu.memref_slice %arg6[%mul3A_2, %dma_wait3A_46] : memref<163840x128xf32, #tpu.memory_space<hbm>> -> memref<128x128xf32, #tpu.memory_space<hbm>>
    %dma_wait3A_48 = arith.constant 0 : i32
    %dma_wait3A_49 = arith.constant 0 : i32
    %dma_wait3A_50 = tpu.memref_slice %arg10[%rem3A_28, %dma_wait3A_48, %dma_wait3A_49] : memref<2x128x128xf32, #tpu.memory_space<vmem>> -> memref<1x128x128xf32, #tpu.memory_space<vmem>>
    %dma_wait3A_51 = tpu.memref_squeeze %dma_wait3A_50 : memref<1x128x128xf32, #tpu.memory_space<vmem>> -> memref<128x128xf32, #tpu.memory_space<vmem>>
    tpu.wait_dma2 semaphore(%arg12 : memref<!tpu.dma_semaphore, #tpu.memory_space<semaphore_mem>>) src(%dma_wait3A_51 : memref<128x128xf32, #tpu.memory_space<vmem>>) dst(%dma_wait3A_47 : memref<128x128xf32, #tpu.memory_space<hbm>>)
    return
  }
}

#map = affine_map<(d0, d1) -> (0, 0)>
#map1 = affine_map<(d0, d1) -> (0)>
module attributes {stable_mosaic.version = 14 : i64} {
  func.func @_gather_k(%arg0: i32, %arg1: i32, %arg2: memref<10000x128xf32, #tpu.memory_space<hbm>>, %arg3: memref<163840xi32, #tpu.memory_space<hbm>>, %arg4: memref<163840xi32, #tpu.memory_space<hbm>>, %arg5: memref<163840x128xf32, #tpu.memory_space<hbm>>, %arg6: memref<163840x128xf32, #tpu.memory_space<hbm>>, %arg7: memref<5120xi32, #tpu.memory_space<vmem>>, %arg8: memref<5120xi32, #tpu.memory_space<vmem>>, %arg9: memref<2x128x128xf32, #tpu.memory_space<vmem>>, %arg10: memref<2x128x128xf32, #tpu.memory_space<vmem>>, %arg11: memref<!tpu.dma_semaphore, #tpu.memory_space<semaphore_mem>>, %arg12: memref<!tpu.dma_semaphore, #tpu.memory_space<semaphore_mem>>) attributes {dimension_semantics = [#tpu.dimension_semantics<core_parallel>, #tpu.dimension_semantics<subcore_parallel>], iteration_bounds = array<i64: 2, 16>, scalar_prefetch = 0 : i64, scratch_operands = 6 : i64, tpu.core_type = #tpu.core_type<sc_vector_subcore>, window_params = [{transform_indices = #map}, {transform_indices = #map1}, {transform_indices = #map1}, {transform_indices = #map}, {transform_indices = #map}]} {
    %mul3A = arith.constant 2 : i32
    %mul3A_0 = arith.muli %arg1, %mul3A : i32
    %add3A = arith.addi %mul3A_0, %arg0 : i32
    %mul3A_1 = arith.constant 5120 : i32
    %mul3A_2 = arith.muli %add3A, %mul3A_1 : i32
    "tpu.region"() ({
      %run_scoped3A = tpu.sem_alloc : memref<!tpu.dma_semaphore, #tpu.memory_space<semaphore_mem>>
      %dma_start3A_52 = tpu.memref_slice %arg3[%mul3A_2] : memref<163840xi32, #tpu.memory_space<hbm>> -> memref<5120xi32, #tpu.memory_space<hbm>>
      %dma_start3A_53 = tpu.memref_slice %arg3[%mul3A_2] : memref<163840xi32, #tpu.memory_space<hbm>> -> memref<5120xi32, #tpu.memory_space<hbm>>
      tpu.enqueue_dma source(%dma_start3A_53 : memref<5120xi32, #tpu.memory_space<hbm>>) target(%arg7 : memref<5120xi32, #tpu.memory_space<vmem>>) target_semaphore(%run_scoped3A : memref<!tpu.dma_semaphore, #tpu.memory_space<semaphore_mem>>)
      %dma_wait3A_54 = tpu.memref_slice %arg3[%mul3A_2] : memref<163840xi32, #tpu.memory_space<hbm>> -> memref<5120xi32, #tpu.memory_space<hbm>>
      %dma_wait3A_55 = tpu.memref_slice %arg3[%mul3A_2] : memref<163840xi32, #tpu.memory_space<hbm>> -> memref<5120xi32, #tpu.memory_space<hbm>>
      tpu.wait_dma2 semaphore(%run_scoped3A : memref<!tpu.dma_semaphore, #tpu.memory_space<semaphore_mem>>) src(%dma_wait3A_55 : memref<5120xi32, #tpu.memory_space<hbm>>) dst(%arg7 : memref<5120xi32, #tpu.memory_space<vmem>>)
      tpu.yield
    }) : () -> ()
    "tpu.region"() ({
      %run_scoped3A = tpu.sem_alloc : memref<!tpu.dma_semaphore, #tpu.memory_space<semaphore_mem>>
      %dma_start3A_52 = tpu.memref_slice %arg4[%mul3A_2] : memref<163840xi32, #tpu.memory_space<hbm>> -> memref<5120xi32, #tpu.memory_space<hbm>>
      %dma_start3A_53 = tpu.memref_slice %arg4[%mul3A_2] : memref<163840xi32, #tpu.memory_space<hbm>> -> memref<5120xi32, #tpu.memory_space<hbm>>
      tpu.enqueue_dma source(%dma_start3A_53 : memref<5120xi32, #tpu.memory_space<hbm>>) target(%arg8 : memref<5120xi32, #tpu.memory_space<vmem>>) target_semaphore(%run_scoped3A : memref<!tpu.dma_semaphore, #tpu.memory_space<semaphore_mem>>)
      %dma_wait3A_54 = tpu.memref_slice %arg4[%mul3A_2] : memref<163840xi32, #tpu.memory_space<hbm>> -> memref<5120xi32, #tpu.memory_space<hbm>>
      %dma_wait3A_55 = tpu.memref_slice %arg4[%mul3A_2] : memref<163840xi32, #tpu.memory_space<hbm>> -> memref<5120xi32, #tpu.memory_space<hbm>>
      tpu.wait_dma2 semaphore(%run_scoped3A : memref<!tpu.dma_semaphore, #tpu.memory_space<semaphore_mem>>) src(%dma_wait3A_55 : memref<5120xi32, #tpu.memory_space<hbm>>) dst(%arg8 : memref<5120xi32, #tpu.memory_space<vmem>>)
      tpu.yield
    }) : () -> ()
    %dma_start3A = arith.constant 0 : i32
    %dma_start3A_3 = arith.constant 0 : i32
    %dma_start3A_4 = arith.constant 0 : i32
    %dma_start3A_5 = tpu.memref_slice %arg9[%dma_start3A, %dma_start3A_3, %dma_start3A_4] : memref<2x128x128xf32, #tpu.memory_space<vmem>> -> memref<1x128x128xf32, #tpu.memory_space<vmem>>
    %dma_start3A_6 = tpu.memref_squeeze %dma_start3A_5 : memref<1x128x128xf32, #tpu.memory_space<vmem>> -> memref<128x128xf32, #tpu.memory_space<vmem>>
    %dma_start3A_7 = arith.constant 0 : i32
    %dma_start3A_8 = tpu.memref_slice %arg7[%dma_start3A_7] : memref<5120xi32, #tpu.memory_space<vmem>> -> memref<128xi32, #tpu.memory_space<vmem>>
    %dma_start3A_9 = arith.constant 0 : i32
    %dma_start3A_10 = arith.constant 0 : i32
    %dma_start3A_11 = tpu.memref_slice %arg2[%dma_start3A_9, %dma_start3A_10] : memref<10000x128xf32, #tpu.memory_space<hbm>> -> memref<10000x128xf32, #tpu.memory_space<hbm>>
    tpu.enqueue_indirect_dma source(%dma_start3A_11 : memref<10000x128xf32, #tpu.memory_space<hbm>>) target(%dma_start3A_6 : memref<128x128xf32, #tpu.memory_space<vmem>>) offsets(%dma_start3A_8 : memref<128xi32, #tpu.memory_space<vmem>>) semaphore(%arg11 : memref<!tpu.dma_semaphore, #tpu.memory_space<semaphore_mem>>)
    %dma_start3A_12 = arith.constant 0 : i32
    %dma_start3A_13 = arith.constant 0 : i32
    %dma_start3A_14 = arith.constant 0 : i32
    %dma_start3A_15 = tpu.memref_slice %arg10[%dma_start3A_12, %dma_start3A_13, %dma_start3A_14] : memref<2x128x128xf32, #tpu.memory_space<vmem>> -> memref<1x128x128xf32, #tpu.memory_space<vmem>>
    %dma_start3A_16 = tpu.memref_squeeze %dma_start3A_15 : memref<1x128x128xf32, #tpu.memory_space<vmem>> -> memref<128x128xf32, #tpu.memory_space<vmem>>
    %dma_start3A_17 = arith.constant 0 : i32
    %dma_start3A_18 = tpu.memref_slice %arg8[%dma_start3A_17] : memref<5120xi32, #tpu.memory_space<vmem>> -> memref<128xi32, #tpu.memory_space<vmem>>
    %dma_start3A_19 = arith.constant 0 : i32
    %dma_start3A_20 = arith.constant 0 : i32
    %dma_start3A_21 = tpu.memref_slice %arg2[%dma_start3A_19, %dma_start3A_20] : memref<10000x128xf32, #tpu.memory_space<hbm>> -> memref<10000x128xf32, #tpu.memory_space<hbm>>
    tpu.enqueue_indirect_dma source(%dma_start3A_21 : memref<10000x128xf32, #tpu.memory_space<hbm>>) target(%dma_start3A_16 : memref<128x128xf32, #tpu.memory_space<vmem>>) offsets(%dma_start3A_18 : memref<128xi32, #tpu.memory_space<vmem>>) semaphore(%arg11 : memref<!tpu.dma_semaphore, #tpu.memory_space<semaphore_mem>>)
    %scan3A = arith.constant 0 : i32
    %scan3A_22 = arith.constant 0 : i32
    %scan3A_23 = arith.constant 40 : i32
    %scan3A_24 = arith.addi %scan3A_22, %scan3A_23 : i32
    %scan3A_25 = arith.constant 1 : i32
    scf.for %scan3A_52 = %scan3A_22 to %scan3A_24 step %scan3A_25  : i32 {
      %rem3A_53 = arith.constant 2 : i32
      %rem3A_54 = arith.remsi %scan3A_52, %rem3A_53 : i32
      %gt3A = arith.constant 0 : i32
      %gt3A_55 = arith.cmpi sgt, %scan3A_52, %gt3A : i32
      %convert_element_type3A = arith.extui %gt3A_55 : i1 to i32
      %cond3A = arith.constant 0 : i32
      %cond3A_56 = arith.cmpi ne, %convert_element_type3A, %cond3A : i32
      scf.if %cond3A_56 {
        %sub3A = arith.constant 1 : i32
        %sub3A_109 = arith.subi %sub3A, %rem3A_54 : i32
        %dma_wait3A_110 = arith.constant 0 : i32
        %dma_wait3A_111 = arith.constant 0 : i32
        %dma_wait3A_112 = tpu.memref_slice %arg9[%sub3A_109, %dma_wait3A_110, %dma_wait3A_111] : memref<2x128x128xf32, #tpu.memory_space<vmem>> -> memref<1x128x128xf32, #tpu.memory_space<vmem>>
        %dma_wait3A_113 = tpu.memref_squeeze %dma_wait3A_112 : memref<1x128x128xf32, #tpu.memory_space<vmem>> -> memref<128x128xf32, #tpu.memory_space<vmem>>
        %dma_wait3A_114 = arith.constant 0 : i32
        %dma_wait3A_115 = tpu.memref_slice %arg5[%mul3A_2, %dma_wait3A_114] : memref<163840x128xf32, #tpu.memory_space<hbm>> -> memref<128x128xf32, #tpu.memory_space<hbm>>
        %dma_wait3A_116 = arith.constant 0 : i32
        %dma_wait3A_117 = tpu.memref_slice %arg5[%mul3A_2, %dma_wait3A_116] : memref<163840x128xf32, #tpu.memory_space<hbm>> -> memref<128x128xf32, #tpu.memory_space<hbm>>
        %dma_wait3A_118 = arith.constant 0 : i32
        %dma_wait3A_119 = arith.constant 0 : i32
        %dma_wait3A_120 = tpu.memref_slice %arg9[%sub3A_109, %dma_wait3A_118, %dma_wait3A_119] : memref<2x128x128xf32, #tpu.memory_space<vmem>> -> memref<1x128x128xf32, #tpu.memory_space<vmem>>
        %dma_wait3A_121 = tpu.memref_squeeze %dma_wait3A_120 : memref<1x128x128xf32, #tpu.memory_space<vmem>> -> memref<128x128xf32, #tpu.memory_space<vmem>>
        tpu.wait_dma2 semaphore(%arg12 : memref<!tpu.dma_semaphore, #tpu.memory_space<semaphore_mem>>) src(%dma_wait3A_121 : memref<128x128xf32, #tpu.memory_space<vmem>>) dst(%dma_wait3A_117 : memref<128x128xf32, #tpu.memory_space<hbm>>)
        %dma_wait3A_122 = arith.constant 0 : i32
        %dma_wait3A_123 = arith.constant 0 : i32
        %dma_wait3A_124 = tpu.memref_slice %arg10[%sub3A_109, %dma_wait3A_122, %dma_wait3A_123] : memref<2x128x128xf32, #tpu.memory_space<vmem>> -> memref<1x128x128xf32, #tpu.memory_space<vmem>>
        %dma_wait3A_125 = tpu.memref_squeeze %dma_wait3A_124 : memref<1x128x128xf32, #tpu.memory_space<vmem>> -> memref<128x128xf32, #tpu.memory_space<vmem>>
        %dma_wait3A_126 = arith.constant 0 : i32
        %dma_wait3A_127 = tpu.memref_slice %arg6[%mul3A_2, %dma_wait3A_126] : memref<163840x128xf32, #tpu.memory_space<hbm>> -> memref<128x128xf32, #tpu.memory_space<hbm>>
        %dma_wait3A_128 = arith.constant 0 : i32
        %dma_wait3A_129 = tpu.memref_slice %arg6[%mul3A_2, %dma_wait3A_128] : memref<163840x128xf32, #tpu.memory_space<hbm>> -> memref<128x128xf32, #tpu.memory_space<hbm>>
        %dma_wait3A_130 = arith.constant 0 : i32
        %dma_wait3A_131 = arith.constant 0 : i32
        %dma_wait3A_132 = tpu.memref_slice %arg10[%sub3A_109, %dma_wait3A_130, %dma_wait3A_131] : memref<2x128x128xf32, #tpu.memory_space<vmem>> -> memref<1x128x128xf32, #tpu.memory_space<vmem>>
        %dma_wait3A_133 = tpu.memref_squeeze %dma_wait3A_132 : memref<1x128x128xf32, #tpu.memory_space<vmem>> -> memref<128x128xf32, #tpu.memory_space<vmem>>
        tpu.wait_dma2 semaphore(%arg12 : memref<!tpu.dma_semaphore, #tpu.memory_space<semaphore_mem>>) src(%dma_wait3A_133 : memref<128x128xf32, #tpu.memory_space<vmem>>) dst(%dma_wait3A_129 : memref<128x128xf32, #tpu.memory_space<hbm>>)
      } else {
      }
      %mul3A_57 = arith.constant 128 : i32
      %mul3A_58 = arith.muli %scan3A_52, %mul3A_57 : i32
      %dma_wait3A_59 = arith.constant 0 : i32
      %dma_wait3A_60 = arith.constant 0 : i32
      %dma_wait3A_61 = tpu.memref_slice %arg9[%rem3A_54, %dma_wait3A_59, %dma_wait3A_60] : memref<2x128x128xf32, #tpu.memory_space<vmem>> -> memref<1x128x128xf32, #tpu.memory_space<vmem>>
      %dma_wait3A_62 = tpu.memref_squeeze %dma_wait3A_61 : memref<1x128x128xf32, #tpu.memory_space<vmem>> -> memref<128x128xf32, #tpu.memory_space<vmem>>
      %dma_wait3A_63 = tpu.memref_slice %arg7[%mul3A_58] : memref<5120xi32, #tpu.memory_space<vmem>> -> memref<128xi32, #tpu.memory_space<vmem>>
      %dma_wait3A_64 = arith.constant 0 : i32
      %dma_wait3A_65 = arith.constant 0 : i32
      %dma_wait3A_66 = tpu.memref_slice %arg2[%dma_wait3A_64, %dma_wait3A_65] : memref<10000x128xf32, #tpu.memory_space<hbm>> -> memref<10000x128xf32, #tpu.memory_space<hbm>>
      tpu.wait_indirect_dma semaphore(%arg11 : memref<!tpu.dma_semaphore, #tpu.memory_space<semaphore_mem>>) src(%dma_wait3A_66 : memref<10000x128xf32, #tpu.memory_space<hbm>>) dst(%dma_wait3A_62 : memref<128x128xf32, #tpu.memory_space<vmem>>)
      %dma_wait3A_67 = arith.constant 0 : i32
      %dma_wait3A_68 = arith.constant 0 : i32
      %dma_wait3A_69 = tpu.memref_slice %arg10[%rem3A_54, %dma_wait3A_67, %dma_wait3A_68] : memref<2x128x128xf32, #tpu.memory_space<vmem>> -> memref<1x128x128xf32, #tpu.memory_space<vmem>>
      %dma_wait3A_70 = tpu.memref_squeeze %dma_wait3A_69 : memref<1x128x128xf32, #tpu.memory_space<vmem>> -> memref<128x128xf32, #tpu.memory_space<vmem>>
      %dma_wait3A_71 = tpu.memref_slice %arg8[%mul3A_58] : memref<5120xi32, #tpu.memory_space<vmem>> -> memref<128xi32, #tpu.memory_space<vmem>>
      %dma_wait3A_72 = arith.constant 0 : i32
      %dma_wait3A_73 = arith.constant 0 : i32
      %dma_wait3A_74 = tpu.memref_slice %arg2[%dma_wait3A_72, %dma_wait3A_73] : memref<10000x128xf32, #tpu.memory_space<hbm>> -> memref<10000x128xf32, #tpu.memory_space<hbm>>
      tpu.wait_indirect_dma semaphore(%arg11 : memref<!tpu.dma_semaphore, #tpu.memory_space<semaphore_mem>>) src(%dma_wait3A_74 : memref<10000x128xf32, #tpu.memory_space<hbm>>) dst(%dma_wait3A_70 : memref<128x128xf32, #tpu.memory_space<vmem>>)
      %lt3A = arith.constant 39 : i32
      %lt3A_75 = arith.cmpi slt, %scan3A_52, %lt3A : i32
      %convert_element_type3A_76 = arith.extui %lt3A_75 : i1 to i32
      %cond3A_77 = arith.constant 0 : i32
      %cond3A_78 = arith.cmpi ne, %convert_element_type3A_76, %cond3A_77 : i32
      scf.if %cond3A_78 {
        %add3A_109 = arith.constant 1 : i32
        %add3A_110 = arith.addi %scan3A_52, %add3A_109 : i32
        %sub3A = arith.constant 1 : i32
        %sub3A_111 = arith.subi %sub3A, %rem3A_54 : i32
        %mul3A_112 = arith.constant 128 : i32
        %mul3A_113 = arith.muli %add3A_110, %mul3A_112 : i32
        %dma_start3A_114 = arith.constant 0 : i32
        %dma_start3A_115 = arith.constant 0 : i32
        %dma_start3A_116 = tpu.memref_slice %arg9[%sub3A_111, %dma_start3A_114, %dma_start3A_115] : memref<2x128x128xf32, #tpu.memory_space<vmem>> -> memref<1x128x128xf32, #tpu.memory_space<vmem>>
        %dma_start3A_117 = tpu.memref_squeeze %dma_start3A_116 : memref<1x128x128xf32, #tpu.memory_space<vmem>> -> memref<128x128xf32, #tpu.memory_space<vmem>>
        %dma_start3A_118 = tpu.memref_slice %arg7[%mul3A_113] : memref<5120xi32, #tpu.memory_space<vmem>> -> memref<128xi32, #tpu.memory_space<vmem>>
        %dma_start3A_119 = arith.constant 0 : i32
        %dma_start3A_120 = arith.constant 0 : i32
        %dma_start3A_121 = tpu.memref_slice %arg2[%dma_start3A_119, %dma_start3A_120] : memref<10000x128xf32, #tpu.memory_space<hbm>> -> memref<10000x128xf32, #tpu.memory_space<hbm>>
        tpu.enqueue_indirect_dma source(%dma_start3A_121 : memref<10000x128xf32, #tpu.memory_space<hbm>>) target(%dma_start3A_117 : memref<128x128xf32, #tpu.memory_space<vmem>>) offsets(%dma_start3A_118 : memref<128xi32, #tpu.memory_space<vmem>>) semaphore(%arg11 : memref<!tpu.dma_semaphore, #tpu.memory_space<semaphore_mem>>)
        %dma_start3A_122 = arith.constant 0 : i32
        %dma_start3A_123 = arith.constant 0 : i32
        %dma_start3A_124 = tpu.memref_slice %arg10[%sub3A_111, %dma_start3A_122, %dma_start3A_123] : memref<2x128x128xf32, #tpu.memory_space<vmem>> -> memref<1x128x128xf32, #tpu.memory_space<vmem>>
        %dma_start3A_125 = tpu.memref_squeeze %dma_start3A_124 : memref<1x128x128xf32, #tpu.memory_space<vmem>> -> memref<128x128xf32, #tpu.memory_space<vmem>>
        %dma_start3A_126 = tpu.memref_slice %arg8[%mul3A_113] : memref<5120xi32, #tpu.memory_space<vmem>> -> memref<128xi32, #tpu.memory_space<vmem>>
        %dma_start3A_127 = arith.constant 0 : i32
        %dma_start3A_128 = arith.constant 0 : i32
        %dma_start3A_129 = tpu.memref_slice %arg2[%dma_start3A_127, %dma_start3A_128] : memref<10000x128xf32, #tpu.memory_space<hbm>> -> memref<10000x128xf32, #tpu.memory_space<hbm>>
        tpu.enqueue_indirect_dma source(%dma_start3A_129 : memref<10000x128xf32, #tpu.memory_space<hbm>>) target(%dma_start3A_125 : memref<128x128xf32, #tpu.memory_space<vmem>>) offsets(%dma_start3A_126 : memref<128xi32, #tpu.memory_space<vmem>>) semaphore(%arg11 : memref<!tpu.dma_semaphore, #tpu.memory_space<semaphore_mem>>)
      } else {
      }
      %mul3A_79 = arith.constant 128 : i32
      %mul3A_80 = arith.muli %scan3A_52, %mul3A_79 : i32
      %add3A_81 = arith.addi %mul3A_2, %mul3A_80 : i32
      %dma_start3A_82 = arith.constant 0 : i32
      %dma_start3A_83 = arith.constant 0 : i32
      %dma_start3A_84 = tpu.memref_slice %arg9[%rem3A_54, %dma_start3A_82, %dma_start3A_83] : memref<2x128x128xf32, #tpu.memory_space<vmem>> -> memref<1x128x128xf32, #tpu.memory_space<vmem>>
      %dma_start3A_85 = tpu.memref_squeeze %dma_start3A_84 : memref<1x128x128xf32, #tpu.memory_space<vmem>> -> memref<128x128xf32, #tpu.memory_space<vmem>>
      %dma_start3A_86 = arith.constant 0 : i32
      %dma_start3A_87 = tpu.memref_slice %arg5[%add3A_81, %dma_start3A_86] : memref<163840x128xf32, #tpu.memory_space<hbm>> -> memref<128x128xf32, #tpu.memory_space<hbm>>
      %dma_start3A_88 = arith.constant 0 : i32
      %dma_start3A_89 = tpu.memref_slice %arg5[%add3A_81, %dma_start3A_88] : memref<163840x128xf32, #tpu.memory_space<hbm>> -> memref<128x128xf32, #tpu.memory_space<hbm>>
      %dma_start3A_90 = arith.constant 0 : i32
      %dma_start3A_91 = arith.constant 0 : i32
      %dma_start3A_92 = tpu.memref_slice %arg9[%rem3A_54, %dma_start3A_90, %dma_start3A_91] : memref<2x128x128xf32, #tpu.memory_space<vmem>> -> memref<1x128x128xf32, #tpu.memory_space<vmem>>
      %dma_start3A_93 = tpu.memref_squeeze %dma_start3A_92 : memref<1x128x128xf32, #tpu.memory_space<vmem>> -> memref<128x128xf32, #tpu.memory_space<vmem>>
      tpu.enqueue_dma source(%dma_start3A_93 : memref<128x128xf32, #tpu.memory_space<vmem>>) target(%dma_start3A_89 : memref<128x128xf32, #tpu.memory_space<hbm>>) target_semaphore(%arg12 : memref<!tpu.dma_semaphore, #tpu.memory_space<semaphore_mem>>)
      %mul3A_94 = arith.constant 128 : i32
      %mul3A_95 = arith.muli %scan3A_52, %mul3A_94 : i32
      %add3A_96 = arith.addi %mul3A_2, %mul3A_95 : i32
      %dma_start3A_97 = arith.constant 0 : i32
      %dma_start3A_98 = arith.constant 0 : i32
      %dma_start3A_99 = tpu.memref_slice %arg10[%rem3A_54, %dma_start3A_97, %dma_start3A_98] : memref<2x128x128xf32, #tpu.memory_space<vmem>> -> memref<1x128x128xf32, #tpu.memory_space<vmem>>
      %dma_start3A_100 = tpu.memref_squeeze %dma_start3A_99 : memref<1x128x128xf32, #tpu.memory_space<vmem>> -> memref<128x128xf32, #tpu.memory_space<vmem>>
      %dma_start3A_101 = arith.constant 0 : i32
      %dma_start3A_102 = tpu.memref_slice %arg6[%add3A_96, %dma_start3A_101] : memref<163840x128xf32, #tpu.memory_space<hbm>> -> memref<128x128xf32, #tpu.memory_space<hbm>>
      %dma_start3A_103 = arith.constant 0 : i32
      %dma_start3A_104 = tpu.memref_slice %arg6[%add3A_96, %dma_start3A_103] : memref<163840x128xf32, #tpu.memory_space<hbm>> -> memref<128x128xf32, #tpu.memory_space<hbm>>
      %dma_start3A_105 = arith.constant 0 : i32
      %dma_start3A_106 = arith.constant 0 : i32
      %dma_start3A_107 = tpu.memref_slice %arg10[%rem3A_54, %dma_start3A_105, %dma_start3A_106] : memref<2x128x128xf32, #tpu.memory_space<vmem>> -> memref<1x128x128xf32, #tpu.memory_space<vmem>>
      %dma_start3A_108 = tpu.memref_squeeze %dma_start3A_107 : memref<1x128x128xf32, #tpu.memory_space<vmem>> -> memref<128x128xf32, #tpu.memory_space<vmem>>
      tpu.enqueue_dma source(%dma_start3A_108 : memref<128x128xf32, #tpu.memory_space<vmem>>) target(%dma_start3A_104 : memref<128x128xf32, #tpu.memory_space<hbm>>) target_semaphore(%arg12 : memref<!tpu.dma_semaphore, #tpu.memory_space<semaphore_mem>>)
    }
    %scan3A_26 = arith.constant 40 : i32
    %rem3A = arith.constant 39 : i32
    %rem3A_27 = arith.constant 2 : i32
    %rem3A_28 = arith.remsi %rem3A, %rem3A_27 : i32
    %dma_wait3A = arith.constant 0 : i32
    %dma_wait3A_29 = arith.constant 0 : i32
    %dma_wait3A_30 = tpu.memref_slice %arg9[%rem3A_28, %dma_wait3A, %dma_wait3A_29] : memref<2x128x128xf32, #tpu.memory_space<vmem>> -> memref<1x128x128xf32, #tpu.memory_space<vmem>>
    %dma_wait3A_31 = tpu.memref_squeeze %dma_wait3A_30 : memref<1x128x128xf32, #tpu.memory_space<vmem>> -> memref<128x128xf32, #tpu.memory_space<vmem>>
    %dma_wait3A_32 = arith.constant 0 : i32
    %dma_wait3A_33 = tpu.memref_slice %arg5[%mul3A_2, %dma_wait3A_32] : memref<163840x128xf32, #tpu.memory_space<hbm>> -> memref<128x128xf32, #tpu.memory_space<hbm>>
    %dma_wait3A_34 = arith.constant 0 : i32
    %dma_wait3A_35 = tpu.memref_slice %arg5[%mul3A_2, %dma_wait3A_34] : memref<163840x128xf32, #tpu.memory_space<hbm>> -> memref<128x128xf32, #tpu.memory_space<hbm>>
    %dma_wait3A_36 = arith.constant 0 : i32
    %dma_wait3A_37 = arith.constant 0 : i32
    %dma_wait3A_38 = tpu.memref_slice %arg9[%rem3A_28, %dma_wait3A_36, %dma_wait3A_37] : memref<2x128x128xf32, #tpu.memory_space<vmem>> -> memref<1x128x128xf32, #tpu.memory_space<vmem>>
    %dma_wait3A_39 = tpu.memref_squeeze %dma_wait3A_38 : memref<1x128x128xf32, #tpu.memory_space<vmem>> -> memref<128x128xf32, #tpu.memory_space<vmem>>
    tpu.wait_dma2 semaphore(%arg12 : memref<!tpu.dma_semaphore, #tpu.memory_space<semaphore_mem>>) src(%dma_wait3A_39 : memref<128x128xf32, #tpu.memory_space<vmem>>) dst(%dma_wait3A_35 : memref<128x128xf32, #tpu.memory_space<hbm>>)
    %dma_wait3A_40 = arith.constant 0 : i32
    %dma_wait3A_41 = arith.constant 0 : i32
    %dma_wait3A_42 = tpu.memref_slice %arg10[%rem3A_28, %dma_wait3A_40, %dma_wait3A_41] : memref<2x128x128xf32, #tpu.memory_space<vmem>> -> memref<1x128x128xf32, #tpu.memory_space<vmem>>
    %dma_wait3A_43 = tpu.memref_squeeze %dma_wait3A_42 : memref<1x128x128xf32, #tpu.memory_space<vmem>> -> memref<128x128xf32, #tpu.memory_space<vmem>>
    %dma_wait3A_44 = arith.constant 0 : i32
    %dma_wait3A_45 = tpu.memref_slice %arg6[%mul3A_2, %dma_wait3A_44] : memref<163840x128xf32, #tpu.memory_space<hbm>> -> memref<128x128xf32, #tpu.memory_space<hbm>>
    %dma_wait3A_46 = arith.constant 0 : i32
    %dma_wait3A_47 = tpu.memref_slice %arg6[%mul3A_2, %dma_wait3A_46] : memref<163840x128xf32, #tpu.memory_space<hbm>> -> memref<128x128xf32, #tpu.memory_space<hbm>>
    %dma_wait3A_48 = arith.constant 0 : i32
    %dma_wait3A_49 = arith.constant 0 : i32
    %dma_wait3A_50 = tpu.memref_slice %arg10[%rem3A_28, %dma_wait3A_48, %dma_wait3A_49] : memref<2x128x128xf32, #tpu.memory_space<vmem>> -> memref<1x128x128xf32, #tpu.memory_space<vmem>>
    %dma_wait3A_51 = tpu.memref_squeeze %dma_wait3A_50 : memref<1x128x128xf32, #tpu.memory_space<vmem>> -> memref<128x128xf32, #tpu.memory_space<vmem>>
    tpu.wait_dma2 semaphore(%arg12 : memref<!tpu.dma_semaphore, #tpu.memory_space<semaphore_mem>>) src(%dma_wait3A_51 : memref<128x128xf32, #tpu.memory_space<vmem>>) dst(%dma_wait3A_47 : memref<128x128xf32, #tpu.memory_space<hbm>>)
    return
  }
}

#map = affine_map<(d0, d1) -> (0, 0)>
#map1 = affine_map<(d0, d1) -> (0, 0, 0)>
module attributes {stable_mosaic.version = 14 : i64} {
  func.func @_scatter_k(%arg0: i32, %arg1: i32, %arg2: memref<163840x128xf32, #tpu.memory_space<hbm>>, %arg3: memref<32x50x100xi32, #tpu.memory_space<hbm>>, %arg4: memref<10000x128xf32, #tpu.memory_space<hbm>>, %arg5: memref<20000x128xf32, #tpu.memory_space<hbm>>, %arg6: memref<50x100xi32, #tpu.memory_space<vmem>>, %arg7: memref<200x128xf32, #tpu.memory_space<vmem>>, %arg8: memref<10000x128xf32, #tpu.memory_space<vmem_shared>>, %arg9: memref<!tpu.dma_semaphore, #tpu.memory_space<semaphore_mem>>) attributes {dimension_semantics = [#tpu.dimension_semantics<core_parallel>, #tpu.dimension_semantics<subcore_parallel>], iteration_bounds = array<i64: 2, 16>, scalar_prefetch = 0 : i64, scratch_operands = 4 : i64, tpu.core_type = #tpu.core_type<sc_vector_subcore>, window_params = [{transform_indices = #map}, {transform_indices = #map1}, {transform_indices = #map}, {transform_indices = #map}]} {
    %mul3A = arith.constant 2 : i32
    %mul3A_0 = arith.muli %arg1, %mul3A : i32
    %add3A = arith.addi %mul3A_0, %arg0 : i32
    %mul3A_1 = arith.constant 624 : i32
    %mul3A_2 = arith.muli %arg1, %mul3A_1 : i32
    "tpu.region"() ({
      %run_scoped3A = tpu.sem_alloc : memref<!tpu.dma_semaphore, #tpu.memory_space<semaphore_mem>>
      %dma_start3A = arith.constant 0 : i32
      %dma_start3A_21 = tpu.memref_slice %arg8[%mul3A_2, %dma_start3A] : memref<10000x128xf32, #tpu.memory_space<vmem_shared>> -> memref<624x128xf32, #tpu.memory_space<vmem_shared>>
      %dma_start3A_22 = arith.constant 0 : i32
      %dma_start3A_23 = tpu.memref_slice %arg4[%mul3A_2, %dma_start3A_22] : memref<10000x128xf32, #tpu.memory_space<hbm>> -> memref<624x128xf32, #tpu.memory_space<hbm>>
      tpu.enqueue_dma source(%dma_start3A_23 : memref<624x128xf32, #tpu.memory_space<hbm>>) target(%dma_start3A_21 : memref<624x128xf32, #tpu.memory_space<vmem_shared>>) target_semaphore(%run_scoped3A : memref<!tpu.dma_semaphore, #tpu.memory_space<semaphore_mem>>)
      %dma_wait3A = arith.constant 0 : i32
      %dma_wait3A_24 = tpu.memref_slice %arg8[%mul3A_2, %dma_wait3A] : memref<10000x128xf32, #tpu.memory_space<vmem_shared>> -> memref<624x128xf32, #tpu.memory_space<vmem_shared>>
      %dma_wait3A_25 = arith.constant 0 : i32
      %dma_wait3A_26 = tpu.memref_slice %arg4[%mul3A_2, %dma_wait3A_25] : memref<10000x128xf32, #tpu.memory_space<hbm>> -> memref<624x128xf32, #tpu.memory_space<hbm>>
      tpu.wait_dma2 semaphore(%run_scoped3A : memref<!tpu.dma_semaphore, #tpu.memory_space<semaphore_mem>>) src(%dma_wait3A_26 : memref<624x128xf32, #tpu.memory_space<hbm>>) dst(%dma_wait3A_24 : memref<624x128xf32, #tpu.memory_space<vmem_shared>>)
      tpu.yield
    }) : () -> ()
    %eq3A = arith.constant 15 : i32
    %eq3A_3 = arith.cmpi eq, %arg1, %eq3A : i32
    %convert_element_type3A = arith.extui %eq3A_3 : i1 to i32
    %cond3A = arith.constant 0 : i32
    %cond3A_4 = arith.cmpi ne, %convert_element_type3A, %cond3A : i32
    scf.if %cond3A_4 {
      "tpu.region"() ({
        %run_scoped3A = tpu.sem_alloc : memref<!tpu.dma_semaphore, #tpu.memory_space<semaphore_mem>>
        %dma_start3A = arith.constant 9984 : i32
        %dma_start3A_21 = arith.constant 0 : i32
        %dma_start3A_22 = tpu.memref_slice %arg8[%dma_start3A, %dma_start3A_21] : memref<10000x128xf32, #tpu.memory_space<vmem_shared>> -> memref<16x128xf32, #tpu.memory_space<vmem_shared>>
        %dma_start3A_23 = arith.constant 9984 : i32
        %dma_start3A_24 = arith.constant 0 : i32
        %dma_start3A_25 = tpu.memref_slice %arg4[%dma_start3A_23, %dma_start3A_24] : memref<10000x128xf32, #tpu.memory_space<hbm>> -> memref<16x128xf32, #tpu.memory_space<hbm>>
        tpu.enqueue_dma source(%dma_start3A_25 : memref<16x128xf32, #tpu.memory_space<hbm>>) target(%dma_start3A_22 : memref<16x128xf32, #tpu.memory_space<vmem_shared>>) target_semaphore(%run_scoped3A : memref<!tpu.dma_semaphore, #tpu.memory_space<semaphore_mem>>)
        %dma_wait3A = arith.constant 9984 : i32
        %dma_wait3A_26 = arith.constant 0 : i32
        %dma_wait3A_27 = tpu.memref_slice %arg8[%dma_wait3A, %dma_wait3A_26] : memref<10000x128xf32, #tpu.memory_space<vmem_shared>> -> memref<16x128xf32, #tpu.memory_space<vmem_shared>>
        %dma_wait3A_28 = arith.constant 9984 : i32
        %dma_wait3A_29 = arith.constant 0 : i32
        %dma_wait3A_30 = tpu.memref_slice %arg4[%dma_wait3A_28, %dma_wait3A_29] : memref<10000x128xf32, #tpu.memory_space<hbm>> -> memref<16x128xf32, #tpu.memory_space<hbm>>
        tpu.wait_dma2 semaphore(%run_scoped3A : memref<!tpu.dma_semaphore, #tpu.memory_space<semaphore_mem>>) src(%dma_wait3A_30 : memref<16x128xf32, #tpu.memory_space<hbm>>) dst(%dma_wait3A_27 : memref<16x128xf32, #tpu.memory_space<vmem_shared>>)
        tpu.yield
      }) : () -> ()
    } else {
    }
    "tpu.region"() ({
      %run_scoped3A = tpu.sem_alloc : memref<!tpu.dma_semaphore, #tpu.memory_space<semaphore_mem>>
      %dma_start3A = arith.constant 0 : i32
      %dma_start3A_21 = arith.constant 0 : i32
      %dma_start3A_22 = tpu.memref_slice %arg3[%add3A, %dma_start3A, %dma_start3A_21] : memref<32x50x100xi32, #tpu.memory_space<hbm>> -> memref<1x50x100xi32, #tpu.memory_space<hbm>>
      %dma_start3A_23 = tpu.memref_squeeze %dma_start3A_22 : memref<1x50x100xi32, #tpu.memory_space<hbm>> -> memref<50x100xi32, #tpu.memory_space<hbm>>
      %dma_start3A_24 = arith.constant 0 : i32
      %dma_start3A_25 = arith.constant 0 : i32
      %dma_start3A_26 = tpu.memref_slice %arg3[%add3A, %dma_start3A_24, %dma_start3A_25] : memref<32x50x100xi32, #tpu.memory_space<hbm>> -> memref<1x50x100xi32, #tpu.memory_space<hbm>>
      %dma_start3A_27 = tpu.memref_squeeze %dma_start3A_26 : memref<1x50x100xi32, #tpu.memory_space<hbm>> -> memref<50x100xi32, #tpu.memory_space<hbm>>
      tpu.enqueue_dma source(%dma_start3A_27 : memref<50x100xi32, #tpu.memory_space<hbm>>) target(%arg6 : memref<50x100xi32, #tpu.memory_space<vmem>>) target_semaphore(%run_scoped3A : memref<!tpu.dma_semaphore, #tpu.memory_space<semaphore_mem>>)
      %dma_wait3A = arith.constant 0 : i32
      %dma_wait3A_28 = arith.constant 0 : i32
      %dma_wait3A_29 = tpu.memref_slice %arg3[%add3A, %dma_wait3A, %dma_wait3A_28] : memref<32x50x100xi32, #tpu.memory_space<hbm>> -> memref<1x50x100xi32, #tpu.memory_space<hbm>>
      %dma_wait3A_30 = tpu.memref_squeeze %dma_wait3A_29 : memref<1x50x100xi32, #tpu.memory_space<hbm>> -> memref<50x100xi32, #tpu.memory_space<hbm>>
      %dma_wait3A_31 = arith.constant 0 : i32
      %dma_wait3A_32 = arith.constant 0 : i32
      %dma_wait3A_33 = tpu.memref_slice %arg3[%add3A, %dma_wait3A_31, %dma_wait3A_32] : memref<32x50x100xi32, #tpu.memory_space<hbm>> -> memref<1x50x100xi32, #tpu.memory_space<hbm>>
      %dma_wait3A_34 = tpu.memref_squeeze %dma_wait3A_33 : memref<1x50x100xi32, #tpu.memory_space<hbm>> -> memref<50x100xi32, #tpu.memory_space<hbm>>
      tpu.wait_dma2 semaphore(%run_scoped3A : memref<!tpu.dma_semaphore, #tpu.memory_space<semaphore_mem>>) src(%dma_wait3A_34 : memref<50x100xi32, #tpu.memory_space<hbm>>) dst(%arg6 : memref<50x100xi32, #tpu.memory_space<vmem>>)
      tpu.yield
    }) : () -> ()
    %barrier3A = arith.constant 0 : index
    tpu.barrier barrier_id(%barrier3A)
    %mul3A_5 = arith.constant 5000 : i32
    %mul3A_6 = arith.muli %add3A, %mul3A_5 : i32
    %scan3A = arith.constant 0 : i32
    %scan3A_7 = arith.constant 0 : i32
    %scan3A_8 = arith.constant 25 : i32
    %scan3A_9 = arith.addi %scan3A_7, %scan3A_8 : i32
    %scan3A_10 = arith.constant 1 : i32
    scf.for %scan3A_21 = %scan3A_7 to %scan3A_9 step %scan3A_10  : i32 {
      %mul3A_22 = arith.constant 200 : i32
      %mul3A_23 = arith.muli %scan3A_21, %mul3A_22 : i32
      %add3A_24 = arith.addi %mul3A_6, %mul3A_23 : i32
      %dma_start3A = arith.constant 0 : i32
      %dma_start3A_25 = tpu.memref_slice %arg2[%add3A_24, %dma_start3A] : memref<163840x128xf32, #tpu.memory_space<hbm>> -> memref<200x128xf32, #tpu.memory_space<hbm>>
      %dma_start3A_26 = arith.constant 0 : i32
      %dma_start3A_27 = tpu.memref_slice %arg2[%add3A_24, %dma_start3A_26] : memref<163840x128xf32, #tpu.memory_space<hbm>> -> memref<200x128xf32, #tpu.memory_space<hbm>>
      tpu.enqueue_dma source(%dma_start3A_27 : memref<200x128xf32, #tpu.memory_space<hbm>>) target(%arg7 : memref<200x128xf32, #tpu.memory_space<vmem>>) target_semaphore(%arg9 : memref<!tpu.dma_semaphore, #tpu.memory_space<semaphore_mem>>)
      %dma_wait3A = arith.constant 0 : i32
      %dma_wait3A_28 = tpu.memref_slice %arg2[%add3A_24, %dma_wait3A] : memref<163840x128xf32, #tpu.memory_space<hbm>> -> memref<200x128xf32, #tpu.memory_space<hbm>>
      %dma_wait3A_29 = arith.constant 0 : i32
      %dma_wait3A_30 = tpu.memref_slice %arg2[%add3A_24, %dma_wait3A_29] : memref<163840x128xf32, #tpu.memory_space<hbm>> -> memref<200x128xf32, #tpu.memory_space<hbm>>
      tpu.wait_dma2 semaphore(%arg9 : memref<!tpu.dma_semaphore, #tpu.memory_space<semaphore_mem>>) src(%dma_wait3A_30 : memref<200x128xf32, #tpu.memory_space<hbm>>) dst(%arg7 : memref<200x128xf32, #tpu.memory_space<vmem>>)
      %mul3A_31 = arith.constant 2 : i32
      %mul3A_32 = arith.muli %scan3A_21, %mul3A_31 : i32
      %add3A_33 = arith.constant 0 : i32
      %add3A_34 = arith.addi %mul3A_32, %add3A_33 : i32
      "tpu.region"() ({
        %run_scoped3A = tpu.sem_alloc : memref<!tpu.dma_semaphore, #tpu.memory_space<semaphore_mem>>
        %dma_start3A_39 = arith.constant 0 : i32
        %dma_start3A_40 = arith.constant 0 : i32
        %dma_start3A_41 = tpu.memref_slice %arg7[%dma_start3A_39, %dma_start3A_40] : memref<200x128xf32, #tpu.memory_space<vmem>> -> memref<100x128xf32, #tpu.memory_space<vmem>>
        %dma_start3A_42 = arith.constant 0 : i32
        %dma_start3A_43 = tpu.memref_slice %arg6[%add3A_34, %dma_start3A_42] : memref<50x100xi32, #tpu.memory_space<vmem>> -> memref<1x100xi32, #tpu.memory_space<vmem>>
        %dma_start3A_44 = tpu.memref_squeeze %dma_start3A_43 : memref<1x100xi32, #tpu.memory_space<vmem>> -> memref<100xi32, #tpu.memory_space<vmem>>
        %dma_start3A_45 = arith.constant 0 : i32
        %dma_start3A_46 = arith.constant 0 : i32
        %dma_start3A_47 = tpu.memref_slice %arg8[%dma_start3A_45, %dma_start3A_46] : memref<10000x128xf32, #tpu.memory_space<vmem_shared>> -> memref<10000x128xf32, #tpu.memory_space<vmem_shared>>
        tpu.enqueue_indirect_dma source(%dma_start3A_41 : memref<100x128xf32, #tpu.memory_space<vmem>>) target(%dma_start3A_47 : memref<10000x128xf32, #tpu.memory_space<vmem_shared>>) offsets(%dma_start3A_44 : memref<100xi32, #tpu.memory_space<vmem>>) semaphore(%run_scoped3A : memref<!tpu.dma_semaphore, #tpu.memory_space<semaphore_mem>>) {add = true}
        %dma_wait3A_48 = arith.constant 0 : i32
        %dma_wait3A_49 = arith.constant 0 : i32
        %dma_wait3A_50 = tpu.memref_slice %arg7[%dma_wait3A_48, %dma_wait3A_49] : memref<200x128xf32, #tpu.memory_space<vmem>> -> memref<100x128xf32, #tpu.memory_space<vmem>>
        %dma_wait3A_51 = arith.constant 0 : i32
        %dma_wait3A_52 = tpu.memref_slice %arg6[%add3A_34, %dma_wait3A_51] : memref<50x100xi32, #tpu.memory_space<vmem>> -> memref<1x100xi32, #tpu.memory_space<vmem>>
        %dma_wait3A_53 = tpu.memref_squeeze %dma_wait3A_52 : memref<1x100xi32, #tpu.memory_space<vmem>> -> memref<100xi32, #tpu.memory_space<vmem>>
        %dma_wait3A_54 = arith.constant 0 : i32
        %dma_wait3A_55 = arith.constant 0 : i32
        %dma_wait3A_56 = tpu.memref_slice %arg8[%dma_wait3A_54, %dma_wait3A_55] : memref<10000x128xf32, #tpu.memory_space<vmem_shared>> -> memref<10000x128xf32, #tpu.memory_space<vmem_shared>>
        tpu.wait_indirect_dma semaphore(%run_scoped3A : memref<!tpu.dma_semaphore, #tpu.memory_space<semaphore_mem>>) src(%dma_wait3A_50 : memref<100x128xf32, #tpu.memory_space<vmem>>) dst(%dma_wait3A_56 : memref<10000x128xf32, #tpu.memory_space<vmem_shared>>)
        tpu.yield
      }) : () -> ()
      %mul3A_35 = arith.constant 2 : i32
      %mul3A_36 = arith.muli %scan3A_21, %mul3A_35 : i32
      %add3A_37 = arith.constant 1 : i32
      %add3A_38 = arith.addi %mul3A_36, %add3A_37 : i32
      "tpu.region"() ({
        %run_scoped3A = tpu.sem_alloc : memref<!tpu.dma_semaphore, #tpu.memory_space<semaphore_mem>>
        %dma_start3A_39 = arith.constant 100 : i32
        %dma_start3A_40 = arith.constant 0 : i32
        %dma_start3A_41 = tpu.memref_slice %arg7[%dma_start3A_39, %dma_start3A_40] : memref<200x128xf32, #tpu.memory_space<vmem>> -> memref<100x128xf32, #tpu.memory_space<vmem>>
        %dma_start3A_42 = arith.constant 0 : i32
        %dma_start3A_43 = tpu.memref_slice %arg6[%add3A_38, %dma_start3A_42] : memref<50x100xi32, #tpu.memory_space<vmem>> -> memref<1x100xi32, #tpu.memory_space<vmem>>
        %dma_start3A_44 = tpu.memref_squeeze %dma_start3A_43 : memref<1x100xi32, #tpu.memory_space<vmem>> -> memref<100xi32, #tpu.memory_space<vmem>>
        %dma_start3A_45 = arith.constant 0 : i32
        %dma_start3A_46 = arith.constant 0 : i32
        %dma_start3A_47 = tpu.memref_slice %arg8[%dma_start3A_45, %dma_start3A_46] : memref<10000x128xf32, #tpu.memory_space<vmem_shared>> -> memref<10000x128xf32, #tpu.memory_space<vmem_shared>>
        tpu.enqueue_indirect_dma source(%dma_start3A_41 : memref<100x128xf32, #tpu.memory_space<vmem>>) target(%dma_start3A_47 : memref<10000x128xf32, #tpu.memory_space<vmem_shared>>) offsets(%dma_start3A_44 : memref<100xi32, #tpu.memory_space<vmem>>) semaphore(%run_scoped3A : memref<!tpu.dma_semaphore, #tpu.memory_space<semaphore_mem>>) {add = true}
        %dma_wait3A_48 = arith.constant 100 : i32
        %dma_wait3A_49 = arith.constant 0 : i32
        %dma_wait3A_50 = tpu.memref_slice %arg7[%dma_wait3A_48, %dma_wait3A_49] : memref<200x128xf32, #tpu.memory_space<vmem>> -> memref<100x128xf32, #tpu.memory_space<vmem>>
        %dma_wait3A_51 = arith.constant 0 : i32
        %dma_wait3A_52 = tpu.memref_slice %arg6[%add3A_38, %dma_wait3A_51] : memref<50x100xi32, #tpu.memory_space<vmem>> -> memref<1x100xi32, #tpu.memory_space<vmem>>
        %dma_wait3A_53 = tpu.memref_squeeze %dma_wait3A_52 : memref<1x100xi32, #tpu.memory_space<vmem>> -> memref<100xi32, #tpu.memory_space<vmem>>
        %dma_wait3A_54 = arith.constant 0 : i32
        %dma_wait3A_55 = arith.constant 0 : i32
        %dma_wait3A_56 = tpu.memref_slice %arg8[%dma_wait3A_54, %dma_wait3A_55] : memref<10000x128xf32, #tpu.memory_space<vmem_shared>> -> memref<10000x128xf32, #tpu.memory_space<vmem_shared>>
        tpu.wait_indirect_dma semaphore(%run_scoped3A : memref<!tpu.dma_semaphore, #tpu.memory_space<semaphore_mem>>) src(%dma_wait3A_50 : memref<100x128xf32, #tpu.memory_space<vmem>>) dst(%dma_wait3A_56 : memref<10000x128xf32, #tpu.memory_space<vmem_shared>>)
        tpu.yield
      }) : () -> ()
    }
    %scan3A_11 = arith.constant 25 : i32
    %barrier3A_12 = arith.constant 0 : index
    tpu.barrier barrier_id(%barrier3A_12)
    %mul3A_13 = arith.constant 10000 : i32
    %mul3A_14 = arith.muli %arg0, %mul3A_13 : i32
    %add3A_15 = arith.addi %mul3A_14, %mul3A_2 : i32
    "tpu.region"() ({
      %run_scoped3A = tpu.sem_alloc : memref<!tpu.dma_semaphore, #tpu.memory_space<semaphore_mem>>
      %dma_start3A = arith.constant 0 : i32
      %dma_start3A_21 = tpu.memref_slice %arg5[%add3A_15, %dma_start3A] : memref<20000x128xf32, #tpu.memory_space<hbm>> -> memref<624x128xf32, #tpu.memory_space<hbm>>
      %dma_start3A_22 = arith.constant 0 : i32
      %dma_start3A_23 = tpu.memref_slice %arg8[%mul3A_2, %dma_start3A_22] : memref<10000x128xf32, #tpu.memory_space<vmem_shared>> -> memref<624x128xf32, #tpu.memory_space<vmem_shared>>
      tpu.enqueue_dma source(%dma_start3A_23 : memref<624x128xf32, #tpu.memory_space<vmem_shared>>) target(%dma_start3A_21 : memref<624x128xf32, #tpu.memory_space<hbm>>) target_semaphore(%run_scoped3A : memref<!tpu.dma_semaphore, #tpu.memory_space<semaphore_mem>>)
      %dma_wait3A = arith.constant 0 : i32
      %dma_wait3A_24 = tpu.memref_slice %arg5[%add3A_15, %dma_wait3A] : memref<20000x128xf32, #tpu.memory_space<hbm>> -> memref<624x128xf32, #tpu.memory_space<hbm>>
      %dma_wait3A_25 = arith.constant 0 : i32
      %dma_wait3A_26 = tpu.memref_slice %arg8[%mul3A_2, %dma_wait3A_25] : memref<10000x128xf32, #tpu.memory_space<vmem_shared>> -> memref<624x128xf32, #tpu.memory_space<vmem_shared>>
      tpu.wait_dma2 semaphore(%run_scoped3A : memref<!tpu.dma_semaphore, #tpu.memory_space<semaphore_mem>>) src(%dma_wait3A_26 : memref<624x128xf32, #tpu.memory_space<vmem_shared>>) dst(%dma_wait3A_24 : memref<624x128xf32, #tpu.memory_space<hbm>>)
      tpu.yield
    }) : () -> ()
    %eq3A_16 = arith.constant 15 : i32
    %eq3A_17 = arith.cmpi eq, %arg1, %eq3A_16 : i32
    %convert_element_type3A_18 = arith.extui %eq3A_17 : i1 to i32
    %cond3A_19 = arith.constant 0 : i32
    %cond3A_20 = arith.cmpi ne, %convert_element_type3A_18, %cond3A_19 : i32
    scf.if %cond3A_20 {
      %mul3A_21 = arith.constant 10000 : i32
      %mul3A_22 = arith.muli %arg0, %mul3A_21 : i32
      %add3A_23 = arith.constant 9984 : i32
      %add3A_24 = arith.addi %mul3A_22, %add3A_23 : i32
      "tpu.region"() ({
        %run_scoped3A = tpu.sem_alloc : memref<!tpu.dma_semaphore, #tpu.memory_space<semaphore_mem>>
        %dma_start3A = arith.constant 0 : i32
        %dma_start3A_25 = tpu.memref_slice %arg5[%add3A_24, %dma_start3A] : memref<20000x128xf32, #tpu.memory_space<hbm>> -> memref<16x128xf32, #tpu.memory_space<hbm>>
        %dma_start3A_26 = arith.constant 9984 : i32
        %dma_start3A_27 = arith.constant 0 : i32
        %dma_start3A_28 = tpu.memref_slice %arg8[%dma_start3A_26, %dma_start3A_27] : memref<10000x128xf32, #tpu.memory_space<vmem_shared>> -> memref<16x128xf32, #tpu.memory_space<vmem_shared>>
        tpu.enqueue_dma source(%dma_start3A_28 : memref<16x128xf32, #tpu.memory_space<vmem_shared>>) target(%dma_start3A_25 : memref<16x128xf32, #tpu.memory_space<hbm>>) target_semaphore(%run_scoped3A : memref<!tpu.dma_semaphore, #tpu.memory_space<semaphore_mem>>)
        %dma_wait3A = arith.constant 0 : i32
        %dma_wait3A_29 = tpu.memref_slice %arg5[%add3A_24, %dma_wait3A] : memref<20000x128xf32, #tpu.memory_space<hbm>> -> memref<16x128xf32, #tpu.memory_space<hbm>>
        %dma_wait3A_30 = arith.constant 9984 : i32
        %dma_wait3A_31 = arith.constant 0 : i32
        %dma_wait3A_32 = tpu.memref_slice %arg8[%dma_wait3A_30, %dma_wait3A_31] : memref<10000x128xf32, #tpu.memory_space<vmem_shared>> -> memref<16x128xf32, #tpu.memory_space<vmem_shared>>
        tpu.wait_dma2 semaphore(%run_scoped3A : memref<!tpu.dma_semaphore, #tpu.memory_space<semaphore_mem>>) src(%dma_wait3A_32 : memref<16x128xf32, #tpu.memory_space<vmem_shared>>) dst(%dma_wait3A_29 : memref<16x128xf32, #tpu.memory_space<hbm>>)
        tpu.yield
      }) : () -> ()
    } else {
    }
    return
  }
}

#map = affine_map<(d0, d1) -> (0, 0)>
#map1 = affine_map<(d0, d1) -> (0, 0, 0)>
module attributes {stable_mosaic.version = 14 : i64} {
  func.func @_scatter_k(%arg0: i32, %arg1: i32, %arg2: memref<163840x128xf32, #tpu.memory_space<hbm>>, %arg3: memref<32x50x100xi32, #tpu.memory_space<hbm>>, %arg4: memref<10000x128xf32, #tpu.memory_space<hbm>>, %arg5: memref<20000x128xf32, #tpu.memory_space<hbm>>, %arg6: memref<50x100xi32, #tpu.memory_space<vmem>>, %arg7: memref<200x128xf32, #tpu.memory_space<vmem>>, %arg8: memref<10000x128xf32, #tpu.memory_space<vmem_shared>>, %arg9: memref<!tpu.dma_semaphore, #tpu.memory_space<semaphore_mem>>) attributes {dimension_semantics = [#tpu.dimension_semantics<core_parallel>, #tpu.dimension_semantics<subcore_parallel>], iteration_bounds = array<i64: 2, 16>, scalar_prefetch = 0 : i64, scratch_operands = 4 : i64, tpu.core_type = #tpu.core_type<sc_vector_subcore>, window_params = [{transform_indices = #map}, {transform_indices = #map1}, {transform_indices = #map}, {transform_indices = #map}]} {
    %mul3A = arith.constant 2 : i32
    %mul3A_0 = arith.muli %arg1, %mul3A : i32
    %add3A = arith.addi %mul3A_0, %arg0 : i32
    %mul3A_1 = arith.constant 624 : i32
    %mul3A_2 = arith.muli %arg1, %mul3A_1 : i32
    "tpu.region"() ({
      %run_scoped3A = tpu.sem_alloc : memref<!tpu.dma_semaphore, #tpu.memory_space<semaphore_mem>>
      %dma_start3A = arith.constant 0 : i32
      %dma_start3A_21 = tpu.memref_slice %arg8[%mul3A_2, %dma_start3A] : memref<10000x128xf32, #tpu.memory_space<vmem_shared>> -> memref<624x128xf32, #tpu.memory_space<vmem_shared>>
      %dma_start3A_22 = arith.constant 0 : i32
      %dma_start3A_23 = tpu.memref_slice %arg4[%mul3A_2, %dma_start3A_22] : memref<10000x128xf32, #tpu.memory_space<hbm>> -> memref<624x128xf32, #tpu.memory_space<hbm>>
      tpu.enqueue_dma source(%dma_start3A_23 : memref<624x128xf32, #tpu.memory_space<hbm>>) target(%dma_start3A_21 : memref<624x128xf32, #tpu.memory_space<vmem_shared>>) target_semaphore(%run_scoped3A : memref<!tpu.dma_semaphore, #tpu.memory_space<semaphore_mem>>)
      %dma_wait3A = arith.constant 0 : i32
      %dma_wait3A_24 = tpu.memref_slice %arg8[%mul3A_2, %dma_wait3A] : memref<10000x128xf32, #tpu.memory_space<vmem_shared>> -> memref<624x128xf32, #tpu.memory_space<vmem_shared>>
      %dma_wait3A_25 = arith.constant 0 : i32
      %dma_wait3A_26 = tpu.memref_slice %arg4[%mul3A_2, %dma_wait3A_25] : memref<10000x128xf32, #tpu.memory_space<hbm>> -> memref<624x128xf32, #tpu.memory_space<hbm>>
      tpu.wait_dma2 semaphore(%run_scoped3A : memref<!tpu.dma_semaphore, #tpu.memory_space<semaphore_mem>>) src(%dma_wait3A_26 : memref<624x128xf32, #tpu.memory_space<hbm>>) dst(%dma_wait3A_24 : memref<624x128xf32, #tpu.memory_space<vmem_shared>>)
      tpu.yield
    }) : () -> ()
    %eq3A = arith.constant 15 : i32
    %eq3A_3 = arith.cmpi eq, %arg1, %eq3A : i32
    %convert_element_type3A = arith.extui %eq3A_3 : i1 to i32
    %cond3A = arith.constant 0 : i32
    %cond3A_4 = arith.cmpi ne, %convert_element_type3A, %cond3A : i32
    scf.if %cond3A_4 {
      "tpu.region"() ({
        %run_scoped3A = tpu.sem_alloc : memref<!tpu.dma_semaphore, #tpu.memory_space<semaphore_mem>>
        %dma_start3A = arith.constant 9984 : i32
        %dma_start3A_21 = arith.constant 0 : i32
        %dma_start3A_22 = tpu.memref_slice %arg8[%dma_start3A, %dma_start3A_21] : memref<10000x128xf32, #tpu.memory_space<vmem_shared>> -> memref<16x128xf32, #tpu.memory_space<vmem_shared>>
        %dma_start3A_23 = arith.constant 9984 : i32
        %dma_start3A_24 = arith.constant 0 : i32
        %dma_start3A_25 = tpu.memref_slice %arg4[%dma_start3A_23, %dma_start3A_24] : memref<10000x128xf32, #tpu.memory_space<hbm>> -> memref<16x128xf32, #tpu.memory_space<hbm>>
        tpu.enqueue_dma source(%dma_start3A_25 : memref<16x128xf32, #tpu.memory_space<hbm>>) target(%dma_start3A_22 : memref<16x128xf32, #tpu.memory_space<vmem_shared>>) target_semaphore(%run_scoped3A : memref<!tpu.dma_semaphore, #tpu.memory_space<semaphore_mem>>)
        %dma_wait3A = arith.constant 9984 : i32
        %dma_wait3A_26 = arith.constant 0 : i32
        %dma_wait3A_27 = tpu.memref_slice %arg8[%dma_wait3A, %dma_wait3A_26] : memref<10000x128xf32, #tpu.memory_space<vmem_shared>> -> memref<16x128xf32, #tpu.memory_space<vmem_shared>>
        %dma_wait3A_28 = arith.constant 9984 : i32
        %dma_wait3A_29 = arith.constant 0 : i32
        %dma_wait3A_30 = tpu.memref_slice %arg4[%dma_wait3A_28, %dma_wait3A_29] : memref<10000x128xf32, #tpu.memory_space<hbm>> -> memref<16x128xf32, #tpu.memory_space<hbm>>
        tpu.wait_dma2 semaphore(%run_scoped3A : memref<!tpu.dma_semaphore, #tpu.memory_space<semaphore_mem>>) src(%dma_wait3A_30 : memref<16x128xf32, #tpu.memory_space<hbm>>) dst(%dma_wait3A_27 : memref<16x128xf32, #tpu.memory_space<vmem_shared>>)
        tpu.yield
      }) : () -> ()
    } else {
    }
    "tpu.region"() ({
      %run_scoped3A = tpu.sem_alloc : memref<!tpu.dma_semaphore, #tpu.memory_space<semaphore_mem>>
      %dma_start3A = arith.constant 0 : i32
      %dma_start3A_21 = arith.constant 0 : i32
      %dma_start3A_22 = tpu.memref_slice %arg3[%add3A, %dma_start3A, %dma_start3A_21] : memref<32x50x100xi32, #tpu.memory_space<hbm>> -> memref<1x50x100xi32, #tpu.memory_space<hbm>>
      %dma_start3A_23 = tpu.memref_squeeze %dma_start3A_22 : memref<1x50x100xi32, #tpu.memory_space<hbm>> -> memref<50x100xi32, #tpu.memory_space<hbm>>
      %dma_start3A_24 = arith.constant 0 : i32
      %dma_start3A_25 = arith.constant 0 : i32
      %dma_start3A_26 = tpu.memref_slice %arg3[%add3A, %dma_start3A_24, %dma_start3A_25] : memref<32x50x100xi32, #tpu.memory_space<hbm>> -> memref<1x50x100xi32, #tpu.memory_space<hbm>>
      %dma_start3A_27 = tpu.memref_squeeze %dma_start3A_26 : memref<1x50x100xi32, #tpu.memory_space<hbm>> -> memref<50x100xi32, #tpu.memory_space<hbm>>
      tpu.enqueue_dma source(%dma_start3A_27 : memref<50x100xi32, #tpu.memory_space<hbm>>) target(%arg6 : memref<50x100xi32, #tpu.memory_space<vmem>>) target_semaphore(%run_scoped3A : memref<!tpu.dma_semaphore, #tpu.memory_space<semaphore_mem>>)
      %dma_wait3A = arith.constant 0 : i32
      %dma_wait3A_28 = arith.constant 0 : i32
      %dma_wait3A_29 = tpu.memref_slice %arg3[%add3A, %dma_wait3A, %dma_wait3A_28] : memref<32x50x100xi32, #tpu.memory_space<hbm>> -> memref<1x50x100xi32, #tpu.memory_space<hbm>>
      %dma_wait3A_30 = tpu.memref_squeeze %dma_wait3A_29 : memref<1x50x100xi32, #tpu.memory_space<hbm>> -> memref<50x100xi32, #tpu.memory_space<hbm>>
      %dma_wait3A_31 = arith.constant 0 : i32
      %dma_wait3A_32 = arith.constant 0 : i32
      %dma_wait3A_33 = tpu.memref_slice %arg3[%add3A, %dma_wait3A_31, %dma_wait3A_32] : memref<32x50x100xi32, #tpu.memory_space<hbm>> -> memref<1x50x100xi32, #tpu.memory_space<hbm>>
      %dma_wait3A_34 = tpu.memref_squeeze %dma_wait3A_33 : memref<1x50x100xi32, #tpu.memory_space<hbm>> -> memref<50x100xi32, #tpu.memory_space<hbm>>
      tpu.wait_dma2 semaphore(%run_scoped3A : memref<!tpu.dma_semaphore, #tpu.memory_space<semaphore_mem>>) src(%dma_wait3A_34 : memref<50x100xi32, #tpu.memory_space<hbm>>) dst(%arg6 : memref<50x100xi32, #tpu.memory_space<vmem>>)
      tpu.yield
    }) : () -> ()
    %barrier3A = arith.constant 0 : index
    tpu.barrier barrier_id(%barrier3A)
    %mul3A_5 = arith.constant 5000 : i32
    %mul3A_6 = arith.muli %add3A, %mul3A_5 : i32
    %scan3A = arith.constant 0 : i32
    %scan3A_7 = arith.constant 0 : i32
    %scan3A_8 = arith.constant 25 : i32
    %scan3A_9 = arith.addi %scan3A_7, %scan3A_8 : i32
    %scan3A_10 = arith.constant 1 : i32
    scf.for %scan3A_21 = %scan3A_7 to %scan3A_9 step %scan3A_10  : i32 {
      %mul3A_22 = arith.constant 200 : i32
      %mul3A_23 = arith.muli %scan3A_21, %mul3A_22 : i32
      %add3A_24 = arith.addi %mul3A_6, %mul3A_23 : i32
      %dma_start3A = arith.constant 0 : i32
      %dma_start3A_25 = tpu.memref_slice %arg2[%add3A_24, %dma_start3A] : memref<163840x128xf32, #tpu.memory_space<hbm>> -> memref<200x128xf32, #tpu.memory_space<hbm>>
      %dma_start3A_26 = arith.constant 0 : i32
      %dma_start3A_27 = tpu.memref_slice %arg2[%add3A_24, %dma_start3A_26] : memref<163840x128xf32, #tpu.memory_space<hbm>> -> memref<200x128xf32, #tpu.memory_space<hbm>>
      tpu.enqueue_dma source(%dma_start3A_27 : memref<200x128xf32, #tpu.memory_space<hbm>>) target(%arg7 : memref<200x128xf32, #tpu.memory_space<vmem>>) target_semaphore(%arg9 : memref<!tpu.dma_semaphore, #tpu.memory_space<semaphore_mem>>)
      %dma_wait3A = arith.constant 0 : i32
      %dma_wait3A_28 = tpu.memref_slice %arg2[%add3A_24, %dma_wait3A] : memref<163840x128xf32, #tpu.memory_space<hbm>> -> memref<200x128xf32, #tpu.memory_space<hbm>>
      %dma_wait3A_29 = arith.constant 0 : i32
      %dma_wait3A_30 = tpu.memref_slice %arg2[%add3A_24, %dma_wait3A_29] : memref<163840x128xf32, #tpu.memory_space<hbm>> -> memref<200x128xf32, #tpu.memory_space<hbm>>
      tpu.wait_dma2 semaphore(%arg9 : memref<!tpu.dma_semaphore, #tpu.memory_space<semaphore_mem>>) src(%dma_wait3A_30 : memref<200x128xf32, #tpu.memory_space<hbm>>) dst(%arg7 : memref<200x128xf32, #tpu.memory_space<vmem>>)
      %mul3A_31 = arith.constant 2 : i32
      %mul3A_32 = arith.muli %scan3A_21, %mul3A_31 : i32
      %add3A_33 = arith.constant 0 : i32
      %add3A_34 = arith.addi %mul3A_32, %add3A_33 : i32
      "tpu.region"() ({
        %run_scoped3A = tpu.sem_alloc : memref<!tpu.dma_semaphore, #tpu.memory_space<semaphore_mem>>
        %dma_start3A_39 = arith.constant 0 : i32
        %dma_start3A_40 = arith.constant 0 : i32
        %dma_start3A_41 = tpu.memref_slice %arg7[%dma_start3A_39, %dma_start3A_40] : memref<200x128xf32, #tpu.memory_space<vmem>> -> memref<100x128xf32, #tpu.memory_space<vmem>>
        %dma_start3A_42 = arith.constant 0 : i32
        %dma_start3A_43 = tpu.memref_slice %arg6[%add3A_34, %dma_start3A_42] : memref<50x100xi32, #tpu.memory_space<vmem>> -> memref<1x100xi32, #tpu.memory_space<vmem>>
        %dma_start3A_44 = tpu.memref_squeeze %dma_start3A_43 : memref<1x100xi32, #tpu.memory_space<vmem>> -> memref<100xi32, #tpu.memory_space<vmem>>
        %dma_start3A_45 = arith.constant 0 : i32
        %dma_start3A_46 = arith.constant 0 : i32
        %dma_start3A_47 = tpu.memref_slice %arg8[%dma_start3A_45, %dma_start3A_46] : memref<10000x128xf32, #tpu.memory_space<vmem_shared>> -> memref<10000x128xf32, #tpu.memory_space<vmem_shared>>
        tpu.enqueue_indirect_dma source(%dma_start3A_41 : memref<100x128xf32, #tpu.memory_space<vmem>>) target(%dma_start3A_47 : memref<10000x128xf32, #tpu.memory_space<vmem_shared>>) offsets(%dma_start3A_44 : memref<100xi32, #tpu.memory_space<vmem>>) semaphore(%run_scoped3A : memref<!tpu.dma_semaphore, #tpu.memory_space<semaphore_mem>>) {add = true}
        %dma_wait3A_48 = arith.constant 0 : i32
        %dma_wait3A_49 = arith.constant 0 : i32
        %dma_wait3A_50 = tpu.memref_slice %arg7[%dma_wait3A_48, %dma_wait3A_49] : memref<200x128xf32, #tpu.memory_space<vmem>> -> memref<100x128xf32, #tpu.memory_space<vmem>>
        %dma_wait3A_51 = arith.constant 0 : i32
        %dma_wait3A_52 = tpu.memref_slice %arg6[%add3A_34, %dma_wait3A_51] : memref<50x100xi32, #tpu.memory_space<vmem>> -> memref<1x100xi32, #tpu.memory_space<vmem>>
        %dma_wait3A_53 = tpu.memref_squeeze %dma_wait3A_52 : memref<1x100xi32, #tpu.memory_space<vmem>> -> memref<100xi32, #tpu.memory_space<vmem>>
        %dma_wait3A_54 = arith.constant 0 : i32
        %dma_wait3A_55 = arith.constant 0 : i32
        %dma_wait3A_56 = tpu.memref_slice %arg8[%dma_wait3A_54, %dma_wait3A_55] : memref<10000x128xf32, #tpu.memory_space<vmem_shared>> -> memref<10000x128xf32, #tpu.memory_space<vmem_shared>>
        tpu.wait_indirect_dma semaphore(%run_scoped3A : memref<!tpu.dma_semaphore, #tpu.memory_space<semaphore_mem>>) src(%dma_wait3A_50 : memref<100x128xf32, #tpu.memory_space<vmem>>) dst(%dma_wait3A_56 : memref<10000x128xf32, #tpu.memory_space<vmem_shared>>)
        tpu.yield
      }) : () -> ()
      %mul3A_35 = arith.constant 2 : i32
      %mul3A_36 = arith.muli %scan3A_21, %mul3A_35 : i32
      %add3A_37 = arith.constant 1 : i32
      %add3A_38 = arith.addi %mul3A_36, %add3A_37 : i32
      "tpu.region"() ({
        %run_scoped3A = tpu.sem_alloc : memref<!tpu.dma_semaphore, #tpu.memory_space<semaphore_mem>>
        %dma_start3A_39 = arith.constant 100 : i32
        %dma_start3A_40 = arith.constant 0 : i32
        %dma_start3A_41 = tpu.memref_slice %arg7[%dma_start3A_39, %dma_start3A_40] : memref<200x128xf32, #tpu.memory_space<vmem>> -> memref<100x128xf32, #tpu.memory_space<vmem>>
        %dma_start3A_42 = arith.constant 0 : i32
        %dma_start3A_43 = tpu.memref_slice %arg6[%add3A_38, %dma_start3A_42] : memref<50x100xi32, #tpu.memory_space<vmem>> -> memref<1x100xi32, #tpu.memory_space<vmem>>
        %dma_start3A_44 = tpu.memref_squeeze %dma_start3A_43 : memref<1x100xi32, #tpu.memory_space<vmem>> -> memref<100xi32, #tpu.memory_space<vmem>>
        %dma_start3A_45 = arith.constant 0 : i32
        %dma_start3A_46 = arith.constant 0 : i32
        %dma_start3A_47 = tpu.memref_slice %arg8[%dma_start3A_45, %dma_start3A_46] : memref<10000x128xf32, #tpu.memory_space<vmem_shared>> -> memref<10000x128xf32, #tpu.memory_space<vmem_shared>>
        tpu.enqueue_indirect_dma source(%dma_start3A_41 : memref<100x128xf32, #tpu.memory_space<vmem>>) target(%dma_start3A_47 : memref<10000x128xf32, #tpu.memory_space<vmem_shared>>) offsets(%dma_start3A_44 : memref<100xi32, #tpu.memory_space<vmem>>) semaphore(%run_scoped3A : memref<!tpu.dma_semaphore, #tpu.memory_space<semaphore_mem>>) {add = true}
        %dma_wait3A_48 = arith.constant 100 : i32
        %dma_wait3A_49 = arith.constant 0 : i32
        %dma_wait3A_50 = tpu.memref_slice %arg7[%dma_wait3A_48, %dma_wait3A_49] : memref<200x128xf32, #tpu.memory_space<vmem>> -> memref<100x128xf32, #tpu.memory_space<vmem>>
        %dma_wait3A_51 = arith.constant 0 : i32
        %dma_wait3A_52 = tpu.memref_slice %arg6[%add3A_38, %dma_wait3A_51] : memref<50x100xi32, #tpu.memory_space<vmem>> -> memref<1x100xi32, #tpu.memory_space<vmem>>
        %dma_wait3A_53 = tpu.memref_squeeze %dma_wait3A_52 : memref<1x100xi32, #tpu.memory_space<vmem>> -> memref<100xi32, #tpu.memory_space<vmem>>
        %dma_wait3A_54 = arith.constant 0 : i32
        %dma_wait3A_55 = arith.constant 0 : i32
        %dma_wait3A_56 = tpu.memref_slice %arg8[%dma_wait3A_54, %dma_wait3A_55] : memref<10000x128xf32, #tpu.memory_space<vmem_shared>> -> memref<10000x128xf32, #tpu.memory_space<vmem_shared>>
        tpu.wait_indirect_dma semaphore(%run_scoped3A : memref<!tpu.dma_semaphore, #tpu.memory_space<semaphore_mem>>) src(%dma_wait3A_50 : memref<100x128xf32, #tpu.memory_space<vmem>>) dst(%dma_wait3A_56 : memref<10000x128xf32, #tpu.memory_space<vmem_shared>>)
        tpu.yield
      }) : () -> ()
    }
    %scan3A_11 = arith.constant 25 : i32
    %barrier3A_12 = arith.constant 0 : index
    tpu.barrier barrier_id(%barrier3A_12)
    %mul3A_13 = arith.constant 10000 : i32
    %mul3A_14 = arith.muli %arg0, %mul3A_13 : i32
    %add3A_15 = arith.addi %mul3A_14, %mul3A_2 : i32
    "tpu.region"() ({
      %run_scoped3A = tpu.sem_alloc : memref<!tpu.dma_semaphore, #tpu.memory_space<semaphore_mem>>
      %dma_start3A = arith.constant 0 : i32
      %dma_start3A_21 = tpu.memref_slice %arg5[%add3A_15, %dma_start3A] : memref<20000x128xf32, #tpu.memory_space<hbm>> -> memref<624x128xf32, #tpu.memory_space<hbm>>
      %dma_start3A_22 = arith.constant 0 : i32
      %dma_start3A_23 = tpu.memref_slice %arg8[%mul3A_2, %dma_start3A_22] : memref<10000x128xf32, #tpu.memory_space<vmem_shared>> -> memref<624x128xf32, #tpu.memory_space<vmem_shared>>
      tpu.enqueue_dma source(%dma_start3A_23 : memref<624x128xf32, #tpu.memory_space<vmem_shared>>) target(%dma_start3A_21 : memref<624x128xf32, #tpu.memory_space<hbm>>) target_semaphore(%run_scoped3A : memref<!tpu.dma_semaphore, #tpu.memory_space<semaphore_mem>>)
      %dma_wait3A = arith.constant 0 : i32
      %dma_wait3A_24 = tpu.memref_slice %arg5[%add3A_15, %dma_wait3A] : memref<20000x128xf32, #tpu.memory_space<hbm>> -> memref<624x128xf32, #tpu.memory_space<hbm>>
      %dma_wait3A_25 = arith.constant 0 : i32
      %dma_wait3A_26 = tpu.memref_slice %arg8[%mul3A_2, %dma_wait3A_25] : memref<10000x128xf32, #tpu.memory_space<vmem_shared>> -> memref<624x128xf32, #tpu.memory_space<vmem_shared>>
      tpu.wait_dma2 semaphore(%run_scoped3A : memref<!tpu.dma_semaphore, #tpu.memory_space<semaphore_mem>>) src(%dma_wait3A_26 : memref<624x128xf32, #tpu.memory_space<vmem_shared>>) dst(%dma_wait3A_24 : memref<624x128xf32, #tpu.memory_space<hbm>>)
      tpu.yield
    }) : () -> ()
    %eq3A_16 = arith.constant 15 : i32
    %eq3A_17 = arith.cmpi eq, %arg1, %eq3A_16 : i32
    %convert_element_type3A_18 = arith.extui %eq3A_17 : i1 to i32
    %cond3A_19 = arith.constant 0 : i32
    %cond3A_20 = arith.cmpi ne, %convert_element_type3A_18, %cond3A_19 : i32
    scf.if %cond3A_20 {
      %mul3A_21 = arith.constant 10000 : i32
      %mul3A_22 = arith.muli %arg0, %mul3A_21 : i32
      %add3A_23 = arith.constant 9984 : i32
      %add3A_24 = arith.addi %mul3A_22, %add3A_23 : i32
      "tpu.region"() ({
        %run_scoped3A = tpu.sem_alloc : memref<!tpu.dma_semaphore, #tpu.memory_space<semaphore_mem>>
        %dma_start3A = arith.constant 0 : i32
        %dma_start3A_25 = tpu.memref_slice %arg5[%add3A_24, %dma_start3A] : memref<20000x128xf32, #tpu.memory_space<hbm>> -> memref<16x128xf32, #tpu.memory_space<hbm>>
        %dma_start3A_26 = arith.constant 9984 : i32
        %dma_start3A_27 = arith.constant 0 : i32
        %dma_start3A_28 = tpu.memref_slice %arg8[%dma_start3A_26, %dma_start3A_27] : memref<10000x128xf32, #tpu.memory_space<vmem_shared>> -> memref<16x128xf32, #tpu.memory_space<vmem_shared>>
        tpu.enqueue_dma source(%dma_start3A_28 : memref<16x128xf32, #tpu.memory_space<vmem_shared>>) target(%dma_start3A_25 : memref<16x128xf32, #tpu.memory_space<hbm>>) target_semaphore(%run_scoped3A : memref<!tpu.dma_semaphore, #tpu.memory_space<semaphore_mem>>)
        %dma_wait3A = arith.constant 0 : i32
        %dma_wait3A_29 = tpu.memref_slice %arg5[%add3A_24, %dma_wait3A] : memref<20000x128xf32, #tpu.memory_space<hbm>> -> memref<16x128xf32, #tpu.memory_space<hbm>>
        %dma_wait3A_30 = arith.constant 9984 : i32
        %dma_wait3A_31 = arith.constant 0 : i32
        %dma_wait3A_32 = tpu.memref_slice %arg8[%dma_wait3A_30, %dma_wait3A_31] : memref<10000x128xf32, #tpu.memory_space<vmem_shared>> -> memref<16x128xf32, #tpu.memory_space<vmem_shared>>
        tpu.wait_dma2 semaphore(%run_scoped3A : memref<!tpu.dma_semaphore, #tpu.memory_space<semaphore_mem>>) src(%dma_wait3A_32 : memref<16x128xf32, #tpu.memory_space<vmem_shared>>) dst(%dma_wait3A_29 : memref<16x128xf32, #tpu.memory_space<hbm>>)
        tpu.yield
      }) : () -> ()
    } else {
    }
    return
  }
}

#map = affine_map<(d0, d1) -> (0, 0)>
#map1 = affine_map<(d0, d1) -> (0, 0, 0)>
module attributes {stable_mosaic.version = 14 : i64} {
  func.func @_final_k(%arg0: i32, %arg1: i32, %arg2: memref<10000x2xf32, #tpu.memory_space<hbm>>, %arg3: memref<32x625x16xi32, #tpu.memory_space<hbm>>, %arg4: memref<32x625x16xi32, #tpu.memory_space<hbm>>, %arg5: memref<32x625x16xf32, #tpu.memory_space<hbm>>, %arg6: memref<10000x2xf32, #tpu.memory_space<vmem>>, %arg7: memref<625x16xi32, #tpu.memory_space<vmem>>, %arg8: memref<625x16xi32, #tpu.memory_space<vmem>>, %arg9: memref<625x16xf32, #tpu.memory_space<vmem>>) attributes {dimension_semantics = [#tpu.dimension_semantics<core_parallel>, #tpu.dimension_semantics<subcore_parallel>], iteration_bounds = array<i64: 2, 16>, scalar_prefetch = 0 : i64, scratch_operands = 4 : i64, tpu.core_type = #tpu.core_type<sc_vector_subcore>, window_params = [{transform_indices = #map}, {transform_indices = #map1}, {transform_indices = #map1}, {transform_indices = #map1}]} {
    %mul3A = arith.constant 2 : i32
    %mul3A_0 = arith.muli %arg1, %mul3A : i32
    %add3A = arith.addi %mul3A_0, %arg0 : i32
    "tpu.region"() ({
      %run_scoped3A = tpu.sem_alloc : memref<!tpu.dma_semaphore, #tpu.memory_space<semaphore_mem>>
      tpu.enqueue_dma source(%arg2 : memref<10000x2xf32, #tpu.memory_space<hbm>>) target(%arg6 : memref<10000x2xf32, #tpu.memory_space<vmem>>) target_semaphore(%run_scoped3A : memref<!tpu.dma_semaphore, #tpu.memory_space<semaphore_mem>>)
      tpu.wait_dma2 semaphore(%run_scoped3A : memref<!tpu.dma_semaphore, #tpu.memory_space<semaphore_mem>>) src(%arg2 : memref<10000x2xf32, #tpu.memory_space<hbm>>) dst(%arg6 : memref<10000x2xf32, #tpu.memory_space<vmem>>)
      tpu.yield
    }) : () -> ()
    "tpu.region"() ({
      %run_scoped3A = tpu.sem_alloc : memref<!tpu.dma_semaphore, #tpu.memory_space<semaphore_mem>>
      %dma_start3A = arith.constant 0 : i32
      %dma_start3A_9 = arith.constant 0 : i32
      %dma_start3A_10 = tpu.memref_slice %arg3[%add3A, %dma_start3A, %dma_start3A_9] : memref<32x625x16xi32, #tpu.memory_space<hbm>> -> memref<1x625x16xi32, #tpu.memory_space<hbm>>
      %dma_start3A_11 = tpu.memref_squeeze %dma_start3A_10 : memref<1x625x16xi32, #tpu.memory_space<hbm>> -> memref<625x16xi32, #tpu.memory_space<hbm>>
      %dma_start3A_12 = arith.constant 0 : i32
      %dma_start3A_13 = arith.constant 0 : i32
      %dma_start3A_14 = tpu.memref_slice %arg3[%add3A, %dma_start3A_12, %dma_start3A_13] : memref<32x625x16xi32, #tpu.memory_space<hbm>> -> memref<1x625x16xi32, #tpu.memory_space<hbm>>
      %dma_start3A_15 = tpu.memref_squeeze %dma_start3A_14 : memref<1x625x16xi32, #tpu.memory_space<hbm>> -> memref<625x16xi32, #tpu.memory_space<hbm>>
      tpu.enqueue_dma source(%dma_start3A_15 : memref<625x16xi32, #tpu.memory_space<hbm>>) target(%arg7 : memref<625x16xi32, #tpu.memory_space<vmem>>) target_semaphore(%run_scoped3A : memref<!tpu.dma_semaphore, #tpu.memory_space<semaphore_mem>>)
      %dma_wait3A = arith.constant 0 : i32
      %dma_wait3A_16 = arith.constant 0 : i32
      %dma_wait3A_17 = tpu.memref_slice %arg3[%add3A, %dma_wait3A, %dma_wait3A_16] : memref<32x625x16xi32, #tpu.memory_space<hbm>> -> memref<1x625x16xi32, #tpu.memory_space<hbm>>
      %dma_wait3A_18 = tpu.memref_squeeze %dma_wait3A_17 : memref<1x625x16xi32, #tpu.memory_space<hbm>> -> memref<625x16xi32, #tpu.memory_space<hbm>>
      %dma_wait3A_19 = arith.constant 0 : i32
      %dma_wait3A_20 = arith.constant 0 : i32
      %dma_wait3A_21 = tpu.memref_slice %arg3[%add3A, %dma_wait3A_19, %dma_wait3A_20] : memref<32x625x16xi32, #tpu.memory_space<hbm>> -> memref<1x625x16xi32, #tpu.memory_space<hbm>>
      %dma_wait3A_22 = tpu.memref_squeeze %dma_wait3A_21 : memref<1x625x16xi32, #tpu.memory_space<hbm>> -> memref<625x16xi32, #tpu.memory_space<hbm>>
      tpu.wait_dma2 semaphore(%run_scoped3A : memref<!tpu.dma_semaphore, #tpu.memory_space<semaphore_mem>>) src(%dma_wait3A_22 : memref<625x16xi32, #tpu.memory_space<hbm>>) dst(%arg7 : memref<625x16xi32, #tpu.memory_space<vmem>>)
      tpu.yield
    }) : () -> ()
    "tpu.region"() ({
      %run_scoped3A = tpu.sem_alloc : memref<!tpu.dma_semaphore, #tpu.memory_space<semaphore_mem>>
      %dma_start3A = arith.constant 0 : i32
      %dma_start3A_9 = arith.constant 0 : i32
      %dma_start3A_10 = tpu.memref_slice %arg4[%add3A, %dma_start3A, %dma_start3A_9] : memref<32x625x16xi32, #tpu.memory_space<hbm>> -> memref<1x625x16xi32, #tpu.memory_space<hbm>>
      %dma_start3A_11 = tpu.memref_squeeze %dma_start3A_10 : memref<1x625x16xi32, #tpu.memory_space<hbm>> -> memref<625x16xi32, #tpu.memory_space<hbm>>
      %dma_start3A_12 = arith.constant 0 : i32
      %dma_start3A_13 = arith.constant 0 : i32
      %dma_start3A_14 = tpu.memref_slice %arg4[%add3A, %dma_start3A_12, %dma_start3A_13] : memref<32x625x16xi32, #tpu.memory_space<hbm>> -> memref<1x625x16xi32, #tpu.memory_space<hbm>>
      %dma_start3A_15 = tpu.memref_squeeze %dma_start3A_14 : memref<1x625x16xi32, #tpu.memory_space<hbm>> -> memref<625x16xi32, #tpu.memory_space<hbm>>
      tpu.enqueue_dma source(%dma_start3A_15 : memref<625x16xi32, #tpu.memory_space<hbm>>) target(%arg8 : memref<625x16xi32, #tpu.memory_space<vmem>>) target_semaphore(%run_scoped3A : memref<!tpu.dma_semaphore, #tpu.memory_space<semaphore_mem>>)
      %dma_wait3A = arith.constant 0 : i32
      %dma_wait3A_16 = arith.constant 0 : i32
      %dma_wait3A_17 = tpu.memref_slice %arg4[%add3A, %dma_wait3A, %dma_wait3A_16] : memref<32x625x16xi32, #tpu.memory_space<hbm>> -> memref<1x625x16xi32, #tpu.memory_space<hbm>>
      %dma_wait3A_18 = tpu.memref_squeeze %dma_wait3A_17 : memref<1x625x16xi32, #tpu.memory_space<hbm>> -> memref<625x16xi32, #tpu.memory_space<hbm>>
      %dma_wait3A_19 = arith.constant 0 : i32
      %dma_wait3A_20 = arith.constant 0 : i32
      %dma_wait3A_21 = tpu.memref_slice %arg4[%add3A, %dma_wait3A_19, %dma_wait3A_20] : memref<32x625x16xi32, #tpu.memory_space<hbm>> -> memref<1x625x16xi32, #tpu.memory_space<hbm>>
      %dma_wait3A_22 = tpu.memref_squeeze %dma_wait3A_21 : memref<1x625x16xi32, #tpu.memory_space<hbm>> -> memref<625x16xi32, #tpu.memory_space<hbm>>
      tpu.wait_dma2 semaphore(%run_scoped3A : memref<!tpu.dma_semaphore, #tpu.memory_space<semaphore_mem>>) src(%dma_wait3A_22 : memref<625x16xi32, #tpu.memory_space<hbm>>) dst(%arg8 : memref<625x16xi32, #tpu.memory_space<vmem>>)
      tpu.yield
    }) : () -> ()
    %broadcast_in_dim3A = arith.constant 0 : i32
    %broadcast_in_dim3A_1 = vector.broadcast %broadcast_in_dim3A : i32 to vector<16xi32>
    %broadcast_in_dim3A_2 = arith.constant 1 : i32
    %broadcast_in_dim3A_3 = vector.broadcast %broadcast_in_dim3A_2 : i32 to vector<16xi32>
    %scan3A = arith.constant 0 : i32
    %scan3A_4 = arith.constant 0 : i32
    %scan3A_5 = arith.constant 625 : i32
    %scan3A_6 = arith.addi %scan3A_4, %scan3A_5 : i32
    %scan3A_7 = arith.constant 1 : i32
    scf.for %scan3A_9 = %scan3A_4 to %scan3A_6 step %scan3A_7  : i32 {
      %get3A = arith.index_cast %scan3A_9 : i32 to index
      %get3A_10 = arith.constant 0 : index
      %get3A_11 = tpu.vector_load %arg7[%get3A, %get3A_10] {strides = array<i32>} : memref<625x16xi32, #tpu.memory_space<vmem>>, vector<16xi32>,
      %gather3A = tpu.vector_load_idx %arg6[%get3A_11, %broadcast_in_dim3A_1] : memref<10000x2xf32, #tpu.memory_space<vmem>>[vector<16xi32>, vector<16xi32>], vector<16xf32>,
      %get3A_12 = arith.index_cast %scan3A_9 : i32 to index
      %get3A_13 = arith.constant 0 : index
      %get3A_14 = tpu.vector_load %arg8[%get3A_12, %get3A_13] {strides = array<i32>} : memref<625x16xi32, #tpu.memory_space<vmem>>, vector<16xi32>,
      %gather3A_15 = tpu.vector_load_idx %arg6[%get3A_14, %broadcast_in_dim3A_3] : memref<10000x2xf32, #tpu.memory_space<vmem>>[vector<16xi32>, vector<16xi32>], vector<16xf32>,
      %add3A_16 = arith.addf %gather3A, %gather3A_15 : vector<16xf32>
      %neg3A = arith.constant 0.000000e+00 : f32
      %neg3A_17 = vector.broadcast %neg3A : f32 to vector<16xf32>
      %neg3A_18 = arith.subf %neg3A_17, %add3A_16 : vector<16xf32>
      %exp3A = math.exp %neg3A_18 : vector<16xf32>
      %add3A_19 = arith.constant 1.000000e+00 : f32
      %add3A_20 = vector.broadcast %add3A_19 : f32 to vector<16xf32>
      %add3A_21 = arith.addf %add3A_20, %exp3A : vector<16xf32>
      %div3A = arith.constant 1.000000e+00 : f32
      %div3A_22 = vector.broadcast %div3A : f32 to vector<16xf32>
      %div3A_23 = arith.divf %div3A_22, %add3A_21 : vector<16xf32>
      %swap3A = arith.index_cast %scan3A_9 : i32 to index
      %swap3A_24 = arith.constant 0 : index
      %swap3A_25 = tpu.vector_load %arg9[%swap3A, %swap3A_24] {strides = array<i32>} : memref<625x16xf32, #tpu.memory_space<vmem>>, vector<16xf32>,
      tpu.vector_store %arg9[%swap3A, %swap3A_24], %div3A_23 {strides = array<i32>} : memref<625x16xf32, #tpu.memory_space<vmem>>, vector<16xf32>,
    }
    %scan3A_8 = arith.constant 625 : i32
    "tpu.region"() ({
      %run_scoped3A = tpu.sem_alloc : memref<!tpu.dma_semaphore, #tpu.memory_space<semaphore_mem>>
      %dma_start3A = arith.constant 0 : i32
      %dma_start3A_9 = arith.constant 0 : i32
      %dma_start3A_10 = tpu.memref_slice %arg5[%add3A, %dma_start3A, %dma_start3A_9] : memref<32x625x16xf32, #tpu.memory_space<hbm>> -> memref<1x625x16xf32, #tpu.memory_space<hbm>>
      %dma_start3A_11 = tpu.memref_squeeze %dma_start3A_10 : memref<1x625x16xf32, #tpu.memory_space<hbm>> -> memref<625x16xf32, #tpu.memory_space<hbm>>
      %dma_start3A_12 = arith.constant 0 : i32
      %dma_start3A_13 = arith.constant 0 : i32
      %dma_start3A_14 = tpu.memref_slice %arg5[%add3A, %dma_start3A_12, %dma_start3A_13] : memref<32x625x16xf32, #tpu.memory_space<hbm>> -> memref<1x625x16xf32, #tpu.memory_space<hbm>>
      %dma_start3A_15 = tpu.memref_squeeze %dma_start3A_14 : memref<1x625x16xf32, #tpu.memory_space<hbm>> -> memref<625x16xf32, #tpu.memory_space<hbm>>
      tpu.enqueue_dma source(%arg9 : memref<625x16xf32, #tpu.memory_space<vmem>>) target(%dma_start3A_15 : memref<625x16xf32, #tpu.memory_space<hbm>>) target_semaphore(%run_scoped3A : memref<!tpu.dma_semaphore, #tpu.memory_space<semaphore_mem>>)
      %dma_wait3A = arith.constant 0 : i32
      %dma_wait3A_16 = arith.constant 0 : i32
      %dma_wait3A_17 = tpu.memref_slice %arg5[%add3A, %dma_wait3A, %dma_wait3A_16] : memref<32x625x16xf32, #tpu.memory_space<hbm>> -> memref<1x625x16xf32, #tpu.memory_space<hbm>>
      %dma_wait3A_18 = tpu.memref_squeeze %dma_wait3A_17 : memref<1x625x16xf32, #tpu.memory_space<hbm>> -> memref<625x16xf32, #tpu.memory_space<hbm>>
      %dma_wait3A_19 = arith.constant 0 : i32
      %dma_wait3A_20 = arith.constant 0 : i32
      %dma_wait3A_21 = tpu.memref_slice %arg5[%add3A, %dma_wait3A_19, %dma_wait3A_20] : memref<32x625x16xf32, #tpu.memory_space<hbm>> -> memref<1x625x16xf32, #tpu.memory_space<hbm>>
      %dma_wait3A_22 = tpu.memref_squeeze %dma_wait3A_21 : memref<1x625x16xf32, #tpu.memory_space<hbm>> -> memref<625x16xf32, #tpu.memory_space<hbm>>
      tpu.wait_dma2 semaphore(%run_scoped3A : memref<!tpu.dma_semaphore, #tpu.memory_space<semaphore_mem>>) src(%arg9 : memref<625x16xf32, #tpu.memory_space<vmem>>) dst(%dma_wait3A_22 : memref<625x16xf32, #tpu.memory_space<hbm>>)
      tpu.yield
    }) : () -> ()
    return
  }
}

module attributes {stable_mosaic.version = 14 : i64} {
  func.func @_prep_body(%arg0: memref<10000x128xf32, #tpu.memory_space<vmem>>, %arg1: memref<128x64xbf16, #tpu.memory_space<vmem>>, %arg2: memref<1x64xf32, #tpu.memory_space<vmem>>, %arg3: memref<1x64xf32, #tpu.memory_space<vmem>>, %arg4: memref<1x64xf32, #tpu.memory_space<vmem>>, %arg5: memref<10000x128xf32, #tpu.memory_space<vmem>>) attributes {dimension_semantics = [], scalar_prefetch = 0 : i64, scratch_operands = 0 : i64, tpu.core_type = #tpu.core_type<tc>} {
    %get3A = arith.constant 0 : index
    %get3A_0 = arith.constant 0 : index
    %get3A_1 = vector.load %arg0[%get3A, %get3A_0] : memref<10000x128xf32, #tpu.memory_space<vmem>>, vector<10000x128xf32>
    %convert_element_type3A = arith.truncf %get3A_1 : vector<10000x128xf32> to vector<10000x128xbf16>
    %get3A_2 = arith.constant 0 : index
    %get3A_3 = arith.constant 0 : index
    %get3A_4 = vector.load %arg1[%get3A_2, %get3A_3] : memref<128x64xbf16, #tpu.memory_space<vmem>>, vector<128x64xbf16>
    %dot_general3A = arith.constant dense<0.000000e+00> : vector<10000x64xf32>
    %dot_general3A_5 = tpu.matmul %convert_element_type3A, %get3A_4, %dot_general3A {dimension_numbers = #tpu.dot_dimension_numbers<[1], [0], [0], [1], [0, 0, 1, 1], [], []>, transpose_lhs_hint = false} : vector<10000x128xbf16>, vector<128x64xbf16>, vector<10000x64xf32> -> vector<10000x64xf32>
    %get3A_6 = arith.constant 0 : index
    %get3A_7 = arith.constant 0 : index
    %get3A_8 = vector.load %arg2[%get3A_6, %get3A_7] : memref<1x64xf32, #tpu.memory_space<vmem>>, vector<1x64xf32>
    %add3A = vector.broadcast %get3A_8 : vector<1x64xf32> to vector<10000x64xf32>
    %add3A_9 = arith.addf %dot_general3A_5, %add3A : vector<10000x64xf32>
    %reduce_sum3A = arith.constant dense<0.000000e+00> : vector<64xf32>
    %reduce_sum3A_10 = vector.multi_reduction <add>, %add3A_9, %reduce_sum3A [0] : vector<10000x64xf32> to vector<64xf32>
    %broadcast_in_dim3A = vector.shape_cast %reduce_sum3A_10 : vector<64xf32> to vector<1x64xf32>
    %div3A = arith.constant 1.000000e+04 : f32
    %div3A_11 = vector.broadcast %div3A : f32 to vector<1x64xf32>
    %div3A_12 = arith.divf %broadcast_in_dim3A, %div3A_11 : vector<1x64xf32>
    %sub3A = vector.broadcast %div3A_12 : vector<1x64xf32> to vector<10000x64xf32>
    %sub3A_13 = arith.subf %add3A_9, %sub3A : vector<10000x64xf32>
    %integer_pow3A = arith.mulf %sub3A_13, %sub3A_13 : vector<10000x64xf32>
    %reduce_sum3A_14 = arith.constant dense<0.000000e+00> : vector<64xf32>
    %reduce_sum3A_15 = vector.multi_reduction <add>, %integer_pow3A, %reduce_sum3A_14 [0] : vector<10000x64xf32> to vector<64xf32>
    %broadcast_in_dim3A_16 = vector.shape_cast %reduce_sum3A_15 : vector<64xf32> to vector<1x64xf32>
    %div3A_17 = arith.constant 1.000000e+04 : f32
    %div3A_18 = vector.broadcast %div3A_17 : f32 to vector<1x64xf32>
    %div3A_19 = arith.divf %broadcast_in_dim3A_16, %div3A_18 : vector<1x64xf32>
    %get3A_20 = arith.constant 0 : index
    %get3A_21 = arith.constant 0 : index
    %get3A_22 = vector.load %arg3[%get3A_20, %get3A_21] : memref<1x64xf32, #tpu.memory_space<vmem>>, vector<1x64xf32>
    %sub3A_23 = vector.broadcast %div3A_12 : vector<1x64xf32> to vector<10000x64xf32>
    %sub3A_24 = arith.subf %add3A_9, %sub3A_23 : vector<10000x64xf32>
    %mul3A = vector.broadcast %get3A_22 : vector<1x64xf32> to vector<10000x64xf32>
    %mul3A_25 = arith.mulf %mul3A, %sub3A_24 : vector<10000x64xf32>
    %add3A_26 = arith.constant 9.99999974E-6 : f32
    %add3A_27 = vector.broadcast %add3A_26 : f32 to vector<1x64xf32>
    %add3A_28 = arith.addf %div3A_19, %add3A_27 : vector<1x64xf32>
    %rsqrt3A = math.rsqrt %add3A_28 : vector<1x64xf32>
    %mul3A_29 = vector.broadcast %rsqrt3A : vector<1x64xf32> to vector<10000x64xf32>
    %mul3A_30 = arith.mulf %mul3A_25, %mul3A_29 : vector<10000x64xf32>
    %get3A_31 = arith.constant 0 : index
    %get3A_32 = arith.constant 0 : index
    %get3A_33 = vector.load %arg4[%get3A_31, %get3A_32] : memref<1x64xf32, #tpu.memory_space<vmem>>, vector<1x64xf32>
    %add3A_34 = vector.broadcast %get3A_33 : vector<1x64xf32> to vector<10000x64xf32>
    %add3A_35 = arith.addf %mul3A_30, %add3A_34 : vector<10000x64xf32>
    %tanh3A = math.tanh %add3A_35 : vector<10000x64xf32>
    %broadcast_in_dim3A_36 = arith.constant 0.000000e+00 : f32
    %broadcast_in_dim3A_37 = vector.broadcast %broadcast_in_dim3A_36 : f32 to vector<10000x64xf32>
    %concatenate3A = tpu.concatenate %tanh3A, %broadcast_in_dim3A_37 in 1 : vector<10000x64xf32>, vector<10000x64xf32> -> vector<10000x128xf32>
    %swap3A = arith.constant 0 : index
    %swap3A_38 = arith.constant 0 : index
    %swap3A_39 = vector.load %arg5[%swap3A, %swap3A_38] : memref<10000x128xf32, #tpu.memory_space<vmem>>, vector<10000x128xf32>
    tpu.vector_store %arg5[%swap3A, %swap3A_38], %concatenate3A {strides = array<i32>} : memref<10000x128xf32, #tpu.memory_space<vmem>>, vector<10000x128xf32>,
    return
  }
}

module attributes {stable_mosaic.version = 14 : i64} {
  func.func @_mlp_body(%arg0: i32, %arg1: memref<2048x128xf32, #tpu.memory_space<vmem>>, %arg2: memref<2048x128xf32, #tpu.memory_space<vmem>>, %arg3: memref<128x128xbf16, #tpu.memory_space<vmem>>, %arg4: memref<128x128xbf16, #tpu.memory_space<vmem>>, %arg5: memref<1x128xf32, #tpu.memory_space<vmem>>, %arg6: memref<128x128xbf16, #tpu.memory_space<vmem>>, %arg7: memref<1x128xf32, #tpu.memory_space<vmem>>, %arg8: memref<2048x128xf32, #tpu.memory_space<vmem>>) attributes {dimension_semantics = [#tpu.dimension_semantics<arbitrary>], iteration_bounds = array<i64: 80>, scalar_prefetch = 0 : i64, scratch_operands = 0 : i64, tpu.core_type = #tpu.core_type<tc>, window_params = [{transform_indices = @transform_0, window_bounds = array<i64: 2048, 128>}, {transform_indices = @transform_1, window_bounds = array<i64: 2048, 128>}, {pipeline_mode = #tpu.pipeline_mode<synchronous>, transform_indices = @transform_2, window_bounds = array<i64: 128, 128>}, {pipeline_mode = #tpu.pipeline_mode<synchronous>, transform_indices = @transform_3, window_bounds = array<i64: 128, 128>}, {pipeline_mode = #tpu.pipeline_mode<synchronous>, transform_indices = @transform_4, window_bounds = array<i64: 1, 128>}, {pipeline_mode = #tpu.pipeline_mode<synchronous>, transform_indices = @transform_5, window_bounds = array<i64: 128, 128>}, {pipeline_mode = #tpu.pipeline_mode<synchronous>, transform_indices = @transform_6, window_bounds = array<i64: 1, 128>}, {transform_indices = @transform_7, window_bounds = array<i64: 2048, 128>}]} {
    %get3A = arith.constant 0 : index
    %get3A_0 = arith.constant 0 : index
    %get3A_1 = vector.load %arg1[%get3A, %get3A_0] : memref<2048x128xf32, #tpu.memory_space<vmem>>, vector<2048x128xf32>
    %get3A_2 = arith.constant 0 : index
    %get3A_3 = arith.constant 0 : index
    %get3A_4 = vector.load %arg2[%get3A_2, %get3A_3] : memref<2048x128xf32, #tpu.memory_space<vmem>>, vector<2048x128xf32>
    %convert_element_type3A = arith.truncf %get3A_1 : vector<2048x128xf32> to vector<2048x128xbf16>
    %get3A_5 = arith.constant 0 : index
    %get3A_6 = arith.constant 0 : index
    %get3A_7 = vector.load %arg3[%get3A_5, %get3A_6] : memref<128x128xbf16, #tpu.memory_space<vmem>>, vector<128x128xbf16>
    %dot_general3A = arith.constant dense<0.000000e+00> : vector<2048x128xf32>
    %dot_general3A_8 = tpu.matmul %convert_element_type3A, %get3A_7, %dot_general3A {dimension_numbers = #tpu.dot_dimension_numbers<[1], [0], [0], [1], [0, 0, 1, 1], [], []>, transpose_lhs_hint = false} : vector<2048x128xbf16>, vector<128x128xbf16>, vector<2048x128xf32> -> vector<2048x128xf32>
    %sub3A = arith.subf %get3A_4, %get3A_1 : vector<2048x128xf32>
    %convert_element_type3A_9 = arith.truncf %sub3A : vector<2048x128xf32> to vector<2048x128xbf16>
    %get3A_10 = arith.constant 0 : index
    %get3A_11 = arith.constant 0 : index
    %get3A_12 = vector.load %arg4[%get3A_10, %get3A_11] : memref<128x128xbf16, #tpu.memory_space<vmem>>, vector<128x128xbf16>
    %dot_general3A_13 = arith.constant dense<0.000000e+00> : vector<2048x128xf32>
    %dot_general3A_14 = tpu.matmul %convert_element_type3A_9, %get3A_12, %dot_general3A_13 {dimension_numbers = #tpu.dot_dimension_numbers<[1], [0], [0], [1], [0, 0, 1, 1], [], []>, transpose_lhs_hint = false} : vector<2048x128xbf16>, vector<128x128xbf16>, vector<2048x128xf32> -> vector<2048x128xf32>
    %add3A = arith.addf %dot_general3A_8, %dot_general3A_14 : vector<2048x128xf32>
    %get3A_15 = arith.constant 0 : index
    %get3A_16 = arith.constant 0 : index
    %get3A_17 = vector.load %arg5[%get3A_15, %get3A_16] : memref<1x128xf32, #tpu.memory_space<vmem>>, vector<1x128xf32>
    %add3A_18 = vector.broadcast %get3A_17 : vector<1x128xf32> to vector<2048x128xf32>
    %add3A_19 = arith.addf %add3A, %add3A_18 : vector<2048x128xf32>
    %max3A = arith.constant 0.000000e+00 : f32
    %max3A_20 = vector.broadcast %max3A : f32 to vector<2048x128xf32>
    %max3A_21 = arith.maximumf %add3A_19, %max3A_20 : vector<2048x128xf32>
    %convert_element_type3A_22 = arith.truncf %max3A_21 : vector<2048x128xf32> to vector<2048x128xbf16>
    %get3A_23 = arith.constant 0 : index
    %get3A_24 = arith.constant 0 : index
    %get3A_25 = vector.load %arg6[%get3A_23, %get3A_24] : memref<128x128xbf16, #tpu.memory_space<vmem>>, vector<128x128xbf16>
    %dot_general3A_26 = arith.constant dense<0.000000e+00> : vector<2048x128xf32>
    %dot_general3A_27 = tpu.matmul %convert_element_type3A_22, %get3A_25, %dot_general3A_26 {dimension_numbers = #tpu.dot_dimension_numbers<[1], [0], [0], [1], [0, 0, 1, 1], [], []>, transpose_lhs_hint = false} : vector<2048x128xbf16>, vector<128x128xbf16>, vector<2048x128xf32> -> vector<2048x128xf32>
    %get3A_28 = arith.constant 0 : index
    %get3A_29 = arith.constant 0 : index
    %get3A_30 = vector.load %arg7[%get3A_28, %get3A_29] : memref<1x128xf32, #tpu.memory_space<vmem>>, vector<1x128xf32>
    %add3A_31 = vector.broadcast %get3A_30 : vector<1x128xf32> to vector<2048x128xf32>
    %add3A_32 = arith.addf %dot_general3A_27, %add3A_31 : vector<2048x128xf32>
    %max3A_33 = arith.constant 0.000000e+00 : f32
    %max3A_34 = vector.broadcast %max3A_33 : f32 to vector<2048x128xf32>
    %max3A_35 = arith.maximumf %add3A_32, %max3A_34 : vector<2048x128xf32>
    %swap3A = arith.constant 0 : index
    %swap3A_36 = arith.constant 0 : index
    %swap3A_37 = vector.load %arg8[%swap3A, %swap3A_36] : memref<2048x128xf32, #tpu.memory_space<vmem>>, vector<2048x128xf32>
    tpu.vector_store %arg8[%swap3A, %swap3A_36], %max3A_35 {strides = array<i32>} : memref<2048x128xf32, #tpu.memory_space<vmem>>, vector<2048x128xf32>,
    return
  }
  func.func @transform_0(%arg0: i32) -> (i32, i32) {
    %c0_i32 = arith.constant 0 : i32
    %c0_i32_0 = arith.constant 0 : i32
    return %arg0, %c0_i32 : i32, i32
  }
  func.func @transform_1(%arg0: i32) -> (i32, i32) {
    %c0_i32 = arith.constant 0 : i32
    %c0_i32_0 = arith.constant 0 : i32
    return %arg0, %c0_i32 : i32, i32
  }
  func.func @transform_2(%arg0: i32) -> (i32, i32) {
    %c0_i32 = arith.constant 0 : i32
    %c0_i32_0 = arith.constant 0 : i32
    %c0_i32_1 = arith.constant 0 : i32
    return %c0_i32, %c0_i32_0 : i32, i32
  }
  func.func @transform_3(%arg0: i32) -> (i32, i32) {
    %c0_i32 = arith.constant 0 : i32
    %c0_i32_0 = arith.constant 0 : i32
    %c0_i32_1 = arith.constant 0 : i32
    return %c0_i32, %c0_i32_0 : i32, i32
  }
  func.func @transform_4(%arg0: i32) -> (i32, i32) {
    %c0_i32 = arith.constant 0 : i32
    %c0_i32_0 = arith.constant 0 : i32
    %c0_i32_1 = arith.constant 0 : i32
    return %c0_i32, %c0_i32_0 : i32, i32
  }
  func.func @transform_5(%arg0: i32) -> (i32, i32) {
    %c0_i32 = arith.constant 0 : i32
    %c0_i32_0 = arith.constant 0 : i32
    %c0_i32_1 = arith.constant 0 : i32
    return %c0_i32, %c0_i32_0 : i32, i32
  }
  func.func @transform_6(%arg0: i32) -> (i32, i32) {
    %c0_i32 = arith.constant 0 : i32
    %c0_i32_0 = arith.constant 0 : i32
    %c0_i32_1 = arith.constant 0 : i32
    return %c0_i32, %c0_i32_0 : i32, i32
  }
  func.func @transform_7(%arg0: i32) -> (i32, i32) {
    %c0_i32 = arith.constant 0 : i32
    %c0_i32_0 = arith.constant 0 : i32
    return %arg0, %c0_i32 : i32, i32
  }
}

module attributes {stable_mosaic.version = 14 : i64} {
  func.func @_hsum_body(%arg0: memref<20000x128xf32, #tpu.memory_space<vmem>>, %arg1: memref<20000x128xf32, #tpu.memory_space<vmem>>, %arg2: memref<10000x128xf32, #tpu.memory_space<vmem>>) attributes {dimension_semantics = [], scalar_prefetch = 0 : i64, scratch_operands = 0 : i64, tpu.core_type = #tpu.core_type<tc>} {
    %get3A = arith.constant 0 : index
    %get3A_0 = arith.constant 0 : index
    %get3A_1 = vector.load %arg0[%get3A, %get3A_0] : memref<20000x128xf32, #tpu.memory_space<vmem>>, vector<10000x128xf32>
    %get3A_2 = arith.constant 10000 : index
    %get3A_3 = arith.constant 0 : index
    %get3A_4 = vector.load %arg0[%get3A_2, %get3A_3] : memref<20000x128xf32, #tpu.memory_space<vmem>>, vector<10000x128xf32>
    %add3A = arith.addf %get3A_1, %get3A_4 : vector<10000x128xf32>
    %get3A_5 = arith.constant 0 : index
    %get3A_6 = arith.constant 0 : index
    %get3A_7 = vector.load %arg1[%get3A_5, %get3A_6] : memref<20000x128xf32, #tpu.memory_space<vmem>>, vector<10000x128xf32>
    %get3A_8 = arith.constant 10000 : index
    %get3A_9 = arith.constant 0 : index
    %get3A_10 = vector.load %arg1[%get3A_8, %get3A_9] : memref<20000x128xf32, #tpu.memory_space<vmem>>, vector<10000x128xf32>
    %add3A_11 = arith.addf %get3A_7, %get3A_10 : vector<10000x128xf32>
    %add3A_12 = arith.addf %add3A, %add3A_11 : vector<10000x128xf32>
    %swap3A = arith.constant 0 : index
    %swap3A_13 = arith.constant 0 : index
    %swap3A_14 = vector.load %arg2[%swap3A, %swap3A_13] : memref<10000x128xf32, #tpu.memory_space<vmem>>, vector<10000x128xf32>
    tpu.vector_store %arg2[%swap3A, %swap3A_13], %add3A_12 {strides = array<i32>} : memref<10000x128xf32, #tpu.memory_space<vmem>>, vector<10000x128xf32>,
    return
  }
}

module attributes {stable_mosaic.version = 14 : i64} {
  func.func @_uv_body(%arg0: memref<20000x128xf32, #tpu.memory_space<vmem>>, %arg1: memref<20000x128xf32, #tpu.memory_space<vmem>>, %arg2: memref<128x2xbf16, #tpu.memory_space<vmem>>, %arg3: memref<1x2xf32, #tpu.memory_space<vmem>>, %arg4: memref<10000x2xf32, #tpu.memory_space<vmem>>) attributes {dimension_semantics = [], scalar_prefetch = 0 : i64, scratch_operands = 0 : i64, tpu.core_type = #tpu.core_type<tc>} {
    %get3A = arith.constant 0 : index
    %get3A_0 = arith.constant 0 : index
    %get3A_1 = vector.load %arg0[%get3A, %get3A_0] : memref<20000x128xf32, #tpu.memory_space<vmem>>, vector<10000x128xf32>
    %get3A_2 = arith.constant 10000 : index
    %get3A_3 = arith.constant 0 : index
    %get3A_4 = vector.load %arg0[%get3A_2, %get3A_3] : memref<20000x128xf32, #tpu.memory_space<vmem>>, vector<10000x128xf32>
    %add3A = arith.addf %get3A_1, %get3A_4 : vector<10000x128xf32>
    %get3A_5 = arith.constant 0 : index
    %get3A_6 = arith.constant 0 : index
    %get3A_7 = vector.load %arg1[%get3A_5, %get3A_6] : memref<20000x128xf32, #tpu.memory_space<vmem>>, vector<10000x128xf32>
    %get3A_8 = arith.constant 10000 : index
    %get3A_9 = arith.constant 0 : index
    %get3A_10 = vector.load %arg1[%get3A_8, %get3A_9] : memref<20000x128xf32, #tpu.memory_space<vmem>>, vector<10000x128xf32>
    %add3A_11 = arith.addf %get3A_7, %get3A_10 : vector<10000x128xf32>
    %add3A_12 = arith.addf %add3A, %add3A_11 : vector<10000x128xf32>
    %convert_element_type3A = arith.truncf %add3A_12 : vector<10000x128xf32> to vector<10000x128xbf16>
    %get3A_13 = arith.constant 0 : index
    %get3A_14 = arith.constant 0 : index
    %get3A_15 = vector.load %arg2[%get3A_13, %get3A_14] : memref<128x2xbf16, #tpu.memory_space<vmem>>, vector<128x2xbf16>
    %dot_general3A = arith.constant dense<0.000000e+00> : vector<10000x2xf32>
    %dot_general3A_16 = tpu.matmul %convert_element_type3A, %get3A_15, %dot_general3A {dimension_numbers = #tpu.dot_dimension_numbers<[1], [0], [0], [1], [0, 0, 1, 1], [], []>, transpose_lhs_hint = false} : vector<10000x128xbf16>, vector<128x2xbf16>, vector<10000x2xf32> -> vector<10000x2xf32>
    %get3A_17 = arith.constant 0 : index
    %get3A_18 = arith.constant 0 : index
    %get3A_19 = vector.load %arg3[%get3A_17, %get3A_18] : memref<1x2xf32, #tpu.memory_space<vmem>>, vector<1x2xf32>
    %add3A_20 = vector.broadcast %get3A_19 : vector<1x2xf32> to vector<10000x2xf32>
    %add3A_21 = arith.addf %dot_general3A_16, %add3A_20 : vector<10000x2xf32>
    %swap3A = arith.constant 0 : index
    %swap3A_22 = arith.constant 0 : index
    %swap3A_23 = vector.load %arg4[%swap3A, %swap3A_22] : memref<10000x2xf32, #tpu.memory_space<vmem>>, vector<10000x2xf32>
    tpu.vector_store %arg4[%swap3A, %swap3A_22], %add3A_21 {strides = array<i32>} : memref<10000x2xf32, #tpu.memory_space<vmem>>, vector<10000x2xf32>,
    return
  }
}

</mosaic_0001>

<sc_bundles>
// kernel: kernel.18.cloned.1.call-start
scs
__scs_entry_jumppad:
0x0: {  	(pc) =	sbr.rel $0x88, $3  }
0x1: {  	(tag) =	ssettag $0x0;
	lr =	simm.s32 $0x1  }
0x2: {  	[smem:$0x3F95] =	sst lr;
	_ =	strace $0xD0000000  }
0x3: {  	_ = 	snop  }
0x4: {  	_ = 	snop  }
0x5: {  	_ = 	snop  }
0x6: {  	_ = 	snop  }
0x7: {  	_ = 	snop  }
__scs_overlays_trampoline_lowered:
0x8: {  	[smem:$0x3FA4] =	sst s0  }
0x9: {  	[smem:$0x3FA5] =	sst s1  }
0xa: {  	[smem:$0x3FA6] =	sst s2  }
0xb: {  	[smem:$0x3FA7] =	sst s3  }
0xc: {  	[smem:$0x3FA8] =	sst s4  }
0xd: {  	[smem:$0x3FA9] =	sst s5  }
0xe: {  	[smem:$0x3FAA] =	sst s6  }
0xf: {  	[smem:$0x3FAB] =	sst s7  }
0x10: {  	[smem:$0x3FAC] =	sst s8  }
0x11: {  	[smem:$0x3FAD] =	sst s9;
	s0 =	simm.s32 @!p0 $0x0  }
0x12: {  	s1 =	sld [smem:$0x3F93];
	s0 =	simm.s32 @p0 $0x1  }
0x13: {  	[smem:$0x3FAE] =	sst s0;
	s0 =	simm.s32 @!p1 $0x0  }
0x14: {  	s2 =	sld [smem:$0x3F92];
	s0 =	simm.s32 @p1 $0x1  }
0x15: {  	[smem:$0x3FAF] =	sst s0;
	s0 =	simm.s32 @!p2 $0x0  }
0x16: {  	s3 =	sld [smem:$0x3FDB];
	s0 =	simm.s32 @p2 $0x1  }
0x17: {  	s4 =	simm.s32 $0x1BF5;
	[smem:$0x3FB1] =	sst s0  }
0x18: {  	s0 =	sld [smem:$0x3F94];
	_ =	swait.ge [sflag:s4], $0x0  }
0x19: {  	s7 =	sld [smem:$0x3F95]  }
0x1a: {  	s8 =	sadd.s32 $0xFFFFE003, lr  }
0x1b: {  	s9 =	sadd.s32 $0xFFFFFEF7, lr;
	s5 =	simm.s32 $0xFFFFFFFF;
	p2 =	slt.u32 s8, $0xFFFFF086  }
0x1c: {  	p1 =	slt.u32 s9, $0xF7A;
	s5 =	simm.s32 @!p2 $0x0  }
0x1d: {  	s5 =	simm.s32 @p1 $0x1;
	p0 =	seq.s32 s7, s2  }
0x1e: {  	s7 =	smul.u32 @!p0 $0xF7A, s2;
	p2 =	seq.s32 @!p0 s5, $0x0  }
0x1f: {  	s9 =	smul.u32 $0xF7A, s1;
	s8 =	simm.s32 @!p0 $0x1BF5;
	p2 =	por !p2, p0  }
0x20: {  	[sflag:s8] =	ssyncset.s32 @!p0 $0xFFFFF086;
	s6 =	sadd.s32 @!p0 s3, s7;
	s7 =	simm.s32 @!p0 $0x108  }
0x21: {  	s3 =	sadd.s32 s3, s9;
	s6 =	sadd.s32 @!p0 $0x88, s6;
	s7 =	simm.s32 @p2 $0x1082  }
0x22: {  	[simem:s7], [sflag:s8] =	dma.local @!p0 [hbm:s6], $0xF7A  }
0x23: {  	s9 =	sor.u32 $0xD0000000, s2;
	s6 =	simm.s32 $0x108;
	_ =	swait.ge @!p0 [sflag:s8], $0x0  }
0x24: {  	s3 =	sadd.s32 $0x88, s3;
	s6 =	simm.s32 @!p1 $0x1082;
	[sflag:s4] =	ssyncset.s32 $0xFFFFF086  }
0x25: {  	[simem:s6], [sflag:s4] =	dma.local [hbm:s3], $0xF7A  }
0x26: {  	[smem:$0x3F95] =	sst s1;
	(tag) =	ssettag s2;
	_ =	strace s9  }
0x27: {  	s1 =	sld [smem:$0x3FA5]  }
0x28: {  	s2 =	sld [smem:$0x3FA6]  }
0x29: {  	s4 =	sld [smem:$0x3FA8]  }
0x2a: {  	p0 =	seq.s32 s5, $0x0;
	s5 =	sld [smem:$0x3FA9]  }
0x2b: {  	s6 =	sld [smem:$0x3FAA]  }
0x2c: {  	s7 =	sld [smem:$0x3FAB]  }
0x2d: {  	s3 =	simm.s32 $0x108;
	s8 =	sld [smem:$0x3FAC]  }
0x2e: {  	s3 =	simm.s32 @!p0 $0x1082;
	s9 =	sld [smem:$0x3FAD]  }
0x2f: {  	lr =	sadd.s32 s0, s3;
	s0 =	sld [smem:$0x3FA4]  }
0x30: {  	s3 =	sld [smem:$0x3FA7]  }
0x31: {  	[smem:$0x3FB0] =	sst s10  }
0x32: {  	s10 =	sld [smem:$0x3FAE];
	_ =	sdelay $0x3  }
0x33: {  	p0 =	seq.s32 s10, $0x1;
	s10 =	sld [smem:$0x3FB0];
	_ =	sdelay $0x3  }
0x34: {  	[smem:$0x3FB0] =	sst s10  }
0x35: {  	s10 =	sld [smem:$0x3FAF];
	_ =	sdelay $0x3  }
0x36: {  	p1 =	seq.s32 s10, $0x1;
	s10 =	sld [smem:$0x3FB0];
	_ =	sdelay $0x3  }
0x37: {  	[smem:$0x3FB0] =	sst s10  }
0x38: {  	s10 =	sld [smem:$0x3FB1]  }
0x39: {  	_ = 	snop;
	(pc) =	sbr.ind lr, $3  }
0x3a: {  	_ = 	snop  }
0x3b: {  	_ = 	snop  }
0x3c: {  	p2 =	seq.s32 s10, $0x1;
	s10 =	sld [smem:$0x3FB0]  }
0x3d: {  	_ =	shalt  }
0x3e: {  	_ =	shalt  }
0x3f: {  	_ =	shalt  }
0x40: {  	_ =	shalt  }
0x41: {  	_ =	shalt  }
0x42: {  	_ =	shalt  }
0x43: {  	_ =	shalt  }
0x44: {  	_ =	shalt  }
0x45: {  	_ =	shalt  }
0x46: {  	_ =	shalt  }
0x47: {  	_ =	shalt  }
0x48: {  	_ =	shalt  }
0x49: {  	_ =	shalt  }
0x4a: {  	_ =	shalt  }
0x4b: {  	_ =	shalt  }
0x4c: {  	_ =	shalt  }
0x4d: {  	_ =	shalt  }
0x4e: {  	_ =	shalt  }
0x4f: {  	_ =	shalt  }
0x50: {  	_ =	shalt  }
0x51: {  	_ =	shalt  }
0x52: {  	_ =	shalt  }
0x53: {  	_ =	shalt  }
0x54: {  	_ =	shalt  }
0x55: {  	_ =	shalt  }
0x56: {  	_ =	shalt  }
0x57: {  	_ =	shalt  }
0x58: {  	_ =	shalt  }
0x59: {  	_ =	shalt  }
0x5a: {  	_ =	shalt  }
0x5b: {  	_ =	shalt  }
0x5c: {  	_ =	shalt  }
0x5d: {  	_ =	shalt  }
0x5e: {  	_ =	shalt  }
0x5f: {  	_ =	shalt  }
0x60: {  	_ =	shalt  }
0x61: {  	_ =	shalt  }
0x62: {  	_ =	shalt  }
0x63: {  	_ =	shalt  }
0x64: {  	_ =	shalt  }
0x65: {  	_ =	shalt  }
0x66: {  	_ =	shalt  }
0x67: {  	_ =	shalt  }
0x68: {  	_ =	shalt  }
0x69: {  	_ =	shalt  }
0x6a: {  	_ =	shalt  }
0x6b: {  	_ =	shalt  }
0x6c: {  	_ =	shalt  }
0x6d: {  	_ =	shalt  }
0x6e: {  	_ =	shalt  }
0x6f: {  	_ =	shalt  }
0x70: {  	_ =	shalt  }
0x71: {  	_ =	shalt  }
0x72: {  	_ =	shalt  }
0x73: {  	_ =	shalt  }
0x74: {  	_ =	shalt  }
0x75: {  	_ =	shalt  }
0x76: {  	_ =	shalt  }
0x77: {  	_ =	shalt  }
0x78: {  	_ =	shalt  }
0x79: {  	_ =	shalt  }
0x7a: {  	_ =	shalt  }
0x7b: {  	_ =	shalt  }
0x7c: {  	_ =	shalt  }
0x7d: {  	_ =	shalt  }
0x7e: {  	_ =	shalt  }
0x7f: {  	_ =	shalt  }
0x80: {  	_ =	shalt  }
0x81: {  	_ =	shalt  }
0x82: {  	_ =	shalt  }
0x83: {  	_ =	shalt  }
0x84: {  	_ =	shalt  }
0x85: {  	_ =	shalt  }
0x86: {  	_ =	shalt  }
0x87: {  	_ =	shalt  }
.Lfunc_end0:
.L_simem_size_0:
called_computation_lowered:
.L_overlay_start_0:
0x88: {  	s2 =	sld [smem:$0x3FD9]  }
0x89: {  	s3 =	sld [smem:$0x3FFE];
	_ =	sdelay $0x1  }
0x8a: {  	s1 =	srdreg.scid  }
0x8b: {  	s0 =	sand.u32 $0x1, s1  }
0x8c: {  	s16 =	sshll.u32 s0, $0xA;
	s2 =	sadd.s32 s3, s2  }
0x8d: {  	s2 =	sadd.s32 s2, s16  }
0x8e: {  	[smem:$0x3FBC] =	sst s2  }
0x8f: {  	_ = 	snop  }
0x90: {  	(tm) =	ssettm $0x1  }
0x91: {  	s17 =	sld [smem:$0x3FFB];
	_ =	sdelay $0x3  }
0x92: {  	_ =	strace s17  }
0x93: {  	s2 =	sld [smem:$0x3FFC];
	_ =	sdelay $0x3  }
0x94: {  	_ =	strace s2  }
0x95: {  	s2 =	sld [smem:$0x3FFD];
	_ =	sdelay $0x3  }
0x96: {  	_ =	strace s2  }
0x97: {  	_ =	strace $0x8FFFFFFF  }
0x98: {  	s18 =	sld [smem:$0x3FDB];
	_ =	sdelay $0x1  }
0x99: {  	s19 =	simm.s32 $_scs_section_size  }
0x9a: {  	s4 =	simm.s32 $_size__tile_overlayer_lowered;
	s5 =	simm.s32 $_tile_overlayer_lowered  }
0x9b: {  	s22 =	simm.s32 $0x1BFF;
	s21 =	sshll.u32 s5, $0x1;
	s2 =	sadd.s32 s19, s18  }
0x9c: {  	s6 =	simm.s32 $0x0;
	s20 =	sshll.u32 s4, $0x1;
	s4 =	sadd.s32 s21, s2  }
0x9d: {  	[timem:s6], [sflag:s22] =	dma.local [hbm:s4], s20  }
0x9e: {  	_ =	swait.ge [sflag:s22], s20  }
0x9f: {  	s3 =	ssub.s32 $0x0, s20;
	[sflag:s22] =	ssyncset.done $0x0  }
0xa0: {  	[sflag:s22] =	ssyncadd.s32 s3;
	_ =	sdelay $0x1  }
0xa1: {  	s23 =	simm.s32 $0x1B8B  }
0xa2: {  	_ =	swait.ge [sflag:s23], $0x1  }
0xa3: {  	[sflag:s23] =	ssyncset.done $0x0  }
0xa4: {  	s25 =	simm.s32 $0x1B8E;
	s24 =	sld [smem:$0x3FFE];
	[sflag:s23] =	ssyncadd.s32 $0xFFFFFFFF  }
0xa5: {  	s26 =	simm.s32 $execute0_lowered;
	[smem:$0x3FD2] =	sst s25  }
0xa6: {  	s4 =	sshll.u32 s26, $0x1;
	_ =	strace $0x80000046;
	[dreg:$0x1] =	wrdreg $0xFFFFFFFF  }
0xa7: {  	s28 =	simm.s32 $_size_execute0_lowered;
	s2 =	sadd.s32 s2, s4;
	[dreg:$0x0] =	wrdreg $0x0  }
0xa8: {  	s4 =	sshll.u32 s28, $0x1;
	[dreg:$0x2] =	wrdreg s2  }
0xa9: {  	[dreg:$0x3] =	wrdreg s4  }
0xaa: {  	[dreg:$0x4] =	wrdreg $0xC0  }
0xab: {  	_ =	task [dreg:s6], $0x5FFFF  }
0xac: {  	[dreg:$0x1] =	wrdreg $0xFFFFFFFF  }
0xad: {  	[dreg:$0x0] =	wrdreg $0x60  }
0xae: {  	[dreg:$0x2] =	wrdreg s24  }
0xaf: {  	[dreg:$0x3] =	wrdreg $0xA  }
0xb0: {  	_ =	task.clear_ibuf [dreg:s6], $0x4FFFF;
	_ =	strace $0x90000046  }
0xb1: {  	s29 =	simm.s32 $0xA;
	_ =	strace $0x80000048  }
0xb2: {  	_ =	swait.ge [sflag:s29], $0x1  }
0xb3: {  	[sflag:s29] =	ssyncadd.s32 $0xFFFFFFFF  }
0xb4: {  	_ =	strace $0x90000048  }
0xb5: {  	_ =	sfence  }
0xb6: {  	s30 =	sld [smem:$0x0];
	_ =	sdelay $0x2  }
0xb7: {  	s31 =	sshll.u32 s1, $0xD;
	s1 =	sshrl.u32 s1, $0x2  }
0xb8: {  	s3 =	sand.u32 $0x4000, s31;
	s1 =	sadd.s32 s1, s30  }
0xb9: {  	s0 =	sor.u32 s3, s0;
	s1 =	sshll.u32 s1, $0x11  }
0xba: {  	s0 =	sor.u32 s1, s0  }
0xbb: {  	s0 =	sadd.s32 $0x8F2B, s0  }
0xbc: {  	[sflag:s0] =	ssyncadd.remote.s32 $0x1  }
0xbd: {  	_ =	sfence.sel $0xFFFF  }
0xbe: {  	[dreg:$0x0] =	wrdreg $0xFFFFFFFF;
	(pc) =	sbr.abs _section_cstart, $3  }
0xbf: {  	[dreg:$0x1] =	wrdreg $0xFFFFFFFF  }
0xc0: {  	_ =	task.clear_ibuf [dreg:s6], $0x2FFFF;
	_ =	strace $0x9FFFFFFF  }
0xc1: {  	(tm) =	ssettm $0x7FFFFFFF  }
tec
execute0_lowered:
.L_overlay_start_1:
0x0: {  	(tag) =	ssettag $0x1  }
0x1: {  	s1 =	srdreg.scid  }
0x2: {  	s0 =	stileid.u32;
	s4 =	rddreg [dreg:$0x0]  }
0x3: {  	s2 =	simm.s32 $0x0;
	s15 =	simm.s32 $0x80;
	s16 =	simm.s32 $0x2800  }
0x4: {  	s17 =	simm.s32 $0xA800;
	s18 =	simm.s32 $0x1;
	s19 =	simm.s32 $0x6800  }
0x5: {  	s20 =	simm.s32 $0x1480;
	s21 =	simm.s32 $0xE800;
	s22 =	simm.s32 $0x2  }
0x6: {  	s23 =	simm.s32 $0x0;
	s5 =	sand.u32 $0x1, s1;
	s3 =	sshll.u32 s0, $0x1  }
0x7: {  	[smem:$0x7FF] =	sst s2;
	s9 =	smul.u32 $0x140000, s0;
	s12 =	sadd.s32 $0x53A00, s4  }
0x8: {  	s13 =	sadd.s32 $0x2D3A00, s4;
	s6 =	sor.u32 s5, s3;
	s11 =	smul.u32 $0xA0000, s5  }
0x9: {  	_ =	strace $0x80000047;
	s8 =	ssub.s32 $0x2, s5;
	s7 =	smul.u32 $0x280, s6  }
0xa: {  	s3 =	sadd.s32 $0x18800, s4;
	s6 =	smul.u32 $0xA0000, s6;
	s10 =	sshrl.u32 s8, $0x1  }
0xb: {  	s8 =	ssub.s32 s8, s10;
	s9 =	sadd.s32 s11, s9;
	s7 =	sadd.s32 s7, s4  }
0xc: {  	s31 =	sshrl.u32 s6, $0x3;
	s6 =	smax.u32 s8, $0x1;
	s9 =	sor.u32 $0x4000, s9  }
0xd: {  	s4 =	sadd.s32 $0x44A00, s7;
	s5 =	sadd.s32 $0x3FA00, s7;
	s7 =	sadd.s32 s12, s31  }
0xe: {  	s8 =	sadd.s32 s13, s31;
	s10 =	sadd.s32 $0x13800, s31;
	s14 =	sshrl.u32 s9, $0x3  }
0xf: {  	s9 =	sadd.s32 s12, s10;
	s10 =	sadd.s32 s13, s10;
	s11 =	sadd.s32 s14, s13  }
0x10: {  	s12 =	sadd.s32 s14, s12;
	s13 =	simm.s32 $0x3;
	s14 =	simm.s32 $0x1400  }
.LBB2_1:
0x11: {  	[tilespmem:s2], [sflag:$0x3] =	stream.linear.gather [hbm4b:s4+s2], $0x1400, $0x38;
	[tilespmem:$0x12800] =	vst v63  }
0x12: {  	_ =	swait.ge [sflag:s13], $0x1400  }
0x13: {  	[sflag:s13] =	ssyncset.done $0x0  }
0x14: {  	[sflag:s13] =	ssyncadd.s32 $0xFFFFEC00  }
0x15: {  	[tilespmem:s14], [sflag:$0x3] =	stream.linear.gather [hbm4b:s5+s2], $0x1400, $0x38;
	[tilespmem:$0x12800] =	vst v63  }
0x16: {  	_ =	swait.ge [sflag:s13], $0x1400  }
0x17: {  	[sflag:s13] =	ssyncset.done $0x0  }
0x18: {  	[sflag:s13] =	ssyncadd.s32 $0xFFFFEC00  }
0x19: {  	[tilespmem:s16], [sflag:$0x1] =	stream.indirect.gather [hbm4b:s3+s15], $0x80, s2, s15, $0xb8;
	[tilespmem:$0x12800] =	vst v63  }
0x1a: {  	_ = 	snop  }
0x1b: {  	[tilespmem:s17], [sflag:$0x1] =	stream.indirect.gather [hbm4b:s3+s15], $0x80, s14, s15, $0xb8;
	[tilespmem:$0x12800] =	vst v63  }
0x1c: {  	_ =	swait.ge [sflag:s18], $0x4000  }
0x1d: {  	[sflag:s18] =	ssyncset.done $0x0  }
0x1e: {  	[sflag:s18] =	ssyncadd.s32 $0xFFFFC000  }
0x1f: {  	_ =	swait.ge [sflag:s18], $0x4000  }
0x20: {  	[sflag:s18] =	ssyncset.done $0x0  }
0x21: {  	[sflag:s18] =	ssyncadd.s32 $0xFFFFC000  }
0x22: {  	[tilespmem:s19], [sflag:$0x1] =	stream.indirect.gather [hbm4b:s3+s15], $0x80, s15, s15, $0xb8;
	[tilespmem:$0x12800] =	vst v63  }
0x23: {  	_ = 	snop  }
0x24: {  	[tilespmem:s21], [sflag:$0x1] =	stream.indirect.gather [hbm4b:s3+s15], $0x80, s20, s15, $0xb8;
	[tilespmem:$0x12800] =	vst v63  }
0x25: {  	_ = 	snop  }
0x26: {  	[hbm4b:s7+s2] =	stream.linear.scatter [tilespmem:s16], [sflag:$0x2], $0x4000, $0x38;
	[tilespmem:$0x12800] =	vst v63  }
0x27: {  	_ = 	snop  }
0x28: {  	[hbm4b:s8+s2] =	stream.linear.scatter [tilespmem:s17], [sflag:$0x2], $0x4000, $0x38;
	[tilespmem:$0x12800] =	vst v63  }
0x29: {  	_ =	swait.ge [sflag:s22], $0x4000  }
0x2a: {  	[sflag:s22] =	ssyncset.done $0x0  }
0x2b: {  	[sflag:s22] =	ssyncadd.s32 $0xFFFFC000  }
0x2c: {  	_ =	swait.ge [sflag:s22], $0x4000  }
0x2d: {  	[sflag:s22] =	ssyncset.done $0x0  }
0x2e: {  	[sflag:s22] =	ssyncadd.s32 $0xFFFFC000  }
0x2f: {  	_ =	swait.ge [sflag:s18], $0x4000  }
0x30: {  	[sflag:s18] =	ssyncset.done $0x0  }
0x31: {  	[sflag:s18] =	ssyncadd.s32 $0xFFFFC000  }
0x32: {  	s24 =	simm.s32 $0x4000;
	_ =	swait.ge [sflag:s18], $0x4000  }
0x33: {  	s26 =	simm.s32 $0x100;
	s28 =	sand.u32 $0x4000, s24;
	[sflag:s18] =	ssyncset.done $0x0  }
0x34: {  	s0 =	simm.s32 $0x1500;
	s25 =	sxor.u32 $0x6800, s28;
	[sflag:s18] =	ssyncadd.s32 $0xFFFFC000  }
0x35: {  	[tilespmem:s25], [sflag:$0x1] =	stream.indirect.gather [hbm4b:s3+s15], $0x80, s26, s15, $0xb8;
	[tilespmem:$0x12800] =	vst v63  }
0x36: {  	s29 =	simm.s32 $0x1580;
	s30 =	smov.u32 s11;
	s1 =	sxor.u32 $0xE800, s28  }
0x37: {  	[tilespmem:s1], [sflag:$0x1] =	stream.indirect.gather [hbm4b:s3+s15], $0x80, s0, s15, $0xb8;
	[tilespmem:$0x12800] =	vst v63  }
0x38: {  	s24 =	simm.s32 $0x8000;
	s31 =	sor.u32 $0xA800, s28;
	s26 =	sor.u32 $0x2800, s28  }
0x39: {  	[hbm4b:s12+s2] =	stream.linear.scatter [tilespmem:s26], [sflag:$0x2], $0x4000, $0x38;
	[tilespmem:$0x12800] =	vst v63  }
0x3a: {  	s25 =	sadd.s32 $0x800, s11;
	s28 =	simm.s32 $0x180;
	s26 =	sadd.s32 $0x800, s12  }
.LBB2_2:
0x3b: {  	[hbm4b:s30+s2] =	stream.linear.scatter [tilespmem:s31], [sflag:$0x2], $0x4000, $0x38;
	[tilespmem:$0x12800] =	vst v63  }
0x3c: {  	s31 =	smov.u32 s24;
	s30 =	smov.u32 s25;
	s1 =	smov.u32 s26  }
0x3d: {  	p0 =	sne.s32 s24, $0x98000;
	s24 =	sadd.s32 $0x4000, s24;
	_ =	swait.ge [sflag:s22], $0x4000  }
0x3e: {  	[sflag:s22] =	ssyncset.done $0x0  }
0x3f: {  	[sflag:s22] =	ssyncadd.s32 $0xFFFFC000  }
0x40: {  	_ =	swait.ge [sflag:s22], $0x4000  }
0x41: {  	[sflag:s22] =	ssyncset.done $0x0  }
0x42: {  	[sflag:s22] =	ssyncadd.s32 $0xFFFFC000  }
0x43: {  	_ =	swait.ge [sflag:s18], $0x4000  }
0x44: {  	[sflag:s18] =	ssyncset.done $0x0  }
0x45: {  	[sflag:s18] =	ssyncadd.s32 $0xFFFFC000  }
0x46: {  	_ =	swait.ge [sflag:s18], $0x4000  }
0x47: {  	s31 =	sand.u32 $0x4000, s31;
	[sflag:s18] =	ssyncset.done $0x0  }
0x48: {  	s0 =	sxor.u32 $0x6800, s31;
	[sflag:s18] =	ssyncadd.s32 $0xFFFFC000  }
0x49: {  	[tilespmem:s0], [sflag:$0x1] =	stream.indirect.gather [hbm4b:s3+s15], $0x80, s28, s15, $0xb8;
	[tilespmem:$0x12800] =	vst v63  }
.Ltmp0:
0x4a: {  	s0 =	sxor.u32 $0xE800, s31;
	(pc) =	sbr.rel @p0 .LBB2_2-.Ltmp0, $4  }
0x4b: {  	[tilespmem:s0], [sflag:$0x1] =	stream.indirect.gather [hbm4b:s3+s15], $0x80, s29, s15, $0xb8;
	[tilespmem:$0x12800] =	vst v63  }
0x4c: {  	s25 =	sadd.s32 $0x800, s25;
	s26 =	sadd.s32 $0x800, s26;
	s0 =	sor.u32 $0x2800, s31  }
0x4d: {  	[hbm4b:s1+s2] =	stream.linear.scatter [tilespmem:s0], [sflag:$0x2], $0x4000, $0x38;
	[tilespmem:$0x12800] =	vst v63  }
0x4e: {  	s28 =	sadd.s32 $0x80, s28;
	s31 =	sor.u32 $0xA800, s31;
	s29 =	sadd.s32 $0x80, s29  }
0x4f: {  	[hbm4b:s30+s2] =	stream.linear.scatter [tilespmem:s31], [sflag:$0x2], $0x4000, $0x38;
	[tilespmem:$0x12800] =	vst v63  }
0x50: {  	_ =	swait.ge [sflag:s22], $0x4000  }
0x51: {  	[sflag:s22] =	ssyncset.done $0x0  }
0x52: {  	[sflag:s22] =	ssyncadd.s32 $0xFFFFC000  }
0x53: {  	_ =	swait.ge [sflag:s22], $0x4000  }
0x54: {  	[sflag:s22] =	ssyncset.done $0x0  }
0x55: {  	[sflag:s22] =	ssyncadd.s32 $0xFFFFC000  }
0x56: {  	_ =	swait.ge [sflag:s18], $0x4000  }
0x57: {  	[sflag:s18] =	ssyncset.done $0x0  }
0x58: {  	[sflag:s18] =	ssyncadd.s32 $0xFFFFC000  }
0x59: {  	_ =	swait.ge [sflag:s18], $0x4000  }
0x5a: {  	[sflag:s18] =	ssyncset.done $0x0  }
0x5b: {  	[sflag:s18] =	ssyncadd.s32 $0xFFFFC000  }
0x5c: {  	[hbm4b:s9+s2] =	stream.linear.scatter [tilespmem:s19], [sflag:$0x2], $0x4000, $0x38;
	[tilespmem:$0x12800] =	vst v63  }
0x5d: {  	s23 =	sadd.s32 $0x1, s23  }
0x5e: {  	[hbm4b:s10+s2] =	stream.linear.scatter [tilespmem:s21], [sflag:$0x2], $0x4000, $0x38;
	[tilespmem:$0x12800] =	vst v63  }
0x5f: {  	p0 =	sne.s32 s23, s6;
	_ =	swait.ge [sflag:s22], $0x4000  }
.Ltmp1:
0x60: {  	[sflag:s22] =	ssyncset.done $0x0;
	(pc) =	sbr.rel @p0 .LBB2_1-.Ltmp1, $4  }
0x61: {  	[sflag:s22] =	ssyncadd.s32 $0xFFFFC000  }
0x62: {  	_ =	swait.ge [sflag:s22], $0x4000  }
0x63: {  	[sflag:s22] =	ssyncset.done $0x0  }
0x64: {  	[sflag:s22] =	ssyncadd.s32 $0xFFFFC000  }
0x65: {  	_ =	sfence.sel $0x180000  }
0x66: {  	[bflag:$0x0] =	sbarrier.arrive $0xFFFF  }
0x67: {  	_ =	strace $0x90000047  }
0x68: {  	s0 =	stileid.u32;
	[bflag:$0x2] =	sbarrier.arrive $0xFFFF  }
0x69: {  	p0 =	sne.s32 s0, $0x0;
	s0 =	rddreg [dreg:$0x1]  }
0x6a: {  	s0 =	sadd.s32 @!p0 $0x100000, s0  }
0x6b: {  	[sflag:s0] =	ssyncadd.tile.s32 @!p0 $0x1;
	_ =	shalt  }
.Lfunc_end2:
_tile_overlayer_lowered:
.L_overlay_start_2:
0x6c: {  	(tag) =	ssettag $0x2  }
0x6d: {  	s0 =	rddreg [dreg:$0x0];
	s2 =	stileid.u32  }
0x6e: {  	s1 =	rddreg [dreg:$0x1];
	p0 =	sne.s32 s2, $0x0  }
0x6f: {  	s3 =	rddreg [dreg:$0x2];
	[bflag:$0x3] =	sbarrier.arrive $0xFFFF;
	s2 =	simm.s32 @!p0 $0x1C03  }
0x70: {  	[timem:s3], [sflag:s2] =	dma.local @!p0 [hbm:s0], s1  }
0x71: {  	s0 =	simm.s32 @!p0 $0x3  }
0x72: {  	_ =	swait.ge @!p0 [sflag:s0], s1  }
0x73: {  	s1 =	ssub.s32 @!p0 $0x0, s1;
	[sflag:s0] =	ssyncset.done @!p0 $0x0  }
0x74: {  	[sflag:s0] =	ssyncadd.s32 @!p0 s1  }
0x75: {  	[bflag:$0x3] =	sbarrier.arrive $0xFFFF  }
0x76: {  	_ =	shalt  }

// kernel: kernel.21.cloned.1.call-start
scs
__scs_entry_jumppad:
0x0: {  	(pc) =	sbr.rel $0x88, $3  }
0x1: {  	(tag) =	ssettag $0x0;
	lr =	simm.s32 $0x1  }
0x2: {  	[smem:$0x3F95] =	sst lr;
	_ =	strace $0xD0000000  }
0x3: {  	_ = 	snop  }
0x4: {  	_ = 	snop  }
0x5: {  	_ = 	snop  }
0x6: {  	_ = 	snop  }
0x7: {  	_ = 	snop  }
__scs_overlays_trampoline_lowered:
0x8: {  	[smem:$0x3FA4] =	sst s0  }
0x9: {  	[smem:$0x3FA5] =	sst s1  }
0xa: {  	[smem:$0x3FA6] =	sst s2  }
0xb: {  	[smem:$0x3FA7] =	sst s3  }
0xc: {  	[smem:$0x3FA8] =	sst s4  }
0xd: {  	[smem:$0x3FA9] =	sst s5  }
0xe: {  	[smem:$0x3FAA] =	sst s6  }
0xf: {  	[smem:$0x3FAB] =	sst s7  }
0x10: {  	[smem:$0x3FAC] =	sst s8  }
0x11: {  	[smem:$0x3FAD] =	sst s9;
	s0 =	simm.s32 @!p0 $0x0  }
0x12: {  	s1 =	sld [smem:$0x3F93];
	s0 =	simm.s32 @p0 $0x1  }
0x13: {  	[smem:$0x3FAE] =	sst s0;
	s0 =	simm.s32 @!p1 $0x0  }
0x14: {  	s2 =	sld [smem:$0x3F92];
	s0 =	simm.s32 @p1 $0x1  }
0x15: {  	[smem:$0x3FAF] =	sst s0;
	s0 =	simm.s32 @!p2 $0x0  }
0x16: {  	s3 =	sld [smem:$0x3FDB];
	s0 =	simm.s32 @p2 $0x1  }
0x17: {  	s4 =	simm.s32 $0x1BF5;
	[smem:$0x3FB1] =	sst s0  }
0x18: {  	s0 =	sld [smem:$0x3F94];
	_ =	swait.ge [sflag:s4], $0x0  }
0x19: {  	s7 =	sld [smem:$0x3F95]  }
0x1a: {  	s8 =	sadd.s32 $0xFFFFE003, lr  }
0x1b: {  	s9 =	sadd.s32 $0xFFFFFEF7, lr;
	s5 =	simm.s32 $0xFFFFFFFF;
	p2 =	slt.u32 s8, $0xFFFFF086  }
0x1c: {  	p1 =	slt.u32 s9, $0xF7A;
	s5 =	simm.s32 @!p2 $0x0  }
0x1d: {  	s5 =	simm.s32 @p1 $0x1;
	p0 =	seq.s32 s7, s2  }
0x1e: {  	s7 =	smul.u32 @!p0 $0xF7A, s2;
	p2 =	seq.s32 @!p0 s5, $0x0  }
0x1f: {  	s9 =	smul.u32 $0xF7A, s1;
	s8 =	simm.s32 @!p0 $0x1BF5;
	p2 =	por !p2, p0  }
0x20: {  	[sflag:s8] =	ssyncset.s32 @!p0 $0xFFFFF086;
	s6 =	sadd.s32 @!p0 s3, s7;
	s7 =	simm.s32 @!p0 $0x108  }
0x21: {  	s3 =	sadd.s32 s3, s9;
	s6 =	sadd.s32 @!p0 $0x88, s6;
	s7 =	simm.s32 @p2 $0x1082  }
0x22: {  	[simem:s7], [sflag:s8] =	dma.local @!p0 [hbm:s6], $0xF7A  }
0x23: {  	s9 =	sor.u32 $0xD0000000, s2;
	s6 =	simm.s32 $0x108;
	_ =	swait.ge @!p0 [sflag:s8], $0x0  }
0x24: {  	s3 =	sadd.s32 $0x88, s3;
	s6 =	simm.s32 @!p1 $0x1082;
	[sflag:s4] =	ssyncset.s32 $0xFFFFF086  }
0x25: {  	[simem:s6], [sflag:s4] =	dma.local [hbm:s3], $0xF7A  }
0x26: {  	[smem:$0x3F95] =	sst s1;
	(tag) =	ssettag s2;
	_ =	strace s9  }
0x27: {  	s1 =	sld [smem:$0x3FA5]  }
0x28: {  	s2 =	sld [smem:$0x3FA6]  }
0x29: {  	s4 =	sld [smem:$0x3FA8]  }
0x2a: {  	p0 =	seq.s32 s5, $0x0;
	s5 =	sld [smem:$0x3FA9]  }
0x2b: {  	s6 =	sld [smem:$0x3FAA]  }
0x2c: {  	s7 =	sld [smem:$0x3FAB]  }
0x2d: {  	s3 =	simm.s32 $0x108;
	s8 =	sld [smem:$0x3FAC]  }
0x2e: {  	s3 =	simm.s32 @!p0 $0x1082;
	s9 =	sld [smem:$0x3FAD]  }
0x2f: {  	lr =	sadd.s32 s0, s3;
	s0 =	sld [smem:$0x3FA4]  }
0x30: {  	s3 =	sld [smem:$0x3FA7]  }
0x31: {  	[smem:$0x3FB0] =	sst s10  }
0x32: {  	s10 =	sld [smem:$0x3FAE];
	_ =	sdelay $0x3  }
0x33: {  	p0 =	seq.s32 s10, $0x1;
	s10 =	sld [smem:$0x3FB0];
	_ =	sdelay $0x3  }
0x34: {  	[smem:$0x3FB0] =	sst s10  }
0x35: {  	s10 =	sld [smem:$0x3FAF];
	_ =	sdelay $0x3  }
0x36: {  	p1 =	seq.s32 s10, $0x1;
	s10 =	sld [smem:$0x3FB0];
	_ =	sdelay $0x3  }
0x37: {  	[smem:$0x3FB0] =	sst s10  }
0x38: {  	s10 =	sld [smem:$0x3FB1]  }
0x39: {  	_ = 	snop;
	(pc) =	sbr.ind lr, $3  }
0x3a: {  	_ = 	snop  }
0x3b: {  	_ = 	snop  }
0x3c: {  	p2 =	seq.s32 s10, $0x1;
	s10 =	sld [smem:$0x3FB0]  }
0x3d: {  	_ =	shalt  }
0x3e: {  	_ =	shalt  }
0x3f: {  	_ =	shalt  }
0x40: {  	_ =	shalt  }
0x41: {  	_ =	shalt  }
0x42: {  	_ =	shalt  }
0x43: {  	_ =	shalt  }
0x44: {  	_ =	shalt  }
0x45: {  	_ =	shalt  }
0x46: {  	_ =	shalt  }
0x47: {  	_ =	shalt  }
0x48: {  	_ =	shalt  }
0x49: {  	_ =	shalt  }
0x4a: {  	_ =	shalt  }
0x4b: {  	_ =	shalt  }
0x4c: {  	_ =	shalt  }
0x4d: {  	_ =	shalt  }
0x4e: {  	_ =	shalt  }
0x4f: {  	_ =	shalt  }
0x50: {  	_ =	shalt  }
0x51: {  	_ =	shalt  }
0x52: {  	_ =	shalt  }
0x53: {  	_ =	shalt  }
0x54: {  	_ =	shalt  }
0x55: {  	_ =	shalt  }
0x56: {  	_ =	shalt  }
0x57: {  	_ =	shalt  }
0x58: {  	_ =	shalt  }
0x59: {  	_ =	shalt  }
0x5a: {  	_ =	shalt  }
0x5b: {  	_ =	shalt  }
0x5c: {  	_ =	shalt  }
0x5d: {  	_ =	shalt  }
0x5e: {  	_ =	shalt  }
0x5f: {  	_ =	shalt  }
0x60: {  	_ =	shalt  }
0x61: {  	_ =	shalt  }
0x62: {  	_ =	shalt  }
0x63: {  	_ =	shalt  }
0x64: {  	_ =	shalt  }
0x65: {  	_ =	shalt  }
0x66: {  	_ =	shalt  }
0x67: {  	_ =	shalt  }
0x68: {  	_ =	shalt  }
0x69: {  	_ =	shalt  }
0x6a: {  	_ =	shalt  }
0x6b: {  	_ =	shalt  }
0x6c: {  	_ =	shalt  }
0x6d: {  	_ =	shalt  }
0x6e: {  	_ =	shalt  }
0x6f: {  	_ =	shalt  }
0x70: {  	_ =	shalt  }
0x71: {  	_ =	shalt  }
0x72: {  	_ =	shalt  }
0x73: {  	_ =	shalt  }
0x74: {  	_ =	shalt  }
0x75: {  	_ =	shalt  }
0x76: {  	_ =	shalt  }
0x77: {  	_ =	shalt  }
0x78: {  	_ =	shalt  }
0x79: {  	_ =	shalt  }
0x7a: {  	_ =	shalt  }
0x7b: {  	_ =	shalt  }
0x7c: {  	_ =	shalt  }
0x7d: {  	_ =	shalt  }
0x7e: {  	_ =	shalt  }
0x7f: {  	_ =	shalt  }
0x80: {  	_ =	shalt  }
0x81: {  	_ =	shalt  }
0x82: {  	_ =	shalt  }
0x83: {  	_ =	shalt  }
0x84: {  	_ =	shalt  }
0x85: {  	_ =	shalt  }
0x86: {  	_ =	shalt  }
0x87: {  	_ =	shalt  }
.Lfunc_end0:
.L_simem_size_0:
called_computation.1_lowered:
.L_overlay_start_0:
0x88: {  	s2 =	sld [smem:$0x3FD9]  }
0x89: {  	s3 =	sld [smem:$0x3FFE];
	_ =	sdelay $0x1  }
0x8a: {  	s1 =	srdreg.scid  }
0x8b: {  	s0 =	sand.u32 $0x1, s1  }
0x8c: {  	s17 =	sshll.u32 s0, $0xA;
	s2 =	sadd.s32 s3, s2  }
0x8d: {  	s2 =	sadd.s32 s2, s17  }
0x8e: {  	[smem:$0x3FBC] =	sst s2  }
0x8f: {  	_ = 	snop  }
0x90: {  	(tm) =	ssettm $0x1  }
0x91: {  	s18 =	sld [smem:$0x3FFB];
	_ =	sdelay $0x3  }
0x92: {  	_ =	strace s18  }
0x93: {  	s2 =	sld [smem:$0x3FFC];
	_ =	sdelay $0x3  }
0x94: {  	_ =	strace s2  }
0x95: {  	s2 =	sld [smem:$0x3FFD];
	_ =	sdelay $0x3  }
0x96: {  	_ =	strace s2  }
0x97: {  	_ =	strace $0x8FFFFFFF  }
0x98: {  	s19 =	sld [smem:$0x3FDB];
	_ =	sdelay $0x1  }
0x99: {  	s20 =	simm.s32 $_scs_section_size  }
0x9a: {  	s4 =	simm.s32 $_size__tile_overlayer_lowered;
	s5 =	simm.s32 $_tile_overlayer_lowered  }
0x9b: {  	s6 =	simm.s32 $0x1BFF;
	s21 =	sshll.u32 s5, $0x1;
	s3 =	sadd.s32 s20, s19  }
0x9c: {  	s22 =	simm.s32 $0x0;
	s4 =	sshll.u32 s4, $0x1;
	s5 =	sadd.s32 s21, s3  }
0x9d: {  	[timem:s22], [sflag:s6] =	dma.local [hbm:s5], s4  }
0x9e: {  	_ =	swait.ge [sflag:s6], s4  }
0x9f: {  	s4 =	ssub.s32 $0x0, s4;
	[sflag:s6] =	ssyncset.done $0x0  }
0xa0: {  	[sflag:s6] =	ssyncadd.s32 s4;
	_ =	sdelay $0x1  }
0xa1: {  	s23 =	simm.s32 $0x1B8B  }
0xa2: {  	_ =	swait.ge [sflag:s23], $0x1  }
0xa3: {  	[sflag:s23] =	ssyncset.done $0x0  }
0xa4: {  	[sflag:s23] =	ssyncadd.s32 $0xFFFFFFFF  }
0xa5: {  	s4 =	sld [smem:$0x0]  }
0xa6: {  	s5 =	sand.u32 $0xFFFFFFFE, s1  }
0xa7: {  	p0 =	sne.s32 s1, s5  }
0xa8: {  	s5 =	sshll.u32 @p0 s5, $0xE  }
0xa9: {  	s5 =	sadd.s32 @p0 $0x11B8D, s5;
	s6 =	sshll.u32 @p0 s4, $0x11  }
0xaa: {  	s5 =	sor.u32 @p0 s6, s5  }
0xab: {  	[sflag:s5] =	ssyncadd.remote.s32 @p0 $0x1;
	_ =	sdelay $0x1  }
0xac: {  	s5 =	simm.s32 @p0 $0x1B8D  }
0xad: {  	_ =	swait.eq @p0 [sflag:s5], $0x1  }
0xae: {  	[sflag:s5] =	ssyncadd.s32 @p0 $0xFFFFFFFF  }
0xaf: {  	s6 =	sshll.u32 @!p0 s1, $0xE  }
0xb0: {  	s6 =	sor.u32 @!p0 $0x4000, s6;
	s5 =	simm.s32 @!p0 $0x1B8D  }
0xb1: {  	s4 =	sshll.u32 @!p0 s4, $0x11;
	s6 =	sadd.s32 @!p0 $0x11B8D, s6;
	_ =	swait.eq @!p0 [sflag:s5], $0x1  }
0xb2: {  	s4 =	sor.u32 @!p0 s4, s6;
	[sflag:s5] =	ssyncadd.s32 @!p0 $0xFFFFFFFF  }
0xb3: {  	s25 =	simm.s32 $0x1B8E;
	s24 =	sld [smem:$0x3FFE];
	[sflag:s4] =	ssyncadd.remote.s32 @!p0 $0x1  }
0xb4: {  	s26 =	simm.s32 $execute0_lowered;
	[smem:$0x3FD2] =	sst s25  }
0xb5: {  	s5 =	sshll.u32 s26, $0x1;
	_ =	strace $0x80000049;
	[dreg:$0x1] =	wrdreg $0xFFFFFFFF  }
0xb6: {  	s28 =	simm.s32 $_size_execute0_lowered;
	s3 =	sadd.s32 s3, s5;
	[dreg:$0x0] =	wrdreg $0x0  }
0xb7: {  	s5 =	sshll.u32 s28, $0x1;
	[dreg:$0x2] =	wrdreg s3  }
0xb8: {  	[dreg:$0x3] =	wrdreg s5  }
0xb9: {  	[dreg:$0x4] =	wrdreg $0xC0  }
0xba: {  	_ =	task [dreg:s22], $0x5FFFF  }
0xbb: {  	[dreg:$0x1] =	wrdreg $0xFFFFFFFF  }
0xbc: {  	[dreg:$0x0] =	wrdreg $0x60  }
0xbd: {  	[dreg:$0x2] =	wrdreg s24  }
0xbe: {  	[dreg:$0x3] =	wrdreg $0x9  }
0xbf: {  	_ =	task.clear_ibuf [dreg:s22], $0x4FFFF;
	_ =	strace $0x90000049  }
0xc0: {  	s29 =	simm.s32 $0x9;
	_ =	strace $0x8000004B  }
0xc1: {  	_ =	swait.ge [sflag:s29], $0x1  }
0xc2: {  	[sflag:s29] =	ssyncadd.s32 $0xFFFFFFFF  }
0xc3: {  	_ =	strace $0x9000004B  }
0xc4: {  	_ =	sfence  }
0xc5: {  	s30 =	sld [smem:$0x0];
	_ =	sdelay $0x2  }
0xc6: {  	s31 =	sshll.u32 s1, $0xD;
	s1 =	sshrl.u32 s1, $0x2  }
0xc7: {  	s4 =	sand.u32 $0x4000, s31;
	s1 =	sadd.s32 s1, s30  }
0xc8: {  	s0 =	sor.u32 s4, s0;
	s1 =	sshll.u32 s1, $0x11  }
0xc9: {  	s0 =	sor.u32 s1, s0  }
0xca: {  	s0 =	sadd.s32 $0x8F2B, s0  }
0xcb: {  	[sflag:s0] =	ssyncadd.remote.s32 $0x1  }
0xcc: {  	_ =	sfence.sel $0xFFFF  }
0xcd: {  	[dreg:$0x0] =	wrdreg $0xFFFFFFFF;
	(pc) =	sbr.abs _section_cstart, $3  }
0xce: {  	[dreg:$0x1] =	wrdreg $0xFFFFFFFF  }
0xcf: {  	_ =	task.clear_ibuf [dreg:s22], $0x2FFFF;
	_ =	strace $0x9FFFFFFF  }
0xd0: {  	(tm) =	ssettm $0x7FFFFFFF  }
0xd1: {  	_ =	shalt  }
tec
execute0_lowered:
.L_overlay_start_1:
0x0: {  	(tag) =	ssettag $0x1  }
0x1: {  	s1 =	srdreg.scid  }
0x2: {  	s0 =	stileid.u32;
	s4 =	rddreg [dreg:$0x0]  }
0x3: {  	s2 =	simm.s32 $0x0;
	s15 =	simm.s32 $0x80;
	s16 =	simm.s32 $0x2800  }
0x4: {  	s17 =	simm.s32 $0xA800;
	s18 =	simm.s32 $0x1;
	s19 =	simm.s32 $0x6800  }
0x5: {  	s20 =	simm.s32 $0x1480;
	s21 =	simm.s32 $0xE800;
	s22 =	simm.s32 $0x2  }
0x6: {  	s23 =	simm.s32 $0x0;
	s5 =	sand.u32 $0x1, s1;
	s3 =	sshll.u32 s0, $0x1  }
0x7: {  	[smem:$0x7FF] =	sst s2;
	s9 =	smul.u32 $0x140000, s0;
	s12 =	sadd.s32 $0x553A00, s4  }
0x8: {  	s13 =	sadd.s32 $0x7D3A00, s4;
	s6 =	sor.u32 s5, s3;
	s11 =	smul.u32 $0xA0000, s5  }
0x9: {  	_ =	strace $0x8000004A;
	s8 =	ssub.s32 $0x2, s5;
	s7 =	smul.u32 $0x280, s6  }
0xa: {  	s3 =	sadd.s32 $0x18800, s4;
	s6 =	smul.u32 $0xA0000, s6;
	s10 =	sshrl.u32 s8, $0x1  }
0xb: {  	s8 =	ssub.s32 s8, s10;
	s9 =	sadd.s32 s11, s9;
	s7 =	sadd.s32 s7, s4  }
0xc: {  	s31 =	sshrl.u32 s6, $0x3;
	s6 =	smax.u32 s8, $0x1;
	s9 =	sor.u32 $0x4000, s9  }
0xd: {  	s4 =	sadd.s32 $0x4EA00, s7;
	s5 =	sadd.s32 $0x49A00, s7;
	s7 =	sadd.s32 s12, s31  }
0xe: {  	s8 =	sadd.s32 s13, s31;
	s10 =	sadd.s32 $0x13800, s31;
	s14 =	sshrl.u32 s9, $0x3  }
0xf: {  	s9 =	sadd.s32 s12, s10;
	s10 =	sadd.s32 s13, s10;
	s11 =	sadd.s32 s14, s13  }
0x10: {  	s12 =	sadd.s32 s14, s12;
	s13 =	simm.s32 $0x3;
	s14 =	simm.s32 $0x1400  }
.LBB2_1:
0x11: {  	[tilespmem:s2], [sflag:$0x3] =	stream.linear.gather [hbm4b:s4+s2], $0x1400, $0x38;
	[tilespmem:$0x12800] =	vst v63  }
0x12: {  	_ =	swait.ge [sflag:s13], $0x1400  }
0x13: {  	[sflag:s13] =	ssyncset.done $0x0  }
0x14: {  	[sflag:s13] =	ssyncadd.s32 $0xFFFFEC00  }
0x15: {  	[tilespmem:s14], [sflag:$0x3] =	stream.linear.gather [hbm4b:s5+s2], $0x1400, $0x38;
	[tilespmem:$0x12800] =	vst v63  }
0x16: {  	_ =	swait.ge [sflag:s13], $0x1400  }
0x17: {  	[sflag:s13] =	ssyncset.done $0x0  }
0x18: {  	[sflag:s13] =	ssyncadd.s32 $0xFFFFEC00  }
0x19: {  	[tilespmem:s16], [sflag:$0x1] =	stream.indirect.gather [hbm4b:s3+s15], $0x80, s2, s15, $0xb8;
	[tilespmem:$0x12800] =	vst v63  }
0x1a: {  	_ = 	snop  }
0x1b: {  	[tilespmem:s17], [sflag:$0x1] =	stream.indirect.gather [hbm4b:s3+s15], $0x80, s14, s15, $0xb8;
	[tilespmem:$0x12800] =	vst v63  }
0x1c: {  	_ =	swait.ge [sflag:s18], $0x4000  }
0x1d: {  	[sflag:s18] =	ssyncset.done $0x0  }
0x1e: {  	[sflag:s18] =	ssyncadd.s32 $0xFFFFC000  }
0x1f: {  	_ =	swait.ge [sflag:s18], $0x4000  }
0x20: {  	[sflag:s18] =	ssyncset.done $0x0  }
0x21: {  	[sflag:s18] =	ssyncadd.s32 $0xFFFFC000  }
0x22: {  	[tilespmem:s19], [sflag:$0x1] =	stream.indirect.gather [hbm4b:s3+s15], $0x80, s15, s15, $0xb8;
	[tilespmem:$0x12800] =	vst v63  }
0x23: {  	_ = 	snop  }
0x24: {  	[tilespmem:s21], [sflag:$0x1] =	stream.indirect.gather [hbm4b:s3+s15], $0x80, s20, s15, $0xb8;
	[tilespmem:$0x12800] =	vst v63  }
0x25: {  	_ = 	snop  }
0x26: {  	[hbm4b:s7+s2] =	stream.linear.scatter [tilespmem:s16], [sflag:$0x2], $0x4000, $0x38;
	[tilespmem:$0x12800] =	vst v63  }
0x27: {  	_ = 	snop  }
0x28: {  	[hbm4b:s8+s2] =	stream.linear.scatter [tilespmem:s17], [sflag:$0x2], $0x4000, $0x38;
	[tilespmem:$0x12800] =	vst v63  }
0x29: {  	_ =	swait.ge [sflag:s22], $0x4000  }
0x2a: {  	[sflag:s22] =	ssyncset.done $0x0  }
0x2b: {  	[sflag:s22] =	ssyncadd.s32 $0xFFFFC000  }
0x2c: {  	_ =	swait.ge [sflag:s22], $0x4000  }
0x2d: {  	[sflag:s22] =	ssyncset.done $0x0  }
0x2e: {  	[sflag:s22] =	ssyncadd.s32 $0xFFFFC000  }
0x2f: {  	_ =	swait.ge [sflag:s18], $0x4000  }
0x30: {  	[sflag:s18] =	ssyncset.done $0x0  }
0x31: {  	[sflag:s18] =	ssyncadd.s32 $0xFFFFC000  }
0x32: {  	s24 =	simm.s32 $0x4000;
	_ =	swait.ge [sflag:s18], $0x4000  }
0x33: {  	s26 =	simm.s32 $0x100;
	s28 =	sand.u32 $0x4000, s24;
	[sflag:s18] =	ssyncset.done $0x0  }
0x34: {  	s0 =	simm.s32 $0x1500;
	s25 =	sxor.u32 $0x6800, s28;
	[sflag:s18] =	ssyncadd.s32 $0xFFFFC000  }
0x35: {  	[tilespmem:s25], [sflag:$0x1] =	stream.indirect.gather [hbm4b:s3+s15], $0x80, s26, s15, $0xb8;
	[tilespmem:$0x12800] =	vst v63  }
0x36: {  	s29 =	simm.s32 $0x1580;
	s30 =	smov.u32 s11;
	s1 =	sxor.u32 $0xE800, s28  }
0x37: {  	[tilespmem:s1], [sflag:$0x1] =	stream.indirect.gather [hbm4b:s3+s15], $0x80, s0, s15, $0xb8;
	[tilespmem:$0x12800] =	vst v63  }
0x38: {  	s24 =	simm.s32 $0x8000;
	s31 =	sor.u32 $0xA800, s28;
	s26 =	sor.u32 $0x2800, s28  }
0x39: {  	[hbm4b:s12+s2] =	stream.linear.scatter [tilespmem:s26], [sflag:$0x2], $0x4000, $0x38;
	[tilespmem:$0x12800] =	vst v63  }
0x3a: {  	s25 =	sadd.s32 $0x800, s11;
	s28 =	simm.s32 $0x180;
	s26 =	sadd.s32 $0x800, s12  }
.LBB2_2:
0x3b: {  	[hbm4b:s30+s2] =	stream.linear.scatter [tilespmem:s31], [sflag:$0x2], $0x4000, $0x38;
	[tilespmem:$0x12800] =	vst v63  }
0x3c: {  	s31 =	smov.u32 s24;
	s30 =	smov.u32 s25;
	s1 =	smov.u32 s26  }
0x3d: {  	p0 =	sne.s32 s24, $0x98000;
	s24 =	sadd.s32 $0x4000, s24;
	_ =	swait.ge [sflag:s22], $0x4000  }
0x3e: {  	[sflag:s22] =	ssyncset.done $0x0  }
0x3f: {  	[sflag:s22] =	ssyncadd.s32 $0xFFFFC000  }
0x40: {  	_ =	swait.ge [sflag:s22], $0x4000  }
0x41: {  	[sflag:s22] =	ssyncset.done $0x0  }
0x42: {  	[sflag:s22] =	ssyncadd.s32 $0xFFFFC000  }
0x43: {  	_ =	swait.ge [sflag:s18], $0x4000  }
0x44: {  	[sflag:s18] =	ssyncset.done $0x0  }
0x45: {  	[sflag:s18] =	ssyncadd.s32 $0xFFFFC000  }
0x46: {  	_ =	swait.ge [sflag:s18], $0x4000  }
0x47: {  	s31 =	sand.u32 $0x4000, s31;
	[sflag:s18] =	ssyncset.done $0x0  }
0x48: {  	s0 =	sxor.u32 $0x6800, s31;
	[sflag:s18] =	ssyncadd.s32 $0xFFFFC000  }
0x49: {  	[tilespmem:s0], [sflag:$0x1] =	stream.indirect.gather [hbm4b:s3+s15], $0x80, s28, s15, $0xb8;
	[tilespmem:$0x12800] =	vst v63  }
.Ltmp0:
0x4a: {  	s0 =	sxor.u32 $0xE800, s31;
	(pc) =	sbr.rel @p0 .LBB2_2-.Ltmp0, $4  }
0x4b: {  	[tilespmem:s0], [sflag:$0x1] =	stream.indirect.gather [hbm4b:s3+s15], $0x80, s29, s15, $0xb8;
	[tilespmem:$0x12800] =	vst v63  }
0x4c: {  	s25 =	sadd.s32 $0x800, s25;
	s26 =	sadd.s32 $0x800, s26;
	s0 =	sor.u32 $0x2800, s31  }
0x4d: {  	[hbm4b:s1+s2] =	stream.linear.scatter [tilespmem:s0], [sflag:$0x2], $0x4000, $0x38;
	[tilespmem:$0x12800] =	vst v63  }
0x4e: {  	s28 =	sadd.s32 $0x80, s28;
	s31 =	sor.u32 $0xA800, s31;
	s29 =	sadd.s32 $0x80, s29  }
0x4f: {  	[hbm4b:s30+s2] =	stream.linear.scatter [tilespmem:s31], [sflag:$0x2], $0x4000, $0x38;
	[tilespmem:$0x12800] =	vst v63  }
0x50: {  	_ =	swait.ge [sflag:s22], $0x4000  }
0x51: {  	[sflag:s22] =	ssyncset.done $0x0  }
0x52: {  	[sflag:s22] =	ssyncadd.s32 $0xFFFFC000  }
0x53: {  	_ =	swait.ge [sflag:s22], $0x4000  }
0x54: {  	[sflag:s22] =	ssyncset.done $0x0  }
0x55: {  	[sflag:s22] =	ssyncadd.s32 $0xFFFFC000  }
0x56: {  	_ =	swait.ge [sflag:s18], $0x4000  }
0x57: {  	[sflag:s18] =	ssyncset.done $0x0  }
0x58: {  	[sflag:s18] =	ssyncadd.s32 $0xFFFFC000  }
0x59: {  	_ =	swait.ge [sflag:s18], $0x4000  }
0x5a: {  	[sflag:s18] =	ssyncset.done $0x0  }
0x5b: {  	[sflag:s18] =	ssyncadd.s32 $0xFFFFC000  }
0x5c: {  	[hbm4b:s9+s2] =	stream.linear.scatter [tilespmem:s19], [sflag:$0x2], $0x4000, $0x38;
	[tilespmem:$0x12800] =	vst v63  }
0x5d: {  	s23 =	sadd.s32 $0x1, s23  }
0x5e: {  	[hbm4b:s10+s2] =	stream.linear.scatter [tilespmem:s21], [sflag:$0x2], $0x4000, $0x38;
	[tilespmem:$0x12800] =	vst v63  }
0x5f: {  	p0 =	sne.s32 s23, s6;
	_ =	swait.ge [sflag:s22], $0x4000  }
.Ltmp1:
0x60: {  	[sflag:s22] =	ssyncset.done $0x0;
	(pc) =	sbr.rel @p0 .LBB2_1-.Ltmp1, $4  }
0x61: {  	[sflag:s22] =	ssyncadd.s32 $0xFFFFC000  }
0x62: {  	_ =	swait.ge [sflag:s22], $0x4000  }
0x63: {  	[sflag:s22] =	ssyncset.done $0x0  }
0x64: {  	[sflag:s22] =	ssyncadd.s32 $0xFFFFC000  }
0x65: {  	_ =	sfence.sel $0x180000  }
0x66: {  	[bflag:$0x0] =	sbarrier.arrive $0xFFFF  }
0x67: {  	_ =	strace $0x9000004A  }
0x68: {  	s0 =	stileid.u32;
	[bflag:$0x2] =	sbarrier.arrive $0xFFFF  }
0x69: {  	p0 =	sne.s32 s0, $0x0;
	s0 =	rddreg [dreg:$0x1]  }
0x6a: {  	s0 =	sadd.s32 @!p0 $0x100000, s0  }
0x6b: {  	[sflag:s0] =	ssyncadd.tile.s32 @!p0 $0x1;
	_ =	shalt  }
.Lfunc_end2:
_tile_overlayer_lowered:
.L_overlay_start_2:
0x6c: {  	(tag) =	ssettag $0x2  }
0x6d: {  	s0 =	rddreg [dreg:$0x0];
	s2 =	stileid.u32  }
0x6e: {  	s1 =	rddreg [dreg:$0x1];
	p0 =	sne.s32 s2, $0x0  }
0x6f: {  	s3 =	rddreg [dreg:$0x2];
	[bflag:$0x3] =	sbarrier.arrive $0xFFFF;
	s2 =	simm.s32 @!p0 $0x1C03  }
0x70: {  	[timem:s3], [sflag:s2] =	dma.local @!p0 [hbm:s0], s1  }
0x71: {  	s0 =	simm.s32 @!p0 $0x3  }
0x72: {  	_ =	swait.ge @!p0 [sflag:s0], s1  }
0x73: {  	s1 =	ssub.s32 @!p0 $0x0, s1;
	[sflag:s0] =	ssyncset.done @!p0 $0x0  }
0x74: {  	[sflag:s0] =	ssyncadd.s32 @!p0 s1  }
0x75: {  	[bflag:$0x3] =	sbarrier.arrive $0xFFFF  }
0x76: {  	_ =	shalt  }

// kernel: kernel.24.cloned.1.call-start
scs
__scs_entry_jumppad:
0x0: {  	(pc) =	sbr.rel $0x88, $3  }
0x1: {  	(tag) =	ssettag $0x0;
	lr =	simm.s32 $0x1  }
0x2: {  	[smem:$0x3F95] =	sst lr;
	_ =	strace $0xD0000000  }
0x3: {  	_ = 	snop  }
0x4: {  	_ = 	snop  }
0x5: {  	_ = 	snop  }
0x6: {  	_ = 	snop  }
0x7: {  	_ = 	snop  }
__scs_overlays_trampoline_lowered:
0x8: {  	[smem:$0x3FA4] =	sst s0  }
0x9: {  	[smem:$0x3FA5] =	sst s1  }
0xa: {  	[smem:$0x3FA6] =	sst s2  }
0xb: {  	[smem:$0x3FA7] =	sst s3  }
0xc: {  	[smem:$0x3FA8] =	sst s4  }
0xd: {  	[smem:$0x3FA9] =	sst s5  }
0xe: {  	[smem:$0x3FAA] =	sst s6  }
0xf: {  	[smem:$0x3FAB] =	sst s7  }
0x10: {  	[smem:$0x3FAC] =	sst s8  }
0x11: {  	[smem:$0x3FAD] =	sst s9;
	s0 =	simm.s32 @!p0 $0x0  }
0x12: {  	s1 =	sld [smem:$0x3F93];
	s0 =	simm.s32 @p0 $0x1  }
0x13: {  	[smem:$0x3FAE] =	sst s0;
	s0 =	simm.s32 @!p1 $0x0  }
0x14: {  	s2 =	sld [smem:$0x3F92];
	s0 =	simm.s32 @p1 $0x1  }
0x15: {  	[smem:$0x3FAF] =	sst s0;
	s0 =	simm.s32 @!p2 $0x0  }
0x16: {  	s3 =	sld [smem:$0x3FDB];
	s0 =	simm.s32 @p2 $0x1  }
0x17: {  	s4 =	simm.s32 $0x1BF5;
	[smem:$0x3FB1] =	sst s0  }
0x18: {  	s0 =	sld [smem:$0x3F94];
	_ =	swait.ge [sflag:s4], $0x0  }
0x19: {  	s7 =	sld [smem:$0x3F95]  }
0x1a: {  	s8 =	sadd.s32 $0xFFFFE003, lr  }
0x1b: {  	s9 =	sadd.s32 $0xFFFFFEF7, lr;
	s5 =	simm.s32 $0xFFFFFFFF;
	p2 =	slt.u32 s8, $0xFFFFF086  }
0x1c: {  	p1 =	slt.u32 s9, $0xF7A;
	s5 =	simm.s32 @!p2 $0x0  }
0x1d: {  	s5 =	simm.s32 @p1 $0x1;
	p0 =	seq.s32 s7, s2  }
0x1e: {  	s7 =	smul.u32 @!p0 $0xF7A, s2;
	p2 =	seq.s32 @!p0 s5, $0x0  }
0x1f: {  	s9 =	smul.u32 $0xF7A, s1;
	s8 =	simm.s32 @!p0 $0x1BF5;
	p2 =	por !p2, p0  }
0x20: {  	[sflag:s8] =	ssyncset.s32 @!p0 $0xFFFFF086;
	s6 =	sadd.s32 @!p0 s3, s7;
	s7 =	simm.s32 @!p0 $0x108  }
0x21: {  	s3 =	sadd.s32 s3, s9;
	s6 =	sadd.s32 @!p0 $0x88, s6;
	s7 =	simm.s32 @p2 $0x1082  }
0x22: {  	[simem:s7], [sflag:s8] =	dma.local @!p0 [hbm:s6], $0xF7A  }
0x23: {  	s9 =	sor.u32 $0xD0000000, s2;
	s6 =	simm.s32 $0x108;
	_ =	swait.ge @!p0 [sflag:s8], $0x0  }
0x24: {  	s3 =	sadd.s32 $0x88, s3;
	s6 =	simm.s32 @!p1 $0x1082;
	[sflag:s4] =	ssyncset.s32 $0xFFFFF086  }
0x25: {  	[simem:s6], [sflag:s4] =	dma.local [hbm:s3], $0xF7A  }
0x26: {  	[smem:$0x3F95] =	sst s1;
	(tag) =	ssettag s2;
	_ =	strace s9  }
0x27: {  	s1 =	sld [smem:$0x3FA5]  }
0x28: {  	s2 =	sld [smem:$0x3FA6]  }
0x29: {  	s4 =	sld [smem:$0x3FA8]  }
0x2a: {  	p0 =	seq.s32 s5, $0x0;
	s5 =	sld [smem:$0x3FA9]  }
0x2b: {  	s6 =	sld [smem:$0x3FAA]  }
0x2c: {  	s7 =	sld [smem:$0x3FAB]  }
0x2d: {  	s3 =	simm.s32 $0x108;
	s8 =	sld [smem:$0x3FAC]  }
0x2e: {  	s3 =	simm.s32 @!p0 $0x1082;
	s9 =	sld [smem:$0x3FAD]  }
0x2f: {  	lr =	sadd.s32 s0, s3;
	s0 =	sld [smem:$0x3FA4]  }
0x30: {  	s3 =	sld [smem:$0x3FA7]  }
0x31: {  	[smem:$0x3FB0] =	sst s10  }
0x32: {  	s10 =	sld [smem:$0x3FAE];
	_ =	sdelay $0x3  }
0x33: {  	p0 =	seq.s32 s10, $0x1;
	s10 =	sld [smem:$0x3FB0];
	_ =	sdelay $0x3  }
0x34: {  	[smem:$0x3FB0] =	sst s10  }
0x35: {  	s10 =	sld [smem:$0x3FAF];
	_ =	sdelay $0x3  }
0x36: {  	p1 =	seq.s32 s10, $0x1;
	s10 =	sld [smem:$0x3FB0];
	_ =	sdelay $0x3  }
0x37: {  	[smem:$0x3FB0] =	sst s10  }
0x38: {  	s10 =	sld [smem:$0x3FB1]  }
0x39: {  	_ = 	snop;
	(pc) =	sbr.ind lr, $3  }
0x3a: {  	_ = 	snop  }
0x3b: {  	_ = 	snop  }
0x3c: {  	p2 =	seq.s32 s10, $0x1;
	s10 =	sld [smem:$0x3FB0]  }
0x3d: {  	_ =	shalt  }
0x3e: {  	_ =	shalt  }
0x3f: {  	_ =	shalt  }
0x40: {  	_ =	shalt  }
0x41: {  	_ =	shalt  }
0x42: {  	_ =	shalt  }
0x43: {  	_ =	shalt  }
0x44: {  	_ =	shalt  }
0x45: {  	_ =	shalt  }
0x46: {  	_ =	shalt  }
0x47: {  	_ =	shalt  }
0x48: {  	_ =	shalt  }
0x49: {  	_ =	shalt  }
0x4a: {  	_ =	shalt  }
0x4b: {  	_ =	shalt  }
0x4c: {  	_ =	shalt  }
0x4d: {  	_ =	shalt  }
0x4e: {  	_ =	shalt  }
0x4f: {  	_ =	shalt  }
0x50: {  	_ =	shalt  }
0x51: {  	_ =	shalt  }
0x52: {  	_ =	shalt  }
0x53: {  	_ =	shalt  }
0x54: {  	_ =	shalt  }
0x55: {  	_ =	shalt  }
0x56: {  	_ =	shalt  }
0x57: {  	_ =	shalt  }
0x58: {  	_ =	shalt  }
0x59: {  	_ =	shalt  }
0x5a: {  	_ =	shalt  }
0x5b: {  	_ =	shalt  }
0x5c: {  	_ =	shalt  }
0x5d: {  	_ =	shalt  }
0x5e: {  	_ =	shalt  }
0x5f: {  	_ =	shalt  }
0x60: {  	_ =	shalt  }
0x61: {  	_ =	shalt  }
0x62: {  	_ =	shalt  }
0x63: {  	_ =	shalt  }
0x64: {  	_ =	shalt  }
0x65: {  	_ =	shalt  }
0x66: {  	_ =	shalt  }
0x67: {  	_ =	shalt  }
0x68: {  	_ =	shalt  }
0x69: {  	_ =	shalt  }
0x6a: {  	_ =	shalt  }
0x6b: {  	_ =	shalt  }
0x6c: {  	_ =	shalt  }
0x6d: {  	_ =	shalt  }
0x6e: {  	_ =	shalt  }
0x6f: {  	_ =	shalt  }
0x70: {  	_ =	shalt  }
0x71: {  	_ =	shalt  }
0x72: {  	_ =	shalt  }
0x73: {  	_ =	shalt  }
0x74: {  	_ =	shalt  }
0x75: {  	_ =	shalt  }
0x76: {  	_ =	shalt  }
0x77: {  	_ =	shalt  }
0x78: {  	_ =	shalt  }
0x79: {  	_ =	shalt  }
0x7a: {  	_ =	shalt  }
0x7b: {  	_ =	shalt  }
0x7c: {  	_ =	shalt  }
0x7d: {  	_ =	shalt  }
0x7e: {  	_ =	shalt  }
0x7f: {  	_ =	shalt  }
0x80: {  	_ =	shalt  }
0x81: {  	_ =	shalt  }
0x82: {  	_ =	shalt  }
0x83: {  	_ =	shalt  }
0x84: {  	_ =	shalt  }
0x85: {  	_ =	shalt  }
0x86: {  	_ =	shalt  }
0x87: {  	_ =	shalt  }
.Lfunc_end0:
.L_simem_size_0:
called_computation.2_lowered:
.L_overlay_start_0:
0x88: {  	s2 =	sld [smem:$0x3FD9]  }
0x89: {  	s3 =	sld [smem:$0x3FFE];
	_ =	sdelay $0x1  }
0x8a: {  	s1 =	srdreg.scid  }
0x8b: {  	s0 =	sand.u32 $0x1, s1  }
0x8c: {  	s17 =	sshll.u32 s0, $0xA;
	s2 =	sadd.s32 s3, s2  }
0x8d: {  	s2 =	sadd.s32 s2, s17  }
0x8e: {  	[smem:$0x3FBC] =	sst s2  }
0x8f: {  	_ = 	snop  }
0x90: {  	s18 =	sld [smem:$0x3FD0];
	(tm) =	ssettm $0x1  }
0x91: {  	s19 =	sld [smem:$0x3FFB];
	_ =	sdelay $0x3  }
0x92: {  	_ =	strace s19  }
0x93: {  	s2 =	sld [smem:$0x3FFC];
	_ =	sdelay $0x3  }
0x94: {  	_ =	strace s2  }
0x95: {  	s2 =	sld [smem:$0x3FFD];
	_ =	sdelay $0x3  }
0x96: {  	_ =	strace s2  }
0x97: {  	_ =	strace $0x8FFFFFFF  }
0x98: {  	s20 =	sld [smem:$0x3FDB];
	_ =	sdelay $0x1  }
0x99: {  	s4 =	simm.s32 $_scs_section_size  }
0x9a: {  	s5 =	simm.s32 $_size__tile_overlayer_lowered;
	s6 =	simm.s32 $_tile_overlayer_lowered  }
0x9b: {  	s7 =	simm.s32 $0x1BFF;
	s21 =	sshll.u32 s6, $0x1;
	s4 =	sadd.s32 s4, s20  }
0x9c: {  	s22 =	simm.s32 $0x0;
	s5 =	sshll.u32 s5, $0x1;
	s6 =	sadd.s32 s21, s4  }
0x9d: {  	[timem:s22], [sflag:s7] =	dma.local [hbm:s6], s5  }
0x9e: {  	_ =	swait.ge [sflag:s7], s5  }
0x9f: {  	s5 =	ssub.s32 $0x0, s5;
	[sflag:s7] =	ssyncset.done $0x0  }
0xa0: {  	[sflag:s7] =	ssyncadd.s32 s5;
	_ =	sdelay $0x1  }
0xa1: {  	s23 =	simm.s32 $0x1B8B  }
0xa2: {  	_ =	swait.ge [sflag:s23], $0x1  }
0xa3: {  	[sflag:s23] =	ssyncset.done $0x0  }
0xa4: {  	[sflag:s23] =	ssyncadd.s32 $0xFFFFFFFF  }
0xa5: {  	s5 =	sld [smem:$0x0]  }
0xa6: {  	s6 =	sand.u32 $0xFFFFFFFE, s1  }
0xa7: {  	p0 =	sne.s32 s1, s6  }
0xa8: {  	s6 =	sshll.u32 @p0 s6, $0xE  }
0xa9: {  	s6 =	sadd.s32 @p0 $0x11B8D, s6;
	s7 =	sshll.u32 @p0 s5, $0x11  }
0xaa: {  	s6 =	sor.u32 @p0 s7, s6  }
0xab: {  	[sflag:s6] =	ssyncadd.remote.s32 @p0 $0x1;
	_ =	sdelay $0x1  }
0xac: {  	s6 =	simm.s32 @p0 $0x1B8D  }
0xad: {  	_ =	swait.eq @p0 [sflag:s6], $0x1  }
0xae: {  	[sflag:s6] =	ssyncadd.s32 @p0 $0xFFFFFFFF  }
0xaf: {  	s7 =	sshll.u32 @!p0 s1, $0xE  }
0xb0: {  	s7 =	sor.u32 @!p0 $0x4000, s7;
	s6 =	simm.s32 @!p0 $0x1B8D  }
0xb1: {  	s5 =	sshll.u32 @!p0 s5, $0x11;
	s7 =	sadd.s32 @!p0 $0x11B8D, s7;
	_ =	swait.eq @!p0 [sflag:s6], $0x1  }
0xb2: {  	s5 =	sor.u32 @!p0 s5, s7;
	[sflag:s6] =	ssyncadd.s32 @!p0 $0xFFFFFFFF  }
0xb3: {  	s25 =	simm.s32 $0x1B8E;
	s24 =	sld [smem:$0x3FFE];
	[sflag:s5] =	ssyncadd.remote.s32 @!p0 $0x1  }
0xb4: {  	s26 =	simm.s32 $execute0_lowered;
	[smem:$0x3FD2] =	sst s25  }
0xb5: {  	s6 =	sshll.u32 s26, $0x1;
	_ =	strace $0x8000004C;
	[dreg:$0x1] =	wrdreg $0xFFFFFFFF  }
0xb6: {  	s28 =	simm.s32 $_size_execute0_lowered;
	s4 =	sadd.s32 s4, s6;
	[dreg:$0x0] =	wrdreg $0x0  }
0xb7: {  	s6 =	sshll.u32 s28, $0x1;
	[dreg:$0x2] =	wrdreg s4  }
0xb8: {  	[dreg:$0x3] =	wrdreg s6  }
0xb9: {  	[dreg:$0x4] =	wrdreg $0xC0  }
0xba: {  	_ =	task [dreg:s22], $0x5FFFF  }
0xbb: {  	[dreg:$0x1] =	wrdreg $0xFFFFFFFF  }
0xbc: {  	[dreg:$0x0] =	wrdreg $0x60  }
0xbd: {  	[dreg:$0x2] =	wrdreg s24  }
0xbe: {  	[dreg:$0x3] =	wrdreg s18  }
0xbf: {  	[dreg:$0x4] =	wrdreg $0x80000  }
0xc0: {  	[dreg:$0x5] =	wrdreg $0xA  }
0xc1: {  	_ =	task.clear_ibuf [dreg:s22], $0x6FFFF;
	_ =	strace $0x9000004C  }
0xc2: {  	s29 =	simm.s32 $0xA;
	_ =	strace $0x8000004E  }
0xc3: {  	_ =	swait.ge [sflag:s29], $0x1  }
0xc4: {  	[sflag:s29] =	ssyncadd.s32 $0xFFFFFFFF  }
0xc5: {  	_ =	strace $0x9000004E  }
0xc6: {  	_ =	sfence  }
0xc7: {  	s30 =	sld [smem:$0x0];
	_ =	sdelay $0x2  }
0xc8: {  	s31 =	sshll.u32 s1, $0xD;
	s1 =	sshrl.u32 s1, $0x2  }
0xc9: {  	s4 =	sand.u32 $0x4000, s31;
	s1 =	sadd.s32 s1, s30  }
0xca: {  	s0 =	sor.u32 s4, s0;
	s1 =	sshll.u32 s1, $0x11  }
0xcb: {  	s0 =	sor.u32 s1, s0  }
0xcc: {  	s0 =	sadd.s32 $0x8F2B, s0  }
0xcd: {  	[sflag:s0] =	ssyncadd.remote.s32 $0x1  }
0xce: {  	_ =	sfence.sel $0xFFFF  }
0xcf: {  	[dreg:$0x0] =	wrdreg $0xFFFFFFFF;
	(pc) =	sbr.abs _section_cstart, $3  }
0xd0: {  	[dreg:$0x1] =	wrdreg $0xFFFFFFFF  }
0xd1: {  	_ =	task.clear_ibuf [dreg:s22], $0x2FFFF;
	_ =	strace $0x9FFFFFFF  }
0xd2: {  	(tm) =	ssettm $0x7FFFFFFF  }
0xd3: {  	_ =	shalt  }
tec
execute0_lowered:
.L_overlay_start_1:
0x0: {  	(tag) =	ssettag $0x1  }
0x1: {  	s6 =	rddreg [dreg:$0x0]  }
0x2: {  	s7 =	rddreg [dreg:$0x1]  }
0x3: {  	s2 =	rddreg [dreg:$0x2]  }
0x4: {  	s1 =	stileid.u32;
	s0 =	rddreg [dreg:$0x3]  }
0x5: {  	s3 =	simm.s32 $0x0;
	s5 =	srdreg.scid;
	s18 =	simm.s32 $0x4E00  }
0x6: {  	s19 =	simm.s32 $0x0;
	s4 =	smul.u32 $0x27100, s1;
	[smem:$0x7FF] =	sst s3  }
0x7: {  	s8 =	smul.u32 $0x2700, s1;
	s10 =	sand.u32 $0x1, s5;
	s11 =	sshll.u32 s1, $0x1  }
0x8: {  	s12 =	smul.u32 $0x4E000, s1;
	s13 =	sadd.s32 $0x7AC00, s6;
	s29 =	sshll.u32 s1, $0x6  }
0x9: {  	s17 =	sadd.s32 $0x138000, s2;
	p0 =	sne.s32 s1, $0xF;
	s15 =	smul.u32 $0x27100, s10  }
0xa: {  	_ =	strace $0x8000004D;
	s5 =	ssub.s32 $0x2, s10;
	s16 =	smul.u32 $0x138800, s10  }
0xb: {  	s11 =	sor.u32 s10, s11;
	s10 =	smul.u32 $0x13880, s10;
	s9 =	sadd.s32 s4, s6  }
0xc: {  	s26 =	sadd.s32 s8, s6;
	s14 =	sshrl.u32 s5, $0x1;
	s28 =	sshrl.u32 s12, $0x2  }
0xd: {  	s11 =	smul.u32 $0x380, s11;
	s6 =	sadd.s32 $0x7AA00, s6;
	s14 =	ssub.s32 s5, s14  }
0xe: {  	s12 =	sadd.s32 s28, s2;
	s4 =	sadd.s32 $0x53A00, s26;
	s5 =	sor.u32 $0x1C02, s29  }
0xf: {  	s8 =	sadd.s32 s8, s15;
	s30 =	sshrl.u32 s16, $0x3;
	s31 =	sadd.s32 s10, s9  }
0x10: {  	s15 =	simm.s32 $0x1C00;
	s16 =	simm.s32 $0x1;
	s7 =	sadd.s32 s7, s11  }
0x11: {  	s8 =	sadd.s32 s13, s8;
	s11 =	sadd.s32 s13, s30;
	s10 =	smax.u32 s14, $0x1  }
0x12: {  	s12 =	sshrl.u32 s12, $0x3;
	s13 =	simm.s32 $0x2;
	s14 =	sshrl.u32 @!p0 s17, $0x3  }
0x13: {  	s17 =	simm.s32 $0x64;
	s9 =	sadd.s32 $0x27000, s11;
	s11 =	sadd.s32 $0xA53A00, s31  }
.LBB2_1:
0x14: {  	[spmem:s12], [sflag:s5] =	dma.local [hbm:s4], $0x2700  }
0x15: {  	_ =	swait.ge [sflag:s13], $0x2700  }
0x16: {  	[sflag:s13] =	ssyncset.done $0x0  }
0x17: {  	s20 =	simm.s32 @!p0 $0x2;
	[sflag:s13] =	ssyncadd.s32 $0xFFFFD900  }
0x18: {  	[spmem:s14], [sflag:s5] =	dma.local @!p0 [hbm:s6], $0x100  }
0x19: {  	_ =	swait.ge @!p0 [sflag:s20], $0x100  }
0x1a: {  	[sflag:s20] =	ssyncset.done @!p0 $0x0  }
0x1b: {  	[sflag:s20] =	ssyncadd.s32 @!p0 $0xFFFFFF00  }
0x1c: {  	[tilespmem:s3], [sflag:$0x2] =	stream.linear.gather [hbm4b:s7+s3], $0x1900, $0x38;
	[tilespmem:$0x1B880] =	vst v63  }
0x1d: {  	_ =	swait.ge [sflag:s13], $0x1900  }
0x1e: {  	[sflag:s13] =	ssyncset.done $0x0  }
0x1f: {  	[sflag:s13] =	ssyncadd.s32 $0xFFFFE700  }
0x20: {  	s29 =	sadd.s32 $0x0, s11;
	[bflag:$0x0] =	sbarrier.arrive $0xFFFF  }
0x21: {  	[tilespmem:s15], [sflag:$0x1] =	stream.linear.gather [hbm4b:s29+s3], $0x6400, $0x38;
	[tilespmem:$0x1B880] =	vst v63  }
0x22: {  	_ =	swait.ge [sflag:s16], $0x6400  }
0x23: {  	[sflag:s16] =	ssyncset.done $0x0  }
0x24: {  	s30 =	simm.s32 $0x0;
	[sflag:s16] =	ssyncadd.s32 $0xFFFF9C00  }
0x25: {  	[spmem:s2] =	stream.indirect.scatter.add.f32 [tilespmem:s15], [sflag:$0x2], $0x80, s30, s17, $0xb8;
	[tilespmem:$0x1B880] =	vst v63  }
0x26: {  	_ =	swait.ge [sflag:s13], $0x3200  }
0x27: {  	[sflag:s13] =	ssyncset.done $0x0  }
0x28: {  	s31 =	simm.s32 $0x80;
	[sflag:s13] =	ssyncadd.s32 $0xFFFFCE00  }
0x29: {  	[spmem:s2] =	stream.indirect.scatter.add.f32 [tilespmem:s18], [sflag:$0x2], $0x80, s31, s17, $0xb8;
	[tilespmem:$0x1B880] =	vst v63  }
0x2a: {  	s21 =	simm.s32 $0xC80;
	_ =	swait.ge [sflag:s13], $0x3200  }
0x2b: {  	s22 =	simm.s32 $0x1900;
	s20 =	simm.s32 $0x180;
	[sflag:s13] =	ssyncset.done $0x0  }
.LBB2_2:
0x2c: {  	s23 =	sadd.s32 s21, s11  }
0x2d: {  	[sflag:s13] =	ssyncadd.s32 $0xFFFFCE00;
	s21 =	smov.u32 s22;
	s24 =	sadd.s32 $0xC80, s22  }
0x2e: {  	[tilespmem:s15], [sflag:$0x1] =	stream.linear.gather [hbm4b:s23+s3], $0x6400, $0x38;
	[tilespmem:$0x1B880] =	vst v63  }
0x2f: {  	p1 =	sne.s32 s22, $0x12C00;
	_ =	swait.ge [sflag:s16], $0x6400  }
0x30: {  	[sflag:s16] =	ssyncset.done $0x0  }
0x31: {  	s22 =	sadd.s32 $0xFFFFFF80, s20;
	[sflag:s16] =	ssyncadd.s32 $0xFFFF9C00  }
0x32: {  	[spmem:s2] =	stream.indirect.scatter.add.f32 [tilespmem:s15], [sflag:$0x2], $0x80, s22, s17, $0xb8;
	[tilespmem:$0x1B880] =	vst v63  }
0x33: {  	_ =	swait.ge [sflag:s13], $0x3200  }
.Ltmp0:
0x34: {  	[sflag:s13] =	ssyncset.done $0x0;
	(pc) =	sbr.rel @p1 .LBB2_2-.Ltmp0, $4  }
0x35: {  	[sflag:s13] =	ssyncadd.s32 $0xFFFFCE00  }
0x36: {  	[spmem:s2] =	stream.indirect.scatter.add.f32 [tilespmem:s18], [sflag:$0x2], $0x80, s20, s17, $0xb8;
	[tilespmem:$0x1B880] =	vst v63  }
0x37: {  	_ =	swait.ge [sflag:s13], $0x3200  }
0x38: {  	s22 =	smov.u32 s24;
	s20 =	sadd.s32 $0x100, s20;
	[sflag:s13] =	ssyncset.done $0x0  }
0x39: {  	s21 =	sadd.s32 s21, s11;
	[sflag:s13] =	ssyncadd.s32 $0xFFFFCE00  }
0x3a: {  	[tilespmem:s15], [sflag:$0x1] =	stream.linear.gather [hbm4b:s21+s3], $0x6400, $0x38;
	[tilespmem:$0x1B880] =	vst v63  }
0x3b: {  	_ =	swait.ge [sflag:s16], $0x6400  }
0x3c: {  	[sflag:s16] =	ssyncset.done $0x0  }
0x3d: {  	s31 =	sadd.s32 $0xFFFFFF80, s20;
	[sflag:s16] =	ssyncadd.s32 $0xFFFF9C00  }
0x3e: {  	[spmem:s2] =	stream.indirect.scatter.add.f32 [tilespmem:s15], [sflag:$0x2], $0x80, s31, s17, $0xb8;
	[tilespmem:$0x1B880] =	vst v63  }
0x3f: {  	_ =	swait.ge [sflag:s13], $0x3200  }
0x40: {  	[sflag:s13] =	ssyncset.done $0x0  }
0x41: {  	[sflag:s13] =	ssyncadd.s32 $0xFFFFCE00  }
0x42: {  	[spmem:s2] =	stream.indirect.scatter.add.f32 [tilespmem:s18], [sflag:$0x2], $0x80, s20, s17, $0xb8;
	[tilespmem:$0x1B880] =	vst v63  }
0x43: {  	_ =	swait.ge [sflag:s13], $0x3200  }
0x44: {  	[sflag:s13] =	ssyncset.done $0x0  }
0x45: {  	[sflag:s13] =	ssyncadd.s32 $0xFFFFCE00  }
0x46: {  	[bflag:$0x0] =	sbarrier.arrive $0xFFFF  }
0x47: {  	[hbm:s8], [sflag:s5] =	dma.local [spmem:s12], $0x2700  }
0x48: {  	s19 =	sadd.s32 $0x1, s19;
	_ =	swait.ge [sflag:s13], $0x2700  }
0x49: {  	p1 =	sne.s32 s19, s10;
	[sflag:s13] =	ssyncset.done $0x0  }
.Ltmp1:
0x4a: {  	s20 =	simm.s32 @!p0 $0x2;
	[sflag:s13] =	ssyncadd.s32 $0xFFFFD900;
	(pc) =	sbr.rel @p1 .LBB2_1-.Ltmp1, $4  }
0x4b: {  	[hbm:s9], [sflag:s5] =	dma.local @!p0 [spmem:s14], $0x100  }
0x4c: {  	_ =	swait.ge @!p0 [sflag:s20], $0x100  }
0x4d: {  	[sflag:s20] =	ssyncset.done @!p0 $0x0  }
0x4e: {  	[sflag:s20] =	ssyncadd.s32 @!p0 $0xFFFFFF00  }
0x4f: {  	_ =	sfence.sel $0x180000  }
0x50: {  	[bflag:$0x0] =	sbarrier.arrive $0xFFFF  }
0x51: {  	p0 =	sne.s32 s1, $0x0;
	_ =	strace $0x9000004D  }
0x52: {  	s0 =	sadd.s32 @!p0 $0x100000, s0;
	[bflag:$0x2] =	sbarrier.arrive $0xFFFF  }
0x53: {  	[sflag:s0] =	ssyncadd.tile.s32 @!p0 $0x1;
	_ =	shalt  }
.Lfunc_end2:
_tile_overlayer_lowered:
.L_overlay_start_2:
0x54: {  	(tag) =	ssettag $0x2  }
0x55: {  	s0 =	rddreg [dreg:$0x0];
	s2 =	stileid.u32  }
0x56: {  	s1 =	rddreg [dreg:$0x1];
	p0 =	sne.s32 s2, $0x0  }
0x57: {  	s3 =	rddreg [dreg:$0x2];
	[bflag:$0x3] =	sbarrier.arrive $0xFFFF;
	s2 =	simm.s32 @!p0 $0x1C02  }
0x58: {  	[timem:s3], [sflag:s2] =	dma.local @!p0 [hbm:s0], s1  }
0x59: {  	s0 =	simm.s32 @!p0 $0x2  }
0x5a: {  	_ =	swait.ge @!p0 [sflag:s0], s1  }
0x5b: {  	s1 =	ssub.s32 @!p0 $0x0, s1;
	[sflag:s0] =	ssyncset.done @!p0 $0x0  }
0x5c: {  	[sflag:s0] =	ssyncadd.s32 @!p0 s1  }
0x5d: {  	[bflag:$0x3] =	sbarrier.arrive $0xFFFF  }
0x5e: {  	_ =	shalt  }

// kernel: kernel.27.cloned.1.call-start
scs
__scs_entry_jumppad:
0x0: {  	(pc) =	sbr.rel $0x88, $3  }
0x1: {  	(tag) =	ssettag $0x0;
	lr =	simm.s32 $0x1  }
0x2: {  	[smem:$0x3F95] =	sst lr;
	_ =	strace $0xD0000000  }
0x3: {  	_ = 	snop  }
0x4: {  	_ = 	snop  }
0x5: {  	_ = 	snop  }
0x6: {  	_ = 	snop  }
0x7: {  	_ = 	snop  }
__scs_overlays_trampoline_lowered:
0x8: {  	[smem:$0x3FA4] =	sst s0  }
0x9: {  	[smem:$0x3FA5] =	sst s1  }
0xa: {  	[smem:$0x3FA6] =	sst s2  }
0xb: {  	[smem:$0x3FA7] =	sst s3  }
0xc: {  	[smem:$0x3FA8] =	sst s4  }
0xd: {  	[smem:$0x3FA9] =	sst s5  }
0xe: {  	[smem:$0x3FAA] =	sst s6  }
0xf: {  	[smem:$0x3FAB] =	sst s7  }
0x10: {  	[smem:$0x3FAC] =	sst s8  }
0x11: {  	[smem:$0x3FAD] =	sst s9;
	s0 =	simm.s32 @!p0 $0x0  }
0x12: {  	s1 =	sld [smem:$0x3F93];
	s0 =	simm.s32 @p0 $0x1  }
0x13: {  	[smem:$0x3FAE] =	sst s0;
	s0 =	simm.s32 @!p1 $0x0  }
0x14: {  	s2 =	sld [smem:$0x3F92];
	s0 =	simm.s32 @p1 $0x1  }
0x15: {  	[smem:$0x3FAF] =	sst s0;
	s0 =	simm.s32 @!p2 $0x0  }
0x16: {  	s3 =	sld [smem:$0x3FDB];
	s0 =	simm.s32 @p2 $0x1  }
0x17: {  	s4 =	simm.s32 $0x1BF5;
	[smem:$0x3FB1] =	sst s0  }
0x18: {  	s0 =	sld [smem:$0x3F94];
	_ =	swait.ge [sflag:s4], $0x0  }
0x19: {  	s7 =	sld [smem:$0x3F95]  }
0x1a: {  	s8 =	sadd.s32 $0xFFFFE003, lr  }
0x1b: {  	s9 =	sadd.s32 $0xFFFFFEF7, lr;
	s5 =	simm.s32 $0xFFFFFFFF;
	p2 =	slt.u32 s8, $0xFFFFF086  }
0x1c: {  	p1 =	slt.u32 s9, $0xF7A;
	s5 =	simm.s32 @!p2 $0x0  }
0x1d: {  	s5 =	simm.s32 @p1 $0x1;
	p0 =	seq.s32 s7, s2  }
0x1e: {  	s7 =	smul.u32 @!p0 $0xF7A, s2;
	p2 =	seq.s32 @!p0 s5, $0x0  }
0x1f: {  	s9 =	smul.u32 $0xF7A, s1;
	s8 =	simm.s32 @!p0 $0x1BF5;
	p2 =	por !p2, p0  }
0x20: {  	[sflag:s8] =	ssyncset.s32 @!p0 $0xFFFFF086;
	s6 =	sadd.s32 @!p0 s3, s7;
	s7 =	simm.s32 @!p0 $0x108  }
0x21: {  	s3 =	sadd.s32 s3, s9;
	s6 =	sadd.s32 @!p0 $0x88, s6;
	s7 =	simm.s32 @p2 $0x1082  }
0x22: {  	[simem:s7], [sflag:s8] =	dma.local @!p0 [hbm:s6], $0xF7A  }
0x23: {  	s9 =	sor.u32 $0xD0000000, s2;
	s6 =	simm.s32 $0x108;
	_ =	swait.ge @!p0 [sflag:s8], $0x0  }
0x24: {  	s3 =	sadd.s32 $0x88, s3;
	s6 =	simm.s32 @!p1 $0x1082;
	[sflag:s4] =	ssyncset.s32 $0xFFFFF086  }
0x25: {  	[simem:s6], [sflag:s4] =	dma.local [hbm:s3], $0xF7A  }
0x26: {  	[smem:$0x3F95] =	sst s1;
	(tag) =	ssettag s2;
	_ =	strace s9  }
0x27: {  	s1 =	sld [smem:$0x3FA5]  }
0x28: {  	s2 =	sld [smem:$0x3FA6]  }
0x29: {  	s4 =	sld [smem:$0x3FA8]  }
0x2a: {  	p0 =	seq.s32 s5, $0x0;
	s5 =	sld [smem:$0x3FA9]  }
0x2b: {  	s6 =	sld [smem:$0x3FAA]  }
0x2c: {  	s7 =	sld [smem:$0x3FAB]  }
0x2d: {  	s3 =	simm.s32 $0x108;
	s8 =	sld [smem:$0x3FAC]  }
0x2e: {  	s3 =	simm.s32 @!p0 $0x1082;
	s9 =	sld [smem:$0x3FAD]  }
0x2f: {  	lr =	sadd.s32 s0, s3;
	s0 =	sld [smem:$0x3FA4]  }
0x30: {  	s3 =	sld [smem:$0x3FA7]  }
0x31: {  	[smem:$0x3FB0] =	sst s10  }
0x32: {  	s10 =	sld [smem:$0x3FAE];
	_ =	sdelay $0x3  }
0x33: {  	p0 =	seq.s32 s10, $0x1;
	s10 =	sld [smem:$0x3FB0];
	_ =	sdelay $0x3  }
0x34: {  	[smem:$0x3FB0] =	sst s10  }
0x35: {  	s10 =	sld [smem:$0x3FAF];
	_ =	sdelay $0x3  }
0x36: {  	p1 =	seq.s32 s10, $0x1;
	s10 =	sld [smem:$0x3FB0];
	_ =	sdelay $0x3  }
0x37: {  	[smem:$0x3FB0] =	sst s10  }
0x38: {  	s10 =	sld [smem:$0x3FB1]  }
0x39: {  	_ = 	snop;
	(pc) =	sbr.ind lr, $3  }
0x3a: {  	_ = 	snop  }
0x3b: {  	_ = 	snop  }
0x3c: {  	p2 =	seq.s32 s10, $0x1;
	s10 =	sld [smem:$0x3FB0]  }
0x3d: {  	_ =	shalt  }
0x3e: {  	_ =	shalt  }
0x3f: {  	_ =	shalt  }
0x40: {  	_ =	shalt  }
0x41: {  	_ =	shalt  }
0x42: {  	_ =	shalt  }
0x43: {  	_ =	shalt  }
0x44: {  	_ =	shalt  }
0x45: {  	_ =	shalt  }
0x46: {  	_ =	shalt  }
0x47: {  	_ =	shalt  }
0x48: {  	_ =	shalt  }
0x49: {  	_ =	shalt  }
0x4a: {  	_ =	shalt  }
0x4b: {  	_ =	shalt  }
0x4c: {  	_ =	shalt  }
0x4d: {  	_ =	shalt  }
0x4e: {  	_ =	shalt  }
0x4f: {  	_ =	shalt  }
0x50: {  	_ =	shalt  }
0x51: {  	_ =	shalt  }
0x52: {  	_ =	shalt  }
0x53: {  	_ =	shalt  }
0x54: {  	_ =	shalt  }
0x55: {  	_ =	shalt  }
0x56: {  	_ =	shalt  }
0x57: {  	_ =	shalt  }
0x58: {  	_ =	shalt  }
0x59: {  	_ =	shalt  }
0x5a: {  	_ =	shalt  }
0x5b: {  	_ =	shalt  }
0x5c: {  	_ =	shalt  }
0x5d: {  	_ =	shalt  }
0x5e: {  	_ =	shalt  }
0x5f: {  	_ =	shalt  }
0x60: {  	_ =	shalt  }
0x61: {  	_ =	shalt  }
0x62: {  	_ =	shalt  }
0x63: {  	_ =	shalt  }
0x64: {  	_ =	shalt  }
0x65: {  	_ =	shalt  }
0x66: {  	_ =	shalt  }
0x67: {  	_ =	shalt  }
0x68: {  	_ =	shalt  }
0x69: {  	_ =	shalt  }
0x6a: {  	_ =	shalt  }
0x6b: {  	_ =	shalt  }
0x6c: {  	_ =	shalt  }
0x6d: {  	_ =	shalt  }
0x6e: {  	_ =	shalt  }
0x6f: {  	_ =	shalt  }
0x70: {  	_ =	shalt  }
0x71: {  	_ =	shalt  }
0x72: {  	_ =	shalt  }
0x73: {  	_ =	shalt  }
0x74: {  	_ =	shalt  }
0x75: {  	_ =	shalt  }
0x76: {  	_ =	shalt  }
0x77: {  	_ =	shalt  }
0x78: {  	_ =	shalt  }
0x79: {  	_ =	shalt  }
0x7a: {  	_ =	shalt  }
0x7b: {  	_ =	shalt  }
0x7c: {  	_ =	shalt  }
0x7d: {  	_ =	shalt  }
0x7e: {  	_ =	shalt  }
0x7f: {  	_ =	shalt  }
0x80: {  	_ =	shalt  }
0x81: {  	_ =	shalt  }
0x82: {  	_ =	shalt  }
0x83: {  	_ =	shalt  }
0x84: {  	_ =	shalt  }
0x85: {  	_ =	shalt  }
0x86: {  	_ =	shalt  }
0x87: {  	_ =	shalt  }
.Lfunc_end0:
.L_simem_size_0:
called_computation.3_lowered:
.L_overlay_start_0:
0x88: {  	s2 =	sld [smem:$0x3FD9]  }
0x89: {  	s3 =	sld [smem:$0x3FFE];
	_ =	sdelay $0x1  }
0x8a: {  	s1 =	srdreg.scid  }
0x8b: {  	s0 =	sand.u32 $0x1, s1  }
0x8c: {  	s17 =	sshll.u32 s0, $0xA;
	s2 =	sadd.s32 s3, s2  }
0x8d: {  	s2 =	sadd.s32 s2, s17  }
0x8e: {  	[smem:$0x3FBC] =	sst s2  }
0x8f: {  	_ = 	snop  }
0x90: {  	(tm) =	ssettm $0x1  }
0x91: {  	s18 =	sld [smem:$0x3FFB];
	_ =	sdelay $0x3  }
0x92: {  	_ =	strace s18  }
0x93: {  	s2 =	sld [smem:$0x3FFC];
	_ =	sdelay $0x3  }
0x94: {  	_ =	strace s2  }
0x95: {  	s2 =	sld [smem:$0x3FFD];
	_ =	sdelay $0x3  }
0x96: {  	_ =	strace s2  }
0x97: {  	_ =	strace $0x8FFFFFFF  }
0x98: {  	s19 =	sld [smem:$0x3FDB];
	_ =	sdelay $0x1  }
0x99: {  	s20 =	simm.s32 $_scs_section_size  }
0x9a: {  	s4 =	simm.s32 $_size__tile_overlayer_lowered;
	s5 =	simm.s32 $_tile_overlayer_lowered  }
0x9b: {  	s6 =	simm.s32 $0x1BFF;
	s21 =	sshll.u32 s5, $0x1;
	s3 =	sadd.s32 s20, s19  }
0x9c: {  	s22 =	simm.s32 $0x0;
	s4 =	sshll.u32 s4, $0x1;
	s5 =	sadd.s32 s21, s3  }
0x9d: {  	[timem:s22], [sflag:s6] =	dma.local [hbm:s5], s4  }
0x9e: {  	_ =	swait.ge [sflag:s6], s4  }
0x9f: {  	s4 =	ssub.s32 $0x0, s4;
	[sflag:s6] =	ssyncset.done $0x0  }
0xa0: {  	[sflag:s6] =	ssyncadd.s32 s4;
	_ =	sdelay $0x1  }
0xa1: {  	s23 =	simm.s32 $0x1B8B  }
0xa2: {  	_ =	swait.ge [sflag:s23], $0x1  }
0xa3: {  	[sflag:s23] =	ssyncset.done $0x0  }
0xa4: {  	[sflag:s23] =	ssyncadd.s32 $0xFFFFFFFF  }
0xa5: {  	s4 =	sld [smem:$0x0]  }
0xa6: {  	s5 =	sand.u32 $0xFFFFFFFE, s1  }
0xa7: {  	p0 =	sne.s32 s1, s5  }
0xa8: {  	s5 =	sshll.u32 @p0 s5, $0xE  }
0xa9: {  	s5 =	sadd.s32 @p0 $0x11B8D, s5;
	s6 =	sshll.u32 @p0 s4, $0x11  }
0xaa: {  	s5 =	sor.u32 @p0 s6, s5  }
0xab: {  	[sflag:s5] =	ssyncadd.remote.s32 @p0 $0x1;
	_ =	sdelay $0x1  }
0xac: {  	s5 =	simm.s32 @p0 $0x1B8D  }
0xad: {  	_ =	swait.eq @p0 [sflag:s5], $0x1  }
0xae: {  	[sflag:s5] =	ssyncadd.s32 @p0 $0xFFFFFFFF  }
0xaf: {  	s6 =	sshll.u32 @!p0 s1, $0xE  }
0xb0: {  	s6 =	sor.u32 @!p0 $0x4000, s6;
	s5 =	simm.s32 @!p0 $0x1B8D  }
0xb1: {  	s4 =	sshll.u32 @!p0 s4, $0x11;
	s6 =	sadd.s32 @!p0 $0x11B8D, s6;
	_ =	swait.eq @!p0 [sflag:s5], $0x1  }
0xb2: {  	s4 =	sor.u32 @!p0 s4, s6;
	[sflag:s5] =	ssyncadd.s32 @!p0 $0xFFFFFFFF  }
0xb3: {  	s25 =	simm.s32 $0x1B8E;
	s24 =	sld [smem:$0x3FFE];
	[sflag:s4] =	ssyncadd.remote.s32 @!p0 $0x1  }
0xb4: {  	s26 =	simm.s32 $execute0_lowered;
	[smem:$0x3FD2] =	sst s25  }
0xb5: {  	s5 =	sshll.u32 s26, $0x1;
	_ =	strace $0x8000004F;
	[dreg:$0x1] =	wrdreg $0xFFFFFFFF  }
0xb6: {  	s28 =	simm.s32 $_size_execute0_lowered;
	s3 =	sadd.s32 s3, s5;
	[dreg:$0x0] =	wrdreg $0x0  }
0xb7: {  	s5 =	sshll.u32 s28, $0x1;
	[dreg:$0x2] =	wrdreg s3  }
0xb8: {  	[dreg:$0x3] =	wrdreg s5  }
0xb9: {  	[dreg:$0x4] =	wrdreg $0xC0  }
0xba: {  	_ =	task [dreg:s22], $0x5FFFF  }
0xbb: {  	[dreg:$0x1] =	wrdreg $0xFFFFFFFF  }
0xbc: {  	[dreg:$0x0] =	wrdreg $0x60  }
0xbd: {  	[dreg:$0x2] =	wrdreg s24  }
0xbe: {  	[dreg:$0x3] =	wrdreg $0x80000  }
0xbf: {  	[dreg:$0x4] =	wrdreg $0x9  }
0xc0: {  	_ =	task.clear_ibuf [dreg:s22], $0x5FFFF;
	_ =	strace $0x9000004F  }
0xc1: {  	s29 =	simm.s32 $0x9;
	_ =	strace $0x80000051  }
0xc2: {  	_ =	swait.ge [sflag:s29], $0x1  }
0xc3: {  	[sflag:s29] =	ssyncadd.s32 $0xFFFFFFFF  }
0xc4: {  	_ =	strace $0x90000051  }
0xc5: {  	_ =	sfence  }
0xc6: {  	s30 =	sld [smem:$0x0];
	_ =	sdelay $0x2  }
0xc7: {  	s31 =	sshll.u32 s1, $0xD;
	s1 =	sshrl.u32 s1, $0x2  }
0xc8: {  	s4 =	sand.u32 $0x4000, s31;
	s1 =	sadd.s32 s1, s30  }
0xc9: {  	s0 =	sor.u32 s4, s0;
	s1 =	sshll.u32 s1, $0x11  }
0xca: {  	s0 =	sor.u32 s1, s0  }
0xcb: {  	s0 =	sadd.s32 $0x8F2B, s0  }
0xcc: {  	[sflag:s0] =	ssyncadd.remote.s32 $0x1  }
0xcd: {  	_ =	sfence.sel $0xFFFF  }
0xce: {  	[dreg:$0x0] =	wrdreg $0xFFFFFFFF;
	(pc) =	sbr.abs _section_cstart, $3  }
0xcf: {  	[dreg:$0x1] =	wrdreg $0xFFFFFFFF  }
0xd0: {  	_ =	task.clear_ibuf [dreg:s22], $0x2FFFF;
	_ =	strace $0x9FFFFFFF  }
0xd1: {  	(tm) =	ssettm $0x7FFFFFFF  }
tec
execute0_lowered:
.L_overlay_start_1:
0x0: {  	(tag) =	ssettag $0x1  }
0x1: {  	s6 =	rddreg [dreg:$0x0]  }
0x2: {  	s2 =	rddreg [dreg:$0x1];
	s1 =	stileid.u32  }
0x3: {  	s3 =	srdreg.scid;
	s0 =	rddreg [dreg:$0x2]  }
0x4: {  	s18 =	simm.s32 $0x4E00;
	s19 =	simm.s32 $0x0;
	s5 =	smul.u32 $0x27100, s1  }
0x5: {  	s7 =	sand.u32 $0x1, s3;
	s4 =	sshll.u32 s1, $0x1;
	s8 =	smul.u32 $0x2700, s1  }
0x6: {  	s3 =	simm.s32 $0x0;
	s10 =	smul.u32 $0x4E000, s1;
	s13 =	sadd.s32 $0x34FE00, s6  }
0x7: {  	s28 =	sshll.u32 s1, $0x6;
	s16 =	sadd.s32 $0x138000, s2;
	s29 =	smul.u32 $0x27100, s7  }
0x8: {  	p0 =	sne.s32 s1, $0xF;
	s4 =	sor.u32 s7, s4;
	s15 =	smul.u32 $0x138800, s7  }
0x9: {  	[smem:$0x7FF] =	sst s3;
	s24 =	ssub.s32 $0x2, s7;
	s17 =	smul.u32 $0x13880, s7  }
0xa: {  	s4 =	smul.u32 $0x380, s4;
	_ =	strace $0x80000050;
	s9 =	sadd.s32 s5, s6  }
0xb: {  	s25 =	sadd.s32 s8, s6;
	s12 =	sshrl.u32 s24, $0x1;
	s26 =	sshrl.u32 s10, $0x2  }
0xc: {  	s5 =	sor.u32 $0x1C02, s28;
	s12 =	ssub.s32 s24, s12;
	s14 =	sadd.s32 s26, s2  }
0xd: {  	s8 =	sadd.s32 s8, s29;
	s30 =	sshrl.u32 s15, $0x3;
	s31 =	sadd.s32 s17, s9  }
0xe: {  	s15 =	simm.s32 $0x1C00;
	s17 =	simm.s32 $0x64;
	s11 =	sadd.s32 s4, s6  }
0xf: {  	s4 =	sadd.s32 $0x53A00, s25;
	s6 =	sadd.s32 $0x7AA00, s6;
	s8 =	sadd.s32 s13, s8  }
0x10: {  	s10 =	sadd.s32 s13, s30;
	s13 =	simm.s32 $0x2;
	s7 =	sadd.s32 $0xC8E00, s11  }
0x11: {  	s9 =	sadd.s32 $0x27000, s10;
	s10 =	smax.u32 s12, $0x1;
	s11 =	sadd.s32 $0xCFE00, s31  }
0x12: {  	s12 =	sshrl.u32 s14, $0x3;
	s14 =	sshrl.u32 @!p0 s16, $0x3;
	s16 =	simm.s32 $0x1  }
.LBB2_1:
0x13: {  	[spmem:s12], [sflag:s5] =	dma.local [hbm:s4], $0x2700  }
0x14: {  	_ =	swait.ge [sflag:s13], $0x2700  }
0x15: {  	[sflag:s13] =	ssyncset.done $0x0  }
0x16: {  	s20 =	simm.s32 @!p0 $0x2;
	[sflag:s13] =	ssyncadd.s32 $0xFFFFD900  }
0x17: {  	[spmem:s14], [sflag:s5] =	dma.local @!p0 [hbm:s6], $0x100  }
0x18: {  	_ =	swait.ge @!p0 [sflag:s20], $0x100  }
0x19: {  	[sflag:s20] =	ssyncset.done @!p0 $0x0  }
0x1a: {  	[sflag:s20] =	ssyncadd.s32 @!p0 $0xFFFFFF00  }
0x1b: {  	[tilespmem:s3], [sflag:$0x2] =	stream.linear.gather [hbm4b:s7+s3], $0x1900, $0x38;
	[tilespmem:$0x1B880] =	vst v63  }
0x1c: {  	_ =	swait.ge [sflag:s13], $0x1900  }
0x1d: {  	[sflag:s13] =	ssyncset.done $0x0  }
0x1e: {  	[sflag:s13] =	ssyncadd.s32 $0xFFFFE700  }
0x1f: {  	s29 =	sadd.s32 $0x0, s11;
	[bflag:$0x0] =	sbarrier.arrive $0xFFFF  }
0x20: {  	[tilespmem:s15], [sflag:$0x1] =	stream.linear.gather [hbm4b:s29+s3], $0x6400, $0x38;
	[tilespmem:$0x1B880] =	vst v63  }
0x21: {  	_ =	swait.ge [sflag:s16], $0x6400  }
0x22: {  	[sflag:s16] =	ssyncset.done $0x0  }
0x23: {  	s30 =	simm.s32 $0x0;
	[sflag:s16] =	ssyncadd.s32 $0xFFFF9C00  }
0x24: {  	[spmem:s2] =	stream.indirect.scatter.add.f32 [tilespmem:s15], [sflag:$0x2], $0x80, s30, s17, $0xb8;
	[tilespmem:$0x1B880] =	vst v63  }
0x25: {  	_ =	swait.ge [sflag:s13], $0x3200  }
0x26: {  	[sflag:s13] =	ssyncset.done $0x0  }
0x27: {  	s31 =	simm.s32 $0x80;
	[sflag:s13] =	ssyncadd.s32 $0xFFFFCE00  }
0x28: {  	[spmem:s2] =	stream.indirect.scatter.add.f32 [tilespmem:s18], [sflag:$0x2], $0x80, s31, s17, $0xb8;
	[tilespmem:$0x1B880] =	vst v63  }
0x29: {  	s21 =	simm.s32 $0xC80;
	_ =	swait.ge [sflag:s13], $0x3200  }
0x2a: {  	s22 =	simm.s32 $0x1900;
	s20 =	simm.s32 $0x180;
	[sflag:s13] =	ssyncset.done $0x0  }
.LBB2_2:
0x2b: {  	s23 =	sadd.s32 s21, s11  }
0x2c: {  	[sflag:s13] =	ssyncadd.s32 $0xFFFFCE00;
	s21 =	smov.u32 s22;
	s24 =	sadd.s32 $0xC80, s22  }
0x2d: {  	[tilespmem:s15], [sflag:$0x1] =	stream.linear.gather [hbm4b:s23+s3], $0x6400, $0x38;
	[tilespmem:$0x1B880] =	vst v63  }
0x2e: {  	p1 =	sne.s32 s22, $0x12C00;
	_ =	swait.ge [sflag:s16], $0x6400  }
0x2f: {  	[sflag:s16] =	ssyncset.done $0x0  }
0x30: {  	s22 =	sadd.s32 $0xFFFFFF80, s20;
	[sflag:s16] =	ssyncadd.s32 $0xFFFF9C00  }
0x31: {  	[spmem:s2] =	stream.indirect.scatter.add.f32 [tilespmem:s15], [sflag:$0x2], $0x80, s22, s17, $0xb8;
	[tilespmem:$0x1B880] =	vst v63  }
0x32: {  	_ =	swait.ge [sflag:s13], $0x3200  }
.Ltmp0:
0x33: {  	[sflag:s13] =	ssyncset.done $0x0;
	(pc) =	sbr.rel @p1 .LBB2_2-.Ltmp0, $4  }
0x34: {  	[sflag:s13] =	ssyncadd.s32 $0xFFFFCE00  }
0x35: {  	[spmem:s2] =	stream.indirect.scatter.add.f32 [tilespmem:s18], [sflag:$0x2], $0x80, s20, s17, $0xb8;
	[tilespmem:$0x1B880] =	vst v63  }
0x36: {  	_ =	swait.ge [sflag:s13], $0x3200  }
0x37: {  	s22 =	smov.u32 s24;
	s20 =	sadd.s32 $0x100, s20;
	[sflag:s13] =	ssyncset.done $0x0  }
0x38: {  	s21 =	sadd.s32 s21, s11;
	[sflag:s13] =	ssyncadd.s32 $0xFFFFCE00  }
0x39: {  	[tilespmem:s15], [sflag:$0x1] =	stream.linear.gather [hbm4b:s21+s3], $0x6400, $0x38;
	[tilespmem:$0x1B880] =	vst v63  }
0x3a: {  	_ =	swait.ge [sflag:s16], $0x6400  }
0x3b: {  	[sflag:s16] =	ssyncset.done $0x0  }
0x3c: {  	s31 =	sadd.s32 $0xFFFFFF80, s20;
	[sflag:s16] =	ssyncadd.s32 $0xFFFF9C00  }
0x3d: {  	[spmem:s2] =	stream.indirect.scatter.add.f32 [tilespmem:s15], [sflag:$0x2], $0x80, s31, s17, $0xb8;
	[tilespmem:$0x1B880] =	vst v63  }
0x3e: {  	_ =	swait.ge [sflag:s13], $0x3200  }
0x3f: {  	[sflag:s13] =	ssyncset.done $0x0  }
0x40: {  	[sflag:s13] =	ssyncadd.s32 $0xFFFFCE00  }
0x41: {  	[spmem:s2] =	stream.indirect.scatter.add.f32 [tilespmem:s18], [sflag:$0x2], $0x80, s20, s17, $0xb8;
	[tilespmem:$0x1B880] =	vst v63  }
0x42: {  	_ =	swait.ge [sflag:s13], $0x3200  }
0x43: {  	[sflag:s13] =	ssyncset.done $0x0  }
0x44: {  	[sflag:s13] =	ssyncadd.s32 $0xFFFFCE00  }
0x45: {  	[bflag:$0x0] =	sbarrier.arrive $0xFFFF  }
0x46: {  	[hbm:s8], [sflag:s5] =	dma.local [spmem:s12], $0x2700  }
0x47: {  	s19 =	sadd.s32 $0x1, s19;
	_ =	swait.ge [sflag:s13], $0x2700  }
0x48: {  	p1 =	sne.s32 s19, s10;
	[sflag:s13] =	ssyncset.done $0x0  }
.Ltmp1:
0x49: {  	s20 =	simm.s32 @!p0 $0x2;
	[sflag:s13] =	ssyncadd.s32 $0xFFFFD900;
	(pc) =	sbr.rel @p1 .LBB2_1-.Ltmp1, $4  }
0x4a: {  	[hbm:s9], [sflag:s5] =	dma.local @!p0 [spmem:s14], $0x100  }
0x4b: {  	_ =	swait.ge @!p0 [sflag:s20], $0x100  }
0x4c: {  	[sflag:s20] =	ssyncset.done @!p0 $0x0  }
0x4d: {  	[sflag:s20] =	ssyncadd.s32 @!p0 $0xFFFFFF00  }
0x4e: {  	_ =	sfence.sel $0x180000  }
0x4f: {  	[bflag:$0x0] =	sbarrier.arrive $0xFFFF  }
0x50: {  	p0 =	sne.s32 s1, $0x0;
	_ =	strace $0x90000050  }
0x51: {  	s0 =	sadd.s32 @!p0 $0x100000, s0;
	[bflag:$0x2] =	sbarrier.arrive $0xFFFF  }
0x52: {  	[sflag:s0] =	ssyncadd.tile.s32 @!p0 $0x1;
	_ =	shalt  }
.Lfunc_end2:
_tile_overlayer_lowered:
.L_overlay_start_2:
0x53: {  	(tag) =	ssettag $0x2  }
0x54: {  	s0 =	rddreg [dreg:$0x0];
	s2 =	stileid.u32  }
0x55: {  	s1 =	rddreg [dreg:$0x1];
	p0 =	sne.s32 s2, $0x0  }
0x56: {  	s3 =	rddreg [dreg:$0x2];
	[bflag:$0x3] =	sbarrier.arrive $0xFFFF;
	s2 =	simm.s32 @!p0 $0x1C02  }
0x57: {  	[timem:s3], [sflag:s2] =	dma.local @!p0 [hbm:s0], s1  }
0x58: {  	s0 =	simm.s32 @!p0 $0x2  }
0x59: {  	_ =	swait.ge @!p0 [sflag:s0], s1  }
0x5a: {  	s1 =	ssub.s32 @!p0 $0x0, s1;
	[sflag:s0] =	ssyncset.done @!p0 $0x0  }
0x5b: {  	[sflag:s0] =	ssyncadd.s32 @!p0 s1  }
0x5c: {  	[bflag:$0x3] =	sbarrier.arrive $0xFFFF  }
0x5d: {  	_ =	shalt  }

// kernel: kernel.30.cloned.1.call-start
scs
__scs_entry_jumppad:
0x0: {  	(pc) =	sbr.rel $0x88, $3  }
0x1: {  	(tag) =	ssettag $0x0;
	lr =	simm.s32 $0x1  }
0x2: {  	[smem:$0x3F95] =	sst lr;
	_ =	strace $0xD0000000  }
0x3: {  	_ = 	snop  }
0x4: {  	_ = 	snop  }
0x5: {  	_ = 	snop  }
0x6: {  	_ = 	snop  }
0x7: {  	_ = 	snop  }
__scs_overlays_trampoline_lowered:
0x8: {  	[smem:$0x3FA4] =	sst s0  }
0x9: {  	[smem:$0x3FA5] =	sst s1  }
0xa: {  	[smem:$0x3FA6] =	sst s2  }
0xb: {  	[smem:$0x3FA7] =	sst s3  }
0xc: {  	[smem:$0x3FA8] =	sst s4  }
0xd: {  	[smem:$0x3FA9] =	sst s5  }
0xe: {  	[smem:$0x3FAA] =	sst s6  }
0xf: {  	[smem:$0x3FAB] =	sst s7  }
0x10: {  	[smem:$0x3FAC] =	sst s8  }
0x11: {  	[smem:$0x3FAD] =	sst s9;
	s0 =	simm.s32 @!p0 $0x0  }
0x12: {  	s1 =	sld [smem:$0x3F93];
	s0 =	simm.s32 @p0 $0x1  }
0x13: {  	[smem:$0x3FAE] =	sst s0;
	s0 =	simm.s32 @!p1 $0x0  }
0x14: {  	s2 =	sld [smem:$0x3F92];
	s0 =	simm.s32 @p1 $0x1  }
0x15: {  	[smem:$0x3FAF] =	sst s0;
	s0 =	simm.s32 @!p2 $0x0  }
0x16: {  	s3 =	sld [smem:$0x3FDB];
	s0 =	simm.s32 @p2 $0x1  }
0x17: {  	s4 =	simm.s32 $0x1BF5;
	[smem:$0x3FB1] =	sst s0  }
0x18: {  	s0 =	sld [smem:$0x3F94];
	_ =	swait.ge [sflag:s4], $0x0  }
0x19: {  	s7 =	sld [smem:$0x3F95]  }
0x1a: {  	s8 =	sadd.s32 $0xFFFFE003, lr  }
0x1b: {  	s9 =	sadd.s32 $0xFFFFFEF7, lr;
	s5 =	simm.s32 $0xFFFFFFFF;
	p2 =	slt.u32 s8, $0xFFFFF086  }
0x1c: {  	p1 =	slt.u32 s9, $0xF7A;
	s5 =	simm.s32 @!p2 $0x0  }
0x1d: {  	s5 =	simm.s32 @p1 $0x1;
	p0 =	seq.s32 s7, s2  }
0x1e: {  	s7 =	smul.u32 @!p0 $0xF7A, s2;
	p2 =	seq.s32 @!p0 s5, $0x0  }
0x1f: {  	s9 =	smul.u32 $0xF7A, s1;
	s8 =	simm.s32 @!p0 $0x1BF5;
	p2 =	por !p2, p0  }
0x20: {  	[sflag:s8] =	ssyncset.s32 @!p0 $0xFFFFF086;
	s6 =	sadd.s32 @!p0 s3, s7;
	s7 =	simm.s32 @!p0 $0x108  }
0x21: {  	s3 =	sadd.s32 s3, s9;
	s6 =	sadd.s32 @!p0 $0x88, s6;
	s7 =	simm.s32 @p2 $0x1082  }
0x22: {  	[simem:s7], [sflag:s8] =	dma.local @!p0 [hbm:s6], $0xF7A  }
0x23: {  	s9 =	sor.u32 $0xD0000000, s2;
	s6 =	simm.s32 $0x108;
	_ =	swait.ge @!p0 [sflag:s8], $0x0  }
0x24: {  	s3 =	sadd.s32 $0x88, s3;
	s6 =	simm.s32 @!p1 $0x1082;
	[sflag:s4] =	ssyncset.s32 $0xFFFFF086  }
0x25: {  	[simem:s6], [sflag:s4] =	dma.local [hbm:s3], $0xF7A  }
0x26: {  	[smem:$0x3F95] =	sst s1;
	(tag) =	ssettag s2;
	_ =	strace s9  }
0x27: {  	s1 =	sld [smem:$0x3FA5]  }
0x28: {  	s2 =	sld [smem:$0x3FA6]  }
0x29: {  	s4 =	sld [smem:$0x3FA8]  }
0x2a: {  	p0 =	seq.s32 s5, $0x0;
	s5 =	sld [smem:$0x3FA9]  }
0x2b: {  	s6 =	sld [smem:$0x3FAA]  }
0x2c: {  	s7 =	sld [smem:$0x3FAB]  }
0x2d: {  	s3 =	simm.s32 $0x108;
	s8 =	sld [smem:$0x3FAC]  }
0x2e: {  	s3 =	simm.s32 @!p0 $0x1082;
	s9 =	sld [smem:$0x3FAD]  }
0x2f: {  	lr =	sadd.s32 s0, s3;
	s0 =	sld [smem:$0x3FA4]  }
0x30: {  	s3 =	sld [smem:$0x3FA7]  }
0x31: {  	[smem:$0x3FB0] =	sst s10  }
0x32: {  	s10 =	sld [smem:$0x3FAE];
	_ =	sdelay $0x3  }
0x33: {  	p0 =	seq.s32 s10, $0x1;
	s10 =	sld [smem:$0x3FB0];
	_ =	sdelay $0x3  }
0x34: {  	[smem:$0x3FB0] =	sst s10  }
0x35: {  	s10 =	sld [smem:$0x3FAF];
	_ =	sdelay $0x3  }
0x36: {  	p1 =	seq.s32 s10, $0x1;
	s10 =	sld [smem:$0x3FB0];
	_ =	sdelay $0x3  }
0x37: {  	[smem:$0x3FB0] =	sst s10  }
0x38: {  	s10 =	sld [smem:$0x3FB1]  }
0x39: {  	_ = 	snop;
	(pc) =	sbr.ind lr, $3  }
0x3a: {  	_ = 	snop  }
0x3b: {  	_ = 	snop  }
0x3c: {  	p2 =	seq.s32 s10, $0x1;
	s10 =	sld [smem:$0x3FB0]  }
0x3d: {  	_ =	shalt  }
0x3e: {  	_ =	shalt  }
0x3f: {  	_ =	shalt  }
0x40: {  	_ =	shalt  }
0x41: {  	_ =	shalt  }
0x42: {  	_ =	shalt  }
0x43: {  	_ =	shalt  }
0x44: {  	_ =	shalt  }
0x45: {  	_ =	shalt  }
0x46: {  	_ =	shalt  }
0x47: {  	_ =	shalt  }
0x48: {  	_ =	shalt  }
0x49: {  	_ =	shalt  }
0x4a: {  	_ =	shalt  }
0x4b: {  	_ =	shalt  }
0x4c: {  	_ =	shalt  }
0x4d: {  	_ =	shalt  }
0x4e: {  	_ =	shalt  }
0x4f: {  	_ =	shalt  }
0x50: {  	_ =	shalt  }
0x51: {  	_ =	shalt  }
0x52: {  	_ =	shalt  }
0x53: {  	_ =	shalt  }
0x54: {  	_ =	shalt  }
0x55: {  	_ =	shalt  }
0x56: {  	_ =	shalt  }
0x57: {  	_ =	shalt  }
0x58: {  	_ =	shalt  }
0x59: {  	_ =	shalt  }
0x5a: {  	_ =	shalt  }
0x5b: {  	_ =	shalt  }
0x5c: {  	_ =	shalt  }
0x5d: {  	_ =	shalt  }
0x5e: {  	_ =	shalt  }
0x5f: {  	_ =	shalt  }
0x60: {  	_ =	shalt  }
0x61: {  	_ =	shalt  }
0x62: {  	_ =	shalt  }
0x63: {  	_ =	shalt  }
0x64: {  	_ =	shalt  }
0x65: {  	_ =	shalt  }
0x66: {  	_ =	shalt  }
0x67: {  	_ =	shalt  }
0x68: {  	_ =	shalt  }
0x69: {  	_ =	shalt  }
0x6a: {  	_ =	shalt  }
0x6b: {  	_ =	shalt  }
0x6c: {  	_ =	shalt  }
0x6d: {  	_ =	shalt  }
0x6e: {  	_ =	shalt  }
0x6f: {  	_ =	shalt  }
0x70: {  	_ =	shalt  }
0x71: {  	_ =	shalt  }
0x72: {  	_ =	shalt  }
0x73: {  	_ =	shalt  }
0x74: {  	_ =	shalt  }
0x75: {  	_ =	shalt  }
0x76: {  	_ =	shalt  }
0x77: {  	_ =	shalt  }
0x78: {  	_ =	shalt  }
0x79: {  	_ =	shalt  }
0x7a: {  	_ =	shalt  }
0x7b: {  	_ =	shalt  }
0x7c: {  	_ =	shalt  }
0x7d: {  	_ =	shalt  }
0x7e: {  	_ =	shalt  }
0x7f: {  	_ =	shalt  }
0x80: {  	_ =	shalt  }
0x81: {  	_ =	shalt  }
0x82: {  	_ =	shalt  }
0x83: {  	_ =	shalt  }
0x84: {  	_ =	shalt  }
0x85: {  	_ =	shalt  }
0x86: {  	_ =	shalt  }
0x87: {  	_ =	shalt  }
.Lfunc_end0:
.L_simem_size_0:
called_computation.4_lowered:
.L_overlay_start_0:
0x88: {  	s2 =	sld [smem:$0x3FD9]  }
0x89: {  	s3 =	sld [smem:$0x3FFE];
	_ =	sdelay $0x1  }
0x8a: {  	s1 =	srdreg.scid  }
0x8b: {  	s0 =	sand.u32 $0x1, s1  }
0x8c: {  	s16 =	sshll.u32 s0, $0xA;
	s2 =	sadd.s32 s3, s2  }
0x8d: {  	s2 =	sadd.s32 s2, s16  }
0x8e: {  	[smem:$0x3FBC] =	sst s2  }
0x8f: {  	_ = 	snop  }
0x90: {  	(tm) =	ssettm $0x1  }
0x91: {  	s17 =	sld [smem:$0x3FFB];
	_ =	sdelay $0x3  }
0x92: {  	_ =	strace s17  }
0x93: {  	s2 =	sld [smem:$0x3FFC];
	_ =	sdelay $0x3  }
0x94: {  	_ =	strace s2  }
0x95: {  	s2 =	sld [smem:$0x3FFD];
	_ =	sdelay $0x3  }
0x96: {  	_ =	strace s2  }
0x97: {  	_ =	strace $0x8FFFFFFF  }
0x98: {  	s18 =	sld [smem:$0x3FDB];
	_ =	sdelay $0x1  }
0x99: {  	s19 =	simm.s32 $_scs_section_size  }
0x9a: {  	s4 =	simm.s32 $_size__tile_overlayer_lowered;
	s5 =	simm.s32 $_tile_overlayer_lowered  }
0x9b: {  	s22 =	simm.s32 $0x1BFF;
	s21 =	sshll.u32 s5, $0x1;
	s2 =	sadd.s32 s19, s18  }
0x9c: {  	s6 =	simm.s32 $0x0;
	s20 =	sshll.u32 s4, $0x1;
	s4 =	sadd.s32 s21, s2  }
0x9d: {  	[timem:s6], [sflag:s22] =	dma.local [hbm:s4], s20  }
0x9e: {  	_ =	swait.ge [sflag:s22], s20  }
0x9f: {  	s3 =	ssub.s32 $0x0, s20;
	[sflag:s22] =	ssyncset.done $0x0  }
0xa0: {  	[sflag:s22] =	ssyncadd.s32 s3;
	_ =	sdelay $0x1  }
0xa1: {  	s23 =	simm.s32 $0x1B8B  }
0xa2: {  	_ =	swait.ge [sflag:s23], $0x1  }
0xa3: {  	[sflag:s23] =	ssyncset.done $0x0  }
0xa4: {  	s25 =	simm.s32 $0x1B8E;
	s24 =	sld [smem:$0x3FFE];
	[sflag:s23] =	ssyncadd.s32 $0xFFFFFFFF  }
0xa5: {  	s26 =	simm.s32 $execute0_lowered;
	[smem:$0x3FD2] =	sst s25  }
0xa6: {  	s4 =	sshll.u32 s26, $0x1;
	_ =	strace $0x80000052;
	[dreg:$0x1] =	wrdreg $0xFFFFFFFF  }
0xa7: {  	s28 =	simm.s32 $_size_execute0_lowered;
	s2 =	sadd.s32 s2, s4;
	[dreg:$0x0] =	wrdreg $0x0  }
0xa8: {  	s4 =	sshll.u32 s28, $0x1;
	[dreg:$0x2] =	wrdreg s2  }
0xa9: {  	[dreg:$0x3] =	wrdreg s4  }
0xaa: {  	[dreg:$0x4] =	wrdreg $0xC0  }
0xab: {  	_ =	task [dreg:s6], $0x5FFFF  }
0xac: {  	[dreg:$0x1] =	wrdreg $0xFFFFFFFF  }
0xad: {  	[dreg:$0x0] =	wrdreg $0x60  }
0xae: {  	[dreg:$0x2] =	wrdreg s24  }
0xaf: {  	[dreg:$0x3] =	wrdreg $0xA  }
0xb0: {  	_ =	task.clear_ibuf [dreg:s6], $0x4FFFF;
	_ =	strace $0x90000052  }
0xb1: {  	s29 =	simm.s32 $0xA;
	_ =	strace $0x80000054  }
0xb2: {  	_ =	swait.ge [sflag:s29], $0x1  }
0xb3: {  	[sflag:s29] =	ssyncadd.s32 $0xFFFFFFFF  }
0xb4: {  	_ =	strace $0x90000054  }
0xb5: {  	_ =	sfence  }
0xb6: {  	s30 =	sld [smem:$0x0];
	_ =	sdelay $0x2  }
0xb7: {  	s31 =	sshll.u32 s1, $0xD;
	s1 =	sshrl.u32 s1, $0x2  }
0xb8: {  	s3 =	sand.u32 $0x4000, s31;
	s1 =	sadd.s32 s1, s30  }
0xb9: {  	s0 =	sor.u32 s3, s0;
	s1 =	sshll.u32 s1, $0x11  }
0xba: {  	s0 =	sor.u32 s1, s0  }
0xbb: {  	s0 =	sadd.s32 $0x8F2B, s0  }
0xbc: {  	[sflag:s0] =	ssyncadd.remote.s32 $0x1  }
0xbd: {  	_ =	sfence.sel $0xFFFF  }
0xbe: {  	[dreg:$0x0] =	wrdreg $0xFFFFFFFF;
	(pc) =	sbr.abs _section_cstart, $3  }
0xbf: {  	[dreg:$0x1] =	wrdreg $0xFFFFFFFF  }
0xc0: {  	_ =	task.clear_ibuf [dreg:s6], $0x2FFFF;
	_ =	strace $0x9FFFFFFF  }
0xc1: {  	(tm) =	ssettm $0x7FFFFFFF  }
tec
execute0_lowered:
.L_overlay_start_1:
0x0: {  	(tag) =	ssettag $0x1  }
0x1: {  	s1 =	srdreg.scid  }
0x2: {  	s0 =	stileid.u32;
	s4 =	rddreg [dreg:$0x0]  }
0x3: {  	s2 =	simm.s32 $0x0;
	s15 =	simm.s32 $0x80;
	s16 =	simm.s32 $0x2800  }
0x4: {  	s17 =	simm.s32 $0xA800;
	s18 =	simm.s32 $0x1;
	s19 =	simm.s32 $0x6800  }
0x5: {  	s20 =	simm.s32 $0x1480;
	s21 =	simm.s32 $0xE800;
	s22 =	simm.s32 $0x2  }
0x6: {  	s23 =	simm.s32 $0x0;
	s5 =	sand.u32 $0x1, s1;
	s3 =	sshll.u32 s0, $0x1  }
0x7: {  	[smem:$0x7FF] =	sst s2;
	s9 =	smul.u32 $0x140000, s0;
	s12 =	sadd.s32 $0xCFE00, s4  }
0x8: {  	s13 =	sadd.s32 $0x34FE00, s4;
	s6 =	sor.u32 s5, s3;
	s11 =	smul.u32 $0xA0000, s5  }
0x9: {  	_ =	strace $0x80000053;
	s8 =	ssub.s32 $0x2, s5;
	s7 =	smul.u32 $0x280, s6  }
0xa: {  	s3 =	sadd.s32 $0x18800, s4;
	s6 =	smul.u32 $0xA0000, s6;
	s10 =	sshrl.u32 s8, $0x1  }
0xb: {  	s8 =	ssub.s32 s8, s10;
	s9 =	sadd.s32 s11, s9;
	s7 =	sadd.s32 s7, s4  }
0xc: {  	s31 =	sshrl.u32 s6, $0x3;
	s6 =	smax.u32 s8, $0x1;
	s9 =	sor.u32 $0x4000, s9  }
0xd: {  	s4 =	sadd.s32 $0x44A00, s7;
	s5 =	sadd.s32 $0x3FA00, s7;
	s7 =	sadd.s32 s12, s31  }
0xe: {  	s8 =	sadd.s32 s13, s31;
	s10 =	sadd.s32 $0x13800, s31;
	s14 =	sshrl.u32 s9, $0x3  }
0xf: {  	s9 =	sadd.s32 s12, s10;
	s10 =	sadd.s32 s13, s10;
	s11 =	sadd.s32 s14, s13  }
0x10: {  	s12 =	sadd.s32 s14, s12;
	s13 =	simm.s32 $0x3;
	s14 =	simm.s32 $0x1400  }
.LBB2_1:
0x11: {  	[tilespmem:s2], [sflag:$0x3] =	stream.linear.gather [hbm4b:s4+s2], $0x1400, $0x38;
	[tilespmem:$0x12800] =	vst v63  }
0x12: {  	_ =	swait.ge [sflag:s13], $0x1400  }
0x13: {  	[sflag:s13] =	ssyncset.done $0x0  }
0x14: {  	[sflag:s13] =	ssyncadd.s32 $0xFFFFEC00  }
0x15: {  	[tilespmem:s14], [sflag:$0x3] =	stream.linear.gather [hbm4b:s5+s2], $0x1400, $0x38;
	[tilespmem:$0x12800] =	vst v63  }
0x16: {  	_ =	swait.ge [sflag:s13], $0x1400  }
0x17: {  	[sflag:s13] =	ssyncset.done $0x0  }
0x18: {  	[sflag:s13] =	ssyncadd.s32 $0xFFFFEC00  }
0x19: {  	[tilespmem:s16], [sflag:$0x1] =	stream.indirect.gather [hbm4b:s3+s15], $0x80, s2, s15, $0xb8;
	[tilespmem:$0x12800] =	vst v63  }
0x1a: {  	_ = 	snop  }
0x1b: {  	[tilespmem:s17], [sflag:$0x1] =	stream.indirect.gather [hbm4b:s3+s15], $0x80, s14, s15, $0xb8;
	[tilespmem:$0x12800] =	vst v63  }
0x1c: {  	_ =	swait.ge [sflag:s18], $0x4000  }
0x1d: {  	[sflag:s18] =	ssyncset.done $0x0  }
0x1e: {  	[sflag:s18] =	ssyncadd.s32 $0xFFFFC000  }
0x1f: {  	_ =	swait.ge [sflag:s18], $0x4000  }
0x20: {  	[sflag:s18] =	ssyncset.done $0x0  }
0x21: {  	[sflag:s18] =	ssyncadd.s32 $0xFFFFC000  }
0x22: {  	[tilespmem:s19], [sflag:$0x1] =	stream.indirect.gather [hbm4b:s3+s15], $0x80, s15, s15, $0xb8;
	[tilespmem:$0x12800] =	vst v63  }
0x23: {  	_ = 	snop  }
0x24: {  	[tilespmem:s21], [sflag:$0x1] =	stream.indirect.gather [hbm4b:s3+s15], $0x80, s20, s15, $0xb8;
	[tilespmem:$0x12800] =	vst v63  }
0x25: {  	_ = 	snop  }
0x26: {  	[hbm4b:s7+s2] =	stream.linear.scatter [tilespmem:s16], [sflag:$0x2], $0x4000, $0x38;
	[tilespmem:$0x12800] =	vst v63  }
0x27: {  	_ = 	snop  }
0x28: {  	[hbm4b:s8+s2] =	stream.linear.scatter [tilespmem:s17], [sflag:$0x2], $0x4000, $0x38;
	[tilespmem:$0x12800] =	vst v63  }
0x29: {  	_ =	swait.ge [sflag:s22], $0x4000  }
0x2a: {  	[sflag:s22] =	ssyncset.done $0x0  }
0x2b: {  	[sflag:s22] =	ssyncadd.s32 $0xFFFFC000  }
0x2c: {  	_ =	swait.ge [sflag:s22], $0x4000  }
0x2d: {  	[sflag:s22] =	ssyncset.done $0x0  }
0x2e: {  	[sflag:s22] =	ssyncadd.s32 $0xFFFFC000  }
0x2f: {  	_ =	swait.ge [sflag:s18], $0x4000  }
0x30: {  	[sflag:s18] =	ssyncset.done $0x0  }
0x31: {  	[sflag:s18] =	ssyncadd.s32 $0xFFFFC000  }
0x32: {  	s24 =	simm.s32 $0x4000;
	_ =	swait.ge [sflag:s18], $0x4000  }
0x33: {  	s26 =	simm.s32 $0x100;
	s28 =	sand.u32 $0x4000, s24;
	[sflag:s18] =	ssyncset.done $0x0  }
0x34: {  	s0 =	simm.s32 $0x1500;
	s25 =	sxor.u32 $0x6800, s28;
	[sflag:s18] =	ssyncadd.s32 $0xFFFFC000  }
0x35: {  	[tilespmem:s25], [sflag:$0x1] =	stream.indirect.gather [hbm4b:s3+s15], $0x80, s26, s15, $0xb8;
	[tilespmem:$0x12800] =	vst v63  }
0x36: {  	s29 =	simm.s32 $0x1580;
	s30 =	smov.u32 s11;
	s1 =	sxor.u32 $0xE800, s28  }
0x37: {  	[tilespmem:s1], [sflag:$0x1] =	stream.indirect.gather [hbm4b:s3+s15], $0x80, s0, s15, $0xb8;
	[tilespmem:$0x12800] =	vst v63  }
0x38: {  	s24 =	simm.s32 $0x8000;
	s31 =	sor.u32 $0xA800, s28;
	s26 =	sor.u32 $0x2800, s28  }
0x39: {  	[hbm4b:s12+s2] =	stream.linear.scatter [tilespmem:s26], [sflag:$0x2], $0x4000, $0x38;
	[tilespmem:$0x12800] =	vst v63  }
0x3a: {  	s25 =	sadd.s32 $0x800, s11;
	s28 =	simm.s32 $0x180;
	s26 =	sadd.s32 $0x800, s12  }
.LBB2_2:
0x3b: {  	[hbm4b:s30+s2] =	stream.linear.scatter [tilespmem:s31], [sflag:$0x2], $0x4000, $0x38;
	[tilespmem:$0x12800] =	vst v63  }
0x3c: {  	s31 =	smov.u32 s24;
	s30 =	smov.u32 s25;
	s1 =	smov.u32 s26  }
0x3d: {  	p0 =	sne.s32 s24, $0x98000;
	s24 =	sadd.s32 $0x4000, s24;
	_ =	swait.ge [sflag:s22], $0x4000  }
0x3e: {  	[sflag:s22] =	ssyncset.done $0x0  }
0x3f: {  	[sflag:s22] =	ssyncadd.s32 $0xFFFFC000  }
0x40: {  	_ =	swait.ge [sflag:s22], $0x4000  }
0x41: {  	[sflag:s22] =	ssyncset.done $0x0  }
0x42: {  	[sflag:s22] =	ssyncadd.s32 $0xFFFFC000  }
0x43: {  	_ =	swait.ge [sflag:s18], $0x4000  }
0x44: {  	[sflag:s18] =	ssyncset.done $0x0  }
0x45: {  	[sflag:s18] =	ssyncadd.s32 $0xFFFFC000  }
0x46: {  	_ =	swait.ge [sflag:s18], $0x4000  }
0x47: {  	s31 =	sand.u32 $0x4000, s31;
	[sflag:s18] =	ssyncset.done $0x0  }
0x48: {  	s0 =	sxor.u32 $0x6800, s31;
	[sflag:s18] =	ssyncadd.s32 $0xFFFFC000  }
0x49: {  	[tilespmem:s0], [sflag:$0x1] =	stream.indirect.gather [hbm4b:s3+s15], $0x80, s28, s15, $0xb8;
	[tilespmem:$0x12800] =	vst v63  }
.Ltmp0:
0x4a: {  	s0 =	sxor.u32 $0xE800, s31;
	(pc) =	sbr.rel @p0 .LBB2_2-.Ltmp0, $4  }
0x4b: {  	[tilespmem:s0], [sflag:$0x1] =	stream.indirect.gather [hbm4b:s3+s15], $0x80, s29, s15, $0xb8;
	[tilespmem:$0x12800] =	vst v63  }
0x4c: {  	s25 =	sadd.s32 $0x800, s25;
	s26 =	sadd.s32 $0x800, s26;
	s0 =	sor.u32 $0x2800, s31  }
0x4d: {  	[hbm4b:s1+s2] =	stream.linear.scatter [tilespmem:s0], [sflag:$0x2], $0x4000, $0x38;
	[tilespmem:$0x12800] =	vst v63  }
0x4e: {  	s28 =	sadd.s32 $0x80, s28;
	s31 =	sor.u32 $0xA800, s31;
	s29 =	sadd.s32 $0x80, s29  }
0x4f: {  	[hbm4b:s30+s2] =	stream.linear.scatter [tilespmem:s31], [sflag:$0x2], $0x4000, $0x38;
	[tilespmem:$0x12800] =	vst v63  }
0x50: {  	_ =	swait.ge [sflag:s22], $0x4000  }
0x51: {  	[sflag:s22] =	ssyncset.done $0x0  }
0x52: {  	[sflag:s22] =	ssyncadd.s32 $0xFFFFC000  }
0x53: {  	_ =	swait.ge [sflag:s22], $0x4000  }
0x54: {  	[sflag:s22] =	ssyncset.done $0x0  }
0x55: {  	[sflag:s22] =	ssyncadd.s32 $0xFFFFC000  }
0x56: {  	_ =	swait.ge [sflag:s18], $0x4000  }
0x57: {  	[sflag:s18] =	ssyncset.done $0x0  }
0x58: {  	[sflag:s18] =	ssyncadd.s32 $0xFFFFC000  }
0x59: {  	_ =	swait.ge [sflag:s18], $0x4000  }
0x5a: {  	[sflag:s18] =	ssyncset.done $0x0  }
0x5b: {  	[sflag:s18] =	ssyncadd.s32 $0xFFFFC000  }
0x5c: {  	[hbm4b:s9+s2] =	stream.linear.scatter [tilespmem:s19], [sflag:$0x2], $0x4000, $0x38;
	[tilespmem:$0x12800] =	vst v63  }
0x5d: {  	s23 =	sadd.s32 $0x1, s23  }
0x5e: {  	[hbm4b:s10+s2] =	stream.linear.scatter [tilespmem:s21], [sflag:$0x2], $0x4000, $0x38;
	[tilespmem:$0x12800] =	vst v63  }
0x5f: {  	p0 =	sne.s32 s23, s6;
	_ =	swait.ge [sflag:s22], $0x4000  }
.Ltmp1:
0x60: {  	[sflag:s22] =	ssyncset.done $0x0;
	(pc) =	sbr.rel @p0 .LBB2_1-.Ltmp1, $4  }
0x61: {  	[sflag:s22] =	ssyncadd.s32 $0xFFFFC000  }
0x62: {  	_ =	swait.ge [sflag:s22], $0x4000  }
0x63: {  	[sflag:s22] =	ssyncset.done $0x0  }
0x64: {  	[sflag:s22] =	ssyncadd.s32 $0xFFFFC000  }
0x65: {  	_ =	sfence.sel $0x180000  }
0x66: {  	[bflag:$0x0] =	sbarrier.arrive $0xFFFF  }
0x67: {  	_ =	strace $0x90000053  }
0x68: {  	s0 =	stileid.u32;
	[bflag:$0x2] =	sbarrier.arrive $0xFFFF  }
0x69: {  	p0 =	sne.s32 s0, $0x0;
	s0 =	rddreg [dreg:$0x1]  }
0x6a: {  	s0 =	sadd.s32 @!p0 $0x100000, s0  }
0x6b: {  	[sflag:s0] =	ssyncadd.tile.s32 @!p0 $0x1;
	_ =	shalt  }
.Lfunc_end2:
_tile_overlayer_lowered:
.L_overlay_start_2:
0x6c: {  	(tag) =	ssettag $0x2  }
0x6d: {  	s0 =	rddreg [dreg:$0x0];
	s2 =	stileid.u32  }
0x6e: {  	s1 =	rddreg [dreg:$0x1];
	p0 =	sne.s32 s2, $0x0  }
0x6f: {  	s3 =	rddreg [dreg:$0x2];
	[bflag:$0x3] =	sbarrier.arrive $0xFFFF;
	s2 =	simm.s32 @!p0 $0x1C03  }
0x70: {  	[timem:s3], [sflag:s2] =	dma.local @!p0 [hbm:s0], s1  }
0x71: {  	s0 =	simm.s32 @!p0 $0x3  }
0x72: {  	_ =	swait.ge @!p0 [sflag:s0], s1  }
0x73: {  	s1 =	ssub.s32 @!p0 $0x0, s1;
	[sflag:s0] =	ssyncset.done @!p0 $0x0  }
0x74: {  	[sflag:s0] =	ssyncadd.s32 @!p0 s1  }
0x75: {  	[bflag:$0x3] =	sbarrier.arrive $0xFFFF  }
0x76: {  	_ =	shalt  }

// kernel: kernel.33.cloned.1.call-start
scs
__scs_entry_jumppad:
0x0: {  	(pc) =	sbr.rel $0x88, $3  }
0x1: {  	(tag) =	ssettag $0x0;
	lr =	simm.s32 $0x1  }
0x2: {  	[smem:$0x3F95] =	sst lr;
	_ =	strace $0xD0000000  }
0x3: {  	_ = 	snop  }
0x4: {  	_ = 	snop  }
0x5: {  	_ = 	snop  }
0x6: {  	_ = 	snop  }
0x7: {  	_ = 	snop  }
__scs_overlays_trampoline_lowered:
0x8: {  	[smem:$0x3FA4] =	sst s0  }
0x9: {  	[smem:$0x3FA5] =	sst s1  }
0xa: {  	[smem:$0x3FA6] =	sst s2  }
0xb: {  	[smem:$0x3FA7] =	sst s3  }
0xc: {  	[smem:$0x3FA8] =	sst s4  }
0xd: {  	[smem:$0x3FA9] =	sst s5  }
0xe: {  	[smem:$0x3FAA] =	sst s6  }
0xf: {  	[smem:$0x3FAB] =	sst s7  }
0x10: {  	[smem:$0x3FAC] =	sst s8  }
0x11: {  	[smem:$0x3FAD] =	sst s9;
	s0 =	simm.s32 @!p0 $0x0  }
0x12: {  	s1 =	sld [smem:$0x3F93];
	s0 =	simm.s32 @p0 $0x1  }
0x13: {  	[smem:$0x3FAE] =	sst s0;
	s0 =	simm.s32 @!p1 $0x0  }
0x14: {  	s2 =	sld [smem:$0x3F92];
	s0 =	simm.s32 @p1 $0x1  }
0x15: {  	[smem:$0x3FAF] =	sst s0;
	s0 =	simm.s32 @!p2 $0x0  }
0x16: {  	s3 =	sld [smem:$0x3FDB];
	s0 =	simm.s32 @p2 $0x1  }
0x17: {  	s4 =	simm.s32 $0x1BF5;
	[smem:$0x3FB1] =	sst s0  }
0x18: {  	s0 =	sld [smem:$0x3F94];
	_ =	swait.ge [sflag:s4], $0x0  }
0x19: {  	s7 =	sld [smem:$0x3F95]  }
0x1a: {  	s8 =	sadd.s32 $0xFFFFE003, lr  }
0x1b: {  	s9 =	sadd.s32 $0xFFFFFEF7, lr;
	s5 =	simm.s32 $0xFFFFFFFF;
	p2 =	slt.u32 s8, $0xFFFFF086  }
0x1c: {  	p1 =	slt.u32 s9, $0xF7A;
	s5 =	simm.s32 @!p2 $0x0  }
0x1d: {  	s5 =	simm.s32 @p1 $0x1;
	p0 =	seq.s32 s7, s2  }
0x1e: {  	s7 =	smul.u32 @!p0 $0xF7A, s2;
	p2 =	seq.s32 @!p0 s5, $0x0  }
0x1f: {  	s9 =	smul.u32 $0xF7A, s1;
	s8 =	simm.s32 @!p0 $0x1BF5;
	p2 =	por !p2, p0  }
0x20: {  	[sflag:s8] =	ssyncset.s32 @!p0 $0xFFFFF086;
	s6 =	sadd.s32 @!p0 s3, s7;
	s7 =	simm.s32 @!p0 $0x108  }
0x21: {  	s3 =	sadd.s32 s3, s9;
	s6 =	sadd.s32 @!p0 $0x88, s6;
	s7 =	simm.s32 @p2 $0x1082  }
0x22: {  	[simem:s7], [sflag:s8] =	dma.local @!p0 [hbm:s6], $0xF7A  }
0x23: {  	s9 =	sor.u32 $0xD0000000, s2;
	s6 =	simm.s32 $0x108;
	_ =	swait.ge @!p0 [sflag:s8], $0x0  }
0x24: {  	s3 =	sadd.s32 $0x88, s3;
	s6 =	simm.s32 @!p1 $0x1082;
	[sflag:s4] =	ssyncset.s32 $0xFFFFF086  }
0x25: {  	[simem:s6], [sflag:s4] =	dma.local [hbm:s3], $0xF7A  }
0x26: {  	[smem:$0x3F95] =	sst s1;
	(tag) =	ssettag s2;
	_ =	strace s9  }
0x27: {  	s1 =	sld [smem:$0x3FA5]  }
0x28: {  	s2 =	sld [smem:$0x3FA6]  }
0x29: {  	s4 =	sld [smem:$0x3FA8]  }
0x2a: {  	p0 =	seq.s32 s5, $0x0;
	s5 =	sld [smem:$0x3FA9]  }
0x2b: {  	s6 =	sld [smem:$0x3FAA]  }
0x2c: {  	s7 =	sld [smem:$0x3FAB]  }
0x2d: {  	s3 =	simm.s32 $0x108;
	s8 =	sld [smem:$0x3FAC]  }
0x2e: {  	s3 =	simm.s32 @!p0 $0x1082;
	s9 =	sld [smem:$0x3FAD]  }
0x2f: {  	lr =	sadd.s32 s0, s3;
	s0 =	sld [smem:$0x3FA4]  }
0x30: {  	s3 =	sld [smem:$0x3FA7]  }
0x31: {  	[smem:$0x3FB0] =	sst s10  }
0x32: {  	s10 =	sld [smem:$0x3FAE];
	_ =	sdelay $0x3  }
0x33: {  	p0 =	seq.s32 s10, $0x1;
	s10 =	sld [smem:$0x3FB0];
	_ =	sdelay $0x3  }
0x34: {  	[smem:$0x3FB0] =	sst s10  }
0x35: {  	s10 =	sld [smem:$0x3FAF];
	_ =	sdelay $0x3  }
0x36: {  	p1 =	seq.s32 s10, $0x1;
	s10 =	sld [smem:$0x3FB0];
	_ =	sdelay $0x3  }
0x37: {  	[smem:$0x3FB0] =	sst s10  }
0x38: {  	s10 =	sld [smem:$0x3FB1]  }
0x39: {  	_ = 	snop;
	(pc) =	sbr.ind lr, $3  }
0x3a: {  	_ = 	snop  }
0x3b: {  	_ = 	snop  }
0x3c: {  	p2 =	seq.s32 s10, $0x1;
	s10 =	sld [smem:$0x3FB0]  }
0x3d: {  	_ =	shalt  }
0x3e: {  	_ =	shalt  }
0x3f: {  	_ =	shalt  }
0x40: {  	_ =	shalt  }
0x41: {  	_ =	shalt  }
0x42: {  	_ =	shalt  }
0x43: {  	_ =	shalt  }
0x44: {  	_ =	shalt  }
0x45: {  	_ =	shalt  }
0x46: {  	_ =	shalt  }
0x47: {  	_ =	shalt  }
0x48: {  	_ =	shalt  }
0x49: {  	_ =	shalt  }
0x4a: {  	_ =	shalt  }
0x4b: {  	_ =	shalt  }
0x4c: {  	_ =	shalt  }
0x4d: {  	_ =	shalt  }
0x4e: {  	_ =	shalt  }
0x4f: {  	_ =	shalt  }
0x50: {  	_ =	shalt  }
0x51: {  	_ =	shalt  }
0x52: {  	_ =	shalt  }
0x53: {  	_ =	shalt  }
0x54: {  	_ =	shalt  }
0x55: {  	_ =	shalt  }
0x56: {  	_ =	shalt  }
0x57: {  	_ =	shalt  }
0x58: {  	_ =	shalt  }
0x59: {  	_ =	shalt  }
0x5a: {  	_ =	shalt  }
0x5b: {  	_ =	shalt  }
0x5c: {  	_ =	shalt  }
0x5d: {  	_ =	shalt  }
0x5e: {  	_ =	shalt  }
0x5f: {  	_ =	shalt  }
0x60: {  	_ =	shalt  }
0x61: {  	_ =	shalt  }
0x62: {  	_ =	shalt  }
0x63: {  	_ =	shalt  }
0x64: {  	_ =	shalt  }
0x65: {  	_ =	shalt  }
0x66: {  	_ =	shalt  }
0x67: {  	_ =	shalt  }
0x68: {  	_ =	shalt  }
0x69: {  	_ =	shalt  }
0x6a: {  	_ =	shalt  }
0x6b: {  	_ =	shalt  }
0x6c: {  	_ =	shalt  }
0x6d: {  	_ =	shalt  }
0x6e: {  	_ =	shalt  }
0x6f: {  	_ =	shalt  }
0x70: {  	_ =	shalt  }
0x71: {  	_ =	shalt  }
0x72: {  	_ =	shalt  }
0x73: {  	_ =	shalt  }
0x74: {  	_ =	shalt  }
0x75: {  	_ =	shalt  }
0x76: {  	_ =	shalt  }
0x77: {  	_ =	shalt  }
0x78: {  	_ =	shalt  }
0x79: {  	_ =	shalt  }
0x7a: {  	_ =	shalt  }
0x7b: {  	_ =	shalt  }
0x7c: {  	_ =	shalt  }
0x7d: {  	_ =	shalt  }
0x7e: {  	_ =	shalt  }
0x7f: {  	_ =	shalt  }
0x80: {  	_ =	shalt  }
0x81: {  	_ =	shalt  }
0x82: {  	_ =	shalt  }
0x83: {  	_ =	shalt  }
0x84: {  	_ =	shalt  }
0x85: {  	_ =	shalt  }
0x86: {  	_ =	shalt  }
0x87: {  	_ =	shalt  }
.Lfunc_end0:
.L_simem_size_0:
called_computation.5_lowered:
.L_overlay_start_0:
0x88: {  	s2 =	sld [smem:$0x3FD9]  }
0x89: {  	s3 =	sld [smem:$0x3FFE];
	_ =	sdelay $0x1  }
0x8a: {  	s1 =	srdreg.scid  }
0x8b: {  	s0 =	sand.u32 $0x1, s1  }
0x8c: {  	s17 =	sshll.u32 s0, $0xA;
	s2 =	sadd.s32 s3, s2  }
0x8d: {  	s2 =	sadd.s32 s2, s17  }
0x8e: {  	[smem:$0x3FBC] =	sst s2  }
0x8f: {  	_ = 	snop  }
0x90: {  	(tm) =	ssettm $0x1  }
0x91: {  	s18 =	sld [smem:$0x3FFB];
	_ =	sdelay $0x3  }
0x92: {  	_ =	strace s18  }
0x93: {  	s2 =	sld [smem:$0x3FFC];
	_ =	sdelay $0x3  }
0x94: {  	_ =	strace s2  }
0x95: {  	s2 =	sld [smem:$0x3FFD];
	_ =	sdelay $0x3  }
0x96: {  	_ =	strace s2  }
0x97: {  	_ =	strace $0x8FFFFFFF  }
0x98: {  	s19 =	sld [smem:$0x3FDB];
	_ =	sdelay $0x1  }
0x99: {  	s20 =	simm.s32 $_scs_section_size  }
0x9a: {  	s4 =	simm.s32 $_size__tile_overlayer_lowered;
	s5 =	simm.s32 $_tile_overlayer_lowered  }
0x9b: {  	s6 =	simm.s32 $0x1BFF;
	s21 =	sshll.u32 s5, $0x1;
	s3 =	sadd.s32 s20, s19  }
0x9c: {  	s22 =	simm.s32 $0x0;
	s4 =	sshll.u32 s4, $0x1;
	s5 =	sadd.s32 s21, s3  }
0x9d: {  	[timem:s22], [sflag:s6] =	dma.local [hbm:s5], s4  }
0x9e: {  	_ =	swait.ge [sflag:s6], s4  }
0x9f: {  	s4 =	ssub.s32 $0x0, s4;
	[sflag:s6] =	ssyncset.done $0x0  }
0xa0: {  	[sflag:s6] =	ssyncadd.s32 s4;
	_ =	sdelay $0x1  }
0xa1: {  	s23 =	simm.s32 $0x1B8B  }
0xa2: {  	_ =	swait.ge [sflag:s23], $0x1  }
0xa3: {  	[sflag:s23] =	ssyncset.done $0x0  }
0xa4: {  	[sflag:s23] =	ssyncadd.s32 $0xFFFFFFFF  }
0xa5: {  	s4 =	sld [smem:$0x0]  }
0xa6: {  	s5 =	sand.u32 $0xFFFFFFFE, s1  }
0xa7: {  	p0 =	sne.s32 s1, s5  }
0xa8: {  	s5 =	sshll.u32 @p0 s5, $0xE  }
0xa9: {  	s5 =	sadd.s32 @p0 $0x11B8D, s5;
	s6 =	sshll.u32 @p0 s4, $0x11  }
0xaa: {  	s5 =	sor.u32 @p0 s6, s5  }
0xab: {  	[sflag:s5] =	ssyncadd.remote.s32 @p0 $0x1;
	_ =	sdelay $0x1  }
0xac: {  	s5 =	simm.s32 @p0 $0x1B8D  }
0xad: {  	_ =	swait.eq @p0 [sflag:s5], $0x1  }
0xae: {  	[sflag:s5] =	ssyncadd.s32 @p0 $0xFFFFFFFF  }
0xaf: {  	s6 =	sshll.u32 @!p0 s1, $0xE  }
0xb0: {  	s6 =	sor.u32 @!p0 $0x4000, s6;
	s5 =	simm.s32 @!p0 $0x1B8D  }
0xb1: {  	s4 =	sshll.u32 @!p0 s4, $0x11;
	s6 =	sadd.s32 @!p0 $0x11B8D, s6;
	_ =	swait.eq @!p0 [sflag:s5], $0x1  }
0xb2: {  	s4 =	sor.u32 @!p0 s4, s6;
	[sflag:s5] =	ssyncadd.s32 @!p0 $0xFFFFFFFF  }
0xb3: {  	s25 =	simm.s32 $0x1B8E;
	s24 =	sld [smem:$0x3FFE];
	[sflag:s4] =	ssyncadd.remote.s32 @!p0 $0x1  }
0xb4: {  	s26 =	simm.s32 $execute0_lowered;
	[smem:$0x3FD2] =	sst s25  }
0xb5: {  	s5 =	sshll.u32 s26, $0x1;
	_ =	strace $0x80000055;
	[dreg:$0x1] =	wrdreg $0xFFFFFFFF  }
0xb6: {  	s28 =	simm.s32 $_size_execute0_lowered;
	s3 =	sadd.s32 s3, s5;
	[dreg:$0x0] =	wrdreg $0x0  }
0xb7: {  	s5 =	sshll.u32 s28, $0x1;
	[dreg:$0x2] =	wrdreg s3  }
0xb8: {  	[dreg:$0x3] =	wrdreg s5  }
0xb9: {  	[dreg:$0x4] =	wrdreg $0xC0  }
0xba: {  	_ =	task [dreg:s22], $0x5FFFF  }
0xbb: {  	[dreg:$0x1] =	wrdreg $0xFFFFFFFF  }
0xbc: {  	[dreg:$0x0] =	wrdreg $0x60  }
0xbd: {  	[dreg:$0x2] =	wrdreg s24  }
0xbe: {  	[dreg:$0x3] =	wrdreg $0x9  }
0xbf: {  	_ =	task.clear_ibuf [dreg:s22], $0x4FFFF;
	_ =	strace $0x90000055  }
0xc0: {  	s29 =	simm.s32 $0x9;
	_ =	strace $0x80000057  }
0xc1: {  	_ =	swait.ge [sflag:s29], $0x1  }
0xc2: {  	[sflag:s29] =	ssyncadd.s32 $0xFFFFFFFF  }
0xc3: {  	_ =	strace $0x90000057  }
0xc4: {  	_ =	sfence  }
0xc5: {  	s30 =	sld [smem:$0x0];
	_ =	sdelay $0x2  }
0xc6: {  	s31 =	sshll.u32 s1, $0xD;
	s1 =	sshrl.u32 s1, $0x2  }
0xc7: {  	s4 =	sand.u32 $0x4000, s31;
	s1 =	sadd.s32 s1, s30  }
0xc8: {  	s0 =	sor.u32 s4, s0;
	s1 =	sshll.u32 s1, $0x11  }
0xc9: {  	s0 =	sor.u32 s1, s0  }
0xca: {  	s0 =	sadd.s32 $0x8F2B, s0  }
0xcb: {  	[sflag:s0] =	ssyncadd.remote.s32 $0x1  }
0xcc: {  	_ =	sfence.sel $0xFFFF  }
0xcd: {  	[dreg:$0x0] =	wrdreg $0xFFFFFFFF;
	(pc) =	sbr.abs _section_cstart, $3  }
0xce: {  	[dreg:$0x1] =	wrdreg $0xFFFFFFFF  }
0xcf: {  	_ =	task.clear_ibuf [dreg:s22], $0x2FFFF;
	_ =	strace $0x9FFFFFFF  }
0xd0: {  	(tm) =	ssettm $0x7FFFFFFF  }
0xd1: {  	_ =	shalt  }
tec
execute0_lowered:
.L_overlay_start_1:
0x0: {  	(tag) =	ssettag $0x1  }
0x1: {  	s1 =	srdreg.scid  }
0x2: {  	s0 =	stileid.u32;
	s4 =	rddreg [dreg:$0x0]  }
0x3: {  	s2 =	simm.s32 $0x0;
	s15 =	simm.s32 $0x80;
	s16 =	simm.s32 $0x2800  }
0x4: {  	s17 =	simm.s32 $0xA800;
	s18 =	simm.s32 $0x1;
	s19 =	simm.s32 $0x6800  }
0x5: {  	s20 =	simm.s32 $0x1480;
	s21 =	simm.s32 $0xE800;
	s22 =	simm.s32 $0x2  }
0x6: {  	s23 =	simm.s32 $0x0;
	s5 =	sand.u32 $0x1, s1;
	s3 =	sshll.u32 s0, $0x1  }
0x7: {  	[smem:$0x7FF] =	sst s2;
	s9 =	smul.u32 $0x140000, s0;
	s12 =	sadd.s32 $0x5CFE00, s4  }
0x8: {  	s13 =	sadd.s32 $0x84FE00, s4;
	s6 =	sor.u32 s5, s3;
	s11 =	smul.u32 $0xA0000, s5  }
0x9: {  	_ =	strace $0x80000056;
	s8 =	ssub.s32 $0x2, s5;
	s7 =	smul.u32 $0x280, s6  }
0xa: {  	s3 =	sadd.s32 $0x18800, s4;
	s6 =	smul.u32 $0xA0000, s6;
	s10 =	sshrl.u32 s8, $0x1  }
0xb: {  	s8 =	ssub.s32 s8, s10;
	s9 =	sadd.s32 s11, s9;
	s7 =	sadd.s32 s7, s4  }
0xc: {  	s31 =	sshrl.u32 s6, $0x3;
	s6 =	smax.u32 s8, $0x1;
	s9 =	sor.u32 $0x4000, s9  }
0xd: {  	s4 =	sadd.s32 $0x4EA00, s7;
	s5 =	sadd.s32 $0x49A00, s7;
	s7 =	sadd.s32 s12, s31  }
0xe: {  	s8 =	sadd.s32 s13, s31;
	s10 =	sadd.s32 $0x13800, s31;
	s14 =	sshrl.u32 s9, $0x3  }
0xf: {  	s9 =	sadd.s32 s12, s10;
	s10 =	sadd.s32 s13, s10;
	s11 =	sadd.s32 s14, s13  }
0x10: {  	s12 =	sadd.s32 s14, s12;
	s13 =	simm.s32 $0x3;
	s14 =	simm.s32 $0x1400  }
.LBB2_1:
0x11: {  	[tilespmem:s2], [sflag:$0x3] =	stream.linear.gather [hbm4b:s4+s2], $0x1400, $0x38;
	[tilespmem:$0x12800] =	vst v63  }
0x12: {  	_ =	swait.ge [sflag:s13], $0x1400  }
0x13: {  	[sflag:s13] =	ssyncset.done $0x0  }
0x14: {  	[sflag:s13] =	ssyncadd.s32 $0xFFFFEC00  }
0x15: {  	[tilespmem:s14], [sflag:$0x3] =	stream.linear.gather [hbm4b:s5+s2], $0x1400, $0x38;
	[tilespmem:$0x12800] =	vst v63  }
0x16: {  	_ =	swait.ge [sflag:s13], $0x1400  }
0x17: {  	[sflag:s13] =	ssyncset.done $0x0  }
0x18: {  	[sflag:s13] =	ssyncadd.s32 $0xFFFFEC00  }
0x19: {  	[tilespmem:s16], [sflag:$0x1] =	stream.indirect.gather [hbm4b:s3+s15], $0x80, s2, s15, $0xb8;
	[tilespmem:$0x12800] =	vst v63  }
0x1a: {  	_ = 	snop  }
0x1b: {  	[tilespmem:s17], [sflag:$0x1] =	stream.indirect.gather [hbm4b:s3+s15], $0x80, s14, s15, $0xb8;
	[tilespmem:$0x12800] =	vst v63  }
0x1c: {  	_ =	swait.ge [sflag:s18], $0x4000  }
0x1d: {  	[sflag:s18] =	ssyncset.done $0x0  }
0x1e: {  	[sflag:s18] =	ssyncadd.s32 $0xFFFFC000  }
0x1f: {  	_ =	swait.ge [sflag:s18], $0x4000  }
0x20: {  	[sflag:s18] =	ssyncset.done $0x0  }
0x21: {  	[sflag:s18] =	ssyncadd.s32 $0xFFFFC000  }
0x22: {  	[tilespmem:s19], [sflag:$0x1] =	stream.indirect.gather [hbm4b:s3+s15], $0x80, s15, s15, $0xb8;
	[tilespmem:$0x12800] =	vst v63  }
0x23: {  	_ = 	snop  }
0x24: {  	[tilespmem:s21], [sflag:$0x1] =	stream.indirect.gather [hbm4b:s3+s15], $0x80, s20, s15, $0xb8;
	[tilespmem:$0x12800] =	vst v63  }
0x25: {  	_ = 	snop  }
0x26: {  	[hbm4b:s7+s2] =	stream.linear.scatter [tilespmem:s16], [sflag:$0x2], $0x4000, $0x38;
	[tilespmem:$0x12800] =	vst v63  }
0x27: {  	_ = 	snop  }
0x28: {  	[hbm4b:s8+s2] =	stream.linear.scatter [tilespmem:s17], [sflag:$0x2], $0x4000, $0x38;
	[tilespmem:$0x12800] =	vst v63  }
0x29: {  	_ =	swait.ge [sflag:s22], $0x4000  }
0x2a: {  	[sflag:s22] =	ssyncset.done $0x0  }
0x2b: {  	[sflag:s22] =	ssyncadd.s32 $0xFFFFC000  }
0x2c: {  	_ =	swait.ge [sflag:s22], $0x4000  }
0x2d: {  	[sflag:s22] =	ssyncset.done $0x0  }
0x2e: {  	[sflag:s22] =	ssyncadd.s32 $0xFFFFC000  }
0x2f: {  	_ =	swait.ge [sflag:s18], $0x4000  }
0x30: {  	[sflag:s18] =	ssyncset.done $0x0  }
0x31: {  	[sflag:s18] =	ssyncadd.s32 $0xFFFFC000  }
0x32: {  	s24 =	simm.s32 $0x4000;
	_ =	swait.ge [sflag:s18], $0x4000  }
0x33: {  	s26 =	simm.s32 $0x100;
	s28 =	sand.u32 $0x4000, s24;
	[sflag:s18] =	ssyncset.done $0x0  }
0x34: {  	s0 =	simm.s32 $0x1500;
	s25 =	sxor.u32 $0x6800, s28;
	[sflag:s18] =	ssyncadd.s32 $0xFFFFC000  }
0x35: {  	[tilespmem:s25], [sflag:$0x1] =	stream.indirect.gather [hbm4b:s3+s15], $0x80, s26, s15, $0xb8;
	[tilespmem:$0x12800] =	vst v63  }
0x36: {  	s29 =	simm.s32 $0x1580;
	s30 =	smov.u32 s11;
	s1 =	sxor.u32 $0xE800, s28  }
0x37: {  	[tilespmem:s1], [sflag:$0x1] =	stream.indirect.gather [hbm4b:s3+s15], $0x80, s0, s15, $0xb8;
	[tilespmem:$0x12800] =	vst v63  }
0x38: {  	s24 =	simm.s32 $0x8000;
	s31 =	sor.u32 $0xA800, s28;
	s26 =	sor.u32 $0x2800, s28  }
0x39: {  	[hbm4b:s12+s2] =	stream.linear.scatter [tilespmem:s26], [sflag:$0x2], $0x4000, $0x38;
	[tilespmem:$0x12800] =	vst v63  }
0x3a: {  	s25 =	sadd.s32 $0x800, s11;
	s28 =	simm.s32 $0x180;
	s26 =	sadd.s32 $0x800, s12  }
.LBB2_2:
0x3b: {  	[hbm4b:s30+s2] =	stream.linear.scatter [tilespmem:s31], [sflag:$0x2], $0x4000, $0x38;
	[tilespmem:$0x12800] =	vst v63  }
0x3c: {  	s31 =	smov.u32 s24;
	s30 =	smov.u32 s25;
	s1 =	smov.u32 s26  }
0x3d: {  	p0 =	sne.s32 s24, $0x98000;
	s24 =	sadd.s32 $0x4000, s24;
	_ =	swait.ge [sflag:s22], $0x4000  }
0x3e: {  	[sflag:s22] =	ssyncset.done $0x0  }
0x3f: {  	[sflag:s22] =	ssyncadd.s32 $0xFFFFC000  }
0x40: {  	_ =	swait.ge [sflag:s22], $0x4000  }
0x41: {  	[sflag:s22] =	ssyncset.done $0x0  }
0x42: {  	[sflag:s22] =	ssyncadd.s32 $0xFFFFC000  }
0x43: {  	_ =	swait.ge [sflag:s18], $0x4000  }
0x44: {  	[sflag:s18] =	ssyncset.done $0x0  }
0x45: {  	[sflag:s18] =	ssyncadd.s32 $0xFFFFC000  }
0x46: {  	_ =	swait.ge [sflag:s18], $0x4000  }
0x47: {  	s31 =	sand.u32 $0x4000, s31;
	[sflag:s18] =	ssyncset.done $0x0  }
0x48: {  	s0 =	sxor.u32 $0x6800, s31;
	[sflag:s18] =	ssyncadd.s32 $0xFFFFC000  }
0x49: {  	[tilespmem:s0], [sflag:$0x1] =	stream.indirect.gather [hbm4b:s3+s15], $0x80, s28, s15, $0xb8;
	[tilespmem:$0x12800] =	vst v63  }
.Ltmp0:
0x4a: {  	s0 =	sxor.u32 $0xE800, s31;
	(pc) =	sbr.rel @p0 .LBB2_2-.Ltmp0, $4  }
0x4b: {  	[tilespmem:s0], [sflag:$0x1] =	stream.indirect.gather [hbm4b:s3+s15], $0x80, s29, s15, $0xb8;
	[tilespmem:$0x12800] =	vst v63  }
0x4c: {  	s25 =	sadd.s32 $0x800, s25;
	s26 =	sadd.s32 $0x800, s26;
	s0 =	sor.u32 $0x2800, s31  }
0x4d: {  	[hbm4b:s1+s2] =	stream.linear.scatter [tilespmem:s0], [sflag:$0x2], $0x4000, $0x38;
	[tilespmem:$0x12800] =	vst v63  }
0x4e: {  	s28 =	sadd.s32 $0x80, s28;
	s31 =	sor.u32 $0xA800, s31;
	s29 =	sadd.s32 $0x80, s29  }
0x4f: {  	[hbm4b:s30+s2] =	stream.linear.scatter [tilespmem:s31], [sflag:$0x2], $0x4000, $0x38;
	[tilespmem:$0x12800] =	vst v63  }
0x50: {  	_ =	swait.ge [sflag:s22], $0x4000  }
0x51: {  	[sflag:s22] =	ssyncset.done $0x0  }
0x52: {  	[sflag:s22] =	ssyncadd.s32 $0xFFFFC000  }
0x53: {  	_ =	swait.ge [sflag:s22], $0x4000  }
0x54: {  	[sflag:s22] =	ssyncset.done $0x0  }
0x55: {  	[sflag:s22] =	ssyncadd.s32 $0xFFFFC000  }
0x56: {  	_ =	swait.ge [sflag:s18], $0x4000  }
0x57: {  	[sflag:s18] =	ssyncset.done $0x0  }
0x58: {  	[sflag:s18] =	ssyncadd.s32 $0xFFFFC000  }
0x59: {  	_ =	swait.ge [sflag:s18], $0x4000  }
0x5a: {  	[sflag:s18] =	ssyncset.done $0x0  }
0x5b: {  	[sflag:s18] =	ssyncadd.s32 $0xFFFFC000  }
0x5c: {  	[hbm4b:s9+s2] =	stream.linear.scatter [tilespmem:s19], [sflag:$0x2], $0x4000, $0x38;
	[tilespmem:$0x12800] =	vst v63  }
0x5d: {  	s23 =	sadd.s32 $0x1, s23  }
0x5e: {  	[hbm4b:s10+s2] =	stream.linear.scatter [tilespmem:s21], [sflag:$0x2], $0x4000, $0x38;
	[tilespmem:$0x12800] =	vst v63  }
0x5f: {  	p0 =	sne.s32 s23, s6;
	_ =	swait.ge [sflag:s22], $0x4000  }
.Ltmp1:
0x60: {  	[sflag:s22] =	ssyncset.done $0x0;
	(pc) =	sbr.rel @p0 .LBB2_1-.Ltmp1, $4  }
0x61: {  	[sflag:s22] =	ssyncadd.s32 $0xFFFFC000  }
0x62: {  	_ =	swait.ge [sflag:s22], $0x4000  }
0x63: {  	[sflag:s22] =	ssyncset.done $0x0  }
0x64: {  	[sflag:s22] =	ssyncadd.s32 $0xFFFFC000  }
0x65: {  	_ =	sfence.sel $0x180000  }
0x66: {  	[bflag:$0x0] =	sbarrier.arrive $0xFFFF  }
0x67: {  	_ =	strace $0x90000056  }
0x68: {  	s0 =	stileid.u32;
	[bflag:$0x2] =	sbarrier.arrive $0xFFFF  }
0x69: {  	p0 =	sne.s32 s0, $0x0;
	s0 =	rddreg [dreg:$0x1]  }
0x6a: {  	s0 =	sadd.s32 @!p0 $0x100000, s0  }
0x6b: {  	[sflag:s0] =	ssyncadd.tile.s32 @!p0 $0x1;
	_ =	shalt  }
.Lfunc_end2:
_tile_overlayer_lowered:
.L_overlay_start_2:
0x6c: {  	(tag) =	ssettag $0x2  }
0x6d: {  	s0 =	rddreg [dreg:$0x0];
	s2 =	stileid.u32  }
0x6e: {  	s1 =	rddreg [dreg:$0x1];
	p0 =	sne.s32 s2, $0x0  }
0x6f: {  	s3 =	rddreg [dreg:$0x2];
	[bflag:$0x3] =	sbarrier.arrive $0xFFFF;
	s2 =	simm.s32 @!p0 $0x1C03  }
0x70: {  	[timem:s3], [sflag:s2] =	dma.local @!p0 [hbm:s0], s1  }
0x71: {  	s0 =	simm.s32 @!p0 $0x3  }
0x72: {  	_ =	swait.ge @!p0 [sflag:s0], s1  }
0x73: {  	s1 =	ssub.s32 @!p0 $0x0, s1;
	[sflag:s0] =	ssyncset.done @!p0 $0x0  }
0x74: {  	[sflag:s0] =	ssyncadd.s32 @!p0 s1  }
0x75: {  	[bflag:$0x3] =	sbarrier.arrive $0xFFFF  }
0x76: {  	_ =	shalt  }

// kernel: kernel.36.cloned.1.call-start
scs
__scs_entry_jumppad:
0x0: {  	(pc) =	sbr.rel $0x88, $3  }
0x1: {  	(tag) =	ssettag $0x0;
	lr =	simm.s32 $0x1  }
0x2: {  	[smem:$0x3F95] =	sst lr;
	_ =	strace $0xD0000000  }
0x3: {  	_ = 	snop  }
0x4: {  	_ = 	snop  }
0x5: {  	_ = 	snop  }
0x6: {  	_ = 	snop  }
0x7: {  	_ = 	snop  }
__scs_overlays_trampoline_lowered:
0x8: {  	[smem:$0x3FA4] =	sst s0  }
0x9: {  	[smem:$0x3FA5] =	sst s1  }
0xa: {  	[smem:$0x3FA6] =	sst s2  }
0xb: {  	[smem:$0x3FA7] =	sst s3  }
0xc: {  	[smem:$0x3FA8] =	sst s4  }
0xd: {  	[smem:$0x3FA9] =	sst s5  }
0xe: {  	[smem:$0x3FAA] =	sst s6  }
0xf: {  	[smem:$0x3FAB] =	sst s7  }
0x10: {  	[smem:$0x3FAC] =	sst s8  }
0x11: {  	[smem:$0x3FAD] =	sst s9;
	s0 =	simm.s32 @!p0 $0x0  }
0x12: {  	s1 =	sld [smem:$0x3F93];
	s0 =	simm.s32 @p0 $0x1  }
0x13: {  	[smem:$0x3FAE] =	sst s0;
	s0 =	simm.s32 @!p1 $0x0  }
0x14: {  	s2 =	sld [smem:$0x3F92];
	s0 =	simm.s32 @p1 $0x1  }
0x15: {  	[smem:$0x3FAF] =	sst s0;
	s0 =	simm.s32 @!p2 $0x0  }
0x16: {  	s3 =	sld [smem:$0x3FDB];
	s0 =	simm.s32 @p2 $0x1  }
0x17: {  	s4 =	simm.s32 $0x1BF5;
	[smem:$0x3FB1] =	sst s0  }
0x18: {  	s0 =	sld [smem:$0x3F94];
	_ =	swait.ge [sflag:s4], $0x0  }
0x19: {  	s7 =	sld [smem:$0x3F95]  }
0x1a: {  	s8 =	sadd.s32 $0xFFFFE003, lr  }
0x1b: {  	s9 =	sadd.s32 $0xFFFFFEF7, lr;
	s5 =	simm.s32 $0xFFFFFFFF;
	p2 =	slt.u32 s8, $0xFFFFF086  }
0x1c: {  	p1 =	slt.u32 s9, $0xF7A;
	s5 =	simm.s32 @!p2 $0x0  }
0x1d: {  	s5 =	simm.s32 @p1 $0x1;
	p0 =	seq.s32 s7, s2  }
0x1e: {  	s7 =	smul.u32 @!p0 $0xF7A, s2;
	p2 =	seq.s32 @!p0 s5, $0x0  }
0x1f: {  	s9 =	smul.u32 $0xF7A, s1;
	s8 =	simm.s32 @!p0 $0x1BF5;
	p2 =	por !p2, p0  }
0x20: {  	[sflag:s8] =	ssyncset.s32 @!p0 $0xFFFFF086;
	s6 =	sadd.s32 @!p0 s3, s7;
	s7 =	simm.s32 @!p0 $0x108  }
0x21: {  	s3 =	sadd.s32 s3, s9;
	s6 =	sadd.s32 @!p0 $0x88, s6;
	s7 =	simm.s32 @p2 $0x1082  }
0x22: {  	[simem:s7], [sflag:s8] =	dma.local @!p0 [hbm:s6], $0xF7A  }
0x23: {  	s9 =	sor.u32 $0xD0000000, s2;
	s6 =	simm.s32 $0x108;
	_ =	swait.ge @!p0 [sflag:s8], $0x0  }
0x24: {  	s3 =	sadd.s32 $0x88, s3;
	s6 =	simm.s32 @!p1 $0x1082;
	[sflag:s4] =	ssyncset.s32 $0xFFFFF086  }
0x25: {  	[simem:s6], [sflag:s4] =	dma.local [hbm:s3], $0xF7A  }
0x26: {  	[smem:$0x3F95] =	sst s1;
	(tag) =	ssettag s2;
	_ =	strace s9  }
0x27: {  	s1 =	sld [smem:$0x3FA5]  }
0x28: {  	s2 =	sld [smem:$0x3FA6]  }
0x29: {  	s4 =	sld [smem:$0x3FA8]  }
0x2a: {  	p0 =	seq.s32 s5, $0x0;
	s5 =	sld [smem:$0x3FA9]  }
0x2b: {  	s6 =	sld [smem:$0x3FAA]  }
0x2c: {  	s7 =	sld [smem:$0x3FAB]  }
0x2d: {  	s3 =	simm.s32 $0x108;
	s8 =	sld [smem:$0x3FAC]  }
0x2e: {  	s3 =	simm.s32 @!p0 $0x1082;
	s9 =	sld [smem:$0x3FAD]  }
0x2f: {  	lr =	sadd.s32 s0, s3;
	s0 =	sld [smem:$0x3FA4]  }
0x30: {  	s3 =	sld [smem:$0x3FA7]  }
0x31: {  	[smem:$0x3FB0] =	sst s10  }
0x32: {  	s10 =	sld [smem:$0x3FAE];
	_ =	sdelay $0x3  }
0x33: {  	p0 =	seq.s32 s10, $0x1;
	s10 =	sld [smem:$0x3FB0];
	_ =	sdelay $0x3  }
0x34: {  	[smem:$0x3FB0] =	sst s10  }
0x35: {  	s10 =	sld [smem:$0x3FAF];
	_ =	sdelay $0x3  }
0x36: {  	p1 =	seq.s32 s10, $0x1;
	s10 =	sld [smem:$0x3FB0];
	_ =	sdelay $0x3  }
0x37: {  	[smem:$0x3FB0] =	sst s10  }
0x38: {  	s10 =	sld [smem:$0x3FB1]  }
0x39: {  	_ = 	snop;
	(pc) =	sbr.ind lr, $3  }
0x3a: {  	_ = 	snop  }
0x3b: {  	_ = 	snop  }
0x3c: {  	p2 =	seq.s32 s10, $0x1;
	s10 =	sld [smem:$0x3FB0]  }
0x3d: {  	_ =	shalt  }
0x3e: {  	_ =	shalt  }
0x3f: {  	_ =	shalt  }
0x40: {  	_ =	shalt  }
0x41: {  	_ =	shalt  }
0x42: {  	_ =	shalt  }
0x43: {  	_ =	shalt  }
0x44: {  	_ =	shalt  }
0x45: {  	_ =	shalt  }
0x46: {  	_ =	shalt  }
0x47: {  	_ =	shalt  }
0x48: {  	_ =	shalt  }
0x49: {  	_ =	shalt  }
0x4a: {  	_ =	shalt  }
0x4b: {  	_ =	shalt  }
0x4c: {  	_ =	shalt  }
0x4d: {  	_ =	shalt  }
0x4e: {  	_ =	shalt  }
0x4f: {  	_ =	shalt  }
0x50: {  	_ =	shalt  }
0x51: {  	_ =	shalt  }
0x52: {  	_ =	shalt  }
0x53: {  	_ =	shalt  }
0x54: {  	_ =	shalt  }
0x55: {  	_ =	shalt  }
0x56: {  	_ =	shalt  }
0x57: {  	_ =	shalt  }
0x58: {  	_ =	shalt  }
0x59: {  	_ =	shalt  }
0x5a: {  	_ =	shalt  }
0x5b: {  	_ =	shalt  }
0x5c: {  	_ =	shalt  }
0x5d: {  	_ =	shalt  }
0x5e: {  	_ =	shalt  }
0x5f: {  	_ =	shalt  }
0x60: {  	_ =	shalt  }
0x61: {  	_ =	shalt  }
0x62: {  	_ =	shalt  }
0x63: {  	_ =	shalt  }
0x64: {  	_ =	shalt  }
0x65: {  	_ =	shalt  }
0x66: {  	_ =	shalt  }
0x67: {  	_ =	shalt  }
0x68: {  	_ =	shalt  }
0x69: {  	_ =	shalt  }
0x6a: {  	_ =	shalt  }
0x6b: {  	_ =	shalt  }
0x6c: {  	_ =	shalt  }
0x6d: {  	_ =	shalt  }
0x6e: {  	_ =	shalt  }
0x6f: {  	_ =	shalt  }
0x70: {  	_ =	shalt  }
0x71: {  	_ =	shalt  }
0x72: {  	_ =	shalt  }
0x73: {  	_ =	shalt  }
0x74: {  	_ =	shalt  }
0x75: {  	_ =	shalt  }
0x76: {  	_ =	shalt  }
0x77: {  	_ =	shalt  }
0x78: {  	_ =	shalt  }
0x79: {  	_ =	shalt  }
0x7a: {  	_ =	shalt  }
0x7b: {  	_ =	shalt  }
0x7c: {  	_ =	shalt  }
0x7d: {  	_ =	shalt  }
0x7e: {  	_ =	shalt  }
0x7f: {  	_ =	shalt  }
0x80: {  	_ =	shalt  }
0x81: {  	_ =	shalt  }
0x82: {  	_ =	shalt  }
0x83: {  	_ =	shalt  }
0x84: {  	_ =	shalt  }
0x85: {  	_ =	shalt  }
0x86: {  	_ =	shalt  }
0x87: {  	_ =	shalt  }
.Lfunc_end0:
.L_simem_size_0:
called_computation.6_lowered:
.L_overlay_start_0:
0x88: {  	s2 =	sld [smem:$0x3FD9]  }
0x89: {  	s3 =	sld [smem:$0x3FFE];
	_ =	sdelay $0x1  }
0x8a: {  	s1 =	srdreg.scid  }
0x8b: {  	s0 =	sand.u32 $0x1, s1  }
0x8c: {  	s17 =	sshll.u32 s0, $0xA;
	s2 =	sadd.s32 s3, s2  }
0x8d: {  	s2 =	sadd.s32 s2, s17  }
0x8e: {  	[smem:$0x3FBC] =	sst s2  }
0x8f: {  	_ = 	snop  }
0x90: {  	s18 =	sld [smem:$0x3FD0];
	(tm) =	ssettm $0x1  }
0x91: {  	s19 =	sld [smem:$0x3FFB];
	_ =	sdelay $0x3  }
0x92: {  	_ =	strace s19  }
0x93: {  	s2 =	sld [smem:$0x3FFC];
	_ =	sdelay $0x3  }
0x94: {  	_ =	strace s2  }
0x95: {  	s2 =	sld [smem:$0x3FFD];
	_ =	sdelay $0x3  }
0x96: {  	_ =	strace s2  }
0x97: {  	_ =	strace $0x8FFFFFFF  }
0x98: {  	s20 =	sld [smem:$0x3FDB];
	_ =	sdelay $0x1  }
0x99: {  	s4 =	simm.s32 $_scs_section_size  }
0x9a: {  	s5 =	simm.s32 $_size__tile_overlayer_lowered;
	s6 =	simm.s32 $_tile_overlayer_lowered  }
0x9b: {  	s7 =	simm.s32 $0x1BFF;
	s21 =	sshll.u32 s6, $0x1;
	s4 =	sadd.s32 s4, s20  }
0x9c: {  	s22 =	simm.s32 $0x0;
	s5 =	sshll.u32 s5, $0x1;
	s6 =	sadd.s32 s21, s4  }
0x9d: {  	[timem:s22], [sflag:s7] =	dma.local [hbm:s6], s5  }
0x9e: {  	_ =	swait.ge [sflag:s7], s5  }
0x9f: {  	s5 =	ssub.s32 $0x0, s5;
	[sflag:s7] =	ssyncset.done $0x0  }
0xa0: {  	[sflag:s7] =	ssyncadd.s32 s5;
	_ =	sdelay $0x1  }
0xa1: {  	s23 =	simm.s32 $0x1B8B  }
0xa2: {  	_ =	swait.ge [sflag:s23], $0x1  }
0xa3: {  	[sflag:s23] =	ssyncset.done $0x0  }
0xa4: {  	[sflag:s23] =	ssyncadd.s32 $0xFFFFFFFF  }
0xa5: {  	s5 =	sld [smem:$0x0]  }
0xa6: {  	s6 =	sand.u32 $0xFFFFFFFE, s1  }
0xa7: {  	p0 =	sne.s32 s1, s6  }
0xa8: {  	s6 =	sshll.u32 @p0 s6, $0xE  }
0xa9: {  	s6 =	sadd.s32 @p0 $0x11B8D, s6;
	s7 =	sshll.u32 @p0 s5, $0x11  }
0xaa: {  	s6 =	sor.u32 @p0 s7, s6  }
0xab: {  	[sflag:s6] =	ssyncadd.remote.s32 @p0 $0x1;
	_ =	sdelay $0x1  }
0xac: {  	s6 =	simm.s32 @p0 $0x1B8D  }
0xad: {  	_ =	swait.eq @p0 [sflag:s6], $0x1  }
0xae: {  	[sflag:s6] =	ssyncadd.s32 @p0 $0xFFFFFFFF  }
0xaf: {  	s7 =	sshll.u32 @!p0 s1, $0xE  }
0xb0: {  	s7 =	sor.u32 @!p0 $0x4000, s7;
	s6 =	simm.s32 @!p0 $0x1B8D  }
0xb1: {  	s5 =	sshll.u32 @!p0 s5, $0x11;
	s7 =	sadd.s32 @!p0 $0x11B8D, s7;
	_ =	swait.eq @!p0 [sflag:s6], $0x1  }
0xb2: {  	s5 =	sor.u32 @!p0 s5, s7;
	[sflag:s6] =	ssyncadd.s32 @!p0 $0xFFFFFFFF  }
0xb3: {  	s25 =	simm.s32 $0x1B8E;
	s24 =	sld [smem:$0x3FFE];
	[sflag:s5] =	ssyncadd.remote.s32 @!p0 $0x1  }
0xb4: {  	s26 =	simm.s32 $execute0_lowered;
	[smem:$0x3FD2] =	sst s25  }
0xb5: {  	s6 =	sshll.u32 s26, $0x1;
	_ =	strace $0x80000058;
	[dreg:$0x1] =	wrdreg $0xFFFFFFFF  }
0xb6: {  	s28 =	simm.s32 $_size_execute0_lowered;
	s4 =	sadd.s32 s4, s6;
	[dreg:$0x0] =	wrdreg $0x0  }
0xb7: {  	s6 =	sshll.u32 s28, $0x1;
	[dreg:$0x2] =	wrdreg s4  }
0xb8: {  	[dreg:$0x3] =	wrdreg s6  }
0xb9: {  	[dreg:$0x4] =	wrdreg $0xC0  }
0xba: {  	_ =	task [dreg:s22], $0x5FFFF  }
0xbb: {  	[dreg:$0x1] =	wrdreg $0xFFFFFFFF  }
0xbc: {  	[dreg:$0x0] =	wrdreg $0x60  }
0xbd: {  	[dreg:$0x2] =	wrdreg s24  }
0xbe: {  	[dreg:$0x3] =	wrdreg s18  }
0xbf: {  	[dreg:$0x4] =	wrdreg $0x80000  }
0xc0: {  	[dreg:$0x5] =	wrdreg $0xA  }
0xc1: {  	_ =	task.clear_ibuf [dreg:s22], $0x6FFFF;
	_ =	strace $0x90000058  }
0xc2: {  	s29 =	simm.s32 $0xA;
	_ =	strace $0x8000005A  }
0xc3: {  	_ =	swait.ge [sflag:s29], $0x1  }
0xc4: {  	[sflag:s29] =	ssyncadd.s32 $0xFFFFFFFF  }
0xc5: {  	_ =	strace $0x9000005A  }
0xc6: {  	_ =	sfence  }
0xc7: {  	s30 =	sld [smem:$0x0];
	_ =	sdelay $0x2  }
0xc8: {  	s31 =	sshll.u32 s1, $0xD;
	s1 =	sshrl.u32 s1, $0x2  }
0xc9: {  	s4 =	sand.u32 $0x4000, s31;
	s1 =	sadd.s32 s1, s30  }
0xca: {  	s0 =	sor.u32 s4, s0;
	s1 =	sshll.u32 s1, $0x11  }
0xcb: {  	s0 =	sor.u32 s1, s0  }
0xcc: {  	s0 =	sadd.s32 $0x8F2B, s0  }
0xcd: {  	[sflag:s0] =	ssyncadd.remote.s32 $0x1  }
0xce: {  	_ =	sfence.sel $0xFFFF  }
0xcf: {  	[dreg:$0x0] =	wrdreg $0xFFFFFFFF;
	(pc) =	sbr.abs _section_cstart, $3  }
0xd0: {  	[dreg:$0x1] =	wrdreg $0xFFFFFFFF  }
0xd1: {  	_ =	task.clear_ibuf [dreg:s22], $0x2FFFF;
	_ =	strace $0x9FFFFFFF  }
0xd2: {  	(tm) =	ssettm $0x7FFFFFFF  }
0xd3: {  	_ =	shalt  }
tec
execute0_lowered:
.L_overlay_start_1:
0x0: {  	(tag) =	ssettag $0x1  }
0x1: {  	s6 =	rddreg [dreg:$0x0]  }
0x2: {  	s7 =	rddreg [dreg:$0x1]  }
0x3: {  	s2 =	rddreg [dreg:$0x2]  }
0x4: {  	s1 =	stileid.u32;
	s0 =	rddreg [dreg:$0x3]  }
0x5: {  	s3 =	simm.s32 $0x0;
	s5 =	srdreg.scid;
	s18 =	simm.s32 $0x4E00  }
0x6: {  	s19 =	simm.s32 $0x0;
	s4 =	smul.u32 $0x27100, s1;
	[smem:$0x7FF] =	sst s3  }
0x7: {  	s8 =	smul.u32 $0x2700, s1;
	s10 =	sand.u32 $0x1, s5;
	s11 =	sshll.u32 s1, $0x1  }
0x8: {  	s12 =	smul.u32 $0x4E000, s1;
	s13 =	sadd.s32 $0x7AC00, s6;
	s29 =	sshll.u32 s1, $0x6  }
0x9: {  	s17 =	sadd.s32 $0x138000, s2;
	p0 =	sne.s32 s1, $0xF;
	s15 =	smul.u32 $0x27100, s10  }
0xa: {  	_ =	strace $0x80000059;
	s5 =	ssub.s32 $0x2, s10;
	s16 =	smul.u32 $0x138800, s10  }
0xb: {  	s11 =	sor.u32 s10, s11;
	s10 =	smul.u32 $0x13880, s10;
	s9 =	sadd.s32 s4, s6  }
0xc: {  	s26 =	sadd.s32 s8, s6;
	s14 =	sshrl.u32 s5, $0x1;
	s28 =	sshrl.u32 s12, $0x2  }
0xd: {  	s11 =	smul.u32 $0x380, s11;
	s6 =	sadd.s32 $0x7AA00, s6;
	s14 =	ssub.s32 s5, s14  }
0xe: {  	s12 =	sadd.s32 s28, s2;
	s4 =	sadd.s32 $0x53A00, s26;
	s5 =	sor.u32 $0x1C02, s29  }
0xf: {  	s8 =	sadd.s32 s8, s15;
	s30 =	sshrl.u32 s16, $0x3;
	s31 =	sadd.s32 s10, s9  }
0x10: {  	s15 =	simm.s32 $0x1C00;
	s16 =	simm.s32 $0x1;
	s7 =	sadd.s32 s7, s11  }
0x11: {  	s8 =	sadd.s32 s13, s8;
	s11 =	sadd.s32 s13, s30;
	s10 =	smax.u32 s14, $0x1  }
0x12: {  	s12 =	sshrl.u32 s12, $0x3;
	s13 =	simm.s32 $0x2;
	s14 =	sshrl.u32 @!p0 s17, $0x3  }
0x13: {  	s17 =	simm.s32 $0x64;
	s9 =	sadd.s32 $0x27000, s11;
	s11 =	sadd.s32 $0xACFE00, s31  }
.LBB2_1:
0x14: {  	[spmem:s12], [sflag:s5] =	dma.local [hbm:s4], $0x2700  }
0x15: {  	_ =	swait.ge [sflag:s13], $0x2700  }
0x16: {  	[sflag:s13] =	ssyncset.done $0x0  }
0x17: {  	s20 =	simm.s32 @!p0 $0x2;
	[sflag:s13] =	ssyncadd.s32 $0xFFFFD900  }
0x18: {  	[spmem:s14], [sflag:s5] =	dma.local @!p0 [hbm:s6], $0x100  }
0x19: {  	_ =	swait.ge @!p0 [sflag:s20], $0x100  }
0x1a: {  	[sflag:s20] =	ssyncset.done @!p0 $0x0  }
0x1b: {  	[sflag:s20] =	ssyncadd.s32 @!p0 $0xFFFFFF00  }
0x1c: {  	[tilespmem:s3], [sflag:$0x2] =	stream.linear.gather [hbm4b:s7+s3], $0x1900, $0x38;
	[tilespmem:$0x1B880] =	vst v63  }
0x1d: {  	_ =	swait.ge [sflag:s13], $0x1900  }
0x1e: {  	[sflag:s13] =	ssyncset.done $0x0  }
0x1f: {  	[sflag:s13] =	ssyncadd.s32 $0xFFFFE700  }
0x20: {  	s29 =	sadd.s32 $0x0, s11;
	[bflag:$0x0] =	sbarrier.arrive $0xFFFF  }
0x21: {  	[tilespmem:s15], [sflag:$0x1] =	stream.linear.gather [hbm4b:s29+s3], $0x6400, $0x38;
	[tilespmem:$0x1B880] =	vst v63  }
0x22: {  	_ =	swait.ge [sflag:s16], $0x6400  }
0x23: {  	[sflag:s16] =	ssyncset.done $0x0  }
0x24: {  	s30 =	simm.s32 $0x0;
	[sflag:s16] =	ssyncadd.s32 $0xFFFF9C00  }
0x25: {  	[spmem:s2] =	stream.indirect.scatter.add.f32 [tilespmem:s15], [sflag:$0x2], $0x80, s30, s17, $0xb8;
	[tilespmem:$0x1B880] =	vst v63  }
0x26: {  	_ =	swait.ge [sflag:s13], $0x3200  }
0x27: {  	[sflag:s13] =	ssyncset.done $0x0  }
0x28: {  	s31 =	simm.s32 $0x80;
	[sflag:s13] =	ssyncadd.s32 $0xFFFFCE00  }
0x29: {  	[spmem:s2] =	stream.indirect.scatter.add.f32 [tilespmem:s18], [sflag:$0x2], $0x80, s31, s17, $0xb8;
	[tilespmem:$0x1B880] =	vst v63  }
0x2a: {  	s21 =	simm.s32 $0xC80;
	_ =	swait.ge [sflag:s13], $0x3200  }
0x2b: {  	s22 =	simm.s32 $0x1900;
	s20 =	simm.s32 $0x180;
	[sflag:s13] =	ssyncset.done $0x0  }
.LBB2_2:
0x2c: {  	s23 =	sadd.s32 s21, s11  }
0x2d: {  	[sflag:s13] =	ssyncadd.s32 $0xFFFFCE00;
	s21 =	smov.u32 s22;
	s24 =	sadd.s32 $0xC80, s22  }
0x2e: {  	[tilespmem:s15], [sflag:$0x1] =	stream.linear.gather [hbm4b:s23+s3], $0x6400, $0x38;
	[tilespmem:$0x1B880] =	vst v63  }
0x2f: {  	p1 =	sne.s32 s22, $0x12C00;
	_ =	swait.ge [sflag:s16], $0x6400  }
0x30: {  	[sflag:s16] =	ssyncset.done $0x0  }
0x31: {  	s22 =	sadd.s32 $0xFFFFFF80, s20;
	[sflag:s16] =	ssyncadd.s32 $0xFFFF9C00  }
0x32: {  	[spmem:s2] =	stream.indirect.scatter.add.f32 [tilespmem:s15], [sflag:$0x2], $0x80, s22, s17, $0xb8;
	[tilespmem:$0x1B880] =	vst v63  }
0x33: {  	_ =	swait.ge [sflag:s13], $0x3200  }
.Ltmp0:
0x34: {  	[sflag:s13] =	ssyncset.done $0x0;
	(pc) =	sbr.rel @p1 .LBB2_2-.Ltmp0, $4  }
0x35: {  	[sflag:s13] =	ssyncadd.s32 $0xFFFFCE00  }
0x36: {  	[spmem:s2] =	stream.indirect.scatter.add.f32 [tilespmem:s18], [sflag:$0x2], $0x80, s20, s17, $0xb8;
	[tilespmem:$0x1B880] =	vst v63  }
0x37: {  	_ =	swait.ge [sflag:s13], $0x3200  }
0x38: {  	s22 =	smov.u32 s24;
	s20 =	sadd.s32 $0x100, s20;
	[sflag:s13] =	ssyncset.done $0x0  }
0x39: {  	s21 =	sadd.s32 s21, s11;
	[sflag:s13] =	ssyncadd.s32 $0xFFFFCE00  }
0x3a: {  	[tilespmem:s15], [sflag:$0x1] =	stream.linear.gather [hbm4b:s21+s3], $0x6400, $0x38;
	[tilespmem:$0x1B880] =	vst v63  }
0x3b: {  	_ =	swait.ge [sflag:s16], $0x6400  }
0x3c: {  	[sflag:s16] =	ssyncset.done $0x0  }
0x3d: {  	s31 =	sadd.s32 $0xFFFFFF80, s20;
	[sflag:s16] =	ssyncadd.s32 $0xFFFF9C00  }
0x3e: {  	[spmem:s2] =	stream.indirect.scatter.add.f32 [tilespmem:s15], [sflag:$0x2], $0x80, s31, s17, $0xb8;
	[tilespmem:$0x1B880] =	vst v63  }
0x3f: {  	_ =	swait.ge [sflag:s13], $0x3200  }
0x40: {  	[sflag:s13] =	ssyncset.done $0x0  }
0x41: {  	[sflag:s13] =	ssyncadd.s32 $0xFFFFCE00  }
0x42: {  	[spmem:s2] =	stream.indirect.scatter.add.f32 [tilespmem:s18], [sflag:$0x2], $0x80, s20, s17, $0xb8;
	[tilespmem:$0x1B880] =	vst v63  }
0x43: {  	_ =	swait.ge [sflag:s13], $0x3200  }
0x44: {  	[sflag:s13] =	ssyncset.done $0x0  }
0x45: {  	[sflag:s13] =	ssyncadd.s32 $0xFFFFCE00  }
0x46: {  	[bflag:$0x0] =	sbarrier.arrive $0xFFFF  }
0x47: {  	[hbm:s8], [sflag:s5] =	dma.local [spmem:s12], $0x2700  }
0x48: {  	s19 =	sadd.s32 $0x1, s19;
	_ =	swait.ge [sflag:s13], $0x2700  }
0x49: {  	p1 =	sne.s32 s19, s10;
	[sflag:s13] =	ssyncset.done $0x0  }
.Ltmp1:
0x4a: {  	s20 =	simm.s32 @!p0 $0x2;
	[sflag:s13] =	ssyncadd.s32 $0xFFFFD900;
	(pc) =	sbr.rel @p1 .LBB2_1-.Ltmp1, $4  }
0x4b: {  	[hbm:s9], [sflag:s5] =	dma.local @!p0 [spmem:s14], $0x100  }
0x4c: {  	_ =	swait.ge @!p0 [sflag:s20], $0x100  }
0x4d: {  	[sflag:s20] =	ssyncset.done @!p0 $0x0  }
0x4e: {  	[sflag:s20] =	ssyncadd.s32 @!p0 $0xFFFFFF00  }
0x4f: {  	_ =	sfence.sel $0x180000  }
0x50: {  	[bflag:$0x0] =	sbarrier.arrive $0xFFFF  }
0x51: {  	p0 =	sne.s32 s1, $0x0;
	_ =	strace $0x90000059  }
0x52: {  	s0 =	sadd.s32 @!p0 $0x100000, s0;
	[bflag:$0x2] =	sbarrier.arrive $0xFFFF  }
0x53: {  	[sflag:s0] =	ssyncadd.tile.s32 @!p0 $0x1;
	_ =	shalt  }
.Lfunc_end2:
_tile_overlayer_lowered:
.L_overlay_start_2:
0x54: {  	(tag) =	ssettag $0x2  }
0x55: {  	s0 =	rddreg [dreg:$0x0];
	s2 =	stileid.u32  }
0x56: {  	s1 =	rddreg [dreg:$0x1];
	p0 =	sne.s32 s2, $0x0  }
0x57: {  	s3 =	rddreg [dreg:$0x2];
	[bflag:$0x3] =	sbarrier.arrive $0xFFFF;
	s2 =	simm.s32 @!p0 $0x1C02  }
0x58: {  	[timem:s3], [sflag:s2] =	dma.local @!p0 [hbm:s0], s1  }
0x59: {  	s0 =	simm.s32 @!p0 $0x2  }
0x5a: {  	_ =	swait.ge @!p0 [sflag:s0], s1  }
0x5b: {  	s1 =	ssub.s32 @!p0 $0x0, s1;
	[sflag:s0] =	ssyncset.done @!p0 $0x0  }
0x5c: {  	[sflag:s0] =	ssyncadd.s32 @!p0 s1  }
0x5d: {  	[bflag:$0x3] =	sbarrier.arrive $0xFFFF  }
0x5e: {  	_ =	shalt  }

// kernel: kernel.39.cloned.1.call-start
scs
__scs_entry_jumppad:
0x0: {  	(pc) =	sbr.rel $0x88, $3  }
0x1: {  	(tag) =	ssettag $0x0;
	lr =	simm.s32 $0x1  }
0x2: {  	[smem:$0x3F95] =	sst lr;
	_ =	strace $0xD0000000  }
0x3: {  	_ = 	snop  }
0x4: {  	_ = 	snop  }
0x5: {  	_ = 	snop  }
0x6: {  	_ = 	snop  }
0x7: {  	_ = 	snop  }
__scs_overlays_trampoline_lowered:
0x8: {  	[smem:$0x3FA4] =	sst s0  }
0x9: {  	[smem:$0x3FA5] =	sst s1  }
0xa: {  	[smem:$0x3FA6] =	sst s2  }
0xb: {  	[smem:$0x3FA7] =	sst s3  }
0xc: {  	[smem:$0x3FA8] =	sst s4  }
0xd: {  	[smem:$0x3FA9] =	sst s5  }
0xe: {  	[smem:$0x3FAA] =	sst s6  }
0xf: {  	[smem:$0x3FAB] =	sst s7  }
0x10: {  	[smem:$0x3FAC] =	sst s8  }
0x11: {  	[smem:$0x3FAD] =	sst s9;
	s0 =	simm.s32 @!p0 $0x0  }
0x12: {  	s1 =	sld [smem:$0x3F93];
	s0 =	simm.s32 @p0 $0x1  }
0x13: {  	[smem:$0x3FAE] =	sst s0;
	s0 =	simm.s32 @!p1 $0x0  }
0x14: {  	s2 =	sld [smem:$0x3F92];
	s0 =	simm.s32 @p1 $0x1  }
0x15: {  	[smem:$0x3FAF] =	sst s0;
	s0 =	simm.s32 @!p2 $0x0  }
0x16: {  	s3 =	sld [smem:$0x3FDB];
	s0 =	simm.s32 @p2 $0x1  }
0x17: {  	s4 =	simm.s32 $0x1BF5;
	[smem:$0x3FB1] =	sst s0  }
0x18: {  	s0 =	sld [smem:$0x3F94];
	_ =	swait.ge [sflag:s4], $0x0  }
0x19: {  	s7 =	sld [smem:$0x3F95]  }
0x1a: {  	s8 =	sadd.s32 $0xFFFFE003, lr  }
0x1b: {  	s9 =	sadd.s32 $0xFFFFFEF7, lr;
	s5 =	simm.s32 $0xFFFFFFFF;
	p2 =	slt.u32 s8, $0xFFFFF086  }
0x1c: {  	p1 =	slt.u32 s9, $0xF7A;
	s5 =	simm.s32 @!p2 $0x0  }
0x1d: {  	s5 =	simm.s32 @p1 $0x1;
	p0 =	seq.s32 s7, s2  }
0x1e: {  	s7 =	smul.u32 @!p0 $0xF7A, s2;
	p2 =	seq.s32 @!p0 s5, $0x0  }
0x1f: {  	s9 =	smul.u32 $0xF7A, s1;
	s8 =	simm.s32 @!p0 $0x1BF5;
	p2 =	por !p2, p0  }
0x20: {  	[sflag:s8] =	ssyncset.s32 @!p0 $0xFFFFF086;
	s6 =	sadd.s32 @!p0 s3, s7;
	s7 =	simm.s32 @!p0 $0x108  }
0x21: {  	s3 =	sadd.s32 s3, s9;
	s6 =	sadd.s32 @!p0 $0x88, s6;
	s7 =	simm.s32 @p2 $0x1082  }
0x22: {  	[simem:s7], [sflag:s8] =	dma.local @!p0 [hbm:s6], $0xF7A  }
0x23: {  	s9 =	sor.u32 $0xD0000000, s2;
	s6 =	simm.s32 $0x108;
	_ =	swait.ge @!p0 [sflag:s8], $0x0  }
0x24: {  	s3 =	sadd.s32 $0x88, s3;
	s6 =	simm.s32 @!p1 $0x1082;
	[sflag:s4] =	ssyncset.s32 $0xFFFFF086  }
0x25: {  	[simem:s6], [sflag:s4] =	dma.local [hbm:s3], $0xF7A  }
0x26: {  	[smem:$0x3F95] =	sst s1;
	(tag) =	ssettag s2;
	_ =	strace s9  }
0x27: {  	s1 =	sld [smem:$0x3FA5]  }
0x28: {  	s2 =	sld [smem:$0x3FA6]  }
0x29: {  	s4 =	sld [smem:$0x3FA8]  }
0x2a: {  	p0 =	seq.s32 s5, $0x0;
	s5 =	sld [smem:$0x3FA9]  }
0x2b: {  	s6 =	sld [smem:$0x3FAA]  }
0x2c: {  	s7 =	sld [smem:$0x3FAB]  }
0x2d: {  	s3 =	simm.s32 $0x108;
	s8 =	sld [smem:$0x3FAC]  }
0x2e: {  	s3 =	simm.s32 @!p0 $0x1082;
	s9 =	sld [smem:$0x3FAD]  }
0x2f: {  	lr =	sadd.s32 s0, s3;
	s0 =	sld [smem:$0x3FA4]  }
0x30: {  	s3 =	sld [smem:$0x3FA7]  }
0x31: {  	[smem:$0x3FB0] =	sst s10  }
0x32: {  	s10 =	sld [smem:$0x3FAE];
	_ =	sdelay $0x3  }
0x33: {  	p0 =	seq.s32 s10, $0x1;
	s10 =	sld [smem:$0x3FB0];
	_ =	sdelay $0x3  }
0x34: {  	[smem:$0x3FB0] =	sst s10  }
0x35: {  	s10 =	sld [smem:$0x3FAF];
	_ =	sdelay $0x3  }
0x36: {  	p1 =	seq.s32 s10, $0x1;
	s10 =	sld [smem:$0x3FB0];
	_ =	sdelay $0x3  }
0x37: {  	[smem:$0x3FB0] =	sst s10  }
0x38: {  	s10 =	sld [smem:$0x3FB1]  }
0x39: {  	_ = 	snop;
	(pc) =	sbr.ind lr, $3  }
0x3a: {  	_ = 	snop  }
0x3b: {  	_ = 	snop  }
0x3c: {  	p2 =	seq.s32 s10, $0x1;
	s10 =	sld [smem:$0x3FB0]  }
0x3d: {  	_ =	shalt  }
0x3e: {  	_ =	shalt  }
0x3f: {  	_ =	shalt  }
0x40: {  	_ =	shalt  }
0x41: {  	_ =	shalt  }
0x42: {  	_ =	shalt  }
0x43: {  	_ =	shalt  }
0x44: {  	_ =	shalt  }
0x45: {  	_ =	shalt  }
0x46: {  	_ =	shalt  }
0x47: {  	_ =	shalt  }
0x48: {  	_ =	shalt  }
0x49: {  	_ =	shalt  }
0x4a: {  	_ =	shalt  }
0x4b: {  	_ =	shalt  }
0x4c: {  	_ =	shalt  }
0x4d: {  	_ =	shalt  }
0x4e: {  	_ =	shalt  }
0x4f: {  	_ =	shalt  }
0x50: {  	_ =	shalt  }
0x51: {  	_ =	shalt  }
0x52: {  	_ =	shalt  }
0x53: {  	_ =	shalt  }
0x54: {  	_ =	shalt  }
0x55: {  	_ =	shalt  }
0x56: {  	_ =	shalt  }
0x57: {  	_ =	shalt  }
0x58: {  	_ =	shalt  }
0x59: {  	_ =	shalt  }
0x5a: {  	_ =	shalt  }
0x5b: {  	_ =	shalt  }
0x5c: {  	_ =	shalt  }
0x5d: {  	_ =	shalt  }
0x5e: {  	_ =	shalt  }
0x5f: {  	_ =	shalt  }
0x60: {  	_ =	shalt  }
0x61: {  	_ =	shalt  }
0x62: {  	_ =	shalt  }
0x63: {  	_ =	shalt  }
0x64: {  	_ =	shalt  }
0x65: {  	_ =	shalt  }
0x66: {  	_ =	shalt  }
0x67: {  	_ =	shalt  }
0x68: {  	_ =	shalt  }
0x69: {  	_ =	shalt  }
0x6a: {  	_ =	shalt  }
0x6b: {  	_ =	shalt  }
0x6c: {  	_ =	shalt  }
0x6d: {  	_ =	shalt  }
0x6e: {  	_ =	shalt  }
0x6f: {  	_ =	shalt  }
0x70: {  	_ =	shalt  }
0x71: {  	_ =	shalt  }
0x72: {  	_ =	shalt  }
0x73: {  	_ =	shalt  }
0x74: {  	_ =	shalt  }
0x75: {  	_ =	shalt  }
0x76: {  	_ =	shalt  }
0x77: {  	_ =	shalt  }
0x78: {  	_ =	shalt  }
0x79: {  	_ =	shalt  }
0x7a: {  	_ =	shalt  }
0x7b: {  	_ =	shalt  }
0x7c: {  	_ =	shalt  }
0x7d: {  	_ =	shalt  }
0x7e: {  	_ =	shalt  }
0x7f: {  	_ =	shalt  }
0x80: {  	_ =	shalt  }
0x81: {  	_ =	shalt  }
0x82: {  	_ =	shalt  }
0x83: {  	_ =	shalt  }
0x84: {  	_ =	shalt  }
0x85: {  	_ =	shalt  }
0x86: {  	_ =	shalt  }
0x87: {  	_ =	shalt  }
.Lfunc_end0:
.L_simem_size_0:
called_computation.7_lowered:
.L_overlay_start_0:
0x88: {  	s2 =	sld [smem:$0x3FD9]  }
0x89: {  	s3 =	sld [smem:$0x3FFE];
	_ =	sdelay $0x1  }
0x8a: {  	s1 =	srdreg.scid  }
0x8b: {  	s0 =	sand.u32 $0x1, s1  }
0x8c: {  	s17 =	sshll.u32 s0, $0xA;
	s2 =	sadd.s32 s3, s2  }
0x8d: {  	s2 =	sadd.s32 s2, s17  }
0x8e: {  	[smem:$0x3FBC] =	sst s2  }
0x8f: {  	_ = 	snop  }
0x90: {  	(tm) =	ssettm $0x1  }
0x91: {  	s18 =	sld [smem:$0x3FFB];
	_ =	sdelay $0x3  }
0x92: {  	_ =	strace s18  }
0x93: {  	s2 =	sld [smem:$0x3FFC];
	_ =	sdelay $0x3  }
0x94: {  	_ =	strace s2  }
0x95: {  	s2 =	sld [smem:$0x3FFD];
	_ =	sdelay $0x3  }
0x96: {  	_ =	strace s2  }
0x97: {  	_ =	strace $0x8FFFFFFF  }
0x98: {  	s19 =	sld [smem:$0x3FDB];
	_ =	sdelay $0x1  }
0x99: {  	s20 =	simm.s32 $_scs_section_size  }
0x9a: {  	s4 =	simm.s32 $_size__tile_overlayer_lowered;
	s5 =	simm.s32 $_tile_overlayer_lowered  }
0x9b: {  	s6 =	simm.s32 $0x1BFF;
	s21 =	sshll.u32 s5, $0x1;
	s3 =	sadd.s32 s20, s19  }
0x9c: {  	s22 =	simm.s32 $0x0;
	s4 =	sshll.u32 s4, $0x1;
	s5 =	sadd.s32 s21, s3  }
0x9d: {  	[timem:s22], [sflag:s6] =	dma.local [hbm:s5], s4  }
0x9e: {  	_ =	swait.ge [sflag:s6], s4  }
0x9f: {  	s4 =	ssub.s32 $0x0, s4;
	[sflag:s6] =	ssyncset.done $0x0  }
0xa0: {  	[sflag:s6] =	ssyncadd.s32 s4;
	_ =	sdelay $0x1  }
0xa1: {  	s23 =	simm.s32 $0x1B8B  }
0xa2: {  	_ =	swait.ge [sflag:s23], $0x1  }
0xa3: {  	[sflag:s23] =	ssyncset.done $0x0  }
0xa4: {  	[sflag:s23] =	ssyncadd.s32 $0xFFFFFFFF  }
0xa5: {  	s4 =	sld [smem:$0x0]  }
0xa6: {  	s5 =	sand.u32 $0xFFFFFFFE, s1  }
0xa7: {  	p0 =	sne.s32 s1, s5  }
0xa8: {  	s5 =	sshll.u32 @p0 s5, $0xE  }
0xa9: {  	s5 =	sadd.s32 @p0 $0x11B8D, s5;
	s6 =	sshll.u32 @p0 s4, $0x11  }
0xaa: {  	s5 =	sor.u32 @p0 s6, s5  }
0xab: {  	[sflag:s5] =	ssyncadd.remote.s32 @p0 $0x1;
	_ =	sdelay $0x1  }
0xac: {  	s5 =	simm.s32 @p0 $0x1B8D  }
0xad: {  	_ =	swait.eq @p0 [sflag:s5], $0x1  }
0xae: {  	[sflag:s5] =	ssyncadd.s32 @p0 $0xFFFFFFFF  }
0xaf: {  	s6 =	sshll.u32 @!p0 s1, $0xE  }
0xb0: {  	s6 =	sor.u32 @!p0 $0x4000, s6;
	s5 =	simm.s32 @!p0 $0x1B8D  }
0xb1: {  	s4 =	sshll.u32 @!p0 s4, $0x11;
	s6 =	sadd.s32 @!p0 $0x11B8D, s6;
	_ =	swait.eq @!p0 [sflag:s5], $0x1  }
0xb2: {  	s4 =	sor.u32 @!p0 s4, s6;
	[sflag:s5] =	ssyncadd.s32 @!p0 $0xFFFFFFFF  }
0xb3: {  	s25 =	simm.s32 $0x1B8E;
	s24 =	sld [smem:$0x3FFE];
	[sflag:s4] =	ssyncadd.remote.s32 @!p0 $0x1  }
0xb4: {  	s26 =	simm.s32 $execute0_lowered;
	[smem:$0x3FD2] =	sst s25  }
0xb5: {  	s5 =	sshll.u32 s26, $0x1;
	_ =	strace $0x8000005B;
	[dreg:$0x1] =	wrdreg $0xFFFFFFFF  }
0xb6: {  	s28 =	simm.s32 $_size_execute0_lowered;
	s3 =	sadd.s32 s3, s5;
	[dreg:$0x0] =	wrdreg $0x0  }
0xb7: {  	s5 =	sshll.u32 s28, $0x1;
	[dreg:$0x2] =	wrdreg s3  }
0xb8: {  	[dreg:$0x3] =	wrdreg s5  }
0xb9: {  	[dreg:$0x4] =	wrdreg $0xC0  }
0xba: {  	_ =	task [dreg:s22], $0x5FFFF  }
0xbb: {  	[dreg:$0x1] =	wrdreg $0xFFFFFFFF  }
0xbc: {  	[dreg:$0x0] =	wrdreg $0x60  }
0xbd: {  	[dreg:$0x2] =	wrdreg s24  }
0xbe: {  	[dreg:$0x3] =	wrdreg $0x80000  }
0xbf: {  	[dreg:$0x4] =	wrdreg $0x9  }
0xc0: {  	_ =	task.clear_ibuf [dreg:s22], $0x5FFFF;
	_ =	strace $0x9000005B  }
0xc1: {  	s29 =	simm.s32 $0x9;
	_ =	strace $0x8000005D  }
0xc2: {  	_ =	swait.ge [sflag:s29], $0x1  }
0xc3: {  	[sflag:s29] =	ssyncadd.s32 $0xFFFFFFFF  }
0xc4: {  	_ =	strace $0x9000005D  }
0xc5: {  	_ =	sfence  }
0xc6: {  	s30 =	sld [smem:$0x0];
	_ =	sdelay $0x2  }
0xc7: {  	s31 =	sshll.u32 s1, $0xD;
	s1 =	sshrl.u32 s1, $0x2  }
0xc8: {  	s4 =	sand.u32 $0x4000, s31;
	s1 =	sadd.s32 s1, s30  }
0xc9: {  	s0 =	sor.u32 s4, s0;
	s1 =	sshll.u32 s1, $0x11  }
0xca: {  	s0 =	sor.u32 s1, s0  }
0xcb: {  	s0 =	sadd.s32 $0x8F2B, s0  }
0xcc: {  	[sflag:s0] =	ssyncadd.remote.s32 $0x1  }
0xcd: {  	_ =	sfence.sel $0xFFFF  }
0xce: {  	[dreg:$0x0] =	wrdreg $0xFFFFFFFF;
	(pc) =	sbr.abs _section_cstart, $3  }
0xcf: {  	[dreg:$0x1] =	wrdreg $0xFFFFFFFF  }
0xd0: {  	_ =	task.clear_ibuf [dreg:s22], $0x2FFFF;
	_ =	strace $0x9FFFFFFF  }
0xd1: {  	(tm) =	ssettm $0x7FFFFFFF  }
tec
execute0_lowered:
.L_overlay_start_1:
0x0: {  	(tag) =	ssettag $0x1  }
0x1: {  	s6 =	rddreg [dreg:$0x0]  }
0x2: {  	s2 =	rddreg [dreg:$0x1];
	s1 =	stileid.u32  }
0x3: {  	s3 =	srdreg.scid;
	s0 =	rddreg [dreg:$0x2]  }
0x4: {  	s18 =	simm.s32 $0x4E00;
	s19 =	simm.s32 $0x0;
	s5 =	smul.u32 $0x27100, s1  }
0x5: {  	s7 =	sand.u32 $0x1, s3;
	s4 =	sshll.u32 s1, $0x1;
	s8 =	smul.u32 $0x2700, s1  }
0x6: {  	s3 =	simm.s32 $0x0;
	s10 =	smul.u32 $0x4E000, s1;
	s13 =	sadd.s32 $0x34FE00, s6  }
0x7: {  	s28 =	sshll.u32 s1, $0x6;
	s16 =	sadd.s32 $0x138000, s2;
	s29 =	smul.u32 $0x27100, s7  }
0x8: {  	p0 =	sne.s32 s1, $0xF;
	s4 =	sor.u32 s7, s4;
	s15 =	smul.u32 $0x138800, s7  }
0x9: {  	[smem:$0x7FF] =	sst s3;
	s24 =	ssub.s32 $0x2, s7;
	s17 =	smul.u32 $0x13880, s7  }
0xa: {  	s4 =	smul.u32 $0x380, s4;
	_ =	strace $0x8000005C;
	s9 =	sadd.s32 s5, s6  }
0xb: {  	s25 =	sadd.s32 s8, s6;
	s12 =	sshrl.u32 s24, $0x1;
	s26 =	sshrl.u32 s10, $0x2  }
0xc: {  	s5 =	sor.u32 $0x1C02, s28;
	s12 =	ssub.s32 s24, s12;
	s14 =	sadd.s32 s26, s2  }
0xd: {  	s8 =	sadd.s32 s8, s29;
	s30 =	sshrl.u32 s15, $0x3;
	s31 =	sadd.s32 s17, s9  }
0xe: {  	s15 =	simm.s32 $0x1C00;
	s17 =	simm.s32 $0x64;
	s11 =	sadd.s32 s4, s6  }
0xf: {  	s4 =	sadd.s32 $0x53A00, s25;
	s6 =	sadd.s32 $0x7AA00, s6;
	s8 =	sadd.s32 s13, s8  }
0x10: {  	s10 =	sadd.s32 s13, s30;
	s13 =	simm.s32 $0x2;
	s7 =	sadd.s32 $0xC8E00, s11  }
0x11: {  	s9 =	sadd.s32 $0x27000, s10;
	s10 =	smax.u32 s12, $0x1;
	s11 =	sadd.s32 $0xCFE00, s31  }
0x12: {  	s12 =	sshrl.u32 s14, $0x3;
	s14 =	sshrl.u32 @!p0 s16, $0x3;
	s16 =	simm.s32 $0x1  }
.LBB2_1:
0x13: {  	[spmem:s12], [sflag:s5] =	dma.local [hbm:s4], $0x2700  }
0x14: {  	_ =	swait.ge [sflag:s13], $0x2700  }
0x15: {  	[sflag:s13] =	ssyncset.done $0x0  }
0x16: {  	s20 =	simm.s32 @!p0 $0x2;
	[sflag:s13] =	ssyncadd.s32 $0xFFFFD900  }
0x17: {  	[spmem:s14], [sflag:s5] =	dma.local @!p0 [hbm:s6], $0x100  }
0x18: {  	_ =	swait.ge @!p0 [sflag:s20], $0x100  }
0x19: {  	[sflag:s20] =	ssyncset.done @!p0 $0x0  }
0x1a: {  	[sflag:s20] =	ssyncadd.s32 @!p0 $0xFFFFFF00  }
0x1b: {  	[tilespmem:s3], [sflag:$0x2] =	stream.linear.gather [hbm4b:s7+s3], $0x1900, $0x38;
	[tilespmem:$0x1B880] =	vst v63  }
0x1c: {  	_ =	swait.ge [sflag:s13], $0x1900  }
0x1d: {  	[sflag:s13] =	ssyncset.done $0x0  }
0x1e: {  	[sflag:s13] =	ssyncadd.s32 $0xFFFFE700  }
0x1f: {  	s29 =	sadd.s32 $0x0, s11;
	[bflag:$0x0] =	sbarrier.arrive $0xFFFF  }
0x20: {  	[tilespmem:s15], [sflag:$0x1] =	stream.linear.gather [hbm4b:s29+s3], $0x6400, $0x38;
	[tilespmem:$0x1B880] =	vst v63  }
0x21: {  	_ =	swait.ge [sflag:s16], $0x6400  }
0x22: {  	[sflag:s16] =	ssyncset.done $0x0  }
0x23: {  	s30 =	simm.s32 $0x0;
	[sflag:s16] =	ssyncadd.s32 $0xFFFF9C00  }
0x24: {  	[spmem:s2] =	stream.indirect.scatter.add.f32 [tilespmem:s15], [sflag:$0x2], $0x80, s30, s17, $0xb8;
	[tilespmem:$0x1B880] =	vst v63  }
0x25: {  	_ =	swait.ge [sflag:s13], $0x3200  }
0x26: {  	[sflag:s13] =	ssyncset.done $0x0  }
0x27: {  	s31 =	simm.s32 $0x80;
	[sflag:s13] =	ssyncadd.s32 $0xFFFFCE00  }
0x28: {  	[spmem:s2] =	stream.indirect.scatter.add.f32 [tilespmem:s18], [sflag:$0x2], $0x80, s31, s17, $0xb8;
	[tilespmem:$0x1B880] =	vst v63  }
0x29: {  	s21 =	simm.s32 $0xC80;
	_ =	swait.ge [sflag:s13], $0x3200  }
0x2a: {  	s22 =	simm.s32 $0x1900;
	s20 =	simm.s32 $0x180;
	[sflag:s13] =	ssyncset.done $0x0  }
.LBB2_2:
0x2b: {  	s23 =	sadd.s32 s21, s11  }
0x2c: {  	[sflag:s13] =	ssyncadd.s32 $0xFFFFCE00;
	s21 =	smov.u32 s22;
	s24 =	sadd.s32 $0xC80, s22  }
0x2d: {  	[tilespmem:s15], [sflag:$0x1] =	stream.linear.gather [hbm4b:s23+s3], $0x6400, $0x38;
	[tilespmem:$0x1B880] =	vst v63  }
0x2e: {  	p1 =	sne.s32 s22, $0x12C00;
	_ =	swait.ge [sflag:s16], $0x6400  }
0x2f: {  	[sflag:s16] =	ssyncset.done $0x0  }
0x30: {  	s22 =	sadd.s32 $0xFFFFFF80, s20;
	[sflag:s16] =	ssyncadd.s32 $0xFFFF9C00  }
0x31: {  	[spmem:s2] =	stream.indirect.scatter.add.f32 [tilespmem:s15], [sflag:$0x2], $0x80, s22, s17, $0xb8;
	[tilespmem:$0x1B880] =	vst v63  }
0x32: {  	_ =	swait.ge [sflag:s13], $0x3200  }
.Ltmp0:
0x33: {  	[sflag:s13] =	ssyncset.done $0x0;
	(pc) =	sbr.rel @p1 .LBB2_2-.Ltmp0, $4  }
0x34: {  	[sflag:s13] =	ssyncadd.s32 $0xFFFFCE00  }
0x35: {  	[spmem:s2] =	stream.indirect.scatter.add.f32 [tilespmem:s18], [sflag:$0x2], $0x80, s20, s17, $0xb8;
	[tilespmem:$0x1B880] =	vst v63  }
0x36: {  	_ =	swait.ge [sflag:s13], $0x3200  }
0x37: {  	s22 =	smov.u32 s24;
	s20 =	sadd.s32 $0x100, s20;
	[sflag:s13] =	ssyncset.done $0x0  }
0x38: {  	s21 =	sadd.s32 s21, s11;
	[sflag:s13] =	ssyncadd.s32 $0xFFFFCE00  }
0x39: {  	[tilespmem:s15], [sflag:$0x1] =	stream.linear.gather [hbm4b:s21+s3], $0x6400, $0x38;
	[tilespmem:$0x1B880] =	vst v63  }
0x3a: {  	_ =	swait.ge [sflag:s16], $0x6400  }
0x3b: {  	[sflag:s16] =	ssyncset.done $0x0  }
0x3c: {  	s31 =	sadd.s32 $0xFFFFFF80, s20;
	[sflag:s16] =	ssyncadd.s32 $0xFFFF9C00  }
0x3d: {  	[spmem:s2] =	stream.indirect.scatter.add.f32 [tilespmem:s15], [sflag:$0x2], $0x80, s31, s17, $0xb8;
	[tilespmem:$0x1B880] =	vst v63  }
0x3e: {  	_ =	swait.ge [sflag:s13], $0x3200  }
0x3f: {  	[sflag:s13] =	ssyncset.done $0x0  }
0x40: {  	[sflag:s13] =	ssyncadd.s32 $0xFFFFCE00  }
0x41: {  	[spmem:s2] =	stream.indirect.scatter.add.f32 [tilespmem:s18], [sflag:$0x2], $0x80, s20, s17, $0xb8;
	[tilespmem:$0x1B880] =	vst v63  }
0x42: {  	_ =	swait.ge [sflag:s13], $0x3200  }
0x43: {  	[sflag:s13] =	ssyncset.done $0x0  }
0x44: {  	[sflag:s13] =	ssyncadd.s32 $0xFFFFCE00  }
0x45: {  	[bflag:$0x0] =	sbarrier.arrive $0xFFFF  }
0x46: {  	[hbm:s8], [sflag:s5] =	dma.local [spmem:s12], $0x2700  }
0x47: {  	s19 =	sadd.s32 $0x1, s19;
	_ =	swait.ge [sflag:s13], $0x2700  }
0x48: {  	p1 =	sne.s32 s19, s10;
	[sflag:s13] =	ssyncset.done $0x0  }
.Ltmp1:
0x49: {  	s20 =	simm.s32 @!p0 $0x2;
	[sflag:s13] =	ssyncadd.s32 $0xFFFFD900;
	(pc) =	sbr.rel @p1 .LBB2_1-.Ltmp1, $4  }
0x4a: {  	[hbm:s9], [sflag:s5] =	dma.local @!p0 [spmem:s14], $0x100  }
0x4b: {  	_ =	swait.ge @!p0 [sflag:s20], $0x100  }
0x4c: {  	[sflag:s20] =	ssyncset.done @!p0 $0x0  }
0x4d: {  	[sflag:s20] =	ssyncadd.s32 @!p0 $0xFFFFFF00  }
0x4e: {  	_ =	sfence.sel $0x180000  }
0x4f: {  	[bflag:$0x0] =	sbarrier.arrive $0xFFFF  }
0x50: {  	p0 =	sne.s32 s1, $0x0;
	_ =	strace $0x9000005C  }
0x51: {  	s0 =	sadd.s32 @!p0 $0x100000, s0;
	[bflag:$0x2] =	sbarrier.arrive $0xFFFF  }
0x52: {  	[sflag:s0] =	ssyncadd.tile.s32 @!p0 $0x1;
	_ =	shalt  }
.Lfunc_end2:
_tile_overlayer_lowered:
.L_overlay_start_2:
0x53: {  	(tag) =	ssettag $0x2  }
0x54: {  	s0 =	rddreg [dreg:$0x0];
	s2 =	stileid.u32  }
0x55: {  	s1 =	rddreg [dreg:$0x1];
	p0 =	sne.s32 s2, $0x0  }
0x56: {  	s3 =	rddreg [dreg:$0x2];
	[bflag:$0x3] =	sbarrier.arrive $0xFFFF;
	s2 =	simm.s32 @!p0 $0x1C02  }
0x57: {  	[timem:s3], [sflag:s2] =	dma.local @!p0 [hbm:s0], s1  }
0x58: {  	s0 =	simm.s32 @!p0 $0x2  }
0x59: {  	_ =	swait.ge @!p0 [sflag:s0], s1  }
0x5a: {  	s1 =	ssub.s32 @!p0 $0x0, s1;
	[sflag:s0] =	ssyncset.done @!p0 $0x0  }
0x5b: {  	[sflag:s0] =	ssyncadd.s32 @!p0 s1  }
0x5c: {  	[bflag:$0x3] =	sbarrier.arrive $0xFFFF  }
0x5d: {  	_ =	shalt  }

// kernel: kernel.42.cloned.1.call-start
scs
__scs_entry_jumppad:
0x0: {  	(pc) =	sbr.rel $0x88, $3  }
0x1: {  	(tag) =	ssettag $0x0;
	lr =	simm.s32 $0x1  }
0x2: {  	[smem:$0x3F95] =	sst lr;
	_ =	strace $0xD0000000  }
0x3: {  	_ = 	snop  }
0x4: {  	_ = 	snop  }
0x5: {  	_ = 	snop  }
0x6: {  	_ = 	snop  }
0x7: {  	_ = 	snop  }
__scs_overlays_trampoline_lowered:
0x8: {  	[smem:$0x3FA4] =	sst s0  }
0x9: {  	[smem:$0x3FA5] =	sst s1  }
0xa: {  	[smem:$0x3FA6] =	sst s2  }
0xb: {  	[smem:$0x3FA7] =	sst s3  }
0xc: {  	[smem:$0x3FA8] =	sst s4  }
0xd: {  	[smem:$0x3FA9] =	sst s5  }
0xe: {  	[smem:$0x3FAA] =	sst s6  }
0xf: {  	[smem:$0x3FAB] =	sst s7  }
0x10: {  	[smem:$0x3FAC] =	sst s8  }
0x11: {  	[smem:$0x3FAD] =	sst s9;
	s0 =	simm.s32 @!p0 $0x0  }
0x12: {  	s1 =	sld [smem:$0x3F93];
	s0 =	simm.s32 @p0 $0x1  }
0x13: {  	[smem:$0x3FAE] =	sst s0;
	s0 =	simm.s32 @!p1 $0x0  }
0x14: {  	s2 =	sld [smem:$0x3F92];
	s0 =	simm.s32 @p1 $0x1  }
0x15: {  	[smem:$0x3FAF] =	sst s0;
	s0 =	simm.s32 @!p2 $0x0  }
0x16: {  	s3 =	sld [smem:$0x3FDB];
	s0 =	simm.s32 @p2 $0x1  }
0x17: {  	s4 =	simm.s32 $0x1BF5;
	[smem:$0x3FB1] =	sst s0  }
0x18: {  	s0 =	sld [smem:$0x3F94];
	_ =	swait.ge [sflag:s4], $0x0  }
0x19: {  	s7 =	sld [smem:$0x3F95]  }
0x1a: {  	s8 =	sadd.s32 $0xFFFFE003, lr  }
0x1b: {  	s9 =	sadd.s32 $0xFFFFFEF7, lr;
	s5 =	simm.s32 $0xFFFFFFFF;
	p2 =	slt.u32 s8, $0xFFFFF086  }
0x1c: {  	p1 =	slt.u32 s9, $0xF7A;
	s5 =	simm.s32 @!p2 $0x0  }
0x1d: {  	s5 =	simm.s32 @p1 $0x1;
	p0 =	seq.s32 s7, s2  }
0x1e: {  	s7 =	smul.u32 @!p0 $0xF7A, s2;
	p2 =	seq.s32 @!p0 s5, $0x0  }
0x1f: {  	s9 =	smul.u32 $0xF7A, s1;
	s8 =	simm.s32 @!p0 $0x1BF5;
	p2 =	por !p2, p0  }
0x20: {  	[sflag:s8] =	ssyncset.s32 @!p0 $0xFFFFF086;
	s6 =	sadd.s32 @!p0 s3, s7;
	s7 =	simm.s32 @!p0 $0x108  }
0x21: {  	s3 =	sadd.s32 s3, s9;
	s6 =	sadd.s32 @!p0 $0x88, s6;
	s7 =	simm.s32 @p2 $0x1082  }
0x22: {  	[simem:s7], [sflag:s8] =	dma.local @!p0 [hbm:s6], $0xF7A  }
0x23: {  	s9 =	sor.u32 $0xD0000000, s2;
	s6 =	simm.s32 $0x108;
	_ =	swait.ge @!p0 [sflag:s8], $0x0  }
0x24: {  	s3 =	sadd.s32 $0x88, s3;
	s6 =	simm.s32 @!p1 $0x1082;
	[sflag:s4] =	ssyncset.s32 $0xFFFFF086  }
0x25: {  	[simem:s6], [sflag:s4] =	dma.local [hbm:s3], $0xF7A  }
0x26: {  	[smem:$0x3F95] =	sst s1;
	(tag) =	ssettag s2;
	_ =	strace s9  }
0x27: {  	s1 =	sld [smem:$0x3FA5]  }
0x28: {  	s2 =	sld [smem:$0x3FA6]  }
0x29: {  	s4 =	sld [smem:$0x3FA8]  }
0x2a: {  	p0 =	seq.s32 s5, $0x0;
	s5 =	sld [smem:$0x3FA9]  }
0x2b: {  	s6 =	sld [smem:$0x3FAA]  }
0x2c: {  	s7 =	sld [smem:$0x3FAB]  }
0x2d: {  	s3 =	simm.s32 $0x108;
	s8 =	sld [smem:$0x3FAC]  }
0x2e: {  	s3 =	simm.s32 @!p0 $0x1082;
	s9 =	sld [smem:$0x3FAD]  }
0x2f: {  	lr =	sadd.s32 s0, s3;
	s0 =	sld [smem:$0x3FA4]  }
0x30: {  	s3 =	sld [smem:$0x3FA7]  }
0x31: {  	[smem:$0x3FB0] =	sst s10  }
0x32: {  	s10 =	sld [smem:$0x3FAE];
	_ =	sdelay $0x3  }
0x33: {  	p0 =	seq.s32 s10, $0x1;
	s10 =	sld [smem:$0x3FB0];
	_ =	sdelay $0x3  }
0x34: {  	[smem:$0x3FB0] =	sst s10  }
0x35: {  	s10 =	sld [smem:$0x3FAF];
	_ =	sdelay $0x3  }
0x36: {  	p1 =	seq.s32 s10, $0x1;
	s10 =	sld [smem:$0x3FB0];
	_ =	sdelay $0x3  }
0x37: {  	[smem:$0x3FB0] =	sst s10  }
0x38: {  	s10 =	sld [smem:$0x3FB1]  }
0x39: {  	_ = 	snop;
	(pc) =	sbr.ind lr, $3  }
0x3a: {  	_ = 	snop  }
0x3b: {  	_ = 	snop  }
0x3c: {  	p2 =	seq.s32 s10, $0x1;
	s10 =	sld [smem:$0x3FB0]  }
0x3d: {  	_ =	shalt  }
0x3e: {  	_ =	shalt  }
0x3f: {  	_ =	shalt  }
0x40: {  	_ =	shalt  }
0x41: {  	_ =	shalt  }
0x42: {  	_ =	shalt  }
0x43: {  	_ =	shalt  }
0x44: {  	_ =	shalt  }
0x45: {  	_ =	shalt  }
0x46: {  	_ =	shalt  }
0x47: {  	_ =	shalt  }
0x48: {  	_ =	shalt  }
0x49: {  	_ =	shalt  }
0x4a: {  	_ =	shalt  }
0x4b: {  	_ =	shalt  }
0x4c: {  	_ =	shalt  }
0x4d: {  	_ =	shalt  }
0x4e: {  	_ =	shalt  }
0x4f: {  	_ =	shalt  }
0x50: {  	_ =	shalt  }
0x51: {  	_ =	shalt  }
0x52: {  	_ =	shalt  }
0x53: {  	_ =	shalt  }
0x54: {  	_ =	shalt  }
0x55: {  	_ =	shalt  }
0x56: {  	_ =	shalt  }
0x57: {  	_ =	shalt  }
0x58: {  	_ =	shalt  }
0x59: {  	_ =	shalt  }
0x5a: {  	_ =	shalt  }
0x5b: {  	_ =	shalt  }
0x5c: {  	_ =	shalt  }
0x5d: {  	_ =	shalt  }
0x5e: {  	_ =	shalt  }
0x5f: {  	_ =	shalt  }
0x60: {  	_ =	shalt  }
0x61: {  	_ =	shalt  }
0x62: {  	_ =	shalt  }
0x63: {  	_ =	shalt  }
0x64: {  	_ =	shalt  }
0x65: {  	_ =	shalt  }
0x66: {  	_ =	shalt  }
0x67: {  	_ =	shalt  }
0x68: {  	_ =	shalt  }
0x69: {  	_ =	shalt  }
0x6a: {  	_ =	shalt  }
0x6b: {  	_ =	shalt  }
0x6c: {  	_ =	shalt  }
0x6d: {  	_ =	shalt  }
0x6e: {  	_ =	shalt  }
0x6f: {  	_ =	shalt  }
0x70: {  	_ =	shalt  }
0x71: {  	_ =	shalt  }
0x72: {  	_ =	shalt  }
0x73: {  	_ =	shalt  }
0x74: {  	_ =	shalt  }
0x75: {  	_ =	shalt  }
0x76: {  	_ =	shalt  }
0x77: {  	_ =	shalt  }
0x78: {  	_ =	shalt  }
0x79: {  	_ =	shalt  }
0x7a: {  	_ =	shalt  }
0x7b: {  	_ =	shalt  }
0x7c: {  	_ =	shalt  }
0x7d: {  	_ =	shalt  }
0x7e: {  	_ =	shalt  }
0x7f: {  	_ =	shalt  }
0x80: {  	_ =	shalt  }
0x81: {  	_ =	shalt  }
0x82: {  	_ =	shalt  }
0x83: {  	_ =	shalt  }
0x84: {  	_ =	shalt  }
0x85: {  	_ =	shalt  }
0x86: {  	_ =	shalt  }
0x87: {  	_ =	shalt  }
.Lfunc_end0:
.L_simem_size_0:
called_computation.8_lowered:
.L_overlay_start_0:
0x88: {  	s2 =	sld [smem:$0x3FD9]  }
0x89: {  	s3 =	sld [smem:$0x3FFE];
	_ =	sdelay $0x1  }
0x8a: {  	s1 =	srdreg.scid  }
0x8b: {  	s0 =	sand.u32 $0x1, s1  }
0x8c: {  	s17 =	sshll.u32 s0, $0xA;
	s2 =	sadd.s32 s3, s2  }
0x8d: {  	s2 =	sadd.s32 s2, s17  }
0x8e: {  	[smem:$0x3FBC] =	sst s2  }
0x8f: {  	_ = 	snop  }
0x90: {  	s2 =	sld [smem:$0x3FD0];
	(tm) =	ssettm $0x1  }
0x91: {  	s18 =	sld [smem:$0x3FFB];
	_ =	sdelay $0x3  }
0x92: {  	_ =	strace s18  }
0x93: {  	s3 =	sld [smem:$0x3FFC];
	_ =	sdelay $0x3  }
0x94: {  	_ =	strace s3  }
0x95: {  	s3 =	sld [smem:$0x3FFD];
	_ =	sdelay $0x3  }
0x96: {  	_ =	strace s3  }
0x97: {  	_ =	strace $0x8FFFFFFF  }
0x98: {  	s19 =	sld [smem:$0x3FDB];
	_ =	sdelay $0x1  }
0x99: {  	s4 =	simm.s32 $_scs_section_size  }
0x9a: {  	s5 =	simm.s32 $_size__tile_overlayer_lowered;
	s6 =	simm.s32 $_tile_overlayer_lowered  }
0x9b: {  	s22 =	simm.s32 $0x1BFF;
	s21 =	sshll.u32 s6, $0x1;
	s3 =	sadd.s32 s4, s19  }
0x9c: {  	s7 =	simm.s32 $0x0;
	s20 =	sshll.u32 s5, $0x1;
	s5 =	sadd.s32 s21, s3  }
0x9d: {  	[timem:s7], [sflag:s22] =	dma.local [hbm:s5], s20  }
0x9e: {  	_ =	swait.ge [sflag:s22], s20  }
0x9f: {  	s4 =	ssub.s32 $0x0, s20;
	[sflag:s22] =	ssyncset.done $0x0  }
0xa0: {  	[sflag:s22] =	ssyncadd.s32 s4;
	_ =	sdelay $0x1  }
0xa1: {  	s23 =	simm.s32 $0x1B8B  }
0xa2: {  	_ =	swait.ge [sflag:s23], $0x1  }
0xa3: {  	[sflag:s23] =	ssyncset.done $0x0  }
0xa4: {  	s25 =	simm.s32 $0x1B8E;
	s24 =	sld [smem:$0x3FFE];
	[sflag:s23] =	ssyncadd.s32 $0xFFFFFFFF  }
0xa5: {  	s26 =	simm.s32 $execute0_lowered;
	[smem:$0x3FD2] =	sst s25  }
0xa6: {  	s5 =	sshll.u32 s26, $0x1;
	_ =	strace $0x8000005E;
	[dreg:$0x1] =	wrdreg $0xFFFFFFFF  }
0xa7: {  	s28 =	simm.s32 $_size_execute0_lowered;
	s3 =	sadd.s32 s3, s5;
	[dreg:$0x0] =	wrdreg $0x0  }
0xa8: {  	s5 =	sshll.u32 s28, $0x1;
	[dreg:$0x2] =	wrdreg s3  }
0xa9: {  	[dreg:$0x3] =	wrdreg s5  }
0xaa: {  	[dreg:$0x4] =	wrdreg $0xC0  }
0xab: {  	_ =	task [dreg:s7], $0x5FFFF  }
0xac: {  	[dreg:$0x1] =	wrdreg $0xFFFFFFFF  }
0xad: {  	[dreg:$0x0] =	wrdreg $0x60  }
0xae: {  	[dreg:$0x2] =	wrdreg s24  }
0xaf: {  	[dreg:$0x3] =	wrdreg s2  }
0xb0: {  	[dreg:$0x4] =	wrdreg $0x9  }
0xb1: {  	_ =	task.clear_ibuf [dreg:s7], $0x5FFFF;
	_ =	strace $0x9000005E  }
0xb2: {  	s29 =	simm.s32 $0x9;
	_ =	strace $0x80000060  }
0xb3: {  	_ =	swait.ge [sflag:s29], $0x1  }
0xb4: {  	[sflag:s29] =	ssyncadd.s32 $0xFFFFFFFF  }
0xb5: {  	_ =	strace $0x90000060  }
0xb6: {  	_ =	sfence  }
0xb7: {  	s30 =	sld [smem:$0x0];
	_ =	sdelay $0x2  }
0xb8: {  	s31 =	sshll.u32 s1, $0xD;
	s1 =	sshrl.u32 s1, $0x2  }
0xb9: {  	s3 =	sand.u32 $0x4000, s31;
	s1 =	sadd.s32 s1, s30  }
0xba: {  	s0 =	sor.u32 s3, s0;
	s1 =	sshll.u32 s1, $0x11  }
0xbb: {  	s0 =	sor.u32 s1, s0  }
0xbc: {  	s0 =	sadd.s32 $0x8F2B, s0  }
0xbd: {  	[sflag:s0] =	ssyncadd.remote.s32 $0x1  }
0xbe: {  	_ =	sfence.sel $0xFFFF  }
0xbf: {  	[dreg:$0x0] =	wrdreg $0xFFFFFFFF;
	(pc) =	sbr.abs _section_cstart, $3  }
0xc0: {  	[dreg:$0x1] =	wrdreg $0xFFFFFFFF  }
0xc1: {  	_ =	task.clear_ibuf [dreg:s7], $0x2FFFF;
	_ =	strace $0x9FFFFFFF  }
0xc2: {  	(tm) =	ssettm $0x7FFFFFFF  }
0xc3: {  	_ =	shalt  }
tec
execute0_lowered:
.L_overlay_start_1:
0x0: {  	(tag) =	ssettag $0x1  }
0x1: {  	s4 =	rddreg [dreg:$0x0];
	s1 =	srdreg.scid  }
0x2: {  	s0 =	stileid.u32;
	s6 =	rddreg [dreg:$0x1];
	s2 =	simm.s32 $0x0  }
0x3: {  	s10 =	simm.s32 $0x15F90;
	s3 =	sand.u32 $0x1, s1;
	s5 =	sshll.u32 s0, $0x1  }
0x4: {  	s11 =	simm.s32 $0x186A0;
	s12 =	simm.s32 $0x0;
	s5 =	sor.u32 s3, s5  }
0x5: {  	[smem:$0x7FF] =	sst s2;
	s31 =	ssub.s32 $0x2, s3;
	s7 =	smul.u32 $0x4E2, s5  }
0x6: {  	s1 =	rddreg [dreg:$0x2];
	_ =	strace $0x8000005F;
	s8 =	sshrl.u32 s31, $0x1  }
0x7: {  	s3 =	sadd.s32 $0x18800, s4;
	s8 =	ssub.s32 s31, s8;
	s9 =	sadd.s32 s7, s4  }
0x8: {  	s6 =	sadd.s32 s6, s7;
	s7 =	smax.u32 s8, $0x1;
	s8 =	simm.s32 $0x1  }
0x9: {  	s4 =	sadd.s32 $0xEA00, s9;
	s5 =	sadd.s32 $0x4C00, s9;
	s9 =	simm.s32 $0x13880  }
.LBB2_1:
0xa: {  	[tilespmem:s2], [sflag:$0x1] =	stream.linear.gather [hbm4b:s3+s2], $0x13880, $0x38;
	[tilespmem:$0x1ADB0] =	vst v63  }
0xb: {  	_ =	swait.ge [sflag:s8], $0x13880  }
0xc: {  	[sflag:s8] =	ssyncset.done $0x0  }
0xd: {  	[sflag:s8] =	ssyncadd.s32 $0xFFFEC780  }
0xe: {  	[tilespmem:s9], [sflag:$0x1] =	stream.linear.gather [hbm4b:s4+s2], $0x2710, $0x38;
	[tilespmem:$0x1ADB0] =	vst v63  }
0xf: {  	_ =	swait.ge [sflag:s8], $0x2710  }
0x10: {  	[sflag:s8] =	ssyncset.done $0x0  }
0x11: {  	[sflag:s8] =	ssyncadd.s32 $0xFFFFD8F0  }
0x12: {  	[tilespmem:s10], [sflag:$0x1] =	stream.linear.gather [hbm4b:s5+s2], $0x2710, $0x38;
	[tilespmem:$0x1ADB0] =	vst v63  }
0x13: {  	_ =	swait.ge [sflag:s8], $0x2710  }
0x14: {  	[sflag:s8] =	ssyncset.done $0x0  }
0x15: {  	s13 =	simm.s32 $0x0;
	[sflag:s8] =	ssyncadd.s32 $0xFFFFD8F0  }
0x16: {  	v0 =	vld [tilespmem:s13+$0x15F90]  }
0x17: {  	v1 =	vld [tilespmem:s13+$0x13880];
	_ =	sdelay $0x4  }
0x18: {  	v0 =	vshll.u32 v0, $0x3;
	v1 =	vshll.u32 v1, $0x3  }
0x19: {  	v0 =	vor.u32 $0x1, v0;
	_ =	sdelay $0x3  }
0x1a: {  	v1 =	vld.idx.msk [tilespmem:v1+s2+$0x0], $0xffff  }
0x1b: {  	v0 =	vld.idx.msk [tilespmem:v0+s2+$0x0], $0xffff;
	_ =	sdelay $0x4  }
0x1c: {  	v0 =	vadd.f32 v0, v1;
	_ =	sdelay $0x1  }
0x1d: {  	v0 =	vsub.f32 $0.0e+00, v0;
	_ =	sdelay $0x1  }
0x1e: {  	v0 =	vmul.f32 $1.442695020e+00, v0;
	_ =	sdelay $0x1  }
0x1f: {  	(erf) = vpow2.f32 v0;
	_ =	sdelay $0x8  }
0x20: {  	v0 =	vpop (erf)  }
0x21: {  	v1 =	vadd.f32 $1.000000000e+00, v0  }
0x22: {  	s15 =	simm.s32 $0x10  }
0x23: {  	s14 =	simm.s32 $0x80;
	v0 =	vld [tilespmem:s15+$0x15F90];
	(erf) = vrcp.f32 v1  }
.LBB2_2:
0x24: {  	p0 =	sne.s32 s14, $0x9C00  }
0x25: {  	v1 =	vld [tilespmem:s15+$0x13880];
	_ =	sdelay $0x2  }
0x26: {  	v0 =	vshll.u32 v0, $0x3  }
0x27: {  	v0 =	vor.u32 $0x1, v0  }
0x28: {  	v1 =	vshll.u32 v1, $0x3;
	_ =	sdelay $0x1  }
0x29: {  	v2 =	vpop (erf)  }
0x2a: {  	[tilespmem:s13+$0x186A0] =	vst v2;
	s13 =	smov.u32 s15  }
0x2b: {  	v0 =	vld.idx.msk [tilespmem:v0+s2+$0x0], $0xffff  }
0x2c: {  	v1 =	vld.idx.msk [tilespmem:v1+s2+$0x0], $0xffff;
	_ =	sdelay $0x5  }
0x2d: {  	v0 =	vadd.f32 v0, v1;
	_ =	sdelay $0x1  }
0x2e: {  	v0 =	vsub.f32 $0.0e+00, v0;
	_ =	sdelay $0x1  }
0x2f: {  	v0 =	vmul.f32 $1.442695020e+00, v0;
	_ =	sdelay $0x1  }
0x30: {  	(erf) = vpow2.f32 v0;
	_ =	sdelay $0x7  }
.Ltmp0:
0x31: {  	(pc) =	sbr.rel @p0 .LBB2_2-.Ltmp0, $4  }
0x32: {  	v0 =	vpop (erf)  }
0x33: {  	v1 =	vadd.f32 $1.000000000e+00, v0  }
0x34: {  	s15 =	sshra.s32 s14, $0x2  }
0x35: {  	s14 =	sadd.s32 $0x40, s14;
	v0 =	vld [tilespmem:s15+$0x15F90];
	(erf) = vrcp.f32 v1  }
0x36: {  	_ = 	snop  }
0x37: {  	v1 =	vld [tilespmem:s15+$0x13880];
	_ =	sdelay $0x2  }
0x38: {  	v0 =	vshll.u32 v0, $0x3  }
0x39: {  	v0 =	vor.u32 $0x1, v0  }
0x3a: {  	v1 =	vshll.u32 v1, $0x3;
	_ =	sdelay $0x1  }
0x3b: {  	v2 =	vpop (erf)  }
0x3c: {  	[tilespmem:s13+$0x186A0] =	vst v2  }
0x3d: {  	v0 =	vld.idx.msk [tilespmem:v0+s2+$0x0], $0xffff  }
0x3e: {  	v1 =	vld.idx.msk [tilespmem:v1+s2+$0x0], $0xffff;
	_ =	sdelay $0x4  }
0x3f: {  	v0 =	vadd.f32 v0, v1;
	_ =	sdelay $0x1  }
0x40: {  	v0 =	vsub.f32 $0.0e+00, v0;
	_ =	sdelay $0x1  }
0x41: {  	v0 =	vmul.f32 $1.442695020e+00, v0;
	_ =	sdelay $0x1  }
0x42: {  	(erf) = vpow2.f32 v0;
	_ =	sdelay $0x8  }
0x43: {  	v0 =	vpop (erf)  }
0x44: {  	v0 =	vadd.f32 $1.000000000e+00, v0;
	_ =	sdelay $0x1  }
0x45: {  	(erf) = vrcp.f32 v0;
	_ =	sdelay $0x7  }
0x46: {  	s12 =	sadd.s32 $0x1, s12  }
0x47: {  	p0 =	sne.s32 s12, s7;
	v0 =	vpop (erf)  }
.Ltmp1:
0x48: {  	[tilespmem:s15+$0x186A0] =	vst v0;
	(pc) =	sbr.rel @p0 .LBB2_1-.Ltmp1, $4  }
0x49: {  	[hbm4b:s6+s2] =	stream.linear.scatter [tilespmem:s11], [sflag:$0x1], $0x2710, $0x38;
	[tilespmem:$0x1ADB0] =	vst v63  }
0x4a: {  	_ =	swait.ge [sflag:s8], $0x2710  }
0x4b: {  	[sflag:s8] =	ssyncset.done $0x0  }
0x4c: {  	[sflag:s8] =	ssyncadd.s32 $0xFFFFD8F0  }
0x4d: {  	_ =	sfence.sel $0x180000  }
0x4e: {  	[bflag:$0x0] =	sbarrier.arrive $0xFFFF  }
0x4f: {  	p0 =	sne.s32 s0, $0x0;
	_ =	strace $0x9000005F  }
0x50: {  	s0 =	sadd.s32 @!p0 $0x100000, s1;
	[bflag:$0x2] =	sbarrier.arrive $0xFFFF  }
0x51: {  	[sflag:s0] =	ssyncadd.tile.s32 @!p0 $0x1;
	_ =	shalt  }
.Lfunc_end2:
_tile_overlayer_lowered:
.L_overlay_start_2:
0x52: {  	(tag) =	ssettag $0x2  }
0x53: {  	s0 =	rddreg [dreg:$0x0];
	s2 =	stileid.u32  }
0x54: {  	s1 =	rddreg [dreg:$0x1];
	p0 =	sne.s32 s2, $0x0  }
0x55: {  	s3 =	rddreg [dreg:$0x2];
	[bflag:$0x3] =	sbarrier.arrive $0xFFFF;
	s2 =	simm.s32 @!p0 $0x1C01  }
0x56: {  	[timem:s3], [sflag:s2] =	dma.local @!p0 [hbm:s0], s1  }
0x57: {  	s0 =	simm.s32 @!p0 $0x1  }
0x58: {  	_ =	swait.ge @!p0 [sflag:s0], s1  }
0x59: {  	s1 =	ssub.s32 @!p0 $0x0, s1;
	[sflag:s0] =	ssyncset.done @!p0 $0x0  }
0x5a: {  	[sflag:s0] =	ssyncadd.s32 @!p0 s1  }
0x5b: {  	[bflag:$0x3] =	sbarrier.arrive $0xFFFF  }
0x5c: {  	_ =	shalt  }

</sc_bundles>
